<compile_context>
chip_gen: v7x
topology: tpu7x:2x2x1
jax: 0.10.2.dev20260603
libtpu: 0.0.44.dev20260713+nightly
codegen_flags: <defaults>
</compile_context>

<pallas_src>
import functools

import jax
import jax.numpy as jnp
from jax import lax
from jax.experimental import pallas as pl
from jax.experimental.pallas import tpu as pltpu
from jax.experimental.pallas import tpu_sc as plsc

N_NODES = 10000
DIM = 128
N_EDGES = 320000

NC = 2
NS = 16
NW = NC * NS
K = 112
CH0 = 162
CH1 = 18
CHT = CH0 + CH1
EP = NS * CHT * K
NB = 3
NI = 6
N8 = 10112
RPT = N8 // NS
N16 = 10240
DPT = N16 // NS


def _sc_body(idx_hbm, x_hbm, zeros_hbm, zeros1_hbm,
             outp_hbm, degp_hbm, *rest):
    idxs = rest[:NI]
    rows = rest[NI:NI + NB]
    ones_v = rest[NI + NB]
    stage_v = rest[NI + NB + 1]
    acc_sh = rest[NI + NB + 2]
    deg_sh = rest[NI + NB + 3]
    sems_i = rest[NI + NB + 4:2 * NI + NB + 4]
    sems_g = rest[2 * NI + NB + 4:2 * NI + 2 * NB + 4]
    sems_s = rest[2 * NI + 2 * NB + 4:2 * NI + 3 * NB + 4]
    sems_d = rest[2 * NI + 3 * NB + 4:2 * NI + 4 * NB + 4]

    c = lax.axis_index("c")
    s = lax.axis_index("s")
    ch_c = jnp.where(c == 0, CH0, CH1)
    base = jnp.where(c == 0, s * CH0, NS * CH0 + s * CH1)


    def start_idx(j, ui):
        pltpu.async_copy(idx_hbm.at[base + j], idxs[ui], sems_i[ui])

    def wait_idx(j, ui):
        pltpu.make_async_copy(idx_hbm.at[base + j], idxs[ui],
                              sems_i[ui]).wait()

    def start_gather(ui, ub):
        pltpu.async_copy(x_hbm.at[idxs[ui].at[0]], rows[ub], sems_g[ub])

    def wait_gather(ui, ub):
        pltpu.make_async_copy(x_hbm.at[idxs[ui].at[0]], rows[ub],
                              sems_g[ub]).wait()

    def start_scatter(ui, ub):
        pltpu.async_copy(rows[ub], acc_sh.at[idxs[ui].at[1]],
                         sems_s[ub], add=True)

    def wait_scatter(ui, ub):
        pltpu.make_async_copy(rows[ub], acc_sh.at[idxs[ui].at[1]],
                              sems_s[ub]).wait()

    def start_deg(ui, ub):
        pltpu.async_copy(ones_v, deg_sh.at[idxs[ui].at[1]],
                         sems_d[ub], add=True)

    def wait_deg(ui, ub):
        pltpu.make_async_copy(ones_v, deg_sh.at[idxs[ui].at[1]],
                              sems_d[ub]).wait()

    for t in range(4):
        start_idx(t, t % NI)
    pltpu.async_copy(zeros_hbm, acc_sh.at[pl.ds(s * RPT, RPT)], sems_g[2])
    pltpu.sync_copy(zeros1_hbm.at[pl.ds(s * DPT, DPT)], stage_v)
    pltpu.sync_copy(stage_v, deg_sh.at[pl.ds(s * DPT, DPT)])
    for g in range(K // 16):
        ones_v[pl.ds(g * 16, 16)] = jnp.ones((16,), jnp.float32)
    for t in range(2):
        wait_idx(t, t % NI)
        start_gather(t % NI, t % NB)
    pltpu.make_async_copy(zeros_hbm, acc_sh.at[pl.ds(s * RPT, RPT)],
                          sems_g[2]).wait()
    plsc.subcore_barrier()

    def superstep(jj, carry):
        for u in range(NI):
            j = jj * NI + u
            wait_gather(u, u % NB)
            start_scatter(u, u % NB)
            start_deg(u, u % NB)

            @pl.when(j >= 1)
            def _():
                wait_scatter((u - 1) % NI, (u - 1) % NB)
                wait_deg((u - 1) % NI, (u - 1) % NB)

            @pl.when(j + 4 < ch_c)
            def _():
                start_idx(j + 4, (u + 4) % NI)

            @pl.when(j + 2 < ch_c)
            def _():
                wait_idx(j + 2, (u + 2) % NI)
                start_gather((u + 2) % NI, (u + 2) % NB)

        return carry

    lax.fori_loop(0, ch_c // NI, superstep, 0)
    wait_scatter((NI - 1) % NI, (NI - 1) % NB)
    wait_deg((NI - 1) % NI, (NI - 1) % NB)
    plsc.subcore_barrier()

    pltpu.sync_copy(acc_sh.at[pl.ds(s * RPT, RPT)],
                    outp_hbm.at[pl.ds(c * N8 + s * RPT, RPT)])
    pltpu.sync_copy(deg_sh.at[pl.ds(s * DPT, DPT)], stage_v)
    pltpu.sync_copy(stage_v, degp_hbm.at[pl.ds(c * N16 + s * DPT, DPT)])


@functools.cache
def _sc_agg():
    scratch = [pltpu.VMEM((2, K), jnp.int32) for _ in range(NI)]
    scratch += [pltpu.VMEM((K, DIM), jnp.float32) for _ in range(NB)]
    scratch.append(pltpu.VMEM((K,), jnp.float32))
    scratch.append(pltpu.VMEM((DPT,), jnp.float32))
    scratch.append(pltpu.VMEM_SHARED((N8, DIM), jnp.float32))
    scratch.append(pltpu.VMEM_SHARED((N16,), jnp.float32))
    scratch += [pltpu.SemaphoreType.DMA for _ in range(2 * NI + 4 * NB)]
    return pl.kernel(
        _sc_body,
        out_type=(
            jax.ShapeDtypeStruct((NC * N8, DIM), jnp.float32),
            jax.ShapeDtypeStruct((NC * N16,), jnp.float32),
        ),
        mesh=plsc.VectorSubcoreMesh(core_axis_name="c", subcore_axis_name="s"),
        scratch_types=scratch,
        compiler_params=pltpu.CompilerParams(needs_layout_passes=False),
    )


def _dense_body(p_ref, degp_ref, x_ref, wl_ref, wr_ref, b_ref, o_ref, *,
                relu):
    deg = degp_ref[0] + degp_ref[1]
    deginv = 1.0 / jnp.maximum(deg, 1.0)
    mean = (p_ref[0] + p_ref[1]) * deginv[:, None]
    acc = lax.dot_general(mean, wl_ref[...], (((1,), (1,)), ((), ())),
                          preferred_element_type=jnp.float32)
    acc += lax.dot_general(x_ref[...], wr_ref[...], (((1,), (1,)), ((), ())),
                           preferred_element_type=jnp.float32)
    acc += b_ref[...]
    if relu:
        acc = jnp.maximum(acc, 0.0)
    o_ref[...] = acc


def _dense_layer(p, degp, x, w_l, w_r, b, relu):
    return pl.pallas_call(
        functools.partial(_dense_body, relu=relu),
        out_shape=jax.ShapeDtypeStruct((N8, DIM), jnp.float32),
    )(p, degp, x, w_l, w_r, b)


def kernel(x, edge_index, W1_l, b1_l, W1_r, W2_l, b2_l, W2_r):
    src = edge_index[0]
    dst = edge_index[1]
    pad = EP - N_EDGES
    src_p = jnp.pad(src, (0, pad)).reshape(NS * CHT, K)
    dst_p = jnp.pad(dst, (0, pad),
                    constant_values=N_NODES).reshape(NS * CHT, K)
    idx3 = jnp.stack([src_p, dst_p], axis=1)
    x_p = jnp.pad(x, ((0, N8 - N_NODES), (0, 0)))
    zeros = jnp.zeros((RPT, DIM), jnp.float32)
    zeros1 = jnp.zeros((N16,), jnp.float32)
    b1 = b1_l.reshape(1, DIM)
    b2 = b2_l.reshape(1, DIM)

    p1, degp = _sc_agg()(idx3, x_p, zeros, zeros1)
    p1 = p1.reshape(NC, N8, DIM)
    degp = degp.reshape(NC, N16)[:, :N8]
    h = _dense_layer(p1, degp, x_p, W1_l, W1_r, b1, relu=True)

    p2, _ = _sc_agg()(idx3, h, zeros, zeros1)
    p2 = p2.reshape(NC, N8, DIM)
    out = _dense_layer(p2, degp, h, W2_l, W2_r, b2, relu=False)
    return out[:N_NODES]

# --- scband reference (transcript-rebuilt; emitter-appended) ---
"""Pipeline reference for scband-gnn-39840116638112 (READ-ONLY COPY).

The authoritative reference and input builder live on the scoring server;
editing this copy changes nothing except your own understanding.
"""

import jax, jax.numpy as jnp
import numpy as np

N = 10000
E = 320000
D = 128


def setup_inputs(seed: int = 0) -> dict:
    key = jax.random.key(seed)
    ks = jax.random.split(key, 10)
    scale = 1.0 / np.sqrt(D)
    x = jax.random.normal(ks[0], (N, D), dtype=jnp.float32)
    edge_index = jax.random.randint(ks[1], (2, E), 0, N, dtype=jnp.int32)
    W1_l = jax.random.normal(ks[2], (D, D), dtype=jnp.float32) * scale
    b1_l = jnp.zeros((D,), dtype=jnp.float32)
    W1_r = jax.random.normal(ks[3], (D, D), dtype=jnp.float32) * scale
    W2_l = jax.random.normal(ks[4], (D, D), dtype=jnp.float32) * scale
    b2_l = jnp.zeros((D,), dtype=jnp.float32)
    W2_r = jax.random.normal(ks[5], (D, D), dtype=jnp.float32) * scale
    return {"x": x, "edge_index": edge_index, "W1_l": W1_l, "b1_l": b1_l,
            "W1_r": W1_r, "W2_l": W2_l, "b2_l": b2_l, "W2_r": W2_r}


def _sage_conv(x, edge_index, W_l, b_l, W_r):
    # PyG SAGEConv (mean aggregation):
    #   out = lin_l(mean_{j in N(i)} x_j) + lin_r(x_i)
    src = edge_index[0]
    dst = edge_index[1]
    msgs = jnp.take(x, src, axis=0)                      # gather: [E, D]
    agg = jax.ops.segment_sum(msgs, dst, num_segments=N)  # scatter-add: [N, D]
    deg = jax.ops.segment_sum(jnp.ones((msgs.shape[0],), dtype=x.dtype), dst,
                              num_segments=N)
    mean = agg / jnp.clip(deg, 1.0)[:, None]
    return mean @ W_l.T + b_l + x @ W_r.T


def reference(x, edge_index, W1_l, b1_l, W1_r, W2_l, b2_l, W2_r):
    h = _sage_conv(x, edge_index, W1_l, b1_l, W1_r)
    h = jax.nn.relu(h)
    out = _sage_conv(h, edge_index, W2_l, b2_l, W2_r)
    return out

if __name__ == "__main__":
    import jax
    _d = setup_inputs()
    print(jax.jit(kernel)(*tuple(_d.values())))

</pallas_src>

<mosaic_0001>
#map = affine_map<(d0, d1) -> (0, 0, 0)>
#map1 = affine_map<(d0, d1) -> (0, 0)>
#map2 = affine_map<(d0, d1) -> (0)>
module attributes {stable_mosaic.version = 14 : i64} {
  func.func @_sc_body(%arg0: i32, %arg1: i32, %arg2: memref<2880x2x112xi32, #tpu.memory_space<hbm>>, %arg3: memref<10112x128xf32, #tpu.memory_space<hbm>>, %arg4: memref<632x128xf32, #tpu.memory_space<hbm>>, %arg5: memref<10240xf32, #tpu.memory_space<hbm>>, %arg6: memref<20224x128xf32, #tpu.memory_space<hbm>>, %arg7: memref<20480xf32, #tpu.memory_space<hbm>>, %arg8: memref<2x112xi32, #tpu.memory_space<vmem>>, %arg9: memref<2x112xi32, #tpu.memory_space<vmem>>, %arg10: memref<2x112xi32, #tpu.memory_space<vmem>>, %arg11: memref<2x112xi32, #tpu.memory_space<vmem>>, %arg12: memref<2x112xi32, #tpu.memory_space<vmem>>, %arg13: memref<2x112xi32, #tpu.memory_space<vmem>>, %arg14: memref<112x128xf32, #tpu.memory_space<vmem>>, %arg15: memref<112x128xf32, #tpu.memory_space<vmem>>, %arg16: memref<112x128xf32, #tpu.memory_space<vmem>>, %arg17: memref<112xf32, #tpu.memory_space<vmem>>, %arg18: memref<640xf32, #tpu.memory_space<vmem>>, %arg19: memref<10112x128xf32, #tpu.memory_space<vmem_shared>>, %arg20: memref<10240xf32, #tpu.memory_space<vmem_shared>>, %arg21: memref<!tpu.dma_semaphore, #tpu.memory_space<semaphore_mem>>, %arg22: memref<!tpu.dma_semaphore, #tpu.memory_space<semaphore_mem>>, %arg23: memref<!tpu.dma_semaphore, #tpu.memory_space<semaphore_mem>>, %arg24: memref<!tpu.dma_semaphore, #tpu.memory_space<semaphore_mem>>, %arg25: memref<!tpu.dma_semaphore, #tpu.memory_space<semaphore_mem>>, %arg26: memref<!tpu.dma_semaphore, #tpu.memory_space<semaphore_mem>>, %arg27: memref<!tpu.dma_semaphore, #tpu.memory_space<semaphore_mem>>, %arg28: memref<!tpu.dma_semaphore, #tpu.memory_space<semaphore_mem>>, %arg29: memref<!tpu.dma_semaphore, #tpu.memory_space<semaphore_mem>>, %arg30: memref<!tpu.dma_semaphore, #tpu.memory_space<semaphore_mem>>, %arg31: memref<!tpu.dma_semaphore, #tpu.memory_space<semaphore_mem>>, %arg32: memref<!tpu.dma_semaphore, #tpu.memory_space<semaphore_mem>>, %arg33: memref<!tpu.dma_semaphore, #tpu.memory_space<semaphore_mem>>, %arg34: memref<!tpu.dma_semaphore, #tpu.memory_space<semaphore_mem>>, %arg35: memref<!tpu.dma_semaphore, #tpu.memory_space<semaphore_mem>>, %arg36: memref<!tpu.dma_semaphore, #tpu.memory_space<semaphore_mem>>, %arg37: memref<!tpu.dma_semaphore, #tpu.memory_space<semaphore_mem>>, %arg38: memref<!tpu.dma_semaphore, #tpu.memory_space<semaphore_mem>>, %arg39: memref<!tpu.dma_semaphore, #tpu.memory_space<semaphore_mem>>, %arg40: memref<!tpu.dma_semaphore, #tpu.memory_space<semaphore_mem>>, %arg41: memref<!tpu.dma_semaphore, #tpu.memory_space<semaphore_mem>>, %arg42: memref<!tpu.dma_semaphore, #tpu.memory_space<semaphore_mem>>, %arg43: memref<!tpu.dma_semaphore, #tpu.memory_space<semaphore_mem>>, %arg44: memref<!tpu.dma_semaphore, #tpu.memory_space<semaphore_mem>>) attributes {dimension_semantics = [#tpu.dimension_semantics<core_parallel>, #tpu.dimension_semantics<subcore_parallel>], iteration_bounds = array<i64: 2, 16>, scalar_prefetch = 0 : i64, scratch_operands = 37 : i64, tpu.core_type = #tpu.core_type<sc_vector_subcore>, window_params = [{transform_indices = #map}, {transform_indices = #map1}, {transform_indices = #map1}, {transform_indices = #map2}, {transform_indices = #map1}, {transform_indices = #map2}]} {
    %eq3A = arith.constant 0 : i32
    %eq3A_0 = arith.cmpi eq, %arg0, %eq3A : i32
    %jit3A = arith.constant 162 : i32
    %jit3A_1 = arith.constant 18 : i32
    %select_n3A = arith.select %eq3A_0, %jit3A, %jit3A_1 : i32
    %eq3A_2 = arith.constant 0 : i32
    %eq3A_3 = arith.cmpi eq, %arg0, %eq3A_2 : i32
    %mul3A = arith.constant 162 : i32
    %mul3A_4 = arith.muli %arg1, %mul3A : i32
    %mul3A_5 = arith.constant 18 : i32
    %mul3A_6 = arith.muli %arg1, %mul3A_5 : i32
    %add3A = arith.constant 2592 : i32
    %add3A_7 = arith.addi %add3A, %mul3A_6 : i32
    %select_n3A_8 = arith.select %eq3A_3, %mul3A_4, %add3A_7 : i32
    %add3A_9 = arith.constant 0 : i32
    %add3A_10 = arith.addi %select_n3A_8, %add3A_9 : i32
    %dma_start3A = arith.constant 0 : i32
    %dma_start3A_11 = arith.constant 0 : i32
    %dma_start3A_12 = tpu.memref_slice %arg2[%add3A_10, %dma_start3A, %dma_start3A_11] : memref<2880x2x112xi32, #tpu.memory_space<hbm>> -> memref<1x2x112xi32, #tpu.memory_space<hbm>>
    %dma_start3A_13 = tpu.memref_squeeze %dma_start3A_12 : memref<1x2x112xi32, #tpu.memory_space<hbm>> -> memref<2x112xi32, #tpu.memory_space<hbm>>
    %dma_start3A_14 = arith.constant 0 : i32
    %dma_start3A_15 = arith.constant 0 : i32
    %dma_start3A_16 = tpu.memref_slice %arg2[%add3A_10, %dma_start3A_14, %dma_start3A_15] : memref<2880x2x112xi32, #tpu.memory_space<hbm>> -> memref<1x2x112xi32, #tpu.memory_space<hbm>>
    %dma_start3A_17 = tpu.memref_squeeze %dma_start3A_16 : memref<1x2x112xi32, #tpu.memory_space<hbm>> -> memref<2x112xi32, #tpu.memory_space<hbm>>
    tpu.enqueue_dma source(%dma_start3A_17 : memref<2x112xi32, #tpu.memory_space<hbm>>) target(%arg8 : memref<2x112xi32, #tpu.memory_space<vmem>>) target_semaphore(%arg21 : memref<!tpu.dma_semaphore, #tpu.memory_space<semaphore_mem>>)
    %add3A_18 = arith.constant 1 : i32
    %add3A_19 = arith.addi %select_n3A_8, %add3A_18 : i32
    %dma_start3A_20 = arith.constant 0 : i32
    %dma_start3A_21 = arith.constant 0 : i32
    %dma_start3A_22 = tpu.memref_slice %arg2[%add3A_19, %dma_start3A_20, %dma_start3A_21] : memref<2880x2x112xi32, #tpu.memory_space<hbm>> -> memref<1x2x112xi32, #tpu.memory_space<hbm>>
    %dma_start3A_23 = tpu.memref_squeeze %dma_start3A_22 : memref<1x2x112xi32, #tpu.memory_space<hbm>> -> memref<2x112xi32, #tpu.memory_space<hbm>>
    %dma_start3A_24 = arith.constant 0 : i32
    %dma_start3A_25 = arith.constant 0 : i32
    %dma_start3A_26 = tpu.memref_slice %arg2[%add3A_19, %dma_start3A_24, %dma_start3A_25] : memref<2880x2x112xi32, #tpu.memory_space<hbm>> -> memref<1x2x112xi32, #tpu.memory_space<hbm>>
    %dma_start3A_27 = tpu.memref_squeeze %dma_start3A_26 : memref<1x2x112xi32, #tpu.memory_space<hbm>> -> memref<2x112xi32, #tpu.memory_space<hbm>>
    tpu.enqueue_dma source(%dma_start3A_27 : memref<2x112xi32, #tpu.memory_space<hbm>>) target(%arg9 : memref<2x112xi32, #tpu.memory_space<vmem>>) target_semaphore(%arg22 : memref<!tpu.dma_semaphore, #tpu.memory_space<semaphore_mem>>)
    %add3A_28 = arith.constant 2 : i32
    %add3A_29 = arith.addi %select_n3A_8, %add3A_28 : i32
    %dma_start3A_30 = arith.constant 0 : i32
    %dma_start3A_31 = arith.constant 0 : i32
    %dma_start3A_32 = tpu.memref_slice %arg2[%add3A_29, %dma_start3A_30, %dma_start3A_31] : memref<2880x2x112xi32, #tpu.memory_space<hbm>> -> memref<1x2x112xi32, #tpu.memory_space<hbm>>
    %dma_start3A_33 = tpu.memref_squeeze %dma_start3A_32 : memref<1x2x112xi32, #tpu.memory_space<hbm>> -> memref<2x112xi32, #tpu.memory_space<hbm>>
    %dma_start3A_34 = arith.constant 0 : i32
    %dma_start3A_35 = arith.constant 0 : i32
    %dma_start3A_36 = tpu.memref_slice %arg2[%add3A_29, %dma_start3A_34, %dma_start3A_35] : memref<2880x2x112xi32, #tpu.memory_space<hbm>> -> memref<1x2x112xi32, #tpu.memory_space<hbm>>
    %dma_start3A_37 = tpu.memref_squeeze %dma_start3A_36 : memref<1x2x112xi32, #tpu.memory_space<hbm>> -> memref<2x112xi32, #tpu.memory_space<hbm>>
    tpu.enqueue_dma source(%dma_start3A_37 : memref<2x112xi32, #tpu.memory_space<hbm>>) target(%arg10 : memref<2x112xi32, #tpu.memory_space<vmem>>) target_semaphore(%arg23 : memref<!tpu.dma_semaphore, #tpu.memory_space<semaphore_mem>>)
    %add3A_38 = arith.constant 3 : i32
    %add3A_39 = arith.addi %select_n3A_8, %add3A_38 : i32
    %dma_start3A_40 = arith.constant 0 : i32
    %dma_start3A_41 = arith.constant 0 : i32
    %dma_start3A_42 = tpu.memref_slice %arg2[%add3A_39, %dma_start3A_40, %dma_start3A_41] : memref<2880x2x112xi32, #tpu.memory_space<hbm>> -> memref<1x2x112xi32, #tpu.memory_space<hbm>>
    %dma_start3A_43 = tpu.memref_squeeze %dma_start3A_42 : memref<1x2x112xi32, #tpu.memory_space<hbm>> -> memref<2x112xi32, #tpu.memory_space<hbm>>
    %dma_start3A_44 = arith.constant 0 : i32
    %dma_start3A_45 = arith.constant 0 : i32
    %dma_start3A_46 = tpu.memref_slice %arg2[%add3A_39, %dma_start3A_44, %dma_start3A_45] : memref<2880x2x112xi32, #tpu.memory_space<hbm>> -> memref<1x2x112xi32, #tpu.memory_space<hbm>>
    %dma_start3A_47 = tpu.memref_squeeze %dma_start3A_46 : memref<1x2x112xi32, #tpu.memory_space<hbm>> -> memref<2x112xi32, #tpu.memory_space<hbm>>
    tpu.enqueue_dma source(%dma_start3A_47 : memref<2x112xi32, #tpu.memory_space<hbm>>) target(%arg11 : memref<2x112xi32, #tpu.memory_space<vmem>>) target_semaphore(%arg24 : memref<!tpu.dma_semaphore, #tpu.memory_space<semaphore_mem>>)
    %mul3A_48 = arith.constant 632 : i32
    %mul3A_49 = arith.muli %arg1, %mul3A_48 : i32
    %dma_start3A_50 = arith.constant 0 : i32
    %dma_start3A_51 = tpu.memref_slice %arg19[%mul3A_49, %dma_start3A_50] : memref<10112x128xf32, #tpu.memory_space<vmem_shared>> -> memref<632x128xf32, #tpu.memory_space<vmem_shared>>
    tpu.enqueue_dma source(%arg4 : memref<632x128xf32, #tpu.memory_space<hbm>>) target(%dma_start3A_51 : memref<632x128xf32, #tpu.memory_space<vmem_shared>>) target_semaphore(%arg29 : memref<!tpu.dma_semaphore, #tpu.memory_space<semaphore_mem>>)
    %mul3A_52 = arith.constant 640 : i32
    %mul3A_53 = arith.muli %arg1, %mul3A_52 : i32
    "tpu.region"() ({
      %run_scoped3A = tpu.sem_alloc : memref<!tpu.dma_semaphore, #tpu.memory_space<semaphore_mem>>
      %dma_start3A_174 = tpu.memref_slice %arg5[%mul3A_53] : memref<10240xf32, #tpu.memory_space<hbm>> -> memref<640xf32, #tpu.memory_space<hbm>>
      %dma_start3A_175 = tpu.memref_slice %arg5[%mul3A_53] : memref<10240xf32, #tpu.memory_space<hbm>> -> memref<640xf32, #tpu.memory_space<hbm>>
      tpu.enqueue_dma source(%dma_start3A_175 : memref<640xf32, #tpu.memory_space<hbm>>) target(%arg18 : memref<640xf32, #tpu.memory_space<vmem>>) target_semaphore(%run_scoped3A : memref<!tpu.dma_semaphore, #tpu.memory_space<semaphore_mem>>)
      %dma_wait3A_176 = tpu.memref_slice %arg5[%mul3A_53] : memref<10240xf32, #tpu.memory_space<hbm>> -> memref<640xf32, #tpu.memory_space<hbm>>
      %dma_wait3A_177 = tpu.memref_slice %arg5[%mul3A_53] : memref<10240xf32, #tpu.memory_space<hbm>> -> memref<640xf32, #tpu.memory_space<hbm>>
      tpu.wait_dma2 semaphore(%run_scoped3A : memref<!tpu.dma_semaphore, #tpu.memory_space<semaphore_mem>>) src(%dma_wait3A_177 : memref<640xf32, #tpu.memory_space<hbm>>) dst(%arg18 : memref<640xf32, #tpu.memory_space<vmem>>)
      tpu.yield
    }) : () -> ()
    %mul3A_54 = arith.constant 640 : i32
    %mul3A_55 = arith.muli %arg1, %mul3A_54 : i32
    "tpu.region"() ({
      %run_scoped3A = tpu.sem_alloc : memref<!tpu.dma_semaphore, #tpu.memory_space<semaphore_mem>>
      %dma_start3A_174 = tpu.memref_slice %arg20[%mul3A_55] : memref<10240xf32, #tpu.memory_space<vmem_shared>> -> memref<640xf32, #tpu.memory_space<vmem_shared>>
      %dma_start3A_175 = tpu.memref_slice %arg20[%mul3A_55] : memref<10240xf32, #tpu.memory_space<vmem_shared>> -> memref<640xf32, #tpu.memory_space<vmem_shared>>
      tpu.enqueue_dma source(%arg18 : memref<640xf32, #tpu.memory_space<vmem>>) target(%dma_start3A_175 : memref<640xf32, #tpu.memory_space<vmem_shared>>) target_semaphore(%run_scoped3A : memref<!tpu.dma_semaphore, #tpu.memory_space<semaphore_mem>>)
      %dma_wait3A_176 = tpu.memref_slice %arg20[%mul3A_55] : memref<10240xf32, #tpu.memory_space<vmem_shared>> -> memref<640xf32, #tpu.memory_space<vmem_shared>>
      %dma_wait3A_177 = tpu.memref_slice %arg20[%mul3A_55] : memref<10240xf32, #tpu.memory_space<vmem_shared>> -> memref<640xf32, #tpu.memory_space<vmem_shared>>
      tpu.wait_dma2 semaphore(%run_scoped3A : memref<!tpu.dma_semaphore, #tpu.memory_space<semaphore_mem>>) src(%arg18 : memref<640xf32, #tpu.memory_space<vmem>>) dst(%dma_wait3A_177 : memref<640xf32, #tpu.memory_space<vmem_shared>>)
      tpu.yield
    }) : () -> ()
    %broadcast_in_dim3A = arith.constant 1.000000e+00 : f32
    %broadcast_in_dim3A_56 = vector.broadcast %broadcast_in_dim3A : f32 to vector<16xf32>
    %swap3A = arith.constant 0 : index
    %swap3A_57 = tpu.vector_load %arg17[%swap3A] {strides = array<i32>} : memref<112xf32, #tpu.memory_space<vmem>>, vector<16xf32>,
    tpu.vector_store %arg17[%swap3A], %broadcast_in_dim3A_56 {strides = array<i32>} : memref<112xf32, #tpu.memory_space<vmem>>, vector<16xf32>,
    %broadcast_in_dim3A_58 = arith.constant 1.000000e+00 : f32
    %broadcast_in_dim3A_59 = vector.broadcast %broadcast_in_dim3A_58 : f32 to vector<16xf32>
    %swap3A_60 = arith.constant 16 : index
    %swap3A_61 = tpu.vector_load %arg17[%swap3A_60] {strides = array<i32>} : memref<112xf32, #tpu.memory_space<vmem>>, vector<16xf32>,
    tpu.vector_store %arg17[%swap3A_60], %broadcast_in_dim3A_59 {strides = array<i32>} : memref<112xf32, #tpu.memory_space<vmem>>, vector<16xf32>,
    %broadcast_in_dim3A_62 = arith.constant 1.000000e+00 : f32
    %broadcast_in_dim3A_63 = vector.broadcast %broadcast_in_dim3A_62 : f32 to vector<16xf32>
    %swap3A_64 = arith.constant 32 : index
    %swap3A_65 = tpu.vector_load %arg17[%swap3A_64] {strides = array<i32>} : memref<112xf32, #tpu.memory_space<vmem>>, vector<16xf32>,
    tpu.vector_store %arg17[%swap3A_64], %broadcast_in_dim3A_63 {strides = array<i32>} : memref<112xf32, #tpu.memory_space<vmem>>, vector<16xf32>,
    %broadcast_in_dim3A_66 = arith.constant 1.000000e+00 : f32
    %broadcast_in_dim3A_67 = vector.broadcast %broadcast_in_dim3A_66 : f32 to vector<16xf32>
    %swap3A_68 = arith.constant 48 : index
    %swap3A_69 = tpu.vector_load %arg17[%swap3A_68] {strides = array<i32>} : memref<112xf32, #tpu.memory_space<vmem>>, vector<16xf32>,
    tpu.vector_store %arg17[%swap3A_68], %broadcast_in_dim3A_67 {strides = array<i32>} : memref<112xf32, #tpu.memory_space<vmem>>, vector<16xf32>,
    %broadcast_in_dim3A_70 = arith.constant 1.000000e+00 : f32
    %broadcast_in_dim3A_71 = vector.broadcast %broadcast_in_dim3A_70 : f32 to vector<16xf32>
    %swap3A_72 = arith.constant 64 : index
    %swap3A_73 = tpu.vector_load %arg17[%swap3A_72] {strides = array<i32>} : memref<112xf32, #tpu.memory_space<vmem>>, vector<16xf32>,
    tpu.vector_store %arg17[%swap3A_72], %broadcast_in_dim3A_71 {strides = array<i32>} : memref<112xf32, #tpu.memory_space<vmem>>, vector<16xf32>,
    %broadcast_in_dim3A_74 = arith.constant 1.000000e+00 : f32
    %broadcast_in_dim3A_75 = vector.broadcast %broadcast_in_dim3A_74 : f32 to vector<16xf32>
    %swap3A_76 = arith.constant 80 : index
    %swap3A_77 = tpu.vector_load %arg17[%swap3A_76] {strides = array<i32>} : memref<112xf32, #tpu.memory_space<vmem>>, vector<16xf32>,
    tpu.vector_store %arg17[%swap3A_76], %broadcast_in_dim3A_75 {strides = array<i32>} : memref<112xf32, #tpu.memory_space<vmem>>, vector<16xf32>,
    %broadcast_in_dim3A_78 = arith.constant 1.000000e+00 : f32
    %broadcast_in_dim3A_79 = vector.broadcast %broadcast_in_dim3A_78 : f32 to vector<16xf32>
    %swap3A_80 = arith.constant 96 : index
    %swap3A_81 = tpu.vector_load %arg17[%swap3A_80] {strides = array<i32>} : memref<112xf32, #tpu.memory_space<vmem>>, vector<16xf32>,
    tpu.vector_store %arg17[%swap3A_80], %broadcast_in_dim3A_79 {strides = array<i32>} : memref<112xf32, #tpu.memory_space<vmem>>, vector<16xf32>,
    %add3A_82 = arith.constant 0 : i32
    %add3A_83 = arith.addi %select_n3A_8, %add3A_82 : i32
    %dma_wait3A = arith.constant 0 : i32
    %dma_wait3A_84 = arith.constant 0 : i32
    %dma_wait3A_85 = tpu.memref_slice %arg2[%add3A_83, %dma_wait3A, %dma_wait3A_84] : memref<2880x2x112xi32, #tpu.memory_space<hbm>> -> memref<1x2x112xi32, #tpu.memory_space<hbm>>
    %dma_wait3A_86 = tpu.memref_squeeze %dma_wait3A_85 : memref<1x2x112xi32, #tpu.memory_space<hbm>> -> memref<2x112xi32, #tpu.memory_space<hbm>>
    %dma_wait3A_87 = arith.constant 0 : i32
    %dma_wait3A_88 = arith.constant 0 : i32
    %dma_wait3A_89 = tpu.memref_slice %arg2[%add3A_83, %dma_wait3A_87, %dma_wait3A_88] : memref<2880x2x112xi32, #tpu.memory_space<hbm>> -> memref<1x2x112xi32, #tpu.memory_space<hbm>>
    %dma_wait3A_90 = tpu.memref_squeeze %dma_wait3A_89 : memref<1x2x112xi32, #tpu.memory_space<hbm>> -> memref<2x112xi32, #tpu.memory_space<hbm>>
    tpu.wait_dma2 semaphore(%arg21 : memref<!tpu.dma_semaphore, #tpu.memory_space<semaphore_mem>>) src(%dma_wait3A_90 : memref<2x112xi32, #tpu.memory_space<hbm>>) dst(%arg8 : memref<2x112xi32, #tpu.memory_space<vmem>>)
    %dma_start3A_91 = arith.constant 0 : i32
    %dma_start3A_92 = arith.constant 0 : i32
    %dma_start3A_93 = tpu.memref_slice %arg8[%dma_start3A_91, %dma_start3A_92] : memref<2x112xi32, #tpu.memory_space<vmem>> -> memref<1x112xi32, #tpu.memory_space<vmem>>
    %dma_start3A_94 = tpu.memref_squeeze %dma_start3A_93 : memref<1x112xi32, #tpu.memory_space<vmem>> -> memref<112xi32, #tpu.memory_space<vmem>>
    %dma_start3A_95 = arith.constant 0 : i32
    %dma_start3A_96 = arith.constant 0 : i32
    %dma_start3A_97 = tpu.memref_slice %arg3[%dma_start3A_95, %dma_start3A_96] : memref<10112x128xf32, #tpu.memory_space<hbm>> -> memref<10112x128xf32, #tpu.memory_space<hbm>>
    tpu.enqueue_indirect_dma source(%dma_start3A_97 : memref<10112x128xf32, #tpu.memory_space<hbm>>) target(%arg14 : memref<112x128xf32, #tpu.memory_space<vmem>>) offsets(%dma_start3A_94 : memref<112xi32, #tpu.memory_space<vmem>>) semaphore(%arg27 : memref<!tpu.dma_semaphore, #tpu.memory_space<semaphore_mem>>)
    %add3A_98 = arith.constant 1 : i32
    %add3A_99 = arith.addi %select_n3A_8, %add3A_98 : i32
    %dma_wait3A_100 = arith.constant 0 : i32
    %dma_wait3A_101 = arith.constant 0 : i32
    %dma_wait3A_102 = tpu.memref_slice %arg2[%add3A_99, %dma_wait3A_100, %dma_wait3A_101] : memref<2880x2x112xi32, #tpu.memory_space<hbm>> -> memref<1x2x112xi32, #tpu.memory_space<hbm>>
    %dma_wait3A_103 = tpu.memref_squeeze %dma_wait3A_102 : memref<1x2x112xi32, #tpu.memory_space<hbm>> -> memref<2x112xi32, #tpu.memory_space<hbm>>
    %dma_wait3A_104 = arith.constant 0 : i32
    %dma_wait3A_105 = arith.constant 0 : i32
    %dma_wait3A_106 = tpu.memref_slice %arg2[%add3A_99, %dma_wait3A_104, %dma_wait3A_105] : memref<2880x2x112xi32, #tpu.memory_space<hbm>> -> memref<1x2x112xi32, #tpu.memory_space<hbm>>
    %dma_wait3A_107 = tpu.memref_squeeze %dma_wait3A_106 : memref<1x2x112xi32, #tpu.memory_space<hbm>> -> memref<2x112xi32, #tpu.memory_space<hbm>>
    tpu.wait_dma2 semaphore(%arg22 : memref<!tpu.dma_semaphore, #tpu.memory_space<semaphore_mem>>) src(%dma_wait3A_107 : memref<2x112xi32, #tpu.memory_space<hbm>>) dst(%arg9 : memref<2x112xi32, #tpu.memory_space<vmem>>)
    %dma_start3A_108 = arith.constant 0 : i32
    %dma_start3A_109 = arith.constant 0 : i32
    %dma_start3A_110 = tpu.memref_slice %arg9[%dma_start3A_108, %dma_start3A_109] : memref<2x112xi32, #tpu.memory_space<vmem>> -> memref<1x112xi32, #tpu.memory_space<vmem>>
    %dma_start3A_111 = tpu.memref_squeeze %dma_start3A_110 : memref<1x112xi32, #tpu.memory_space<vmem>> -> memref<112xi32, #tpu.memory_space<vmem>>
    %dma_start3A_112 = arith.constant 0 : i32
    %dma_start3A_113 = arith.constant 0 : i32
    %dma_start3A_114 = tpu.memref_slice %arg3[%dma_start3A_112, %dma_start3A_113] : memref<10112x128xf32, #tpu.memory_space<hbm>> -> memref<10112x128xf32, #tpu.memory_space<hbm>>
    tpu.enqueue_indirect_dma source(%dma_start3A_114 : memref<10112x128xf32, #tpu.memory_space<hbm>>) target(%arg15 : memref<112x128xf32, #tpu.memory_space<vmem>>) offsets(%dma_start3A_111 : memref<112xi32, #tpu.memory_space<vmem>>) semaphore(%arg28 : memref<!tpu.dma_semaphore, #tpu.memory_space<semaphore_mem>>)
    %mul3A_115 = arith.constant 632 : i32
    %mul3A_116 = arith.muli %arg1, %mul3A_115 : i32
    %dma_wait3A_117 = arith.constant 0 : i32
    %dma_wait3A_118 = tpu.memref_slice %arg19[%mul3A_116, %dma_wait3A_117] : memref<10112x128xf32, #tpu.memory_space<vmem_shared>> -> memref<632x128xf32, #tpu.memory_space<vmem_shared>>
    tpu.wait_dma2 semaphore(%arg29 : memref<!tpu.dma_semaphore, #tpu.memory_space<semaphore_mem>>) src(%arg4 : memref<632x128xf32, #tpu.memory_space<hbm>>) dst(%dma_wait3A_118 : memref<632x128xf32, #tpu.memory_space<vmem_shared>>)
    %barrier3A = arith.constant 0 : index
    tpu.barrier barrier_id(%barrier3A)
    %jit3A_119 = arith.constant 6 : i32
    %div3A = arith.divsi %select_n3A, %jit3A_119 : i32
    %sign3A = arith.constant 0 : i32
    %sign3A_120 = arith.cmpi sgt, %select_n3A, %sign3A : i32
    %sign3A_121 = arith.extui %sign3A_120 : i1 to i32
    %sign3A_122 = arith.constant 0 : i32
    %sign3A_123 = arith.cmpi slt, %select_n3A, %sign3A_122 : i32
    %sign3A_124 = arith.extui %sign3A_123 : i1 to i32
    %sign3A_125 = arith.subi %sign3A_121, %sign3A_124 : i32
    %sign3A_126 = arith.constant 0 : i32
    %sign3A_127 = arith.cmpi sgt, %jit3A_119, %sign3A_126 : i32
    %sign3A_128 = arith.extui %sign3A_127 : i1 to i32
    %sign3A_129 = arith.constant 0 : i32
    %sign3A_130 = arith.cmpi slt, %jit3A_119, %sign3A_129 : i32
    %sign3A_131 = arith.extui %sign3A_130 : i1 to i32
    %sign3A_132 = arith.subi %sign3A_128, %sign3A_131 : i32
    %ne3A = arith.cmpi ne, %sign3A_125, %sign3A_132 : i32
    %rem3A = arith.remsi %select_n3A, %jit3A_119 : i32
    %ne3A_133 = arith.constant 0 : i32
    %ne3A_134 = arith.cmpi ne, %rem3A, %ne3A_133 : i32
    %and3A = arith.andi %ne3A, %ne3A_134 : i1
    %sub3A = arith.constant 1 : i32
    %sub3A_135 = arith.subi %div3A, %sub3A : i32
    %select_n3A_136 = arith.select %and3A, %sub3A_135, %div3A : i32
    %while3A = arith.constant 0 : i32
    %while3A_137 = arith.constant 0 : i32
    %while3A_138 = arith.subi %select_n3A_136, %while3A_137 : i32
    %while3A_139 = arith.addi %while3A_137, %while3A_138 : i32
    %while3A_140 = arith.constant 1 : i32
    %while3A_141 = arith.divsi %while3A_138, %while3A_140 : i32
    %while3A_142 = arith.muli %while3A_141, %while3A_140 : i32
    %while3A_143 = arith.addi %while3A_137, %while3A_142 : i32
    %while3A_144 = arith.constant 1 : i32
    scf.for %while3A_174 = %while3A_137 to %while3A_143 step %while3A_144  : i32 {
      %mul3A_175 = arith.constant 6 : i32
      %mul3A_176 = arith.muli %while3A_174, %mul3A_175 : i32
      %add3A_177 = arith.constant 0 : i32
      %add3A_178 = arith.addi %mul3A_176, %add3A_177 : i32
      %dma_wait3A_179 = arith.constant 0 : i32
      %dma_wait3A_180 = arith.constant 0 : i32
      %dma_wait3A_181 = tpu.memref_slice %arg8[%dma_wait3A_179, %dma_wait3A_180] : memref<2x112xi32, #tpu.memory_space<vmem>> -> memref<1x112xi32, #tpu.memory_space<vmem>>
      %dma_wait3A_182 = tpu.memref_squeeze %dma_wait3A_181 : memref<1x112xi32, #tpu.memory_space<vmem>> -> memref<112xi32, #tpu.memory_space<vmem>>
      %dma_wait3A_183 = arith.constant 0 : i32
      %dma_wait3A_184 = arith.constant 0 : i32
      %dma_wait3A_185 = tpu.memref_slice %arg3[%dma_wait3A_183, %dma_wait3A_184] : memref<10112x128xf32, #tpu.memory_space<hbm>> -> memref<10112x128xf32, #tpu.memory_space<hbm>>
      tpu.wait_indirect_dma semaphore(%arg27 : memref<!tpu.dma_semaphore, #tpu.memory_space<semaphore_mem>>) src(%dma_wait3A_185 : memref<10112x128xf32, #tpu.memory_space<hbm>>) dst(%arg14 : memref<112x128xf32, #tpu.memory_space<vmem>>)
      %dma_start3A_186 = arith.constant 1 : i32
      %dma_start3A_187 = arith.constant 0 : i32
      %dma_start3A_188 = tpu.memref_slice %arg8[%dma_start3A_186, %dma_start3A_187] : memref<2x112xi32, #tpu.memory_space<vmem>> -> memref<1x112xi32, #tpu.memory_space<vmem>>
      %dma_start3A_189 = tpu.memref_squeeze %dma_start3A_188 : memref<1x112xi32, #tpu.memory_space<vmem>> -> memref<112xi32, #tpu.memory_space<vmem>>
      %dma_start3A_190 = arith.constant 0 : i32
      %dma_start3A_191 = arith.constant 0 : i32
      %dma_start3A_192 = tpu.memref_slice %arg19[%dma_start3A_190, %dma_start3A_191] : memref<10112x128xf32, #tpu.memory_space<vmem_shared>> -> memref<10112x128xf32, #tpu.memory_space<vmem_shared>>
      tpu.enqueue_indirect_dma source(%arg14 : memref<112x128xf32, #tpu.memory_space<vmem>>) target(%dma_start3A_192 : memref<10112x128xf32, #tpu.memory_space<vmem_shared>>) offsets(%dma_start3A_189 : memref<112xi32, #tpu.memory_space<vmem>>) semaphore(%arg30 : memref<!tpu.dma_semaphore, #tpu.memory_space<semaphore_mem>>) {add = true}
      %dma_start3A_193 = arith.constant 1 : i32
      %dma_start3A_194 = arith.constant 0 : i32
      %dma_start3A_195 = tpu.memref_slice %arg8[%dma_start3A_193, %dma_start3A_194] : memref<2x112xi32, #tpu.memory_space<vmem>> -> memref<1x112xi32, #tpu.memory_space<vmem>>
      %dma_start3A_196 = tpu.memref_squeeze %dma_start3A_195 : memref<1x112xi32, #tpu.memory_space<vmem>> -> memref<112xi32, #tpu.memory_space<vmem>>
      %dma_start3A_197 = arith.constant 0 : i32
      %dma_start3A_198 = tpu.memref_slice %arg20[%dma_start3A_197] : memref<10240xf32, #tpu.memory_space<vmem_shared>> -> memref<10240xf32, #tpu.memory_space<vmem_shared>>
      tpu.enqueue_indirect_dma source(%arg17 : memref<112xf32, #tpu.memory_space<vmem>>) target(%dma_start3A_198 : memref<10240xf32, #tpu.memory_space<vmem_shared>>) offsets(%dma_start3A_196 : memref<112xi32, #tpu.memory_space<vmem>>) semaphore(%arg33 : memref<!tpu.dma_semaphore, #tpu.memory_space<semaphore_mem>>) {add = true}
      %ge3A = arith.constant 1 : i32
      %ge3A_199 = arith.cmpi sge, %add3A_178, %ge3A : i32
      %convert_element_type3A = arith.extui %ge3A_199 : i1 to i32
      %cond3A = arith.constant 0 : i32
      %cond3A_200 = arith.cmpi ne, %convert_element_type3A, %cond3A : i32
      scf.if %cond3A_200 {
        %dma_wait3A_417 = arith.constant 1 : i32
        %dma_wait3A_418 = arith.constant 0 : i32
        %dma_wait3A_419 = tpu.memref_slice %arg13[%dma_wait3A_417, %dma_wait3A_418] : memref<2x112xi32, #tpu.memory_space<vmem>> -> memref<1x112xi32, #tpu.memory_space<vmem>>
        %dma_wait3A_420 = tpu.memref_squeeze %dma_wait3A_419 : memref<1x112xi32, #tpu.memory_space<vmem>> -> memref<112xi32, #tpu.memory_space<vmem>>
        %dma_wait3A_421 = arith.constant 0 : i32
        %dma_wait3A_422 = arith.constant 0 : i32
        %dma_wait3A_423 = tpu.memref_slice %arg19[%dma_wait3A_421, %dma_wait3A_422] : memref<10112x128xf32, #tpu.memory_space<vmem_shared>> -> memref<10112x128xf32, #tpu.memory_space<vmem_shared>>
        tpu.wait_indirect_dma semaphore(%arg32 : memref<!tpu.dma_semaphore, #tpu.memory_space<semaphore_mem>>) src(%arg16 : memref<112x128xf32, #tpu.memory_space<vmem>>) dst(%dma_wait3A_423 : memref<10112x128xf32, #tpu.memory_space<vmem_shared>>)
        %dma_wait3A_424 = arith.constant 1 : i32
        %dma_wait3A_425 = arith.constant 0 : i32
        %dma_wait3A_426 = tpu.memref_slice %arg13[%dma_wait3A_424, %dma_wait3A_425] : memref<2x112xi32, #tpu.memory_space<vmem>> -> memref<1x112xi32, #tpu.memory_space<vmem>>
        %dma_wait3A_427 = tpu.memref_squeeze %dma_wait3A_426 : memref<1x112xi32, #tpu.memory_space<vmem>> -> memref<112xi32, #tpu.memory_space<vmem>>
        %dma_wait3A_428 = arith.constant 0 : i32
        %dma_wait3A_429 = tpu.memref_slice %arg20[%dma_wait3A_428] : memref<10240xf32, #tpu.memory_space<vmem_shared>> -> memref<10240xf32, #tpu.memory_space<vmem_shared>>
        tpu.wait_indirect_dma semaphore(%arg35 : memref<!tpu.dma_semaphore, #tpu.memory_space<semaphore_mem>>) src(%arg17 : memref<112xf32, #tpu.memory_space<vmem>>) dst(%dma_wait3A_429 : memref<10240xf32, #tpu.memory_space<vmem_shared>>)
      } else {
      }
      %add3A_201 = arith.constant 4 : i32
      %add3A_202 = arith.addi %add3A_178, %add3A_201 : i32
      %lt3A = arith.cmpi slt, %add3A_202, %select_n3A : i32
      %convert_element_type3A_203 = arith.extui %lt3A : i1 to i32
      %cond3A_204 = arith.constant 0 : i32
      %cond3A_205 = arith.cmpi ne, %convert_element_type3A_203, %cond3A_204 : i32
      scf.if %cond3A_205 {
        %add3A_417 = arith.constant 4 : i32
        %add3A_418 = arith.addi %add3A_178, %add3A_417 : i32
        %add3A_419 = arith.addi %select_n3A_8, %add3A_418 : i32
        %dma_start3A_420 = arith.constant 0 : i32
        %dma_start3A_421 = arith.constant 0 : i32
        %dma_start3A_422 = tpu.memref_slice %arg2[%add3A_419, %dma_start3A_420, %dma_start3A_421] : memref<2880x2x112xi32, #tpu.memory_space<hbm>> -> memref<1x2x112xi32, #tpu.memory_space<hbm>>
        %dma_start3A_423 = tpu.memref_squeeze %dma_start3A_422 : memref<1x2x112xi32, #tpu.memory_space<hbm>> -> memref<2x112xi32, #tpu.memory_space<hbm>>
        %dma_start3A_424 = arith.constant 0 : i32
        %dma_start3A_425 = arith.constant 0 : i32
        %dma_start3A_426 = tpu.memref_slice %arg2[%add3A_419, %dma_start3A_424, %dma_start3A_425] : memref<2880x2x112xi32, #tpu.memory_space<hbm>> -> memref<1x2x112xi32, #tpu.memory_space<hbm>>
        %dma_start3A_427 = tpu.memref_squeeze %dma_start3A_426 : memref<1x2x112xi32, #tpu.memory_space<hbm>> -> memref<2x112xi32, #tpu.memory_space<hbm>>
        tpu.enqueue_dma source(%dma_start3A_427 : memref<2x112xi32, #tpu.memory_space<hbm>>) target(%arg12 : memref<2x112xi32, #tpu.memory_space<vmem>>) target_semaphore(%arg25 : memref<!tpu.dma_semaphore, #tpu.memory_space<semaphore_mem>>)
      } else {
      }
      %add3A_206 = arith.constant 2 : i32
      %add3A_207 = arith.addi %add3A_178, %add3A_206 : i32
      %lt3A_208 = arith.cmpi slt, %add3A_207, %select_n3A : i32
      %convert_element_type3A_209 = arith.extui %lt3A_208 : i1 to i32
      %cond3A_210 = arith.constant 0 : i32
      %cond3A_211 = arith.cmpi ne, %convert_element_type3A_209, %cond3A_210 : i32
      scf.if %cond3A_211 {
        %add3A_417 = arith.constant 2 : i32
        %add3A_418 = arith.addi %add3A_178, %add3A_417 : i32
        %add3A_419 = arith.addi %select_n3A_8, %add3A_418 : i32
        %dma_wait3A_420 = arith.constant 0 : i32
        %dma_wait3A_421 = arith.constant 0 : i32
        %dma_wait3A_422 = tpu.memref_slice %arg2[%add3A_419, %dma_wait3A_420, %dma_wait3A_421] : memref<2880x2x112xi32, #tpu.memory_space<hbm>> -> memref<1x2x112xi32, #tpu.memory_space<hbm>>
        %dma_wait3A_423 = tpu.memref_squeeze %dma_wait3A_422 : memref<1x2x112xi32, #tpu.memory_space<hbm>> -> memref<2x112xi32, #tpu.memory_space<hbm>>
        %dma_wait3A_424 = arith.constant 0 : i32
        %dma_wait3A_425 = arith.constant 0 : i32
        %dma_wait3A_426 = tpu.memref_slice %arg2[%add3A_419, %dma_wait3A_424, %dma_wait3A_425] : memref<2880x2x112xi32, #tpu.memory_space<hbm>> -> memref<1x2x112xi32, #tpu.memory_space<hbm>>
        %dma_wait3A_427 = tpu.memref_squeeze %dma_wait3A_426 : memref<1x2x112xi32, #tpu.memory_space<hbm>> -> memref<2x112xi32, #tpu.memory_space<hbm>>
        tpu.wait_dma2 semaphore(%arg23 : memref<!tpu.dma_semaphore, #tpu.memory_space<semaphore_mem>>) src(%dma_wait3A_427 : memref<2x112xi32, #tpu.memory_space<hbm>>) dst(%arg10 : memref<2x112xi32, #tpu.memory_space<vmem>>)
        %dma_start3A_428 = arith.constant 0 : i32
        %dma_start3A_429 = arith.constant 0 : i32
        %dma_start3A_430 = tpu.memref_slice %arg10[%dma_start3A_428, %dma_start3A_429] : memref<2x112xi32, #tpu.memory_space<vmem>> -> memref<1x112xi32, #tpu.memory_space<vmem>>
        %dma_start3A_431 = tpu.memref_squeeze %dma_start3A_430 : memref<1x112xi32, #tpu.memory_space<vmem>> -> memref<112xi32, #tpu.memory_space<vmem>>
        %dma_start3A_432 = arith.constant 0 : i32
        %dma_start3A_433 = arith.constant 0 : i32
        %dma_start3A_434 = tpu.memref_slice %arg3[%dma_start3A_432, %dma_start3A_433] : memref<10112x128xf32, #tpu.memory_space<hbm>> -> memref<10112x128xf32, #tpu.memory_space<hbm>>
        tpu.enqueue_indirect_dma source(%dma_start3A_434 : memref<10112x128xf32, #tpu.memory_space<hbm>>) target(%arg16 : memref<112x128xf32, #tpu.memory_space<vmem>>) offsets(%dma_start3A_431 : memref<112xi32, #tpu.memory_space<vmem>>) semaphore(%arg29 : memref<!tpu.dma_semaphore, #tpu.memory_space<semaphore_mem>>)
      } else {
      }
      %mul3A_212 = arith.constant 6 : i32
      %mul3A_213 = arith.muli %while3A_174, %mul3A_212 : i32
      %add3A_214 = arith.constant 1 : i32
      %add3A_215 = arith.addi %mul3A_213, %add3A_214 : i32
      %dma_wait3A_216 = arith.constant 0 : i32
      %dma_wait3A_217 = arith.constant 0 : i32
      %dma_wait3A_218 = tpu.memref_slice %arg9[%dma_wait3A_216, %dma_wait3A_217] : memref<2x112xi32, #tpu.memory_space<vmem>> -> memref<1x112xi32, #tpu.memory_space<vmem>>
      %dma_wait3A_219 = tpu.memref_squeeze %dma_wait3A_218 : memref<1x112xi32, #tpu.memory_space<vmem>> -> memref<112xi32, #tpu.memory_space<vmem>>
      %dma_wait3A_220 = arith.constant 0 : i32
      %dma_wait3A_221 = arith.constant 0 : i32
      %dma_wait3A_222 = tpu.memref_slice %arg3[%dma_wait3A_220, %dma_wait3A_221] : memref<10112x128xf32, #tpu.memory_space<hbm>> -> memref<10112x128xf32, #tpu.memory_space<hbm>>
      tpu.wait_indirect_dma semaphore(%arg28 : memref<!tpu.dma_semaphore, #tpu.memory_space<semaphore_mem>>) src(%dma_wait3A_222 : memref<10112x128xf32, #tpu.memory_space<hbm>>) dst(%arg15 : memref<112x128xf32, #tpu.memory_space<vmem>>)
      %dma_start3A_223 = arith.constant 1 : i32
      %dma_start3A_224 = arith.constant 0 : i32
      %dma_start3A_225 = tpu.memref_slice %arg9[%dma_start3A_223, %dma_start3A_224] : memref<2x112xi32, #tpu.memory_space<vmem>> -> memref<1x112xi32, #tpu.memory_space<vmem>>
      %dma_start3A_226 = tpu.memref_squeeze %dma_start3A_225 : memref<1x112xi32, #tpu.memory_space<vmem>> -> memref<112xi32, #tpu.memory_space<vmem>>
      %dma_start3A_227 = arith.constant 0 : i32
      %dma_start3A_228 = arith.constant 0 : i32
      %dma_start3A_229 = tpu.memref_slice %arg19[%dma_start3A_227, %dma_start3A_228] : memref<10112x128xf32, #tpu.memory_space<vmem_shared>> -> memref<10112x128xf32, #tpu.memory_space<vmem_shared>>
      tpu.enqueue_indirect_dma source(%arg15 : memref<112x128xf32, #tpu.memory_space<vmem>>) target(%dma_start3A_229 : memref<10112x128xf32, #tpu.memory_space<vmem_shared>>) offsets(%dma_start3A_226 : memref<112xi32, #tpu.memory_space<vmem>>) semaphore(%arg31 : memref<!tpu.dma_semaphore, #tpu.memory_space<semaphore_mem>>) {add = true}
      %dma_start3A_230 = arith.constant 1 : i32
      %dma_start3A_231 = arith.constant 0 : i32
      %dma_start3A_232 = tpu.memref_slice %arg9[%dma_start3A_230, %dma_start3A_231] : memref<2x112xi32, #tpu.memory_space<vmem>> -> memref<1x112xi32, #tpu.memory_space<vmem>>
      %dma_start3A_233 = tpu.memref_squeeze %dma_start3A_232 : memref<1x112xi32, #tpu.memory_space<vmem>> -> memref<112xi32, #tpu.memory_space<vmem>>
      %dma_start3A_234 = arith.constant 0 : i32
      %dma_start3A_235 = tpu.memref_slice %arg20[%dma_start3A_234] : memref<10240xf32, #tpu.memory_space<vmem_shared>> -> memref<10240xf32, #tpu.memory_space<vmem_shared>>
      tpu.enqueue_indirect_dma source(%arg17 : memref<112xf32, #tpu.memory_space<vmem>>) target(%dma_start3A_235 : memref<10240xf32, #tpu.memory_space<vmem_shared>>) offsets(%dma_start3A_233 : memref<112xi32, #tpu.memory_space<vmem>>) semaphore(%arg34 : memref<!tpu.dma_semaphore, #tpu.memory_space<semaphore_mem>>) {add = true}
      %ge3A_236 = arith.constant 1 : i32
      %ge3A_237 = arith.cmpi sge, %add3A_215, %ge3A_236 : i32
      %convert_element_type3A_238 = arith.extui %ge3A_237 : i1 to i32
      %cond3A_239 = arith.constant 0 : i32
      %cond3A_240 = arith.cmpi ne, %convert_element_type3A_238, %cond3A_239 : i32
      scf.if %cond3A_240 {
        %dma_wait3A_417 = arith.constant 1 : i32
        %dma_wait3A_418 = arith.constant 0 : i32
        %dma_wait3A_419 = tpu.memref_slice %arg8[%dma_wait3A_417, %dma_wait3A_418] : memref<2x112xi32, #tpu.memory_space<vmem>> -> memref<1x112xi32, #tpu.memory_space<vmem>>
        %dma_wait3A_420 = tpu.memref_squeeze %dma_wait3A_419 : memref<1x112xi32, #tpu.memory_space<vmem>> -> memref<112xi32, #tpu.memory_space<vmem>>
        %dma_wait3A_421 = arith.constant 0 : i32
        %dma_wait3A_422 = arith.constant 0 : i32
        %dma_wait3A_423 = tpu.memref_slice %arg19[%dma_wait3A_421, %dma_wait3A_422] : memref<10112x128xf32, #tpu.memory_space<vmem_shared>> -> memref<10112x128xf32, #tpu.memory_space<vmem_shared>>
        tpu.wait_indirect_dma semaphore(%arg30 : memref<!tpu.dma_semaphore, #tpu.memory_space<semaphore_mem>>) src(%arg14 : memref<112x128xf32, #tpu.memory_space<vmem>>) dst(%dma_wait3A_423 : memref<10112x128xf32, #tpu.memory_space<vmem_shared>>)
        %dma_wait3A_424 = arith.constant 1 : i32
        %dma_wait3A_425 = arith.constant 0 : i32
        %dma_wait3A_426 = tpu.memref_slice %arg8[%dma_wait3A_424, %dma_wait3A_425] : memref<2x112xi32, #tpu.memory_space<vmem>> -> memref<1x112xi32, #tpu.memory_space<vmem>>
        %dma_wait3A_427 = tpu.memref_squeeze %dma_wait3A_426 : memref<1x112xi32, #tpu.memory_space<vmem>> -> memref<112xi32, #tpu.memory_space<vmem>>
        %dma_wait3A_428 = arith.constant 0 : i32
        %dma_wait3A_429 = tpu.memref_slice %arg20[%dma_wait3A_428] : memref<10240xf32, #tpu.memory_space<vmem_shared>> -> memref<10240xf32, #tpu.memory_space<vmem_shared>>
        tpu.wait_indirect_dma semaphore(%arg33 : memref<!tpu.dma_semaphore, #tpu.memory_space<semaphore_mem>>) src(%arg17 : memref<112xf32, #tpu.memory_space<vmem>>) dst(%dma_wait3A_429 : memref<10240xf32, #tpu.memory_space<vmem_shared>>)
      } else {
      }
      %add3A_241 = arith.constant 4 : i32
      %add3A_242 = arith.addi %add3A_215, %add3A_241 : i32
      %lt3A_243 = arith.cmpi slt, %add3A_242, %select_n3A : i32
      %convert_element_type3A_244 = arith.extui %lt3A_243 : i1 to i32
      %cond3A_245 = arith.constant 0 : i32
      %cond3A_246 = arith.cmpi ne, %convert_element_type3A_244, %cond3A_245 : i32
      scf.if %cond3A_246 {
        %add3A_417 = arith.constant 4 : i32
        %add3A_418 = arith.addi %add3A_215, %add3A_417 : i32
        %add3A_419 = arith.addi %select_n3A_8, %add3A_418 : i32
        %dma_start3A_420 = arith.constant 0 : i32
        %dma_start3A_421 = arith.constant 0 : i32
        %dma_start3A_422 = tpu.memref_slice %arg2[%add3A_419, %dma_start3A_420, %dma_start3A_421] : memref<2880x2x112xi32, #tpu.memory_space<hbm>> -> memref<1x2x112xi32, #tpu.memory_space<hbm>>
        %dma_start3A_423 = tpu.memref_squeeze %dma_start3A_422 : memref<1x2x112xi32, #tpu.memory_space<hbm>> -> memref<2x112xi32, #tpu.memory_space<hbm>>
        %dma_start3A_424 = arith.constant 0 : i32
        %dma_start3A_425 = arith.constant 0 : i32
        %dma_start3A_426 = tpu.memref_slice %arg2[%add3A_419, %dma_start3A_424, %dma_start3A_425] : memref<2880x2x112xi32, #tpu.memory_space<hbm>> -> memref<1x2x112xi32, #tpu.memory_space<hbm>>
        %dma_start3A_427 = tpu.memref_squeeze %dma_start3A_426 : memref<1x2x112xi32, #tpu.memory_space<hbm>> -> memref<2x112xi32, #tpu.memory_space<hbm>>
        tpu.enqueue_dma source(%dma_start3A_427 : memref<2x112xi32, #tpu.memory_space<hbm>>) target(%arg13 : memref<2x112xi32, #tpu.memory_space<vmem>>) target_semaphore(%arg26 : memref<!tpu.dma_semaphore, #tpu.memory_space<semaphore_mem>>)
      } else {
      }
      %add3A_247 = arith.constant 2 : i32
      %add3A_248 = arith.addi %add3A_215, %add3A_247 : i32
      %lt3A_249 = arith.cmpi slt, %add3A_248, %select_n3A : i32
      %convert_element_type3A_250 = arith.extui %lt3A_249 : i1 to i32
      %cond3A_251 = arith.constant 0 : i32
      %cond3A_252 = arith.cmpi ne, %convert_element_type3A_250, %cond3A_251 : i32
      scf.if %cond3A_252 {
        %add3A_417 = arith.constant 2 : i32
        %add3A_418 = arith.addi %add3A_215, %add3A_417 : i32
        %add3A_419 = arith.addi %select_n3A_8, %add3A_418 : i32
        %dma_wait3A_420 = arith.constant 0 : i32
        %dma_wait3A_421 = arith.constant 0 : i32
        %dma_wait3A_422 = tpu.memref_slice %arg2[%add3A_419, %dma_wait3A_420, %dma_wait3A_421] : memref<2880x2x112xi32, #tpu.memory_space<hbm>> -> memref<1x2x112xi32, #tpu.memory_space<hbm>>
        %dma_wait3A_423 = tpu.memref_squeeze %dma_wait3A_422 : memref<1x2x112xi32, #tpu.memory_space<hbm>> -> memref<2x112xi32, #tpu.memory_space<hbm>>
        %dma_wait3A_424 = arith.constant 0 : i32
        %dma_wait3A_425 = arith.constant 0 : i32
        %dma_wait3A_426 = tpu.memref_slice %arg2[%add3A_419, %dma_wait3A_424, %dma_wait3A_425] : memref<2880x2x112xi32, #tpu.memory_space<hbm>> -> memref<1x2x112xi32, #tpu.memory_space<hbm>>
        %dma_wait3A_427 = tpu.memref_squeeze %dma_wait3A_426 : memref<1x2x112xi32, #tpu.memory_space<hbm>> -> memref<2x112xi32, #tpu.memory_space<hbm>>
        tpu.wait_dma2 semaphore(%arg24 : memref<!tpu.dma_semaphore, #tpu.memory_space<semaphore_mem>>) src(%dma_wait3A_427 : memref<2x112xi32, #tpu.memory_space<hbm>>) dst(%arg11 : memref<2x112xi32, #tpu.memory_space<vmem>>)
        %dma_start3A_428 = arith.constant 0 : i32
        %dma_start3A_429 = arith.constant 0 : i32
        %dma_start3A_430 = tpu.memref_slice %arg11[%dma_start3A_428, %dma_start3A_429] : memref<2x112xi32, #tpu.memory_space<vmem>> -> memref<1x112xi32, #tpu.memory_space<vmem>>
        %dma_start3A_431 = tpu.memref_squeeze %dma_start3A_430 : memref<1x112xi32, #tpu.memory_space<vmem>> -> memref<112xi32, #tpu.memory_space<vmem>>
        %dma_start3A_432 = arith.constant 0 : i32
        %dma_start3A_433 = arith.constant 0 : i32
        %dma_start3A_434 = tpu.memref_slice %arg3[%dma_start3A_432, %dma_start3A_433] : memref<10112x128xf32, #tpu.memory_space<hbm>> -> memref<10112x128xf32, #tpu.memory_space<hbm>>
        tpu.enqueue_indirect_dma source(%dma_start3A_434 : memref<10112x128xf32, #tpu.memory_space<hbm>>) target(%arg14 : memref<112x128xf32, #tpu.memory_space<vmem>>) offsets(%dma_start3A_431 : memref<112xi32, #tpu.memory_space<vmem>>) semaphore(%arg27 : memref<!tpu.dma_semaphore, #tpu.memory_space<semaphore_mem>>)
      } else {
      }
      %mul3A_253 = arith.constant 6 : i32
      %mul3A_254 = arith.muli %while3A_174, %mul3A_253 : i32
      %add3A_255 = arith.constant 2 : i32
      %add3A_256 = arith.addi %mul3A_254, %add3A_255 : i32
      %dma_wait3A_257 = arith.constant 0 : i32
      %dma_wait3A_258 = arith.constant 0 : i32
      %dma_wait3A_259 = tpu.memref_slice %arg10[%dma_wait3A_257, %dma_wait3A_258] : memref<2x112xi32, #tpu.memory_space<vmem>> -> memref<1x112xi32, #tpu.memory_space<vmem>>
      %dma_wait3A_260 = tpu.memref_squeeze %dma_wait3A_259 : memref<1x112xi32, #tpu.memory_space<vmem>> -> memref<112xi32, #tpu.memory_space<vmem>>
      %dma_wait3A_261 = arith.constant 0 : i32
      %dma_wait3A_262 = arith.constant 0 : i32
      %dma_wait3A_263 = tpu.memref_slice %arg3[%dma_wait3A_261, %dma_wait3A_262] : memref<10112x128xf32, #tpu.memory_space<hbm>> -> memref<10112x128xf32, #tpu.memory_space<hbm>>
      tpu.wait_indirect_dma semaphore(%arg29 : memref<!tpu.dma_semaphore, #tpu.memory_space<semaphore_mem>>) src(%dma_wait3A_263 : memref<10112x128xf32, #tpu.memory_space<hbm>>) dst(%arg16 : memref<112x128xf32, #tpu.memory_space<vmem>>)
      %dma_start3A_264 = arith.constant 1 : i32
      %dma_start3A_265 = arith.constant 0 : i32
      %dma_start3A_266 = tpu.memref_slice %arg10[%dma_start3A_264, %dma_start3A_265] : memref<2x112xi32, #tpu.memory_space<vmem>> -> memref<1x112xi32, #tpu.memory_space<vmem>>
      %dma_start3A_267 = tpu.memref_squeeze %dma_start3A_266 : memref<1x112xi32, #tpu.memory_space<vmem>> -> memref<112xi32, #tpu.memory_space<vmem>>
      %dma_start3A_268 = arith.constant 0 : i32
      %dma_start3A_269 = arith.constant 0 : i32
      %dma_start3A_270 = tpu.memref_slice %arg19[%dma_start3A_268, %dma_start3A_269] : memref<10112x128xf32, #tpu.memory_space<vmem_shared>> -> memref<10112x128xf32, #tpu.memory_space<vmem_shared>>
      tpu.enqueue_indirect_dma source(%arg16 : memref<112x128xf32, #tpu.memory_space<vmem>>) target(%dma_start3A_270 : memref<10112x128xf32, #tpu.memory_space<vmem_shared>>) offsets(%dma_start3A_267 : memref<112xi32, #tpu.memory_space<vmem>>) semaphore(%arg32 : memref<!tpu.dma_semaphore, #tpu.memory_space<semaphore_mem>>) {add = true}
      %dma_start3A_271 = arith.constant 1 : i32
      %dma_start3A_272 = arith.constant 0 : i32
      %dma_start3A_273 = tpu.memref_slice %arg10[%dma_start3A_271, %dma_start3A_272] : memref<2x112xi32, #tpu.memory_space<vmem>> -> memref<1x112xi32, #tpu.memory_space<vmem>>
      %dma_start3A_274 = tpu.memref_squeeze %dma_start3A_273 : memref<1x112xi32, #tpu.memory_space<vmem>> -> memref<112xi32, #tpu.memory_space<vmem>>
      %dma_start3A_275 = arith.constant 0 : i32
      %dma_start3A_276 = tpu.memref_slice %arg20[%dma_start3A_275] : memref<10240xf32, #tpu.memory_space<vmem_shared>> -> memref<10240xf32, #tpu.memory_space<vmem_shared>>
      tpu.enqueue_indirect_dma source(%arg17 : memref<112xf32, #tpu.memory_space<vmem>>) target(%dma_start3A_276 : memref<10240xf32, #tpu.memory_space<vmem_shared>>) offsets(%dma_start3A_274 : memref<112xi32, #tpu.memory_space<vmem>>) semaphore(%arg35 : memref<!tpu.dma_semaphore, #tpu.memory_space<semaphore_mem>>) {add = true}
      %ge3A_277 = arith.constant 1 : i32
      %ge3A_278 = arith.cmpi sge, %add3A_256, %ge3A_277 : i32
      %convert_element_type3A_279 = arith.extui %ge3A_278 : i1 to i32
      %cond3A_280 = arith.constant 0 : i32
      %cond3A_281 = arith.cmpi ne, %convert_element_type3A_279, %cond3A_280 : i32
      scf.if %cond3A_281 {
        %dma_wait3A_417 = arith.constant 1 : i32
        %dma_wait3A_418 = arith.constant 0 : i32
        %dma_wait3A_419 = tpu.memref_slice %arg9[%dma_wait3A_417, %dma_wait3A_418] : memref<2x112xi32, #tpu.memory_space<vmem>> -> memref<1x112xi32, #tpu.memory_space<vmem>>
        %dma_wait3A_420 = tpu.memref_squeeze %dma_wait3A_419 : memref<1x112xi32, #tpu.memory_space<vmem>> -> memref<112xi32, #tpu.memory_space<vmem>>
        %dma_wait3A_421 = arith.constant 0 : i32
        %dma_wait3A_422 = arith.constant 0 : i32
        %dma_wait3A_423 = tpu.memref_slice %arg19[%dma_wait3A_421, %dma_wait3A_422] : memref<10112x128xf32, #tpu.memory_space<vmem_shared>> -> memref<10112x128xf32, #tpu.memory_space<vmem_shared>>
        tpu.wait_indirect_dma semaphore(%arg31 : memref<!tpu.dma_semaphore, #tpu.memory_space<semaphore_mem>>) src(%arg15 : memref<112x128xf32, #tpu.memory_space<vmem>>) dst(%dma_wait3A_423 : memref<10112x128xf32, #tpu.memory_space<vmem_shared>>)
        %dma_wait3A_424 = arith.constant 1 : i32
        %dma_wait3A_425 = arith.constant 0 : i32
        %dma_wait3A_426 = tpu.memref_slice %arg9[%dma_wait3A_424, %dma_wait3A_425] : memref<2x112xi32, #tpu.memory_space<vmem>> -> memref<1x112xi32, #tpu.memory_space<vmem>>
        %dma_wait3A_427 = tpu.memref_squeeze %dma_wait3A_426 : memref<1x112xi32, #tpu.memory_space<vmem>> -> memref<112xi32, #tpu.memory_space<vmem>>
        %dma_wait3A_428 = arith.constant 0 : i32
        %dma_wait3A_429 = tpu.memref_slice %arg20[%dma_wait3A_428] : memref<10240xf32, #tpu.memory_space<vmem_shared>> -> memref<10240xf32, #tpu.memory_space<vmem_shared>>
        tpu.wait_indirect_dma semaphore(%arg34 : memref<!tpu.dma_semaphore, #tpu.memory_space<semaphore_mem>>) src(%arg17 : memref<112xf32, #tpu.memory_space<vmem>>) dst(%dma_wait3A_429 : memref<10240xf32, #tpu.memory_space<vmem_shared>>)
      } else {
      }
      %add3A_282 = arith.constant 4 : i32
      %add3A_283 = arith.addi %add3A_256, %add3A_282 : i32
      %lt3A_284 = arith.cmpi slt, %add3A_283, %select_n3A : i32
      %convert_element_type3A_285 = arith.extui %lt3A_284 : i1 to i32
      %cond3A_286 = arith.constant 0 : i32
      %cond3A_287 = arith.cmpi ne, %convert_element_type3A_285, %cond3A_286 : i32
      scf.if %cond3A_287 {
        %add3A_417 = arith.constant 4 : i32
        %add3A_418 = arith.addi %add3A_256, %add3A_417 : i32
        %add3A_419 = arith.addi %select_n3A_8, %add3A_418 : i32
        %dma_start3A_420 = arith.constant 0 : i32
        %dma_start3A_421 = arith.constant 0 : i32
        %dma_start3A_422 = tpu.memref_slice %arg2[%add3A_419, %dma_start3A_420, %dma_start3A_421] : memref<2880x2x112xi32, #tpu.memory_space<hbm>> -> memref<1x2x112xi32, #tpu.memory_space<hbm>>
        %dma_start3A_423 = tpu.memref_squeeze %dma_start3A_422 : memref<1x2x112xi32, #tpu.memory_space<hbm>> -> memref<2x112xi32, #tpu.memory_space<hbm>>
        %dma_start3A_424 = arith.constant 0 : i32
        %dma_start3A_425 = arith.constant 0 : i32
        %dma_start3A_426 = tpu.memref_slice %arg2[%add3A_419, %dma_start3A_424, %dma_start3A_425] : memref<2880x2x112xi32, #tpu.memory_space<hbm>> -> memref<1x2x112xi32, #tpu.memory_space<hbm>>
        %dma_start3A_427 = tpu.memref_squeeze %dma_start3A_426 : memref<1x2x112xi32, #tpu.memory_space<hbm>> -> memref<2x112xi32, #tpu.memory_space<hbm>>
        tpu.enqueue_dma source(%dma_start3A_427 : memref<2x112xi32, #tpu.memory_space<hbm>>) target(%arg8 : memref<2x112xi32, #tpu.memory_space<vmem>>) target_semaphore(%arg21 : memref<!tpu.dma_semaphore, #tpu.memory_space<semaphore_mem>>)
      } else {
      }
      %add3A_288 = arith.constant 2 : i32
      %add3A_289 = arith.addi %add3A_256, %add3A_288 : i32
      %lt3A_290 = arith.cmpi slt, %add3A_289, %select_n3A : i32
      %convert_element_type3A_291 = arith.extui %lt3A_290 : i1 to i32
      %cond3A_292 = arith.constant 0 : i32
      %cond3A_293 = arith.cmpi ne, %convert_element_type3A_291, %cond3A_292 : i32
      scf.if %cond3A_293 {
        %add3A_417 = arith.constant 2 : i32
        %add3A_418 = arith.addi %add3A_256, %add3A_417 : i32
        %add3A_419 = arith.addi %select_n3A_8, %add3A_418 : i32
        %dma_wait3A_420 = arith.constant 0 : i32
        %dma_wait3A_421 = arith.constant 0 : i32
        %dma_wait3A_422 = tpu.memref_slice %arg2[%add3A_419, %dma_wait3A_420, %dma_wait3A_421] : memref<2880x2x112xi32, #tpu.memory_space<hbm>> -> memref<1x2x112xi32, #tpu.memory_space<hbm>>
        %dma_wait3A_423 = tpu.memref_squeeze %dma_wait3A_422 : memref<1x2x112xi32, #tpu.memory_space<hbm>> -> memref<2x112xi32, #tpu.memory_space<hbm>>
        %dma_wait3A_424 = arith.constant 0 : i32
        %dma_wait3A_425 = arith.constant 0 : i32
        %dma_wait3A_426 = tpu.memref_slice %arg2[%add3A_419, %dma_wait3A_424, %dma_wait3A_425] : memref<2880x2x112xi32, #tpu.memory_space<hbm>> -> memref<1x2x112xi32, #tpu.memory_space<hbm>>
        %dma_wait3A_427 = tpu.memref_squeeze %dma_wait3A_426 : memref<1x2x112xi32, #tpu.memory_space<hbm>> -> memref<2x112xi32, #tpu.memory_space<hbm>>
        tpu.wait_dma2 semaphore(%arg25 : memref<!tpu.dma_semaphore, #tpu.memory_space<semaphore_mem>>) src(%dma_wait3A_427 : memref<2x112xi32, #tpu.memory_space<hbm>>) dst(%arg12 : memref<2x112xi32, #tpu.memory_space<vmem>>)
        %dma_start3A_428 = arith.constant 0 : i32
        %dma_start3A_429 = arith.constant 0 : i32
        %dma_start3A_430 = tpu.memref_slice %arg12[%dma_start3A_428, %dma_start3A_429] : memref<2x112xi32, #tpu.memory_space<vmem>> -> memref<1x112xi32, #tpu.memory_space<vmem>>
        %dma_start3A_431 = tpu.memref_squeeze %dma_start3A_430 : memref<1x112xi32, #tpu.memory_space<vmem>> -> memref<112xi32, #tpu.memory_space<vmem>>
        %dma_start3A_432 = arith.constant 0 : i32
        %dma_start3A_433 = arith.constant 0 : i32
        %dma_start3A_434 = tpu.memref_slice %arg3[%dma_start3A_432, %dma_start3A_433] : memref<10112x128xf32, #tpu.memory_space<hbm>> -> memref<10112x128xf32, #tpu.memory_space<hbm>>
        tpu.enqueue_indirect_dma source(%dma_start3A_434 : memref<10112x128xf32, #tpu.memory_space<hbm>>) target(%arg15 : memref<112x128xf32, #tpu.memory_space<vmem>>) offsets(%dma_start3A_431 : memref<112xi32, #tpu.memory_space<vmem>>) semaphore(%arg28 : memref<!tpu.dma_semaphore, #tpu.memory_space<semaphore_mem>>)
      } else {
      }
      %mul3A_294 = arith.constant 6 : i32
      %mul3A_295 = arith.muli %while3A_174, %mul3A_294 : i32
      %add3A_296 = arith.constant 3 : i32
      %add3A_297 = arith.addi %mul3A_295, %add3A_296 : i32
      %dma_wait3A_298 = arith.constant 0 : i32
      %dma_wait3A_299 = arith.constant 0 : i32
      %dma_wait3A_300 = tpu.memref_slice %arg11[%dma_wait3A_298, %dma_wait3A_299] : memref<2x112xi32, #tpu.memory_space<vmem>> -> memref<1x112xi32, #tpu.memory_space<vmem>>
      %dma_wait3A_301 = tpu.memref_squeeze %dma_wait3A_300 : memref<1x112xi32, #tpu.memory_space<vmem>> -> memref<112xi32, #tpu.memory_space<vmem>>
      %dma_wait3A_302 = arith.constant 0 : i32
      %dma_wait3A_303 = arith.constant 0 : i32
      %dma_wait3A_304 = tpu.memref_slice %arg3[%dma_wait3A_302, %dma_wait3A_303] : memref<10112x128xf32, #tpu.memory_space<hbm>> -> memref<10112x128xf32, #tpu.memory_space<hbm>>
      tpu.wait_indirect_dma semaphore(%arg27 : memref<!tpu.dma_semaphore, #tpu.memory_space<semaphore_mem>>) src(%dma_wait3A_304 : memref<10112x128xf32, #tpu.memory_space<hbm>>) dst(%arg14 : memref<112x128xf32, #tpu.memory_space<vmem>>)
      %dma_start3A_305 = arith.constant 1 : i32
      %dma_start3A_306 = arith.constant 0 : i32
      %dma_start3A_307 = tpu.memref_slice %arg11[%dma_start3A_305, %dma_start3A_306] : memref<2x112xi32, #tpu.memory_space<vmem>> -> memref<1x112xi32, #tpu.memory_space<vmem>>
      %dma_start3A_308 = tpu.memref_squeeze %dma_start3A_307 : memref<1x112xi32, #tpu.memory_space<vmem>> -> memref<112xi32, #tpu.memory_space<vmem>>
      %dma_start3A_309 = arith.constant 0 : i32
      %dma_start3A_310 = arith.constant 0 : i32
      %dma_start3A_311 = tpu.memref_slice %arg19[%dma_start3A_309, %dma_start3A_310] : memref<10112x128xf32, #tpu.memory_space<vmem_shared>> -> memref<10112x128xf32, #tpu.memory_space<vmem_shared>>
      tpu.enqueue_indirect_dma source(%arg14 : memref<112x128xf32, #tpu.memory_space<vmem>>) target(%dma_start3A_311 : memref<10112x128xf32, #tpu.memory_space<vmem_shared>>) offsets(%dma_start3A_308 : memref<112xi32, #tpu.memory_space<vmem>>) semaphore(%arg30 : memref<!tpu.dma_semaphore, #tpu.memory_space<semaphore_mem>>) {add = true}
      %dma_start3A_312 = arith.constant 1 : i32
      %dma_start3A_313 = arith.constant 0 : i32
      %dma_start3A_314 = tpu.memref_slice %arg11[%dma_start3A_312, %dma_start3A_313] : memref<2x112xi32, #tpu.memory_space<vmem>> -> memref<1x112xi32, #tpu.memory_space<vmem>>
      %dma_start3A_315 = tpu.memref_squeeze %dma_start3A_314 : memref<1x112xi32, #tpu.memory_space<vmem>> -> memref<112xi32, #tpu.memory_space<vmem>>
      %dma_start3A_316 = arith.constant 0 : i32
      %dma_start3A_317 = tpu.memref_slice %arg20[%dma_start3A_316] : memref<10240xf32, #tpu.memory_space<vmem_shared>> -> memref<10240xf32, #tpu.memory_space<vmem_shared>>
      tpu.enqueue_indirect_dma source(%arg17 : memref<112xf32, #tpu.memory_space<vmem>>) target(%dma_start3A_317 : memref<10240xf32, #tpu.memory_space<vmem_shared>>) offsets(%dma_start3A_315 : memref<112xi32, #tpu.memory_space<vmem>>) semaphore(%arg33 : memref<!tpu.dma_semaphore, #tpu.memory_space<semaphore_mem>>) {add = true}
      %ge3A_318 = arith.constant 1 : i32
      %ge3A_319 = arith.cmpi sge, %add3A_297, %ge3A_318 : i32
      %convert_element_type3A_320 = arith.extui %ge3A_319 : i1 to i32
      %cond3A_321 = arith.constant 0 : i32
      %cond3A_322 = arith.cmpi ne, %convert_element_type3A_320, %cond3A_321 : i32
      scf.if %cond3A_322 {
        %dma_wait3A_417 = arith.constant 1 : i32
        %dma_wait3A_418 = arith.constant 0 : i32
        %dma_wait3A_419 = tpu.memref_slice %arg10[%dma_wait3A_417, %dma_wait3A_418] : memref<2x112xi32, #tpu.memory_space<vmem>> -> memref<1x112xi32, #tpu.memory_space<vmem>>
        %dma_wait3A_420 = tpu.memref_squeeze %dma_wait3A_419 : memref<1x112xi32, #tpu.memory_space<vmem>> -> memref<112xi32, #tpu.memory_space<vmem>>
        %dma_wait3A_421 = arith.constant 0 : i32
        %dma_wait3A_422 = arith.constant 0 : i32
        %dma_wait3A_423 = tpu.memref_slice %arg19[%dma_wait3A_421, %dma_wait3A_422] : memref<10112x128xf32, #tpu.memory_space<vmem_shared>> -> memref<10112x128xf32, #tpu.memory_space<vmem_shared>>
        tpu.wait_indirect_dma semaphore(%arg32 : memref<!tpu.dma_semaphore, #tpu.memory_space<semaphore_mem>>) src(%arg16 : memref<112x128xf32, #tpu.memory_space<vmem>>) dst(%dma_wait3A_423 : memref<10112x128xf32, #tpu.memory_space<vmem_shared>>)
        %dma_wait3A_424 = arith.constant 1 : i32
        %dma_wait3A_425 = arith.constant 0 : i32
        %dma_wait3A_426 = tpu.memref_slice %arg10[%dma_wait3A_424, %dma_wait3A_425] : memref<2x112xi32, #tpu.memory_space<vmem>> -> memref<1x112xi32, #tpu.memory_space<vmem>>
        %dma_wait3A_427 = tpu.memref_squeeze %dma_wait3A_426 : memref<1x112xi32, #tpu.memory_space<vmem>> -> memref<112xi32, #tpu.memory_space<vmem>>
        %dma_wait3A_428 = arith.constant 0 : i32
        %dma_wait3A_429 = tpu.memref_slice %arg20[%dma_wait3A_428] : memref<10240xf32, #tpu.memory_space<vmem_shared>> -> memref<10240xf32, #tpu.memory_space<vmem_shared>>
        tpu.wait_indirect_dma semaphore(%arg35 : memref<!tpu.dma_semaphore, #tpu.memory_space<semaphore_mem>>) src(%arg17 : memref<112xf32, #tpu.memory_space<vmem>>) dst(%dma_wait3A_429 : memref<10240xf32, #tpu.memory_space<vmem_shared>>)
      } else {
      }
      %add3A_323 = arith.constant 4 : i32
      %add3A_324 = arith.addi %add3A_297, %add3A_323 : i32
      %lt3A_325 = arith.cmpi slt, %add3A_324, %select_n3A : i32
      %convert_element_type3A_326 = arith.extui %lt3A_325 : i1 to i32
      %cond3A_327 = arith.constant 0 : i32
      %cond3A_328 = arith.cmpi ne, %convert_element_type3A_326, %cond3A_327 : i32
      scf.if %cond3A_328 {
        %add3A_417 = arith.constant 4 : i32
        %add3A_418 = arith.addi %add3A_297, %add3A_417 : i32
        %add3A_419 = arith.addi %select_n3A_8, %add3A_418 : i32
        %dma_start3A_420 = arith.constant 0 : i32
        %dma_start3A_421 = arith.constant 0 : i32
        %dma_start3A_422 = tpu.memref_slice %arg2[%add3A_419, %dma_start3A_420, %dma_start3A_421] : memref<2880x2x112xi32, #tpu.memory_space<hbm>> -> memref<1x2x112xi32, #tpu.memory_space<hbm>>
        %dma_start3A_423 = tpu.memref_squeeze %dma_start3A_422 : memref<1x2x112xi32, #tpu.memory_space<hbm>> -> memref<2x112xi32, #tpu.memory_space<hbm>>
        %dma_start3A_424 = arith.constant 0 : i32
        %dma_start3A_425 = arith.constant 0 : i32
        %dma_start3A_426 = tpu.memref_slice %arg2[%add3A_419, %dma_start3A_424, %dma_start3A_425] : memref<2880x2x112xi32, #tpu.memory_space<hbm>> -> memref<1x2x112xi32, #tpu.memory_space<hbm>>
        %dma_start3A_427 = tpu.memref_squeeze %dma_start3A_426 : memref<1x2x112xi32, #tpu.memory_space<hbm>> -> memref<2x112xi32, #tpu.memory_space<hbm>>
        tpu.enqueue_dma source(%dma_start3A_427 : memref<2x112xi32, #tpu.memory_space<hbm>>) target(%arg9 : memref<2x112xi32, #tpu.memory_space<vmem>>) target_semaphore(%arg22 : memref<!tpu.dma_semaphore, #tpu.memory_space<semaphore_mem>>)
      } else {
      }
      %add3A_329 = arith.constant 2 : i32
      %add3A_330 = arith.addi %add3A_297, %add3A_329 : i32
      %lt3A_331 = arith.cmpi slt, %add3A_330, %select_n3A : i32
      %convert_element_type3A_332 = arith.extui %lt3A_331 : i1 to i32
      %cond3A_333 = arith.constant 0 : i32
      %cond3A_334 = arith.cmpi ne, %convert_element_type3A_332, %cond3A_333 : i32
      scf.if %cond3A_334 {
        %add3A_417 = arith.constant 2 : i32
        %add3A_418 = arith.addi %add3A_297, %add3A_417 : i32
        %add3A_419 = arith.addi %select_n3A_8, %add3A_418 : i32
        %dma_wait3A_420 = arith.constant 0 : i32
        %dma_wait3A_421 = arith.constant 0 : i32
        %dma_wait3A_422 = tpu.memref_slice %arg2[%add3A_419, %dma_wait3A_420, %dma_wait3A_421] : memref<2880x2x112xi32, #tpu.memory_space<hbm>> -> memref<1x2x112xi32, #tpu.memory_space<hbm>>
        %dma_wait3A_423 = tpu.memref_squeeze %dma_wait3A_422 : memref<1x2x112xi32, #tpu.memory_space<hbm>> -> memref<2x112xi32, #tpu.memory_space<hbm>>
        %dma_wait3A_424 = arith.constant 0 : i32
        %dma_wait3A_425 = arith.constant 0 : i32
        %dma_wait3A_426 = tpu.memref_slice %arg2[%add3A_419, %dma_wait3A_424, %dma_wait3A_425] : memref<2880x2x112xi32, #tpu.memory_space<hbm>> -> memref<1x2x112xi32, #tpu.memory_space<hbm>>
        %dma_wait3A_427 = tpu.memref_squeeze %dma_wait3A_426 : memref<1x2x112xi32, #tpu.memory_space<hbm>> -> memref<2x112xi32, #tpu.memory_space<hbm>>
        tpu.wait_dma2 semaphore(%arg26 : memref<!tpu.dma_semaphore, #tpu.memory_space<semaphore_mem>>) src(%dma_wait3A_427 : memref<2x112xi32, #tpu.memory_space<hbm>>) dst(%arg13 : memref<2x112xi32, #tpu.memory_space<vmem>>)
        %dma_start3A_428 = arith.constant 0 : i32
        %dma_start3A_429 = arith.constant 0 : i32
        %dma_start3A_430 = tpu.memref_slice %arg13[%dma_start3A_428, %dma_start3A_429] : memref<2x112xi32, #tpu.memory_space<vmem>> -> memref<1x112xi32, #tpu.memory_space<vmem>>
        %dma_start3A_431 = tpu.memref_squeeze %dma_start3A_430 : memref<1x112xi32, #tpu.memory_space<vmem>> -> memref<112xi32, #tpu.memory_space<vmem>>
        %dma_start3A_432 = arith.constant 0 : i32
        %dma_start3A_433 = arith.constant 0 : i32
        %dma_start3A_434 = tpu.memref_slice %arg3[%dma_start3A_432, %dma_start3A_433] : memref<10112x128xf32, #tpu.memory_space<hbm>> -> memref<10112x128xf32, #tpu.memory_space<hbm>>
        tpu.enqueue_indirect_dma source(%dma_start3A_434 : memref<10112x128xf32, #tpu.memory_space<hbm>>) target(%arg16 : memref<112x128xf32, #tpu.memory_space<vmem>>) offsets(%dma_start3A_431 : memref<112xi32, #tpu.memory_space<vmem>>) semaphore(%arg29 : memref<!tpu.dma_semaphore, #tpu.memory_space<semaphore_mem>>)
      } else {
      }
      %mul3A_335 = arith.constant 6 : i32
      %mul3A_336 = arith.muli %while3A_174, %mul3A_335 : i32
      %add3A_337 = arith.constant 4 : i32
      %add3A_338 = arith.addi %mul3A_336, %add3A_337 : i32
      %dma_wait3A_339 = arith.constant 0 : i32
      %dma_wait3A_340 = arith.constant 0 : i32
      %dma_wait3A_341 = tpu.memref_slice %arg12[%dma_wait3A_339, %dma_wait3A_340] : memref<2x112xi32, #tpu.memory_space<vmem>> -> memref<1x112xi32, #tpu.memory_space<vmem>>
      %dma_wait3A_342 = tpu.memref_squeeze %dma_wait3A_341 : memref<1x112xi32, #tpu.memory_space<vmem>> -> memref<112xi32, #tpu.memory_space<vmem>>
      %dma_wait3A_343 = arith.constant 0 : i32
      %dma_wait3A_344 = arith.constant 0 : i32
      %dma_wait3A_345 = tpu.memref_slice %arg3[%dma_wait3A_343, %dma_wait3A_344] : memref<10112x128xf32, #tpu.memory_space<hbm>> -> memref<10112x128xf32, #tpu.memory_space<hbm>>
      tpu.wait_indirect_dma semaphore(%arg28 : memref<!tpu.dma_semaphore, #tpu.memory_space<semaphore_mem>>) src(%dma_wait3A_345 : memref<10112x128xf32, #tpu.memory_space<hbm>>) dst(%arg15 : memref<112x128xf32, #tpu.memory_space<vmem>>)
      %dma_start3A_346 = arith.constant 1 : i32
      %dma_start3A_347 = arith.constant 0 : i32
      %dma_start3A_348 = tpu.memref_slice %arg12[%dma_start3A_346, %dma_start3A_347] : memref<2x112xi32, #tpu.memory_space<vmem>> -> memref<1x112xi32, #tpu.memory_space<vmem>>
      %dma_start3A_349 = tpu.memref_squeeze %dma_start3A_348 : memref<1x112xi32, #tpu.memory_space<vmem>> -> memref<112xi32, #tpu.memory_space<vmem>>
      %dma_start3A_350 = arith.constant 0 : i32
      %dma_start3A_351 = arith.constant 0 : i32
      %dma_start3A_352 = tpu.memref_slice %arg19[%dma_start3A_350, %dma_start3A_351] : memref<10112x128xf32, #tpu.memory_space<vmem_shared>> -> memref<10112x128xf32, #tpu.memory_space<vmem_shared>>
      tpu.enqueue_indirect_dma source(%arg15 : memref<112x128xf32, #tpu.memory_space<vmem>>) target(%dma_start3A_352 : memref<10112x128xf32, #tpu.memory_space<vmem_shared>>) offsets(%dma_start3A_349 : memref<112xi32, #tpu.memory_space<vmem>>) semaphore(%arg31 : memref<!tpu.dma_semaphore, #tpu.memory_space<semaphore_mem>>) {add = true}
      %dma_start3A_353 = arith.constant 1 : i32
      %dma_start3A_354 = arith.constant 0 : i32
      %dma_start3A_355 = tpu.memref_slice %arg12[%dma_start3A_353, %dma_start3A_354] : memref<2x112xi32, #tpu.memory_space<vmem>> -> memref<1x112xi32, #tpu.memory_space<vmem>>
      %dma_start3A_356 = tpu.memref_squeeze %dma_start3A_355 : memref<1x112xi32, #tpu.memory_space<vmem>> -> memref<112xi32, #tpu.memory_space<vmem>>
      %dma_start3A_357 = arith.constant 0 : i32
      %dma_start3A_358 = tpu.memref_slice %arg20[%dma_start3A_357] : memref<10240xf32, #tpu.memory_space<vmem_shared>> -> memref<10240xf32, #tpu.memory_space<vmem_shared>>
      tpu.enqueue_indirect_dma source(%arg17 : memref<112xf32, #tpu.memory_space<vmem>>) target(%dma_start3A_358 : memref<10240xf32, #tpu.memory_space<vmem_shared>>) offsets(%dma_start3A_356 : memref<112xi32, #tpu.memory_space<vmem>>) semaphore(%arg34 : memref<!tpu.dma_semaphore, #tpu.memory_space<semaphore_mem>>) {add = true}
      %ge3A_359 = arith.constant 1 : i32
      %ge3A_360 = arith.cmpi sge, %add3A_338, %ge3A_359 : i32
      %convert_element_type3A_361 = arith.extui %ge3A_360 : i1 to i32
      %cond3A_362 = arith.constant 0 : i32
      %cond3A_363 = arith.cmpi ne, %convert_element_type3A_361, %cond3A_362 : i32
      scf.if %cond3A_363 {
        %dma_wait3A_417 = arith.constant 1 : i32
        %dma_wait3A_418 = arith.constant 0 : i32
        %dma_wait3A_419 = tpu.memref_slice %arg11[%dma_wait3A_417, %dma_wait3A_418] : memref<2x112xi32, #tpu.memory_space<vmem>> -> memref<1x112xi32, #tpu.memory_space<vmem>>
        %dma_wait3A_420 = tpu.memref_squeeze %dma_wait3A_419 : memref<1x112xi32, #tpu.memory_space<vmem>> -> memref<112xi32, #tpu.memory_space<vmem>>
        %dma_wait3A_421 = arith.constant 0 : i32
        %dma_wait3A_422 = arith.constant 0 : i32
        %dma_wait3A_423 = tpu.memref_slice %arg19[%dma_wait3A_421, %dma_wait3A_422] : memref<10112x128xf32, #tpu.memory_space<vmem_shared>> -> memref<10112x128xf32, #tpu.memory_space<vmem_shared>>
        tpu.wait_indirect_dma semaphore(%arg30 : memref<!tpu.dma_semaphore, #tpu.memory_space<semaphore_mem>>) src(%arg14 : memref<112x128xf32, #tpu.memory_space<vmem>>) dst(%dma_wait3A_423 : memref<10112x128xf32, #tpu.memory_space<vmem_shared>>)
        %dma_wait3A_424 = arith.constant 1 : i32
        %dma_wait3A_425 = arith.constant 0 : i32
        %dma_wait3A_426 = tpu.memref_slice %arg11[%dma_wait3A_424, %dma_wait3A_425] : memref<2x112xi32, #tpu.memory_space<vmem>> -> memref<1x112xi32, #tpu.memory_space<vmem>>
        %dma_wait3A_427 = tpu.memref_squeeze %dma_wait3A_426 : memref<1x112xi32, #tpu.memory_space<vmem>> -> memref<112xi32, #tpu.memory_space<vmem>>
        %dma_wait3A_428 = arith.constant 0 : i32
        %dma_wait3A_429 = tpu.memref_slice %arg20[%dma_wait3A_428] : memref<10240xf32, #tpu.memory_space<vmem_shared>> -> memref<10240xf32, #tpu.memory_space<vmem_shared>>
        tpu.wait_indirect_dma semaphore(%arg33 : memref<!tpu.dma_semaphore, #tpu.memory_space<semaphore_mem>>) src(%arg17 : memref<112xf32, #tpu.memory_space<vmem>>) dst(%dma_wait3A_429 : memref<10240xf32, #tpu.memory_space<vmem_shared>>)
      } else {
      }
      %add3A_364 = arith.constant 4 : i32
      %add3A_365 = arith.addi %add3A_338, %add3A_364 : i32
      %lt3A_366 = arith.cmpi slt, %add3A_365, %select_n3A : i32
      %convert_element_type3A_367 = arith.extui %lt3A_366 : i1 to i32
      %cond3A_368 = arith.constant 0 : i32
      %cond3A_369 = arith.cmpi ne, %convert_element_type3A_367, %cond3A_368 : i32
      scf.if %cond3A_369 {
        %add3A_417 = arith.constant 4 : i32
        %add3A_418 = arith.addi %add3A_338, %add3A_417 : i32
        %add3A_419 = arith.addi %select_n3A_8, %add3A_418 : i32
        %dma_start3A_420 = arith.constant 0 : i32
        %dma_start3A_421 = arith.constant 0 : i32
        %dma_start3A_422 = tpu.memref_slice %arg2[%add3A_419, %dma_start3A_420, %dma_start3A_421] : memref<2880x2x112xi32, #tpu.memory_space<hbm>> -> memref<1x2x112xi32, #tpu.memory_space<hbm>>
        %dma_start3A_423 = tpu.memref_squeeze %dma_start3A_422 : memref<1x2x112xi32, #tpu.memory_space<hbm>> -> memref<2x112xi32, #tpu.memory_space<hbm>>
        %dma_start3A_424 = arith.constant 0 : i32
        %dma_start3A_425 = arith.constant 0 : i32
        %dma_start3A_426 = tpu.memref_slice %arg2[%add3A_419, %dma_start3A_424, %dma_start3A_425] : memref<2880x2x112xi32, #tpu.memory_space<hbm>> -> memref<1x2x112xi32, #tpu.memory_space<hbm>>
        %dma_start3A_427 = tpu.memref_squeeze %dma_start3A_426 : memref<1x2x112xi32, #tpu.memory_space<hbm>> -> memref<2x112xi32, #tpu.memory_space<hbm>>
        tpu.enqueue_dma source(%dma_start3A_427 : memref<2x112xi32, #tpu.memory_space<hbm>>) target(%arg10 : memref<2x112xi32, #tpu.memory_space<vmem>>) target_semaphore(%arg23 : memref<!tpu.dma_semaphore, #tpu.memory_space<semaphore_mem>>)
      } else {
      }
      %add3A_370 = arith.constant 2 : i32
      %add3A_371 = arith.addi %add3A_338, %add3A_370 : i32
      %lt3A_372 = arith.cmpi slt, %add3A_371, %select_n3A : i32
      %convert_element_type3A_373 = arith.extui %lt3A_372 : i1 to i32
      %cond3A_374 = arith.constant 0 : i32
      %cond3A_375 = arith.cmpi ne, %convert_element_type3A_373, %cond3A_374 : i32
      scf.if %cond3A_375 {
        %add3A_417 = arith.constant 2 : i32
        %add3A_418 = arith.addi %add3A_338, %add3A_417 : i32
        %add3A_419 = arith.addi %select_n3A_8, %add3A_418 : i32
        %dma_wait3A_420 = arith.constant 0 : i32
        %dma_wait3A_421 = arith.constant 0 : i32
        %dma_wait3A_422 = tpu.memref_slice %arg2[%add3A_419, %dma_wait3A_420, %dma_wait3A_421] : memref<2880x2x112xi32, #tpu.memory_space<hbm>> -> memref<1x2x112xi32, #tpu.memory_space<hbm>>
        %dma_wait3A_423 = tpu.memref_squeeze %dma_wait3A_422 : memref<1x2x112xi32, #tpu.memory_space<hbm>> -> memref<2x112xi32, #tpu.memory_space<hbm>>
        %dma_wait3A_424 = arith.constant 0 : i32
        %dma_wait3A_425 = arith.constant 0 : i32
        %dma_wait3A_426 = tpu.memref_slice %arg2[%add3A_419, %dma_wait3A_424, %dma_wait3A_425] : memref<2880x2x112xi32, #tpu.memory_space<hbm>> -> memref<1x2x112xi32, #tpu.memory_space<hbm>>
        %dma_wait3A_427 = tpu.memref_squeeze %dma_wait3A_426 : memref<1x2x112xi32, #tpu.memory_space<hbm>> -> memref<2x112xi32, #tpu.memory_space<hbm>>
        tpu.wait_dma2 semaphore(%arg21 : memref<!tpu.dma_semaphore, #tpu.memory_space<semaphore_mem>>) src(%dma_wait3A_427 : memref<2x112xi32, #tpu.memory_space<hbm>>) dst(%arg8 : memref<2x112xi32, #tpu.memory_space<vmem>>)
        %dma_start3A_428 = arith.constant 0 : i32
        %dma_start3A_429 = arith.constant 0 : i32
        %dma_start3A_430 = tpu.memref_slice %arg8[%dma_start3A_428, %dma_start3A_429] : memref<2x112xi32, #tpu.memory_space<vmem>> -> memref<1x112xi32, #tpu.memory_space<vmem>>
        %dma_start3A_431 = tpu.memref_squeeze %dma_start3A_430 : memref<1x112xi32, #tpu.memory_space<vmem>> -> memref<112xi32, #tpu.memory_space<vmem>>
        %dma_start3A_432 = arith.constant 0 : i32
        %dma_start3A_433 = arith.constant 0 : i32
        %dma_start3A_434 = tpu.memref_slice %arg3[%dma_start3A_432, %dma_start3A_433] : memref<10112x128xf32, #tpu.memory_space<hbm>> -> memref<10112x128xf32, #tpu.memory_space<hbm>>
        tpu.enqueue_indirect_dma source(%dma_start3A_434 : memref<10112x128xf32, #tpu.memory_space<hbm>>) target(%arg14 : memref<112x128xf32, #tpu.memory_space<vmem>>) offsets(%dma_start3A_431 : memref<112xi32, #tpu.memory_space<vmem>>) semaphore(%arg27 : memref<!tpu.dma_semaphore, #tpu.memory_space<semaphore_mem>>)
      } else {
      }
      %mul3A_376 = arith.constant 6 : i32
      %mul3A_377 = arith.muli %while3A_174, %mul3A_376 : i32
      %add3A_378 = arith.constant 5 : i32
      %add3A_379 = arith.addi %mul3A_377, %add3A_378 : i32
      %dma_wait3A_380 = arith.constant 0 : i32
      %dma_wait3A_381 = arith.constant 0 : i32
      %dma_wait3A_382 = tpu.memref_slice %arg13[%dma_wait3A_380, %dma_wait3A_381] : memref<2x112xi32, #tpu.memory_space<vmem>> -> memref<1x112xi32, #tpu.memory_space<vmem>>
      %dma_wait3A_383 = tpu.memref_squeeze %dma_wait3A_382 : memref<1x112xi32, #tpu.memory_space<vmem>> -> memref<112xi32, #tpu.memory_space<vmem>>
      %dma_wait3A_384 = arith.constant 0 : i32
      %dma_wait3A_385 = arith.constant 0 : i32
      %dma_wait3A_386 = tpu.memref_slice %arg3[%dma_wait3A_384, %dma_wait3A_385] : memref<10112x128xf32, #tpu.memory_space<hbm>> -> memref<10112x128xf32, #tpu.memory_space<hbm>>
      tpu.wait_indirect_dma semaphore(%arg29 : memref<!tpu.dma_semaphore, #tpu.memory_space<semaphore_mem>>) src(%dma_wait3A_386 : memref<10112x128xf32, #tpu.memory_space<hbm>>) dst(%arg16 : memref<112x128xf32, #tpu.memory_space<vmem>>)
      %dma_start3A_387 = arith.constant 1 : i32
      %dma_start3A_388 = arith.constant 0 : i32
      %dma_start3A_389 = tpu.memref_slice %arg13[%dma_start3A_387, %dma_start3A_388] : memref<2x112xi32, #tpu.memory_space<vmem>> -> memref<1x112xi32, #tpu.memory_space<vmem>>
      %dma_start3A_390 = tpu.memref_squeeze %dma_start3A_389 : memref<1x112xi32, #tpu.memory_space<vmem>> -> memref<112xi32, #tpu.memory_space<vmem>>
      %dma_start3A_391 = arith.constant 0 : i32
      %dma_start3A_392 = arith.constant 0 : i32
      %dma_start3A_393 = tpu.memref_slice %arg19[%dma_start3A_391, %dma_start3A_392] : memref<10112x128xf32, #tpu.memory_space<vmem_shared>> -> memref<10112x128xf32, #tpu.memory_space<vmem_shared>>
      tpu.enqueue_indirect_dma source(%arg16 : memref<112x128xf32, #tpu.memory_space<vmem>>) target(%dma_start3A_393 : memref<10112x128xf32, #tpu.memory_space<vmem_shared>>) offsets(%dma_start3A_390 : memref<112xi32, #tpu.memory_space<vmem>>) semaphore(%arg32 : memref<!tpu.dma_semaphore, #tpu.memory_space<semaphore_mem>>) {add = true}
      %dma_start3A_394 = arith.constant 1 : i32
      %dma_start3A_395 = arith.constant 0 : i32
      %dma_start3A_396 = tpu.memref_slice %arg13[%dma_start3A_394, %dma_start3A_395] : memref<2x112xi32, #tpu.memory_space<vmem>> -> memref<1x112xi32, #tpu.memory_space<vmem>>
      %dma_start3A_397 = tpu.memref_squeeze %dma_start3A_396 : memref<1x112xi32, #tpu.memory_space<vmem>> -> memref<112xi32, #tpu.memory_space<vmem>>
      %dma_start3A_398 = arith.constant 0 : i32
      %dma_start3A_399 = tpu.memref_slice %arg20[%dma_start3A_398] : memref<10240xf32, #tpu.memory_space<vmem_shared>> -> memref<10240xf32, #tpu.memory_space<vmem_shared>>
      tpu.enqueue_indirect_dma source(%arg17 : memref<112xf32, #tpu.memory_space<vmem>>) target(%dma_start3A_399 : memref<10240xf32, #tpu.memory_space<vmem_shared>>) offsets(%dma_start3A_397 : memref<112xi32, #tpu.memory_space<vmem>>) semaphore(%arg35 : memref<!tpu.dma_semaphore, #tpu.memory_space<semaphore_mem>>) {add = true}
      %ge3A_400 = arith.constant 1 : i32
      %ge3A_401 = arith.cmpi sge, %add3A_379, %ge3A_400 : i32
      %convert_element_type3A_402 = arith.extui %ge3A_401 : i1 to i32
      %cond3A_403 = arith.constant 0 : i32
      %cond3A_404 = arith.cmpi ne, %convert_element_type3A_402, %cond3A_403 : i32
      scf.if %cond3A_404 {
        %dma_wait3A_417 = arith.constant 1 : i32
        %dma_wait3A_418 = arith.constant 0 : i32
        %dma_wait3A_419 = tpu.memref_slice %arg12[%dma_wait3A_417, %dma_wait3A_418] : memref<2x112xi32, #tpu.memory_space<vmem>> -> memref<1x112xi32, #tpu.memory_space<vmem>>
        %dma_wait3A_420 = tpu.memref_squeeze %dma_wait3A_419 : memref<1x112xi32, #tpu.memory_space<vmem>> -> memref<112xi32, #tpu.memory_space<vmem>>
        %dma_wait3A_421 = arith.constant 0 : i32
        %dma_wait3A_422 = arith.constant 0 : i32
        %dma_wait3A_423 = tpu.memref_slice %arg19[%dma_wait3A_421, %dma_wait3A_422] : memref<10112x128xf32, #tpu.memory_space<vmem_shared>> -> memref<10112x128xf32, #tpu.memory_space<vmem_shared>>
        tpu.wait_indirect_dma semaphore(%arg31 : memref<!tpu.dma_semaphore, #tpu.memory_space<semaphore_mem>>) src(%arg15 : memref<112x128xf32, #tpu.memory_space<vmem>>) dst(%dma_wait3A_423 : memref<10112x128xf32, #tpu.memory_space<vmem_shared>>)
        %dma_wait3A_424 = arith.constant 1 : i32
        %dma_wait3A_425 = arith.constant 0 : i32
        %dma_wait3A_426 = tpu.memref_slice %arg12[%dma_wait3A_424, %dma_wait3A_425] : memref<2x112xi32, #tpu.memory_space<vmem>> -> memref<1x112xi32, #tpu.memory_space<vmem>>
        %dma_wait3A_427 = tpu.memref_squeeze %dma_wait3A_426 : memref<1x112xi32, #tpu.memory_space<vmem>> -> memref<112xi32, #tpu.memory_space<vmem>>
        %dma_wait3A_428 = arith.constant 0 : i32
        %dma_wait3A_429 = tpu.memref_slice %arg20[%dma_wait3A_428] : memref<10240xf32, #tpu.memory_space<vmem_shared>> -> memref<10240xf32, #tpu.memory_space<vmem_shared>>
        tpu.wait_indirect_dma semaphore(%arg34 : memref<!tpu.dma_semaphore, #tpu.memory_space<semaphore_mem>>) src(%arg17 : memref<112xf32, #tpu.memory_space<vmem>>) dst(%dma_wait3A_429 : memref<10240xf32, #tpu.memory_space<vmem_shared>>)
      } else {
      }
      %add3A_405 = arith.constant 4 : i32
      %add3A_406 = arith.addi %add3A_379, %add3A_405 : i32
      %lt3A_407 = arith.cmpi slt, %add3A_406, %select_n3A : i32
      %convert_element_type3A_408 = arith.extui %lt3A_407 : i1 to i32
      %cond3A_409 = arith.constant 0 : i32
      %cond3A_410 = arith.cmpi ne, %convert_element_type3A_408, %cond3A_409 : i32
      scf.if %cond3A_410 {
        %add3A_417 = arith.constant 4 : i32
        %add3A_418 = arith.addi %add3A_379, %add3A_417 : i32
        %add3A_419 = arith.addi %select_n3A_8, %add3A_418 : i32
        %dma_start3A_420 = arith.constant 0 : i32
        %dma_start3A_421 = arith.constant 0 : i32
        %dma_start3A_422 = tpu.memref_slice %arg2[%add3A_419, %dma_start3A_420, %dma_start3A_421] : memref<2880x2x112xi32, #tpu.memory_space<hbm>> -> memref<1x2x112xi32, #tpu.memory_space<hbm>>
        %dma_start3A_423 = tpu.memref_squeeze %dma_start3A_422 : memref<1x2x112xi32, #tpu.memory_space<hbm>> -> memref<2x112xi32, #tpu.memory_space<hbm>>
        %dma_start3A_424 = arith.constant 0 : i32
        %dma_start3A_425 = arith.constant 0 : i32
        %dma_start3A_426 = tpu.memref_slice %arg2[%add3A_419, %dma_start3A_424, %dma_start3A_425] : memref<2880x2x112xi32, #tpu.memory_space<hbm>> -> memref<1x2x112xi32, #tpu.memory_space<hbm>>
        %dma_start3A_427 = tpu.memref_squeeze %dma_start3A_426 : memref<1x2x112xi32, #tpu.memory_space<hbm>> -> memref<2x112xi32, #tpu.memory_space<hbm>>
        tpu.enqueue_dma source(%dma_start3A_427 : memref<2x112xi32, #tpu.memory_space<hbm>>) target(%arg11 : memref<2x112xi32, #tpu.memory_space<vmem>>) target_semaphore(%arg24 : memref<!tpu.dma_semaphore, #tpu.memory_space<semaphore_mem>>)
      } else {
      }
      %add3A_411 = arith.constant 2 : i32
      %add3A_412 = arith.addi %add3A_379, %add3A_411 : i32
      %lt3A_413 = arith.cmpi slt, %add3A_412, %select_n3A : i32
      %convert_element_type3A_414 = arith.extui %lt3A_413 : i1 to i32
      %cond3A_415 = arith.constant 0 : i32
      %cond3A_416 = arith.cmpi ne, %convert_element_type3A_414, %cond3A_415 : i32
      scf.if %cond3A_416 {
        %add3A_417 = arith.constant 2 : i32
        %add3A_418 = arith.addi %add3A_379, %add3A_417 : i32
        %add3A_419 = arith.addi %select_n3A_8, %add3A_418 : i32
        %dma_wait3A_420 = arith.constant 0 : i32
        %dma_wait3A_421 = arith.constant 0 : i32
        %dma_wait3A_422 = tpu.memref_slice %arg2[%add3A_419, %dma_wait3A_420, %dma_wait3A_421] : memref<2880x2x112xi32, #tpu.memory_space<hbm>> -> memref<1x2x112xi32, #tpu.memory_space<hbm>>
        %dma_wait3A_423 = tpu.memref_squeeze %dma_wait3A_422 : memref<1x2x112xi32, #tpu.memory_space<hbm>> -> memref<2x112xi32, #tpu.memory_space<hbm>>
        %dma_wait3A_424 = arith.constant 0 : i32
        %dma_wait3A_425 = arith.constant 0 : i32
        %dma_wait3A_426 = tpu.memref_slice %arg2[%add3A_419, %dma_wait3A_424, %dma_wait3A_425] : memref<2880x2x112xi32, #tpu.memory_space<hbm>> -> memref<1x2x112xi32, #tpu.memory_space<hbm>>
        %dma_wait3A_427 = tpu.memref_squeeze %dma_wait3A_426 : memref<1x2x112xi32, #tpu.memory_space<hbm>> -> memref<2x112xi32, #tpu.memory_space<hbm>>
        tpu.wait_dma2 semaphore(%arg22 : memref<!tpu.dma_semaphore, #tpu.memory_space<semaphore_mem>>) src(%dma_wait3A_427 : memref<2x112xi32, #tpu.memory_space<hbm>>) dst(%arg9 : memref<2x112xi32, #tpu.memory_space<vmem>>)
        %dma_start3A_428 = arith.constant 0 : i32
        %dma_start3A_429 = arith.constant 0 : i32
        %dma_start3A_430 = tpu.memref_slice %arg9[%dma_start3A_428, %dma_start3A_429] : memref<2x112xi32, #tpu.memory_space<vmem>> -> memref<1x112xi32, #tpu.memory_space<vmem>>
        %dma_start3A_431 = tpu.memref_squeeze %dma_start3A_430 : memref<1x112xi32, #tpu.memory_space<vmem>> -> memref<112xi32, #tpu.memory_space<vmem>>
        %dma_start3A_432 = arith.constant 0 : i32
        %dma_start3A_433 = arith.constant 0 : i32
        %dma_start3A_434 = tpu.memref_slice %arg3[%dma_start3A_432, %dma_start3A_433] : memref<10112x128xf32, #tpu.memory_space<hbm>> -> memref<10112x128xf32, #tpu.memory_space<hbm>>
        tpu.enqueue_indirect_dma source(%dma_start3A_434 : memref<10112x128xf32, #tpu.memory_space<hbm>>) target(%arg15 : memref<112x128xf32, #tpu.memory_space<vmem>>) offsets(%dma_start3A_431 : memref<112xi32, #tpu.memory_space<vmem>>) semaphore(%arg28 : memref<!tpu.dma_semaphore, #tpu.memory_space<semaphore_mem>>)
      } else {
      }
    }
    %while3A_145 = arith.constant 1 : i32
    scf.for %while3A_174 = %while3A_143 to %while3A_139 step %while3A_145  : i32 {
      %mul3A_175 = arith.constant 6 : i32
      %mul3A_176 = arith.muli %while3A_174, %mul3A_175 : i32
      %add3A_177 = arith.constant 0 : i32
      %add3A_178 = arith.addi %mul3A_176, %add3A_177 : i32
      %dma_wait3A_179 = arith.constant 0 : i32
      %dma_wait3A_180 = arith.constant 0 : i32
      %dma_wait3A_181 = tpu.memref_slice %arg8[%dma_wait3A_179, %dma_wait3A_180] : memref<2x112xi32, #tpu.memory_space<vmem>> -> memref<1x112xi32, #tpu.memory_space<vmem>>
      %dma_wait3A_182 = tpu.memref_squeeze %dma_wait3A_181 : memref<1x112xi32, #tpu.memory_space<vmem>> -> memref<112xi32, #tpu.memory_space<vmem>>
      %dma_wait3A_183 = arith.constant 0 : i32
      %dma_wait3A_184 = arith.constant 0 : i32
      %dma_wait3A_185 = tpu.memref_slice %arg3[%dma_wait3A_183, %dma_wait3A_184] : memref<10112x128xf32, #tpu.memory_space<hbm>> -> memref<10112x128xf32, #tpu.memory_space<hbm>>
      tpu.wait_indirect_dma semaphore(%arg27 : memref<!tpu.dma_semaphore, #tpu.memory_space<semaphore_mem>>) src(%dma_wait3A_185 : memref<10112x128xf32, #tpu.memory_space<hbm>>) dst(%arg14 : memref<112x128xf32, #tpu.memory_space<vmem>>)
      %dma_start3A_186 = arith.constant 1 : i32
      %dma_start3A_187 = arith.constant 0 : i32
      %dma_start3A_188 = tpu.memref_slice %arg8[%dma_start3A_186, %dma_start3A_187] : memref<2x112xi32, #tpu.memory_space<vmem>> -> memref<1x112xi32, #tpu.memory_space<vmem>>
      %dma_start3A_189 = tpu.memref_squeeze %dma_start3A_188 : memref<1x112xi32, #tpu.memory_space<vmem>> -> memref<112xi32, #tpu.memory_space<vmem>>
      %dma_start3A_190 = arith.constant 0 : i32
      %dma_start3A_191 = arith.constant 0 : i32
      %dma_start3A_192 = tpu.memref_slice %arg19[%dma_start3A_190, %dma_start3A_191] : memref<10112x128xf32, #tpu.memory_space<vmem_shared>> -> memref<10112x128xf32, #tpu.memory_space<vmem_shared>>
      tpu.enqueue_indirect_dma source(%arg14 : memref<112x128xf32, #tpu.memory_space<vmem>>) target(%dma_start3A_192 : memref<10112x128xf32, #tpu.memory_space<vmem_shared>>) offsets(%dma_start3A_189 : memref<112xi32, #tpu.memory_space<vmem>>) semaphore(%arg30 : memref<!tpu.dma_semaphore, #tpu.memory_space<semaphore_mem>>) {add = true}
      %dma_start3A_193 = arith.constant 1 : i32
      %dma_start3A_194 = arith.constant 0 : i32
      %dma_start3A_195 = tpu.memref_slice %arg8[%dma_start3A_193, %dma_start3A_194] : memref<2x112xi32, #tpu.memory_space<vmem>> -> memref<1x112xi32, #tpu.memory_space<vmem>>
      %dma_start3A_196 = tpu.memref_squeeze %dma_start3A_195 : memref<1x112xi32, #tpu.memory_space<vmem>> -> memref<112xi32, #tpu.memory_space<vmem>>
      %dma_start3A_197 = arith.constant 0 : i32
      %dma_start3A_198 = tpu.memref_slice %arg20[%dma_start3A_197] : memref<10240xf32, #tpu.memory_space<vmem_shared>> -> memref<10240xf32, #tpu.memory_space<vmem_shared>>
      tpu.enqueue_indirect_dma source(%arg17 : memref<112xf32, #tpu.memory_space<vmem>>) target(%dma_start3A_198 : memref<10240xf32, #tpu.memory_space<vmem_shared>>) offsets(%dma_start3A_196 : memref<112xi32, #tpu.memory_space<vmem>>) semaphore(%arg33 : memref<!tpu.dma_semaphore, #tpu.memory_space<semaphore_mem>>) {add = true}
      %ge3A = arith.constant 1 : i32
      %ge3A_199 = arith.cmpi sge, %add3A_178, %ge3A : i32
      %convert_element_type3A = arith.extui %ge3A_199 : i1 to i32
      %cond3A = arith.constant 0 : i32
      %cond3A_200 = arith.cmpi ne, %convert_element_type3A, %cond3A : i32
      scf.if %cond3A_200 {
        %dma_wait3A_417 = arith.constant 1 : i32
        %dma_wait3A_418 = arith.constant 0 : i32
        %dma_wait3A_419 = tpu.memref_slice %arg13[%dma_wait3A_417, %dma_wait3A_418] : memref<2x112xi32, #tpu.memory_space<vmem>> -> memref<1x112xi32, #tpu.memory_space<vmem>>
        %dma_wait3A_420 = tpu.memref_squeeze %dma_wait3A_419 : memref<1x112xi32, #tpu.memory_space<vmem>> -> memref<112xi32, #tpu.memory_space<vmem>>
        %dma_wait3A_421 = arith.constant 0 : i32
        %dma_wait3A_422 = arith.constant 0 : i32
        %dma_wait3A_423 = tpu.memref_slice %arg19[%dma_wait3A_421, %dma_wait3A_422] : memref<10112x128xf32, #tpu.memory_space<vmem_shared>> -> memref<10112x128xf32, #tpu.memory_space<vmem_shared>>
        tpu.wait_indirect_dma semaphore(%arg32 : memref<!tpu.dma_semaphore, #tpu.memory_space<semaphore_mem>>) src(%arg16 : memref<112x128xf32, #tpu.memory_space<vmem>>) dst(%dma_wait3A_423 : memref<10112x128xf32, #tpu.memory_space<vmem_shared>>)
        %dma_wait3A_424 = arith.constant 1 : i32
        %dma_wait3A_425 = arith.constant 0 : i32
        %dma_wait3A_426 = tpu.memref_slice %arg13[%dma_wait3A_424, %dma_wait3A_425] : memref<2x112xi32, #tpu.memory_space<vmem>> -> memref<1x112xi32, #tpu.memory_space<vmem>>
        %dma_wait3A_427 = tpu.memref_squeeze %dma_wait3A_426 : memref<1x112xi32, #tpu.memory_space<vmem>> -> memref<112xi32, #tpu.memory_space<vmem>>
        %dma_wait3A_428 = arith.constant 0 : i32
        %dma_wait3A_429 = tpu.memref_slice %arg20[%dma_wait3A_428] : memref<10240xf32, #tpu.memory_space<vmem_shared>> -> memref<10240xf32, #tpu.memory_space<vmem_shared>>
        tpu.wait_indirect_dma semaphore(%arg35 : memref<!tpu.dma_semaphore, #tpu.memory_space<semaphore_mem>>) src(%arg17 : memref<112xf32, #tpu.memory_space<vmem>>) dst(%dma_wait3A_429 : memref<10240xf32, #tpu.memory_space<vmem_shared>>)
      } else {
      }
      %add3A_201 = arith.constant 4 : i32
      %add3A_202 = arith.addi %add3A_178, %add3A_201 : i32
      %lt3A = arith.cmpi slt, %add3A_202, %select_n3A : i32
      %convert_element_type3A_203 = arith.extui %lt3A : i1 to i32
      %cond3A_204 = arith.constant 0 : i32
      %cond3A_205 = arith.cmpi ne, %convert_element_type3A_203, %cond3A_204 : i32
      scf.if %cond3A_205 {
        %add3A_417 = arith.constant 4 : i32
        %add3A_418 = arith.addi %add3A_178, %add3A_417 : i32
        %add3A_419 = arith.addi %select_n3A_8, %add3A_418 : i32
        %dma_start3A_420 = arith.constant 0 : i32
        %dma_start3A_421 = arith.constant 0 : i32
        %dma_start3A_422 = tpu.memref_slice %arg2[%add3A_419, %dma_start3A_420, %dma_start3A_421] : memref<2880x2x112xi32, #tpu.memory_space<hbm>> -> memref<1x2x112xi32, #tpu.memory_space<hbm>>
        %dma_start3A_423 = tpu.memref_squeeze %dma_start3A_422 : memref<1x2x112xi32, #tpu.memory_space<hbm>> -> memref<2x112xi32, #tpu.memory_space<hbm>>
        %dma_start3A_424 = arith.constant 0 : i32
        %dma_start3A_425 = arith.constant 0 : i32
        %dma_start3A_426 = tpu.memref_slice %arg2[%add3A_419, %dma_start3A_424, %dma_start3A_425] : memref<2880x2x112xi32, #tpu.memory_space<hbm>> -> memref<1x2x112xi32, #tpu.memory_space<hbm>>
        %dma_start3A_427 = tpu.memref_squeeze %dma_start3A_426 : memref<1x2x112xi32, #tpu.memory_space<hbm>> -> memref<2x112xi32, #tpu.memory_space<hbm>>
        tpu.enqueue_dma source(%dma_start3A_427 : memref<2x112xi32, #tpu.memory_space<hbm>>) target(%arg12 : memref<2x112xi32, #tpu.memory_space<vmem>>) target_semaphore(%arg25 : memref<!tpu.dma_semaphore, #tpu.memory_space<semaphore_mem>>)
      } else {
      }
      %add3A_206 = arith.constant 2 : i32
      %add3A_207 = arith.addi %add3A_178, %add3A_206 : i32
      %lt3A_208 = arith.cmpi slt, %add3A_207, %select_n3A : i32
      %convert_element_type3A_209 = arith.extui %lt3A_208 : i1 to i32
      %cond3A_210 = arith.constant 0 : i32
      %cond3A_211 = arith.cmpi ne, %convert_element_type3A_209, %cond3A_210 : i32
      scf.if %cond3A_211 {
        %add3A_417 = arith.constant 2 : i32
        %add3A_418 = arith.addi %add3A_178, %add3A_417 : i32
        %add3A_419 = arith.addi %select_n3A_8, %add3A_418 : i32
        %dma_wait3A_420 = arith.constant 0 : i32
        %dma_wait3A_421 = arith.constant 0 : i32
        %dma_wait3A_422 = tpu.memref_slice %arg2[%add3A_419, %dma_wait3A_420, %dma_wait3A_421] : memref<2880x2x112xi32, #tpu.memory_space<hbm>> -> memref<1x2x112xi32, #tpu.memory_space<hbm>>
        %dma_wait3A_423 = tpu.memref_squeeze %dma_wait3A_422 : memref<1x2x112xi32, #tpu.memory_space<hbm>> -> memref<2x112xi32, #tpu.memory_space<hbm>>
        %dma_wait3A_424 = arith.constant 0 : i32
        %dma_wait3A_425 = arith.constant 0 : i32
        %dma_wait3A_426 = tpu.memref_slice %arg2[%add3A_419, %dma_wait3A_424, %dma_wait3A_425] : memref<2880x2x112xi32, #tpu.memory_space<hbm>> -> memref<1x2x112xi32, #tpu.memory_space<hbm>>
        %dma_wait3A_427 = tpu.memref_squeeze %dma_wait3A_426 : memref<1x2x112xi32, #tpu.memory_space<hbm>> -> memref<2x112xi32, #tpu.memory_space<hbm>>
        tpu.wait_dma2 semaphore(%arg23 : memref<!tpu.dma_semaphore, #tpu.memory_space<semaphore_mem>>) src(%dma_wait3A_427 : memref<2x112xi32, #tpu.memory_space<hbm>>) dst(%arg10 : memref<2x112xi32, #tpu.memory_space<vmem>>)
        %dma_start3A_428 = arith.constant 0 : i32
        %dma_start3A_429 = arith.constant 0 : i32
        %dma_start3A_430 = tpu.memref_slice %arg10[%dma_start3A_428, %dma_start3A_429] : memref<2x112xi32, #tpu.memory_space<vmem>> -> memref<1x112xi32, #tpu.memory_space<vmem>>
        %dma_start3A_431 = tpu.memref_squeeze %dma_start3A_430 : memref<1x112xi32, #tpu.memory_space<vmem>> -> memref<112xi32, #tpu.memory_space<vmem>>
        %dma_start3A_432 = arith.constant 0 : i32
        %dma_start3A_433 = arith.constant 0 : i32
        %dma_start3A_434 = tpu.memref_slice %arg3[%dma_start3A_432, %dma_start3A_433] : memref<10112x128xf32, #tpu.memory_space<hbm>> -> memref<10112x128xf32, #tpu.memory_space<hbm>>
        tpu.enqueue_indirect_dma source(%dma_start3A_434 : memref<10112x128xf32, #tpu.memory_space<hbm>>) target(%arg16 : memref<112x128xf32, #tpu.memory_space<vmem>>) offsets(%dma_start3A_431 : memref<112xi32, #tpu.memory_space<vmem>>) semaphore(%arg29 : memref<!tpu.dma_semaphore, #tpu.memory_space<semaphore_mem>>)
      } else {
      }
      %mul3A_212 = arith.constant 6 : i32
      %mul3A_213 = arith.muli %while3A_174, %mul3A_212 : i32
      %add3A_214 = arith.constant 1 : i32
      %add3A_215 = arith.addi %mul3A_213, %add3A_214 : i32
      %dma_wait3A_216 = arith.constant 0 : i32
      %dma_wait3A_217 = arith.constant 0 : i32
      %dma_wait3A_218 = tpu.memref_slice %arg9[%dma_wait3A_216, %dma_wait3A_217] : memref<2x112xi32, #tpu.memory_space<vmem>> -> memref<1x112xi32, #tpu.memory_space<vmem>>
      %dma_wait3A_219 = tpu.memref_squeeze %dma_wait3A_218 : memref<1x112xi32, #tpu.memory_space<vmem>> -> memref<112xi32, #tpu.memory_space<vmem>>
      %dma_wait3A_220 = arith.constant 0 : i32
      %dma_wait3A_221 = arith.constant 0 : i32
      %dma_wait3A_222 = tpu.memref_slice %arg3[%dma_wait3A_220, %dma_wait3A_221] : memref<10112x128xf32, #tpu.memory_space<hbm>> -> memref<10112x128xf32, #tpu.memory_space<hbm>>
      tpu.wait_indirect_dma semaphore(%arg28 : memref<!tpu.dma_semaphore, #tpu.memory_space<semaphore_mem>>) src(%dma_wait3A_222 : memref<10112x128xf32, #tpu.memory_space<hbm>>) dst(%arg15 : memref<112x128xf32, #tpu.memory_space<vmem>>)
      %dma_start3A_223 = arith.constant 1 : i32
      %dma_start3A_224 = arith.constant 0 : i32
      %dma_start3A_225 = tpu.memref_slice %arg9[%dma_start3A_223, %dma_start3A_224] : memref<2x112xi32, #tpu.memory_space<vmem>> -> memref<1x112xi32, #tpu.memory_space<vmem>>
      %dma_start3A_226 = tpu.memref_squeeze %dma_start3A_225 : memref<1x112xi32, #tpu.memory_space<vmem>> -> memref<112xi32, #tpu.memory_space<vmem>>
      %dma_start3A_227 = arith.constant 0 : i32
      %dma_start3A_228 = arith.constant 0 : i32
      %dma_start3A_229 = tpu.memref_slice %arg19[%dma_start3A_227, %dma_start3A_228] : memref<10112x128xf32, #tpu.memory_space<vmem_shared>> -> memref<10112x128xf32, #tpu.memory_space<vmem_shared>>
      tpu.enqueue_indirect_dma source(%arg15 : memref<112x128xf32, #tpu.memory_space<vmem>>) target(%dma_start3A_229 : memref<10112x128xf32, #tpu.memory_space<vmem_shared>>) offsets(%dma_start3A_226 : memref<112xi32, #tpu.memory_space<vmem>>) semaphore(%arg31 : memref<!tpu.dma_semaphore, #tpu.memory_space<semaphore_mem>>) {add = true}
      %dma_start3A_230 = arith.constant 1 : i32
      %dma_start3A_231 = arith.constant 0 : i32
      %dma_start3A_232 = tpu.memref_slice %arg9[%dma_start3A_230, %dma_start3A_231] : memref<2x112xi32, #tpu.memory_space<vmem>> -> memref<1x112xi32, #tpu.memory_space<vmem>>
      %dma_start3A_233 = tpu.memref_squeeze %dma_start3A_232 : memref<1x112xi32, #tpu.memory_space<vmem>> -> memref<112xi32, #tpu.memory_space<vmem>>
      %dma_start3A_234 = arith.constant 0 : i32
      %dma_start3A_235 = tpu.memref_slice %arg20[%dma_start3A_234] : memref<10240xf32, #tpu.memory_space<vmem_shared>> -> memref<10240xf32, #tpu.memory_space<vmem_shared>>
      tpu.enqueue_indirect_dma source(%arg17 : memref<112xf32, #tpu.memory_space<vmem>>) target(%dma_start3A_235 : memref<10240xf32, #tpu.memory_space<vmem_shared>>) offsets(%dma_start3A_233 : memref<112xi32, #tpu.memory_space<vmem>>) semaphore(%arg34 : memref<!tpu.dma_semaphore, #tpu.memory_space<semaphore_mem>>) {add = true}
      %ge3A_236 = arith.constant 1 : i32
      %ge3A_237 = arith.cmpi sge, %add3A_215, %ge3A_236 : i32
      %convert_element_type3A_238 = arith.extui %ge3A_237 : i1 to i32
      %cond3A_239 = arith.constant 0 : i32
      %cond3A_240 = arith.cmpi ne, %convert_element_type3A_238, %cond3A_239 : i32
      scf.if %cond3A_240 {
        %dma_wait3A_417 = arith.constant 1 : i32
        %dma_wait3A_418 = arith.constant 0 : i32
        %dma_wait3A_419 = tpu.memref_slice %arg8[%dma_wait3A_417, %dma_wait3A_418] : memref<2x112xi32, #tpu.memory_space<vmem>> -> memref<1x112xi32, #tpu.memory_space<vmem>>
        %dma_wait3A_420 = tpu.memref_squeeze %dma_wait3A_419 : memref<1x112xi32, #tpu.memory_space<vmem>> -> memref<112xi32, #tpu.memory_space<vmem>>
        %dma_wait3A_421 = arith.constant 0 : i32
        %dma_wait3A_422 = arith.constant 0 : i32
        %dma_wait3A_423 = tpu.memref_slice %arg19[%dma_wait3A_421, %dma_wait3A_422] : memref<10112x128xf32, #tpu.memory_space<vmem_shared>> -> memref<10112x128xf32, #tpu.memory_space<vmem_shared>>
        tpu.wait_indirect_dma semaphore(%arg30 : memref<!tpu.dma_semaphore, #tpu.memory_space<semaphore_mem>>) src(%arg14 : memref<112x128xf32, #tpu.memory_space<vmem>>) dst(%dma_wait3A_423 : memref<10112x128xf32, #tpu.memory_space<vmem_shared>>)
        %dma_wait3A_424 = arith.constant 1 : i32
        %dma_wait3A_425 = arith.constant 0 : i32
        %dma_wait3A_426 = tpu.memref_slice %arg8[%dma_wait3A_424, %dma_wait3A_425] : memref<2x112xi32, #tpu.memory_space<vmem>> -> memref<1x112xi32, #tpu.memory_space<vmem>>
        %dma_wait3A_427 = tpu.memref_squeeze %dma_wait3A_426 : memref<1x112xi32, #tpu.memory_space<vmem>> -> memref<112xi32, #tpu.memory_space<vmem>>
        %dma_wait3A_428 = arith.constant 0 : i32
        %dma_wait3A_429 = tpu.memref_slice %arg20[%dma_wait3A_428] : memref<10240xf32, #tpu.memory_space<vmem_shared>> -> memref<10240xf32, #tpu.memory_space<vmem_shared>>
        tpu.wait_indirect_dma semaphore(%arg33 : memref<!tpu.dma_semaphore, #tpu.memory_space<semaphore_mem>>) src(%arg17 : memref<112xf32, #tpu.memory_space<vmem>>) dst(%dma_wait3A_429 : memref<10240xf32, #tpu.memory_space<vmem_shared>>)
      } else {
      }
      %add3A_241 = arith.constant 4 : i32
      %add3A_242 = arith.addi %add3A_215, %add3A_241 : i32
      %lt3A_243 = arith.cmpi slt, %add3A_242, %select_n3A : i32
      %convert_element_type3A_244 = arith.extui %lt3A_243 : i1 to i32
      %cond3A_245 = arith.constant 0 : i32
      %cond3A_246 = arith.cmpi ne, %convert_element_type3A_244, %cond3A_245 : i32
      scf.if %cond3A_246 {
        %add3A_417 = arith.constant 4 : i32
        %add3A_418 = arith.addi %add3A_215, %add3A_417 : i32
        %add3A_419 = arith.addi %select_n3A_8, %add3A_418 : i32
        %dma_start3A_420 = arith.constant 0 : i32
        %dma_start3A_421 = arith.constant 0 : i32
        %dma_start3A_422 = tpu.memref_slice %arg2[%add3A_419, %dma_start3A_420, %dma_start3A_421] : memref<2880x2x112xi32, #tpu.memory_space<hbm>> -> memref<1x2x112xi32, #tpu.memory_space<hbm>>
        %dma_start3A_423 = tpu.memref_squeeze %dma_start3A_422 : memref<1x2x112xi32, #tpu.memory_space<hbm>> -> memref<2x112xi32, #tpu.memory_space<hbm>>
        %dma_start3A_424 = arith.constant 0 : i32
        %dma_start3A_425 = arith.constant 0 : i32
        %dma_start3A_426 = tpu.memref_slice %arg2[%add3A_419, %dma_start3A_424, %dma_start3A_425] : memref<2880x2x112xi32, #tpu.memory_space<hbm>> -> memref<1x2x112xi32, #tpu.memory_space<hbm>>
        %dma_start3A_427 = tpu.memref_squeeze %dma_start3A_426 : memref<1x2x112xi32, #tpu.memory_space<hbm>> -> memref<2x112xi32, #tpu.memory_space<hbm>>
        tpu.enqueue_dma source(%dma_start3A_427 : memref<2x112xi32, #tpu.memory_space<hbm>>) target(%arg13 : memref<2x112xi32, #tpu.memory_space<vmem>>) target_semaphore(%arg26 : memref<!tpu.dma_semaphore, #tpu.memory_space<semaphore_mem>>)
      } else {
      }
      %add3A_247 = arith.constant 2 : i32
      %add3A_248 = arith.addi %add3A_215, %add3A_247 : i32
      %lt3A_249 = arith.cmpi slt, %add3A_248, %select_n3A : i32
      %convert_element_type3A_250 = arith.extui %lt3A_249 : i1 to i32
      %cond3A_251 = arith.constant 0 : i32
      %cond3A_252 = arith.cmpi ne, %convert_element_type3A_250, %cond3A_251 : i32
      scf.if %cond3A_252 {
        %add3A_417 = arith.constant 2 : i32
        %add3A_418 = arith.addi %add3A_215, %add3A_417 : i32
        %add3A_419 = arith.addi %select_n3A_8, %add3A_418 : i32
        %dma_wait3A_420 = arith.constant 0 : i32
        %dma_wait3A_421 = arith.constant 0 : i32
        %dma_wait3A_422 = tpu.memref_slice %arg2[%add3A_419, %dma_wait3A_420, %dma_wait3A_421] : memref<2880x2x112xi32, #tpu.memory_space<hbm>> -> memref<1x2x112xi32, #tpu.memory_space<hbm>>
        %dma_wait3A_423 = tpu.memref_squeeze %dma_wait3A_422 : memref<1x2x112xi32, #tpu.memory_space<hbm>> -> memref<2x112xi32, #tpu.memory_space<hbm>>
        %dma_wait3A_424 = arith.constant 0 : i32
        %dma_wait3A_425 = arith.constant 0 : i32
        %dma_wait3A_426 = tpu.memref_slice %arg2[%add3A_419, %dma_wait3A_424, %dma_wait3A_425] : memref<2880x2x112xi32, #tpu.memory_space<hbm>> -> memref<1x2x112xi32, #tpu.memory_space<hbm>>
        %dma_wait3A_427 = tpu.memref_squeeze %dma_wait3A_426 : memref<1x2x112xi32, #tpu.memory_space<hbm>> -> memref<2x112xi32, #tpu.memory_space<hbm>>
        tpu.wait_dma2 semaphore(%arg24 : memref<!tpu.dma_semaphore, #tpu.memory_space<semaphore_mem>>) src(%dma_wait3A_427 : memref<2x112xi32, #tpu.memory_space<hbm>>) dst(%arg11 : memref<2x112xi32, #tpu.memory_space<vmem>>)
        %dma_start3A_428 = arith.constant 0 : i32
        %dma_start3A_429 = arith.constant 0 : i32
        %dma_start3A_430 = tpu.memref_slice %arg11[%dma_start3A_428, %dma_start3A_429] : memref<2x112xi32, #tpu.memory_space<vmem>> -> memref<1x112xi32, #tpu.memory_space<vmem>>
        %dma_start3A_431 = tpu.memref_squeeze %dma_start3A_430 : memref<1x112xi32, #tpu.memory_space<vmem>> -> memref<112xi32, #tpu.memory_space<vmem>>
        %dma_start3A_432 = arith.constant 0 : i32
        %dma_start3A_433 = arith.constant 0 : i32
        %dma_start3A_434 = tpu.memref_slice %arg3[%dma_start3A_432, %dma_start3A_433] : memref<10112x128xf32, #tpu.memory_space<hbm>> -> memref<10112x128xf32, #tpu.memory_space<hbm>>
        tpu.enqueue_indirect_dma source(%dma_start3A_434 : memref<10112x128xf32, #tpu.memory_space<hbm>>) target(%arg14 : memref<112x128xf32, #tpu.memory_space<vmem>>) offsets(%dma_start3A_431 : memref<112xi32, #tpu.memory_space<vmem>>) semaphore(%arg27 : memref<!tpu.dma_semaphore, #tpu.memory_space<semaphore_mem>>)
      } else {
      }
      %mul3A_253 = arith.constant 6 : i32
      %mul3A_254 = arith.muli %while3A_174, %mul3A_253 : i32
      %add3A_255 = arith.constant 2 : i32
      %add3A_256 = arith.addi %mul3A_254, %add3A_255 : i32
      %dma_wait3A_257 = arith.constant 0 : i32
      %dma_wait3A_258 = arith.constant 0 : i32
      %dma_wait3A_259 = tpu.memref_slice %arg10[%dma_wait3A_257, %dma_wait3A_258] : memref<2x112xi32, #tpu.memory_space<vmem>> -> memref<1x112xi32, #tpu.memory_space<vmem>>
      %dma_wait3A_260 = tpu.memref_squeeze %dma_wait3A_259 : memref<1x112xi32, #tpu.memory_space<vmem>> -> memref<112xi32, #tpu.memory_space<vmem>>
      %dma_wait3A_261 = arith.constant 0 : i32
      %dma_wait3A_262 = arith.constant 0 : i32
      %dma_wait3A_263 = tpu.memref_slice %arg3[%dma_wait3A_261, %dma_wait3A_262] : memref<10112x128xf32, #tpu.memory_space<hbm>> -> memref<10112x128xf32, #tpu.memory_space<hbm>>
      tpu.wait_indirect_dma semaphore(%arg29 : memref<!tpu.dma_semaphore, #tpu.memory_space<semaphore_mem>>) src(%dma_wait3A_263 : memref<10112x128xf32, #tpu.memory_space<hbm>>) dst(%arg16 : memref<112x128xf32, #tpu.memory_space<vmem>>)
      %dma_start3A_264 = arith.constant 1 : i32
      %dma_start3A_265 = arith.constant 0 : i32
      %dma_start3A_266 = tpu.memref_slice %arg10[%dma_start3A_264, %dma_start3A_265] : memref<2x112xi32, #tpu.memory_space<vmem>> -> memref<1x112xi32, #tpu.memory_space<vmem>>
      %dma_start3A_267 = tpu.memref_squeeze %dma_start3A_266 : memref<1x112xi32, #tpu.memory_space<vmem>> -> memref<112xi32, #tpu.memory_space<vmem>>
      %dma_start3A_268 = arith.constant 0 : i32
      %dma_start3A_269 = arith.constant 0 : i32
      %dma_start3A_270 = tpu.memref_slice %arg19[%dma_start3A_268, %dma_start3A_269] : memref<10112x128xf32, #tpu.memory_space<vmem_shared>> -> memref<10112x128xf32, #tpu.memory_space<vmem_shared>>
      tpu.enqueue_indirect_dma source(%arg16 : memref<112x128xf32, #tpu.memory_space<vmem>>) target(%dma_start3A_270 : memref<10112x128xf32, #tpu.memory_space<vmem_shared>>) offsets(%dma_start3A_267 : memref<112xi32, #tpu.memory_space<vmem>>) semaphore(%arg32 : memref<!tpu.dma_semaphore, #tpu.memory_space<semaphore_mem>>) {add = true}
      %dma_start3A_271 = arith.constant 1 : i32
      %dma_start3A_272 = arith.constant 0 : i32
      %dma_start3A_273 = tpu.memref_slice %arg10[%dma_start3A_271, %dma_start3A_272] : memref<2x112xi32, #tpu.memory_space<vmem>> -> memref<1x112xi32, #tpu.memory_space<vmem>>
      %dma_start3A_274 = tpu.memref_squeeze %dma_start3A_273 : memref<1x112xi32, #tpu.memory_space<vmem>> -> memref<112xi32, #tpu.memory_space<vmem>>
      %dma_start3A_275 = arith.constant 0 : i32
      %dma_start3A_276 = tpu.memref_slice %arg20[%dma_start3A_275] : memref<10240xf32, #tpu.memory_space<vmem_shared>> -> memref<10240xf32, #tpu.memory_space<vmem_shared>>
      tpu.enqueue_indirect_dma source(%arg17 : memref<112xf32, #tpu.memory_space<vmem>>) target(%dma_start3A_276 : memref<10240xf32, #tpu.memory_space<vmem_shared>>) offsets(%dma_start3A_274 : memref<112xi32, #tpu.memory_space<vmem>>) semaphore(%arg35 : memref<!tpu.dma_semaphore, #tpu.memory_space<semaphore_mem>>) {add = true}
      %ge3A_277 = arith.constant 1 : i32
      %ge3A_278 = arith.cmpi sge, %add3A_256, %ge3A_277 : i32
      %convert_element_type3A_279 = arith.extui %ge3A_278 : i1 to i32
      %cond3A_280 = arith.constant 0 : i32
      %cond3A_281 = arith.cmpi ne, %convert_element_type3A_279, %cond3A_280 : i32
      scf.if %cond3A_281 {
        %dma_wait3A_417 = arith.constant 1 : i32
        %dma_wait3A_418 = arith.constant 0 : i32
        %dma_wait3A_419 = tpu.memref_slice %arg9[%dma_wait3A_417, %dma_wait3A_418] : memref<2x112xi32, #tpu.memory_space<vmem>> -> memref<1x112xi32, #tpu.memory_space<vmem>>
        %dma_wait3A_420 = tpu.memref_squeeze %dma_wait3A_419 : memref<1x112xi32, #tpu.memory_space<vmem>> -> memref<112xi32, #tpu.memory_space<vmem>>
        %dma_wait3A_421 = arith.constant 0 : i32
        %dma_wait3A_422 = arith.constant 0 : i32
        %dma_wait3A_423 = tpu.memref_slice %arg19[%dma_wait3A_421, %dma_wait3A_422] : memref<10112x128xf32, #tpu.memory_space<vmem_shared>> -> memref<10112x128xf32, #tpu.memory_space<vmem_shared>>
        tpu.wait_indirect_dma semaphore(%arg31 : memref<!tpu.dma_semaphore, #tpu.memory_space<semaphore_mem>>) src(%arg15 : memref<112x128xf32, #tpu.memory_space<vmem>>) dst(%dma_wait3A_423 : memref<10112x128xf32, #tpu.memory_space<vmem_shared>>)
        %dma_wait3A_424 = arith.constant 1 : i32
        %dma_wait3A_425 = arith.constant 0 : i32
        %dma_wait3A_426 = tpu.memref_slice %arg9[%dma_wait3A_424, %dma_wait3A_425] : memref<2x112xi32, #tpu.memory_space<vmem>> -> memref<1x112xi32, #tpu.memory_space<vmem>>
        %dma_wait3A_427 = tpu.memref_squeeze %dma_wait3A_426 : memref<1x112xi32, #tpu.memory_space<vmem>> -> memref<112xi32, #tpu.memory_space<vmem>>
        %dma_wait3A_428 = arith.constant 0 : i32
        %dma_wait3A_429 = tpu.memref_slice %arg20[%dma_wait3A_428] : memref<10240xf32, #tpu.memory_space<vmem_shared>> -> memref<10240xf32, #tpu.memory_space<vmem_shared>>
        tpu.wait_indirect_dma semaphore(%arg34 : memref<!tpu.dma_semaphore, #tpu.memory_space<semaphore_mem>>) src(%arg17 : memref<112xf32, #tpu.memory_space<vmem>>) dst(%dma_wait3A_429 : memref<10240xf32, #tpu.memory_space<vmem_shared>>)
      } else {
      }
      %add3A_282 = arith.constant 4 : i32
      %add3A_283 = arith.addi %add3A_256, %add3A_282 : i32
      %lt3A_284 = arith.cmpi slt, %add3A_283, %select_n3A : i32
      %convert_element_type3A_285 = arith.extui %lt3A_284 : i1 to i32
      %cond3A_286 = arith.constant 0 : i32
      %cond3A_287 = arith.cmpi ne, %convert_element_type3A_285, %cond3A_286 : i32
      scf.if %cond3A_287 {
        %add3A_417 = arith.constant 4 : i32
        %add3A_418 = arith.addi %add3A_256, %add3A_417 : i32
        %add3A_419 = arith.addi %select_n3A_8, %add3A_418 : i32
        %dma_start3A_420 = arith.constant 0 : i32
        %dma_start3A_421 = arith.constant 0 : i32
        %dma_start3A_422 = tpu.memref_slice %arg2[%add3A_419, %dma_start3A_420, %dma_start3A_421] : memref<2880x2x112xi32, #tpu.memory_space<hbm>> -> memref<1x2x112xi32, #tpu.memory_space<hbm>>
        %dma_start3A_423 = tpu.memref_squeeze %dma_start3A_422 : memref<1x2x112xi32, #tpu.memory_space<hbm>> -> memref<2x112xi32, #tpu.memory_space<hbm>>
        %dma_start3A_424 = arith.constant 0 : i32
        %dma_start3A_425 = arith.constant 0 : i32
        %dma_start3A_426 = tpu.memref_slice %arg2[%add3A_419, %dma_start3A_424, %dma_start3A_425] : memref<2880x2x112xi32, #tpu.memory_space<hbm>> -> memref<1x2x112xi32, #tpu.memory_space<hbm>>
        %dma_start3A_427 = tpu.memref_squeeze %dma_start3A_426 : memref<1x2x112xi32, #tpu.memory_space<hbm>> -> memref<2x112xi32, #tpu.memory_space<hbm>>
        tpu.enqueue_dma source(%dma_start3A_427 : memref<2x112xi32, #tpu.memory_space<hbm>>) target(%arg8 : memref<2x112xi32, #tpu.memory_space<vmem>>) target_semaphore(%arg21 : memref<!tpu.dma_semaphore, #tpu.memory_space<semaphore_mem>>)
      } else {
      }
      %add3A_288 = arith.constant 2 : i32
      %add3A_289 = arith.addi %add3A_256, %add3A_288 : i32
      %lt3A_290 = arith.cmpi slt, %add3A_289, %select_n3A : i32
      %convert_element_type3A_291 = arith.extui %lt3A_290 : i1 to i32
      %cond3A_292 = arith.constant 0 : i32
      %cond3A_293 = arith.cmpi ne, %convert_element_type3A_291, %cond3A_292 : i32
      scf.if %cond3A_293 {
        %add3A_417 = arith.constant 2 : i32
        %add3A_418 = arith.addi %add3A_256, %add3A_417 : i32
        %add3A_419 = arith.addi %select_n3A_8, %add3A_418 : i32
        %dma_wait3A_420 = arith.constant 0 : i32
        %dma_wait3A_421 = arith.constant 0 : i32
        %dma_wait3A_422 = tpu.memref_slice %arg2[%add3A_419, %dma_wait3A_420, %dma_wait3A_421] : memref<2880x2x112xi32, #tpu.memory_space<hbm>> -> memref<1x2x112xi32, #tpu.memory_space<hbm>>
        %dma_wait3A_423 = tpu.memref_squeeze %dma_wait3A_422 : memref<1x2x112xi32, #tpu.memory_space<hbm>> -> memref<2x112xi32, #tpu.memory_space<hbm>>
        %dma_wait3A_424 = arith.constant 0 : i32
        %dma_wait3A_425 = arith.constant 0 : i32
        %dma_wait3A_426 = tpu.memref_slice %arg2[%add3A_419, %dma_wait3A_424, %dma_wait3A_425] : memref<2880x2x112xi32, #tpu.memory_space<hbm>> -> memref<1x2x112xi32, #tpu.memory_space<hbm>>
        %dma_wait3A_427 = tpu.memref_squeeze %dma_wait3A_426 : memref<1x2x112xi32, #tpu.memory_space<hbm>> -> memref<2x112xi32, #tpu.memory_space<hbm>>
        tpu.wait_dma2 semaphore(%arg25 : memref<!tpu.dma_semaphore, #tpu.memory_space<semaphore_mem>>) src(%dma_wait3A_427 : memref<2x112xi32, #tpu.memory_space<hbm>>) dst(%arg12 : memref<2x112xi32, #tpu.memory_space<vmem>>)
        %dma_start3A_428 = arith.constant 0 : i32
        %dma_start3A_429 = arith.constant 0 : i32
        %dma_start3A_430 = tpu.memref_slice %arg12[%dma_start3A_428, %dma_start3A_429] : memref<2x112xi32, #tpu.memory_space<vmem>> -> memref<1x112xi32, #tpu.memory_space<vmem>>
        %dma_start3A_431 = tpu.memref_squeeze %dma_start3A_430 : memref<1x112xi32, #tpu.memory_space<vmem>> -> memref<112xi32, #tpu.memory_space<vmem>>
        %dma_start3A_432 = arith.constant 0 : i32
        %dma_start3A_433 = arith.constant 0 : i32
        %dma_start3A_434 = tpu.memref_slice %arg3[%dma_start3A_432, %dma_start3A_433] : memref<10112x128xf32, #tpu.memory_space<hbm>> -> memref<10112x128xf32, #tpu.memory_space<hbm>>
        tpu.enqueue_indirect_dma source(%dma_start3A_434 : memref<10112x128xf32, #tpu.memory_space<hbm>>) target(%arg15 : memref<112x128xf32, #tpu.memory_space<vmem>>) offsets(%dma_start3A_431 : memref<112xi32, #tpu.memory_space<vmem>>) semaphore(%arg28 : memref<!tpu.dma_semaphore, #tpu.memory_space<semaphore_mem>>)
      } else {
      }
      %mul3A_294 = arith.constant 6 : i32
      %mul3A_295 = arith.muli %while3A_174, %mul3A_294 : i32
      %add3A_296 = arith.constant 3 : i32
      %add3A_297 = arith.addi %mul3A_295, %add3A_296 : i32
      %dma_wait3A_298 = arith.constant 0 : i32
      %dma_wait3A_299 = arith.constant 0 : i32
      %dma_wait3A_300 = tpu.memref_slice %arg11[%dma_wait3A_298, %dma_wait3A_299] : memref<2x112xi32, #tpu.memory_space<vmem>> -> memref<1x112xi32, #tpu.memory_space<vmem>>
      %dma_wait3A_301 = tpu.memref_squeeze %dma_wait3A_300 : memref<1x112xi32, #tpu.memory_space<vmem>> -> memref<112xi32, #tpu.memory_space<vmem>>
      %dma_wait3A_302 = arith.constant 0 : i32
      %dma_wait3A_303 = arith.constant 0 : i32
      %dma_wait3A_304 = tpu.memref_slice %arg3[%dma_wait3A_302, %dma_wait3A_303] : memref<10112x128xf32, #tpu.memory_space<hbm>> -> memref<10112x128xf32, #tpu.memory_space<hbm>>
      tpu.wait_indirect_dma semaphore(%arg27 : memref<!tpu.dma_semaphore, #tpu.memory_space<semaphore_mem>>) src(%dma_wait3A_304 : memref<10112x128xf32, #tpu.memory_space<hbm>>) dst(%arg14 : memref<112x128xf32, #tpu.memory_space<vmem>>)
      %dma_start3A_305 = arith.constant 1 : i32
      %dma_start3A_306 = arith.constant 0 : i32
      %dma_start3A_307 = tpu.memref_slice %arg11[%dma_start3A_305, %dma_start3A_306] : memref<2x112xi32, #tpu.memory_space<vmem>> -> memref<1x112xi32, #tpu.memory_space<vmem>>
      %dma_start3A_308 = tpu.memref_squeeze %dma_start3A_307 : memref<1x112xi32, #tpu.memory_space<vmem>> -> memref<112xi32, #tpu.memory_space<vmem>>
      %dma_start3A_309 = arith.constant 0 : i32
      %dma_start3A_310 = arith.constant 0 : i32
      %dma_start3A_311 = tpu.memref_slice %arg19[%dma_start3A_309, %dma_start3A_310] : memref<10112x128xf32, #tpu.memory_space<vmem_shared>> -> memref<10112x128xf32, #tpu.memory_space<vmem_shared>>
      tpu.enqueue_indirect_dma source(%arg14 : memref<112x128xf32, #tpu.memory_space<vmem>>) target(%dma_start3A_311 : memref<10112x128xf32, #tpu.memory_space<vmem_shared>>) offsets(%dma_start3A_308 : memref<112xi32, #tpu.memory_space<vmem>>) semaphore(%arg30 : memref<!tpu.dma_semaphore, #tpu.memory_space<semaphore_mem>>) {add = true}
      %dma_start3A_312 = arith.constant 1 : i32
      %dma_start3A_313 = arith.constant 0 : i32
      %dma_start3A_314 = tpu.memref_slice %arg11[%dma_start3A_312, %dma_start3A_313] : memref<2x112xi32, #tpu.memory_space<vmem>> -> memref<1x112xi32, #tpu.memory_space<vmem>>
      %dma_start3A_315 = tpu.memref_squeeze %dma_start3A_314 : memref<1x112xi32, #tpu.memory_space<vmem>> -> memref<112xi32, #tpu.memory_space<vmem>>
      %dma_start3A_316 = arith.constant 0 : i32
      %dma_start3A_317 = tpu.memref_slice %arg20[%dma_start3A_316] : memref<10240xf32, #tpu.memory_space<vmem_shared>> -> memref<10240xf32, #tpu.memory_space<vmem_shared>>
      tpu.enqueue_indirect_dma source(%arg17 : memref<112xf32, #tpu.memory_space<vmem>>) target(%dma_start3A_317 : memref<10240xf32, #tpu.memory_space<vmem_shared>>) offsets(%dma_start3A_315 : memref<112xi32, #tpu.memory_space<vmem>>) semaphore(%arg33 : memref<!tpu.dma_semaphore, #tpu.memory_space<semaphore_mem>>) {add = true}
      %ge3A_318 = arith.constant 1 : i32
      %ge3A_319 = arith.cmpi sge, %add3A_297, %ge3A_318 : i32
      %convert_element_type3A_320 = arith.extui %ge3A_319 : i1 to i32
      %cond3A_321 = arith.constant 0 : i32
      %cond3A_322 = arith.cmpi ne, %convert_element_type3A_320, %cond3A_321 : i32
      scf.if %cond3A_322 {
        %dma_wait3A_417 = arith.constant 1 : i32
        %dma_wait3A_418 = arith.constant 0 : i32
        %dma_wait3A_419 = tpu.memref_slice %arg10[%dma_wait3A_417, %dma_wait3A_418] : memref<2x112xi32, #tpu.memory_space<vmem>> -> memref<1x112xi32, #tpu.memory_space<vmem>>
        %dma_wait3A_420 = tpu.memref_squeeze %dma_wait3A_419 : memref<1x112xi32, #tpu.memory_space<vmem>> -> memref<112xi32, #tpu.memory_space<vmem>>
        %dma_wait3A_421 = arith.constant 0 : i32
        %dma_wait3A_422 = arith.constant 0 : i32
        %dma_wait3A_423 = tpu.memref_slice %arg19[%dma_wait3A_421, %dma_wait3A_422] : memref<10112x128xf32, #tpu.memory_space<vmem_shared>> -> memref<10112x128xf32, #tpu.memory_space<vmem_shared>>
        tpu.wait_indirect_dma semaphore(%arg32 : memref<!tpu.dma_semaphore, #tpu.memory_space<semaphore_mem>>) src(%arg16 : memref<112x128xf32, #tpu.memory_space<vmem>>) dst(%dma_wait3A_423 : memref<10112x128xf32, #tpu.memory_space<vmem_shared>>)
        %dma_wait3A_424 = arith.constant 1 : i32
        %dma_wait3A_425 = arith.constant 0 : i32
        %dma_wait3A_426 = tpu.memref_slice %arg10[%dma_wait3A_424, %dma_wait3A_425] : memref<2x112xi32, #tpu.memory_space<vmem>> -> memref<1x112xi32, #tpu.memory_space<vmem>>
        %dma_wait3A_427 = tpu.memref_squeeze %dma_wait3A_426 : memref<1x112xi32, #tpu.memory_space<vmem>> -> memref<112xi32, #tpu.memory_space<vmem>>
        %dma_wait3A_428 = arith.constant 0 : i32
        %dma_wait3A_429 = tpu.memref_slice %arg20[%dma_wait3A_428] : memref<10240xf32, #tpu.memory_space<vmem_shared>> -> memref<10240xf32, #tpu.memory_space<vmem_shared>>
        tpu.wait_indirect_dma semaphore(%arg35 : memref<!tpu.dma_semaphore, #tpu.memory_space<semaphore_mem>>) src(%arg17 : memref<112xf32, #tpu.memory_space<vmem>>) dst(%dma_wait3A_429 : memref<10240xf32, #tpu.memory_space<vmem_shared>>)
      } else {
      }
      %add3A_323 = arith.constant 4 : i32
      %add3A_324 = arith.addi %add3A_297, %add3A_323 : i32
      %lt3A_325 = arith.cmpi slt, %add3A_324, %select_n3A : i32
      %convert_element_type3A_326 = arith.extui %lt3A_325 : i1 to i32
      %cond3A_327 = arith.constant 0 : i32
      %cond3A_328 = arith.cmpi ne, %convert_element_type3A_326, %cond3A_327 : i32
      scf.if %cond3A_328 {
        %add3A_417 = arith.constant 4 : i32
        %add3A_418 = arith.addi %add3A_297, %add3A_417 : i32
        %add3A_419 = arith.addi %select_n3A_8, %add3A_418 : i32
        %dma_start3A_420 = arith.constant 0 : i32
        %dma_start3A_421 = arith.constant 0 : i32
        %dma_start3A_422 = tpu.memref_slice %arg2[%add3A_419, %dma_start3A_420, %dma_start3A_421] : memref<2880x2x112xi32, #tpu.memory_space<hbm>> -> memref<1x2x112xi32, #tpu.memory_space<hbm>>
        %dma_start3A_423 = tpu.memref_squeeze %dma_start3A_422 : memref<1x2x112xi32, #tpu.memory_space<hbm>> -> memref<2x112xi32, #tpu.memory_space<hbm>>
        %dma_start3A_424 = arith.constant 0 : i32
        %dma_start3A_425 = arith.constant 0 : i32
        %dma_start3A_426 = tpu.memref_slice %arg2[%add3A_419, %dma_start3A_424, %dma_start3A_425] : memref<2880x2x112xi32, #tpu.memory_space<hbm>> -> memref<1x2x112xi32, #tpu.memory_space<hbm>>
        %dma_start3A_427 = tpu.memref_squeeze %dma_start3A_426 : memref<1x2x112xi32, #tpu.memory_space<hbm>> -> memref<2x112xi32, #tpu.memory_space<hbm>>
        tpu.enqueue_dma source(%dma_start3A_427 : memref<2x112xi32, #tpu.memory_space<hbm>>) target(%arg9 : memref<2x112xi32, #tpu.memory_space<vmem>>) target_semaphore(%arg22 : memref<!tpu.dma_semaphore, #tpu.memory_space<semaphore_mem>>)
      } else {
      }
      %add3A_329 = arith.constant 2 : i32
      %add3A_330 = arith.addi %add3A_297, %add3A_329 : i32
      %lt3A_331 = arith.cmpi slt, %add3A_330, %select_n3A : i32
      %convert_element_type3A_332 = arith.extui %lt3A_331 : i1 to i32
      %cond3A_333 = arith.constant 0 : i32
      %cond3A_334 = arith.cmpi ne, %convert_element_type3A_332, %cond3A_333 : i32
      scf.if %cond3A_334 {
        %add3A_417 = arith.constant 2 : i32
        %add3A_418 = arith.addi %add3A_297, %add3A_417 : i32
        %add3A_419 = arith.addi %select_n3A_8, %add3A_418 : i32
        %dma_wait3A_420 = arith.constant 0 : i32
        %dma_wait3A_421 = arith.constant 0 : i32
        %dma_wait3A_422 = tpu.memref_slice %arg2[%add3A_419, %dma_wait3A_420, %dma_wait3A_421] : memref<2880x2x112xi32, #tpu.memory_space<hbm>> -> memref<1x2x112xi32, #tpu.memory_space<hbm>>
        %dma_wait3A_423 = tpu.memref_squeeze %dma_wait3A_422 : memref<1x2x112xi32, #tpu.memory_space<hbm>> -> memref<2x112xi32, #tpu.memory_space<hbm>>
        %dma_wait3A_424 = arith.constant 0 : i32
        %dma_wait3A_425 = arith.constant 0 : i32
        %dma_wait3A_426 = tpu.memref_slice %arg2[%add3A_419, %dma_wait3A_424, %dma_wait3A_425] : memref<2880x2x112xi32, #tpu.memory_space<hbm>> -> memref<1x2x112xi32, #tpu.memory_space<hbm>>
        %dma_wait3A_427 = tpu.memref_squeeze %dma_wait3A_426 : memref<1x2x112xi32, #tpu.memory_space<hbm>> -> memref<2x112xi32, #tpu.memory_space<hbm>>
        tpu.wait_dma2 semaphore(%arg26 : memref<!tpu.dma_semaphore, #tpu.memory_space<semaphore_mem>>) src(%dma_wait3A_427 : memref<2x112xi32, #tpu.memory_space<hbm>>) dst(%arg13 : memref<2x112xi32, #tpu.memory_space<vmem>>)
        %dma_start3A_428 = arith.constant 0 : i32
        %dma_start3A_429 = arith.constant 0 : i32
        %dma_start3A_430 = tpu.memref_slice %arg13[%dma_start3A_428, %dma_start3A_429] : memref<2x112xi32, #tpu.memory_space<vmem>> -> memref<1x112xi32, #tpu.memory_space<vmem>>
        %dma_start3A_431 = tpu.memref_squeeze %dma_start3A_430 : memref<1x112xi32, #tpu.memory_space<vmem>> -> memref<112xi32, #tpu.memory_space<vmem>>
        %dma_start3A_432 = arith.constant 0 : i32
        %dma_start3A_433 = arith.constant 0 : i32
        %dma_start3A_434 = tpu.memref_slice %arg3[%dma_start3A_432, %dma_start3A_433] : memref<10112x128xf32, #tpu.memory_space<hbm>> -> memref<10112x128xf32, #tpu.memory_space<hbm>>
        tpu.enqueue_indirect_dma source(%dma_start3A_434 : memref<10112x128xf32, #tpu.memory_space<hbm>>) target(%arg16 : memref<112x128xf32, #tpu.memory_space<vmem>>) offsets(%dma_start3A_431 : memref<112xi32, #tpu.memory_space<vmem>>) semaphore(%arg29 : memref<!tpu.dma_semaphore, #tpu.memory_space<semaphore_mem>>)
      } else {
      }
      %mul3A_335 = arith.constant 6 : i32
      %mul3A_336 = arith.muli %while3A_174, %mul3A_335 : i32
      %add3A_337 = arith.constant 4 : i32
      %add3A_338 = arith.addi %mul3A_336, %add3A_337 : i32
      %dma_wait3A_339 = arith.constant 0 : i32
      %dma_wait3A_340 = arith.constant 0 : i32
      %dma_wait3A_341 = tpu.memref_slice %arg12[%dma_wait3A_339, %dma_wait3A_340] : memref<2x112xi32, #tpu.memory_space<vmem>> -> memref<1x112xi32, #tpu.memory_space<vmem>>
      %dma_wait3A_342 = tpu.memref_squeeze %dma_wait3A_341 : memref<1x112xi32, #tpu.memory_space<vmem>> -> memref<112xi32, #tpu.memory_space<vmem>>
      %dma_wait3A_343 = arith.constant 0 : i32
      %dma_wait3A_344 = arith.constant 0 : i32
      %dma_wait3A_345 = tpu.memref_slice %arg3[%dma_wait3A_343, %dma_wait3A_344] : memref<10112x128xf32, #tpu.memory_space<hbm>> -> memref<10112x128xf32, #tpu.memory_space<hbm>>
      tpu.wait_indirect_dma semaphore(%arg28 : memref<!tpu.dma_semaphore, #tpu.memory_space<semaphore_mem>>) src(%dma_wait3A_345 : memref<10112x128xf32, #tpu.memory_space<hbm>>) dst(%arg15 : memref<112x128xf32, #tpu.memory_space<vmem>>)
      %dma_start3A_346 = arith.constant 1 : i32
      %dma_start3A_347 = arith.constant 0 : i32
      %dma_start3A_348 = tpu.memref_slice %arg12[%dma_start3A_346, %dma_start3A_347] : memref<2x112xi32, #tpu.memory_space<vmem>> -> memref<1x112xi32, #tpu.memory_space<vmem>>
      %dma_start3A_349 = tpu.memref_squeeze %dma_start3A_348 : memref<1x112xi32, #tpu.memory_space<vmem>> -> memref<112xi32, #tpu.memory_space<vmem>>
      %dma_start3A_350 = arith.constant 0 : i32
      %dma_start3A_351 = arith.constant 0 : i32
      %dma_start3A_352 = tpu.memref_slice %arg19[%dma_start3A_350, %dma_start3A_351] : memref<10112x128xf32, #tpu.memory_space<vmem_shared>> -> memref<10112x128xf32, #tpu.memory_space<vmem_shared>>
      tpu.enqueue_indirect_dma source(%arg15 : memref<112x128xf32, #tpu.memory_space<vmem>>) target(%dma_start3A_352 : memref<10112x128xf32, #tpu.memory_space<vmem_shared>>) offsets(%dma_start3A_349 : memref<112xi32, #tpu.memory_space<vmem>>) semaphore(%arg31 : memref<!tpu.dma_semaphore, #tpu.memory_space<semaphore_mem>>) {add = true}
      %dma_start3A_353 = arith.constant 1 : i32
      %dma_start3A_354 = arith.constant 0 : i32
      %dma_start3A_355 = tpu.memref_slice %arg12[%dma_start3A_353, %dma_start3A_354] : memref<2x112xi32, #tpu.memory_space<vmem>> -> memref<1x112xi32, #tpu.memory_space<vmem>>
      %dma_start3A_356 = tpu.memref_squeeze %dma_start3A_355 : memref<1x112xi32, #tpu.memory_space<vmem>> -> memref<112xi32, #tpu.memory_space<vmem>>
      %dma_start3A_357 = arith.constant 0 : i32
      %dma_start3A_358 = tpu.memref_slice %arg20[%dma_start3A_357] : memref<10240xf32, #tpu.memory_space<vmem_shared>> -> memref<10240xf32, #tpu.memory_space<vmem_shared>>
      tpu.enqueue_indirect_dma source(%arg17 : memref<112xf32, #tpu.memory_space<vmem>>) target(%dma_start3A_358 : memref<10240xf32, #tpu.memory_space<vmem_shared>>) offsets(%dma_start3A_356 : memref<112xi32, #tpu.memory_space<vmem>>) semaphore(%arg34 : memref<!tpu.dma_semaphore, #tpu.memory_space<semaphore_mem>>) {add = true}
      %ge3A_359 = arith.constant 1 : i32
      %ge3A_360 = arith.cmpi sge, %add3A_338, %ge3A_359 : i32
      %convert_element_type3A_361 = arith.extui %ge3A_360 : i1 to i32
      %cond3A_362 = arith.constant 0 : i32
      %cond3A_363 = arith.cmpi ne, %convert_element_type3A_361, %cond3A_362 : i32
      scf.if %cond3A_363 {
        %dma_wait3A_417 = arith.constant 1 : i32
        %dma_wait3A_418 = arith.constant 0 : i32
        %dma_wait3A_419 = tpu.memref_slice %arg11[%dma_wait3A_417, %dma_wait3A_418] : memref<2x112xi32, #tpu.memory_space<vmem>> -> memref<1x112xi32, #tpu.memory_space<vmem>>
        %dma_wait3A_420 = tpu.memref_squeeze %dma_wait3A_419 : memref<1x112xi32, #tpu.memory_space<vmem>> -> memref<112xi32, #tpu.memory_space<vmem>>
        %dma_wait3A_421 = arith.constant 0 : i32
        %dma_wait3A_422 = arith.constant 0 : i32
        %dma_wait3A_423 = tpu.memref_slice %arg19[%dma_wait3A_421, %dma_wait3A_422] : memref<10112x128xf32, #tpu.memory_space<vmem_shared>> -> memref<10112x128xf32, #tpu.memory_space<vmem_shared>>
        tpu.wait_indirect_dma semaphore(%arg30 : memref<!tpu.dma_semaphore, #tpu.memory_space<semaphore_mem>>) src(%arg14 : memref<112x128xf32, #tpu.memory_space<vmem>>) dst(%dma_wait3A_423 : memref<10112x128xf32, #tpu.memory_space<vmem_shared>>)
        %dma_wait3A_424 = arith.constant 1 : i32
        %dma_wait3A_425 = arith.constant 0 : i32
        %dma_wait3A_426 = tpu.memref_slice %arg11[%dma_wait3A_424, %dma_wait3A_425] : memref<2x112xi32, #tpu.memory_space<vmem>> -> memref<1x112xi32, #tpu.memory_space<vmem>>
        %dma_wait3A_427 = tpu.memref_squeeze %dma_wait3A_426 : memref<1x112xi32, #tpu.memory_space<vmem>> -> memref<112xi32, #tpu.memory_space<vmem>>
        %dma_wait3A_428 = arith.constant 0 : i32
        %dma_wait3A_429 = tpu.memref_slice %arg20[%dma_wait3A_428] : memref<10240xf32, #tpu.memory_space<vmem_shared>> -> memref<10240xf32, #tpu.memory_space<vmem_shared>>
        tpu.wait_indirect_dma semaphore(%arg33 : memref<!tpu.dma_semaphore, #tpu.memory_space<semaphore_mem>>) src(%arg17 : memref<112xf32, #tpu.memory_space<vmem>>) dst(%dma_wait3A_429 : memref<10240xf32, #tpu.memory_space<vmem_shared>>)
      } else {
      }
      %add3A_364 = arith.constant 4 : i32
      %add3A_365 = arith.addi %add3A_338, %add3A_364 : i32
      %lt3A_366 = arith.cmpi slt, %add3A_365, %select_n3A : i32
      %convert_element_type3A_367 = arith.extui %lt3A_366 : i1 to i32
      %cond3A_368 = arith.constant 0 : i32
      %cond3A_369 = arith.cmpi ne, %convert_element_type3A_367, %cond3A_368 : i32
      scf.if %cond3A_369 {
        %add3A_417 = arith.constant 4 : i32
        %add3A_418 = arith.addi %add3A_338, %add3A_417 : i32
        %add3A_419 = arith.addi %select_n3A_8, %add3A_418 : i32
        %dma_start3A_420 = arith.constant 0 : i32
        %dma_start3A_421 = arith.constant 0 : i32
        %dma_start3A_422 = tpu.memref_slice %arg2[%add3A_419, %dma_start3A_420, %dma_start3A_421] : memref<2880x2x112xi32, #tpu.memory_space<hbm>> -> memref<1x2x112xi32, #tpu.memory_space<hbm>>
        %dma_start3A_423 = tpu.memref_squeeze %dma_start3A_422 : memref<1x2x112xi32, #tpu.memory_space<hbm>> -> memref<2x112xi32, #tpu.memory_space<hbm>>
        %dma_start3A_424 = arith.constant 0 : i32
        %dma_start3A_425 = arith.constant 0 : i32
        %dma_start3A_426 = tpu.memref_slice %arg2[%add3A_419, %dma_start3A_424, %dma_start3A_425] : memref<2880x2x112xi32, #tpu.memory_space<hbm>> -> memref<1x2x112xi32, #tpu.memory_space<hbm>>
        %dma_start3A_427 = tpu.memref_squeeze %dma_start3A_426 : memref<1x2x112xi32, #tpu.memory_space<hbm>> -> memref<2x112xi32, #tpu.memory_space<hbm>>
        tpu.enqueue_dma source(%dma_start3A_427 : memref<2x112xi32, #tpu.memory_space<hbm>>) target(%arg10 : memref<2x112xi32, #tpu.memory_space<vmem>>) target_semaphore(%arg23 : memref<!tpu.dma_semaphore, #tpu.memory_space<semaphore_mem>>)
      } else {
      }
      %add3A_370 = arith.constant 2 : i32
      %add3A_371 = arith.addi %add3A_338, %add3A_370 : i32
      %lt3A_372 = arith.cmpi slt, %add3A_371, %select_n3A : i32
      %convert_element_type3A_373 = arith.extui %lt3A_372 : i1 to i32
      %cond3A_374 = arith.constant 0 : i32
      %cond3A_375 = arith.cmpi ne, %convert_element_type3A_373, %cond3A_374 : i32
      scf.if %cond3A_375 {
        %add3A_417 = arith.constant 2 : i32
        %add3A_418 = arith.addi %add3A_338, %add3A_417 : i32
        %add3A_419 = arith.addi %select_n3A_8, %add3A_418 : i32
        %dma_wait3A_420 = arith.constant 0 : i32
        %dma_wait3A_421 = arith.constant 0 : i32
        %dma_wait3A_422 = tpu.memref_slice %arg2[%add3A_419, %dma_wait3A_420, %dma_wait3A_421] : memref<2880x2x112xi32, #tpu.memory_space<hbm>> -> memref<1x2x112xi32, #tpu.memory_space<hbm>>
        %dma_wait3A_423 = tpu.memref_squeeze %dma_wait3A_422 : memref<1x2x112xi32, #tpu.memory_space<hbm>> -> memref<2x112xi32, #tpu.memory_space<hbm>>
        %dma_wait3A_424 = arith.constant 0 : i32
        %dma_wait3A_425 = arith.constant 0 : i32
        %dma_wait3A_426 = tpu.memref_slice %arg2[%add3A_419, %dma_wait3A_424, %dma_wait3A_425] : memref<2880x2x112xi32, #tpu.memory_space<hbm>> -> memref<1x2x112xi32, #tpu.memory_space<hbm>>
        %dma_wait3A_427 = tpu.memref_squeeze %dma_wait3A_426 : memref<1x2x112xi32, #tpu.memory_space<hbm>> -> memref<2x112xi32, #tpu.memory_space<hbm>>
        tpu.wait_dma2 semaphore(%arg21 : memref<!tpu.dma_semaphore, #tpu.memory_space<semaphore_mem>>) src(%dma_wait3A_427 : memref<2x112xi32, #tpu.memory_space<hbm>>) dst(%arg8 : memref<2x112xi32, #tpu.memory_space<vmem>>)
        %dma_start3A_428 = arith.constant 0 : i32
        %dma_start3A_429 = arith.constant 0 : i32
        %dma_start3A_430 = tpu.memref_slice %arg8[%dma_start3A_428, %dma_start3A_429] : memref<2x112xi32, #tpu.memory_space<vmem>> -> memref<1x112xi32, #tpu.memory_space<vmem>>
        %dma_start3A_431 = tpu.memref_squeeze %dma_start3A_430 : memref<1x112xi32, #tpu.memory_space<vmem>> -> memref<112xi32, #tpu.memory_space<vmem>>
        %dma_start3A_432 = arith.constant 0 : i32
        %dma_start3A_433 = arith.constant 0 : i32
        %dma_start3A_434 = tpu.memref_slice %arg3[%dma_start3A_432, %dma_start3A_433] : memref<10112x128xf32, #tpu.memory_space<hbm>> -> memref<10112x128xf32, #tpu.memory_space<hbm>>
        tpu.enqueue_indirect_dma source(%dma_start3A_434 : memref<10112x128xf32, #tpu.memory_space<hbm>>) target(%arg14 : memref<112x128xf32, #tpu.memory_space<vmem>>) offsets(%dma_start3A_431 : memref<112xi32, #tpu.memory_space<vmem>>) semaphore(%arg27 : memref<!tpu.dma_semaphore, #tpu.memory_space<semaphore_mem>>)
      } else {
      }
      %mul3A_376 = arith.constant 6 : i32
      %mul3A_377 = arith.muli %while3A_174, %mul3A_376 : i32
      %add3A_378 = arith.constant 5 : i32
      %add3A_379 = arith.addi %mul3A_377, %add3A_378 : i32
      %dma_wait3A_380 = arith.constant 0 : i32
      %dma_wait3A_381 = arith.constant 0 : i32
      %dma_wait3A_382 = tpu.memref_slice %arg13[%dma_wait3A_380, %dma_wait3A_381] : memref<2x112xi32, #tpu.memory_space<vmem>> -> memref<1x112xi32, #tpu.memory_space<vmem>>
      %dma_wait3A_383 = tpu.memref_squeeze %dma_wait3A_382 : memref<1x112xi32, #tpu.memory_space<vmem>> -> memref<112xi32, #tpu.memory_space<vmem>>
      %dma_wait3A_384 = arith.constant 0 : i32
      %dma_wait3A_385 = arith.constant 0 : i32
      %dma_wait3A_386 = tpu.memref_slice %arg3[%dma_wait3A_384, %dma_wait3A_385] : memref<10112x128xf32, #tpu.memory_space<hbm>> -> memref<10112x128xf32, #tpu.memory_space<hbm>>
      tpu.wait_indirect_dma semaphore(%arg29 : memref<!tpu.dma_semaphore, #tpu.memory_space<semaphore_mem>>) src(%dma_wait3A_386 : memref<10112x128xf32, #tpu.memory_space<hbm>>) dst(%arg16 : memref<112x128xf32, #tpu.memory_space<vmem>>)
      %dma_start3A_387 = arith.constant 1 : i32
      %dma_start3A_388 = arith.constant 0 : i32
      %dma_start3A_389 = tpu.memref_slice %arg13[%dma_start3A_387, %dma_start3A_388] : memref<2x112xi32, #tpu.memory_space<vmem>> -> memref<1x112xi32, #tpu.memory_space<vmem>>
      %dma_start3A_390 = tpu.memref_squeeze %dma_start3A_389 : memref<1x112xi32, #tpu.memory_space<vmem>> -> memref<112xi32, #tpu.memory_space<vmem>>
      %dma_start3A_391 = arith.constant 0 : i32
      %dma_start3A_392 = arith.constant 0 : i32
      %dma_start3A_393 = tpu.memref_slice %arg19[%dma_start3A_391, %dma_start3A_392] : memref<10112x128xf32, #tpu.memory_space<vmem_shared>> -> memref<10112x128xf32, #tpu.memory_space<vmem_shared>>
      tpu.enqueue_indirect_dma source(%arg16 : memref<112x128xf32, #tpu.memory_space<vmem>>) target(%dma_start3A_393 : memref<10112x128xf32, #tpu.memory_space<vmem_shared>>) offsets(%dma_start3A_390 : memref<112xi32, #tpu.memory_space<vmem>>) semaphore(%arg32 : memref<!tpu.dma_semaphore, #tpu.memory_space<semaphore_mem>>) {add = true}
      %dma_start3A_394 = arith.constant 1 : i32
      %dma_start3A_395 = arith.constant 0 : i32
      %dma_start3A_396 = tpu.memref_slice %arg13[%dma_start3A_394, %dma_start3A_395] : memref<2x112xi32, #tpu.memory_space<vmem>> -> memref<1x112xi32, #tpu.memory_space<vmem>>
      %dma_start3A_397 = tpu.memref_squeeze %dma_start3A_396 : memref<1x112xi32, #tpu.memory_space<vmem>> -> memref<112xi32, #tpu.memory_space<vmem>>
      %dma_start3A_398 = arith.constant 0 : i32
      %dma_start3A_399 = tpu.memref_slice %arg20[%dma_start3A_398] : memref<10240xf32, #tpu.memory_space<vmem_shared>> -> memref<10240xf32, #tpu.memory_space<vmem_shared>>
      tpu.enqueue_indirect_dma source(%arg17 : memref<112xf32, #tpu.memory_space<vmem>>) target(%dma_start3A_399 : memref<10240xf32, #tpu.memory_space<vmem_shared>>) offsets(%dma_start3A_397 : memref<112xi32, #tpu.memory_space<vmem>>) semaphore(%arg35 : memref<!tpu.dma_semaphore, #tpu.memory_space<semaphore_mem>>) {add = true}
      %ge3A_400 = arith.constant 1 : i32
      %ge3A_401 = arith.cmpi sge, %add3A_379, %ge3A_400 : i32
      %convert_element_type3A_402 = arith.extui %ge3A_401 : i1 to i32
      %cond3A_403 = arith.constant 0 : i32
      %cond3A_404 = arith.cmpi ne, %convert_element_type3A_402, %cond3A_403 : i32
      scf.if %cond3A_404 {
        %dma_wait3A_417 = arith.constant 1 : i32
        %dma_wait3A_418 = arith.constant 0 : i32
        %dma_wait3A_419 = tpu.memref_slice %arg12[%dma_wait3A_417, %dma_wait3A_418] : memref<2x112xi32, #tpu.memory_space<vmem>> -> memref<1x112xi32, #tpu.memory_space<vmem>>
        %dma_wait3A_420 = tpu.memref_squeeze %dma_wait3A_419 : memref<1x112xi32, #tpu.memory_space<vmem>> -> memref<112xi32, #tpu.memory_space<vmem>>
        %dma_wait3A_421 = arith.constant 0 : i32
        %dma_wait3A_422 = arith.constant 0 : i32
        %dma_wait3A_423 = tpu.memref_slice %arg19[%dma_wait3A_421, %dma_wait3A_422] : memref<10112x128xf32, #tpu.memory_space<vmem_shared>> -> memref<10112x128xf32, #tpu.memory_space<vmem_shared>>
        tpu.wait_indirect_dma semaphore(%arg31 : memref<!tpu.dma_semaphore, #tpu.memory_space<semaphore_mem>>) src(%arg15 : memref<112x128xf32, #tpu.memory_space<vmem>>) dst(%dma_wait3A_423 : memref<10112x128xf32, #tpu.memory_space<vmem_shared>>)
        %dma_wait3A_424 = arith.constant 1 : i32
        %dma_wait3A_425 = arith.constant 0 : i32
        %dma_wait3A_426 = tpu.memref_slice %arg12[%dma_wait3A_424, %dma_wait3A_425] : memref<2x112xi32, #tpu.memory_space<vmem>> -> memref<1x112xi32, #tpu.memory_space<vmem>>
        %dma_wait3A_427 = tpu.memref_squeeze %dma_wait3A_426 : memref<1x112xi32, #tpu.memory_space<vmem>> -> memref<112xi32, #tpu.memory_space<vmem>>
        %dma_wait3A_428 = arith.constant 0 : i32
        %dma_wait3A_429 = tpu.memref_slice %arg20[%dma_wait3A_428] : memref<10240xf32, #tpu.memory_space<vmem_shared>> -> memref<10240xf32, #tpu.memory_space<vmem_shared>>
        tpu.wait_indirect_dma semaphore(%arg34 : memref<!tpu.dma_semaphore, #tpu.memory_space<semaphore_mem>>) src(%arg17 : memref<112xf32, #tpu.memory_space<vmem>>) dst(%dma_wait3A_429 : memref<10240xf32, #tpu.memory_space<vmem_shared>>)
      } else {
      }
      %add3A_405 = arith.constant 4 : i32
      %add3A_406 = arith.addi %add3A_379, %add3A_405 : i32
      %lt3A_407 = arith.cmpi slt, %add3A_406, %select_n3A : i32
      %convert_element_type3A_408 = arith.extui %lt3A_407 : i1 to i32
      %cond3A_409 = arith.constant 0 : i32
      %cond3A_410 = arith.cmpi ne, %convert_element_type3A_408, %cond3A_409 : i32
      scf.if %cond3A_410 {
        %add3A_417 = arith.constant 4 : i32
        %add3A_418 = arith.addi %add3A_379, %add3A_417 : i32
        %add3A_419 = arith.addi %select_n3A_8, %add3A_418 : i32
        %dma_start3A_420 = arith.constant 0 : i32
        %dma_start3A_421 = arith.constant 0 : i32
        %dma_start3A_422 = tpu.memref_slice %arg2[%add3A_419, %dma_start3A_420, %dma_start3A_421] : memref<2880x2x112xi32, #tpu.memory_space<hbm>> -> memref<1x2x112xi32, #tpu.memory_space<hbm>>
        %dma_start3A_423 = tpu.memref_squeeze %dma_start3A_422 : memref<1x2x112xi32, #tpu.memory_space<hbm>> -> memref<2x112xi32, #tpu.memory_space<hbm>>
        %dma_start3A_424 = arith.constant 0 : i32
        %dma_start3A_425 = arith.constant 0 : i32
        %dma_start3A_426 = tpu.memref_slice %arg2[%add3A_419, %dma_start3A_424, %dma_start3A_425] : memref<2880x2x112xi32, #tpu.memory_space<hbm>> -> memref<1x2x112xi32, #tpu.memory_space<hbm>>
        %dma_start3A_427 = tpu.memref_squeeze %dma_start3A_426 : memref<1x2x112xi32, #tpu.memory_space<hbm>> -> memref<2x112xi32, #tpu.memory_space<hbm>>
        tpu.enqueue_dma source(%dma_start3A_427 : memref<2x112xi32, #tpu.memory_space<hbm>>) target(%arg11 : memref<2x112xi32, #tpu.memory_space<vmem>>) target_semaphore(%arg24 : memref<!tpu.dma_semaphore, #tpu.memory_space<semaphore_mem>>)
      } else {
      }
      %add3A_411 = arith.constant 2 : i32
      %add3A_412 = arith.addi %add3A_379, %add3A_411 : i32
      %lt3A_413 = arith.cmpi slt, %add3A_412, %select_n3A : i32
      %convert_element_type3A_414 = arith.extui %lt3A_413 : i1 to i32
      %cond3A_415 = arith.constant 0 : i32
      %cond3A_416 = arith.cmpi ne, %convert_element_type3A_414, %cond3A_415 : i32
      scf.if %cond3A_416 {
        %add3A_417 = arith.constant 2 : i32
        %add3A_418 = arith.addi %add3A_379, %add3A_417 : i32
        %add3A_419 = arith.addi %select_n3A_8, %add3A_418 : i32
        %dma_wait3A_420 = arith.constant 0 : i32
        %dma_wait3A_421 = arith.constant 0 : i32
        %dma_wait3A_422 = tpu.memref_slice %arg2[%add3A_419, %dma_wait3A_420, %dma_wait3A_421] : memref<2880x2x112xi32, #tpu.memory_space<hbm>> -> memref<1x2x112xi32, #tpu.memory_space<hbm>>
        %dma_wait3A_423 = tpu.memref_squeeze %dma_wait3A_422 : memref<1x2x112xi32, #tpu.memory_space<hbm>> -> memref<2x112xi32, #tpu.memory_space<hbm>>
        %dma_wait3A_424 = arith.constant 0 : i32
        %dma_wait3A_425 = arith.constant 0 : i32
        %dma_wait3A_426 = tpu.memref_slice %arg2[%add3A_419, %dma_wait3A_424, %dma_wait3A_425] : memref<2880x2x112xi32, #tpu.memory_space<hbm>> -> memref<1x2x112xi32, #tpu.memory_space<hbm>>
        %dma_wait3A_427 = tpu.memref_squeeze %dma_wait3A_426 : memref<1x2x112xi32, #tpu.memory_space<hbm>> -> memref<2x112xi32, #tpu.memory_space<hbm>>
        tpu.wait_dma2 semaphore(%arg22 : memref<!tpu.dma_semaphore, #tpu.memory_space<semaphore_mem>>) src(%dma_wait3A_427 : memref<2x112xi32, #tpu.memory_space<hbm>>) dst(%arg9 : memref<2x112xi32, #tpu.memory_space<vmem>>)
        %dma_start3A_428 = arith.constant 0 : i32
        %dma_start3A_429 = arith.constant 0 : i32
        %dma_start3A_430 = tpu.memref_slice %arg9[%dma_start3A_428, %dma_start3A_429] : memref<2x112xi32, #tpu.memory_space<vmem>> -> memref<1x112xi32, #tpu.memory_space<vmem>>
        %dma_start3A_431 = tpu.memref_squeeze %dma_start3A_430 : memref<1x112xi32, #tpu.memory_space<vmem>> -> memref<112xi32, #tpu.memory_space<vmem>>
        %dma_start3A_432 = arith.constant 0 : i32
        %dma_start3A_433 = arith.constant 0 : i32
        %dma_start3A_434 = tpu.memref_slice %arg3[%dma_start3A_432, %dma_start3A_433] : memref<10112x128xf32, #tpu.memory_space<hbm>> -> memref<10112x128xf32, #tpu.memory_space<hbm>>
        tpu.enqueue_indirect_dma source(%dma_start3A_434 : memref<10112x128xf32, #tpu.memory_space<hbm>>) target(%arg15 : memref<112x128xf32, #tpu.memory_space<vmem>>) offsets(%dma_start3A_431 : memref<112xi32, #tpu.memory_space<vmem>>) semaphore(%arg28 : memref<!tpu.dma_semaphore, #tpu.memory_space<semaphore_mem>>)
      } else {
      }
    }
    %dma_wait3A_146 = arith.constant 1 : i32
    %dma_wait3A_147 = arith.constant 0 : i32
    %dma_wait3A_148 = tpu.memref_slice %arg13[%dma_wait3A_146, %dma_wait3A_147] : memref<2x112xi32, #tpu.memory_space<vmem>> -> memref<1x112xi32, #tpu.memory_space<vmem>>
    %dma_wait3A_149 = tpu.memref_squeeze %dma_wait3A_148 : memref<1x112xi32, #tpu.memory_space<vmem>> -> memref<112xi32, #tpu.memory_space<vmem>>
    %dma_wait3A_150 = arith.constant 0 : i32
    %dma_wait3A_151 = arith.constant 0 : i32
    %dma_wait3A_152 = tpu.memref_slice %arg19[%dma_wait3A_150, %dma_wait3A_151] : memref<10112x128xf32, #tpu.memory_space<vmem_shared>> -> memref<10112x128xf32, #tpu.memory_space<vmem_shared>>
    tpu.wait_indirect_dma semaphore(%arg32 : memref<!tpu.dma_semaphore, #tpu.memory_space<semaphore_mem>>) src(%arg16 : memref<112x128xf32, #tpu.memory_space<vmem>>) dst(%dma_wait3A_152 : memref<10112x128xf32, #tpu.memory_space<vmem_shared>>)
    %dma_wait3A_153 = arith.constant 1 : i32
    %dma_wait3A_154 = arith.constant 0 : i32
    %dma_wait3A_155 = tpu.memref_slice %arg13[%dma_wait3A_153, %dma_wait3A_154] : memref<2x112xi32, #tpu.memory_space<vmem>> -> memref<1x112xi32, #tpu.memory_space<vmem>>
    %dma_wait3A_156 = tpu.memref_squeeze %dma_wait3A_155 : memref<1x112xi32, #tpu.memory_space<vmem>> -> memref<112xi32, #tpu.memory_space<vmem>>
    %dma_wait3A_157 = arith.constant 0 : i32
    %dma_wait3A_158 = tpu.memref_slice %arg20[%dma_wait3A_157] : memref<10240xf32, #tpu.memory_space<vmem_shared>> -> memref<10240xf32, #tpu.memory_space<vmem_shared>>
    tpu.wait_indirect_dma semaphore(%arg35 : memref<!tpu.dma_semaphore, #tpu.memory_space<semaphore_mem>>) src(%arg17 : memref<112xf32, #tpu.memory_space<vmem>>) dst(%dma_wait3A_158 : memref<10240xf32, #tpu.memory_space<vmem_shared>>)
    %barrier3A_159 = arith.constant 0 : index
    tpu.barrier barrier_id(%barrier3A_159)
    %mul3A_160 = arith.constant 632 : i32
    %mul3A_161 = arith.muli %arg1, %mul3A_160 : i32
    %mul3A_162 = arith.constant 10112 : i32
    %mul3A_163 = arith.muli %arg0, %mul3A_162 : i32
    %mul3A_164 = arith.constant 632 : i32
    %mul3A_165 = arith.muli %arg1, %mul3A_164 : i32
    %add3A_166 = arith.addi %mul3A_163, %mul3A_165 : i32
    "tpu.region"() ({
      %run_scoped3A = tpu.sem_alloc : memref<!tpu.dma_semaphore, #tpu.memory_space<semaphore_mem>>
      %dma_start3A_174 = arith.constant 0 : i32
      %dma_start3A_175 = tpu.memref_slice %arg6[%add3A_166, %dma_start3A_174] : memref<20224x128xf32, #tpu.memory_space<hbm>> -> memref<632x128xf32, #tpu.memory_space<hbm>>
      %dma_start3A_176 = arith.constant 0 : i32
      %dma_start3A_177 = tpu.memref_slice %arg19[%mul3A_161, %dma_start3A_176] : memref<10112x128xf32, #tpu.memory_space<vmem_shared>> -> memref<632x128xf32, #tpu.memory_space<vmem_shared>>
      tpu.enqueue_dma source(%dma_start3A_177 : memref<632x128xf32, #tpu.memory_space<vmem_shared>>) target(%dma_start3A_175 : memref<632x128xf32, #tpu.memory_space<hbm>>) target_semaphore(%run_scoped3A : memref<!tpu.dma_semaphore, #tpu.memory_space<semaphore_mem>>)
      %dma_wait3A_178 = arith.constant 0 : i32
      %dma_wait3A_179 = tpu.memref_slice %arg6[%add3A_166, %dma_wait3A_178] : memref<20224x128xf32, #tpu.memory_space<hbm>> -> memref<632x128xf32, #tpu.memory_space<hbm>>
      %dma_wait3A_180 = arith.constant 0 : i32
      %dma_wait3A_181 = tpu.memref_slice %arg19[%mul3A_161, %dma_wait3A_180] : memref<10112x128xf32, #tpu.memory_space<vmem_shared>> -> memref<632x128xf32, #tpu.memory_space<vmem_shared>>
      tpu.wait_dma2 semaphore(%run_scoped3A : memref<!tpu.dma_semaphore, #tpu.memory_space<semaphore_mem>>) src(%dma_wait3A_181 : memref<632x128xf32, #tpu.memory_space<vmem_shared>>) dst(%dma_wait3A_179 : memref<632x128xf32, #tpu.memory_space<hbm>>)
      tpu.yield
    }) : () -> ()
    %mul3A_167 = arith.constant 640 : i32
    %mul3A_168 = arith.muli %arg1, %mul3A_167 : i32
    "tpu.region"() ({
      %run_scoped3A = tpu.sem_alloc : memref<!tpu.dma_semaphore, #tpu.memory_space<semaphore_mem>>
      %dma_start3A_174 = tpu.memref_slice %arg20[%mul3A_168] : memref<10240xf32, #tpu.memory_space<vmem_shared>> -> memref<640xf32, #tpu.memory_space<vmem_shared>>
      %dma_start3A_175 = tpu.memref_slice %arg20[%mul3A_168] : memref<10240xf32, #tpu.memory_space<vmem_shared>> -> memref<640xf32, #tpu.memory_space<vmem_shared>>
      tpu.enqueue_dma source(%dma_start3A_175 : memref<640xf32, #tpu.memory_space<vmem_shared>>) target(%arg18 : memref<640xf32, #tpu.memory_space<vmem>>) target_semaphore(%run_scoped3A : memref<!tpu.dma_semaphore, #tpu.memory_space<semaphore_mem>>)
      %dma_wait3A_176 = tpu.memref_slice %arg20[%mul3A_168] : memref<10240xf32, #tpu.memory_space<vmem_shared>> -> memref<640xf32, #tpu.memory_space<vmem_shared>>
      %dma_wait3A_177 = tpu.memref_slice %arg20[%mul3A_168] : memref<10240xf32, #tpu.memory_space<vmem_shared>> -> memref<640xf32, #tpu.memory_space<vmem_shared>>
      tpu.wait_dma2 semaphore(%run_scoped3A : memref<!tpu.dma_semaphore, #tpu.memory_space<semaphore_mem>>) src(%dma_wait3A_177 : memref<640xf32, #tpu.memory_space<vmem_shared>>) dst(%arg18 : memref<640xf32, #tpu.memory_space<vmem>>)
      tpu.yield
    }) : () -> ()
    %mul3A_169 = arith.constant 10240 : i32
    %mul3A_170 = arith.muli %arg0, %mul3A_169 : i32
    %mul3A_171 = arith.constant 640 : i32
    %mul3A_172 = arith.muli %arg1, %mul3A_171 : i32
    %add3A_173 = arith.addi %mul3A_170, %mul3A_172 : i32
    "tpu.region"() ({
      %run_scoped3A = tpu.sem_alloc : memref<!tpu.dma_semaphore, #tpu.memory_space<semaphore_mem>>
      %dma_start3A_174 = tpu.memref_slice %arg7[%add3A_173] : memref<20480xf32, #tpu.memory_space<hbm>> -> memref<640xf32, #tpu.memory_space<hbm>>
      %dma_start3A_175 = tpu.memref_slice %arg7[%add3A_173] : memref<20480xf32, #tpu.memory_space<hbm>> -> memref<640xf32, #tpu.memory_space<hbm>>
      tpu.enqueue_dma source(%arg18 : memref<640xf32, #tpu.memory_space<vmem>>) target(%dma_start3A_175 : memref<640xf32, #tpu.memory_space<hbm>>) target_semaphore(%run_scoped3A : memref<!tpu.dma_semaphore, #tpu.memory_space<semaphore_mem>>)
      %dma_wait3A_176 = tpu.memref_slice %arg7[%add3A_173] : memref<20480xf32, #tpu.memory_space<hbm>> -> memref<640xf32, #tpu.memory_space<hbm>>
      %dma_wait3A_177 = tpu.memref_slice %arg7[%add3A_173] : memref<20480xf32, #tpu.memory_space<hbm>> -> memref<640xf32, #tpu.memory_space<hbm>>
      tpu.wait_dma2 semaphore(%run_scoped3A : memref<!tpu.dma_semaphore, #tpu.memory_space<semaphore_mem>>) src(%arg18 : memref<640xf32, #tpu.memory_space<vmem>>) dst(%dma_wait3A_177 : memref<640xf32, #tpu.memory_space<hbm>>)
      tpu.yield
    }) : () -> ()
    return
  }
}

#map = affine_map<(d0, d1) -> (0, 0, 0)>
#map1 = affine_map<(d0, d1) -> (0, 0)>
#map2 = affine_map<(d0, d1) -> (0)>
module attributes {stable_mosaic.version = 14 : i64} {
  func.func @_sc_body(%arg0: i32, %arg1: i32, %arg2: memref<2880x2x112xi32, #tpu.memory_space<hbm>>, %arg3: memref<10112x128xf32, #tpu.memory_space<hbm>>, %arg4: memref<632x128xf32, #tpu.memory_space<hbm>>, %arg5: memref<10240xf32, #tpu.memory_space<hbm>>, %arg6: memref<20224x128xf32, #tpu.memory_space<hbm>>, %arg7: memref<20480xf32, #tpu.memory_space<hbm>>, %arg8: memref<2x112xi32, #tpu.memory_space<vmem>>, %arg9: memref<2x112xi32, #tpu.memory_space<vmem>>, %arg10: memref<2x112xi32, #tpu.memory_space<vmem>>, %arg11: memref<2x112xi32, #tpu.memory_space<vmem>>, %arg12: memref<2x112xi32, #tpu.memory_space<vmem>>, %arg13: memref<2x112xi32, #tpu.memory_space<vmem>>, %arg14: memref<112x128xf32, #tpu.memory_space<vmem>>, %arg15: memref<112x128xf32, #tpu.memory_space<vmem>>, %arg16: memref<112x128xf32, #tpu.memory_space<vmem>>, %arg17: memref<112xf32, #tpu.memory_space<vmem>>, %arg18: memref<640xf32, #tpu.memory_space<vmem>>, %arg19: memref<10112x128xf32, #tpu.memory_space<vmem_shared>>, %arg20: memref<10240xf32, #tpu.memory_space<vmem_shared>>, %arg21: memref<!tpu.dma_semaphore, #tpu.memory_space<semaphore_mem>>, %arg22: memref<!tpu.dma_semaphore, #tpu.memory_space<semaphore_mem>>, %arg23: memref<!tpu.dma_semaphore, #tpu.memory_space<semaphore_mem>>, %arg24: memref<!tpu.dma_semaphore, #tpu.memory_space<semaphore_mem>>, %arg25: memref<!tpu.dma_semaphore, #tpu.memory_space<semaphore_mem>>, %arg26: memref<!tpu.dma_semaphore, #tpu.memory_space<semaphore_mem>>, %arg27: memref<!tpu.dma_semaphore, #tpu.memory_space<semaphore_mem>>, %arg28: memref<!tpu.dma_semaphore, #tpu.memory_space<semaphore_mem>>, %arg29: memref<!tpu.dma_semaphore, #tpu.memory_space<semaphore_mem>>, %arg30: memref<!tpu.dma_semaphore, #tpu.memory_space<semaphore_mem>>, %arg31: memref<!tpu.dma_semaphore, #tpu.memory_space<semaphore_mem>>, %arg32: memref<!tpu.dma_semaphore, #tpu.memory_space<semaphore_mem>>, %arg33: memref<!tpu.dma_semaphore, #tpu.memory_space<semaphore_mem>>, %arg34: memref<!tpu.dma_semaphore, #tpu.memory_space<semaphore_mem>>, %arg35: memref<!tpu.dma_semaphore, #tpu.memory_space<semaphore_mem>>, %arg36: memref<!tpu.dma_semaphore, #tpu.memory_space<semaphore_mem>>, %arg37: memref<!tpu.dma_semaphore, #tpu.memory_space<semaphore_mem>>, %arg38: memref<!tpu.dma_semaphore, #tpu.memory_space<semaphore_mem>>, %arg39: memref<!tpu.dma_semaphore, #tpu.memory_space<semaphore_mem>>, %arg40: memref<!tpu.dma_semaphore, #tpu.memory_space<semaphore_mem>>, %arg41: memref<!tpu.dma_semaphore, #tpu.memory_space<semaphore_mem>>, %arg42: memref<!tpu.dma_semaphore, #tpu.memory_space<semaphore_mem>>, %arg43: memref<!tpu.dma_semaphore, #tpu.memory_space<semaphore_mem>>, %arg44: memref<!tpu.dma_semaphore, #tpu.memory_space<semaphore_mem>>) attributes {dimension_semantics = [#tpu.dimension_semantics<core_parallel>, #tpu.dimension_semantics<subcore_parallel>], iteration_bounds = array<i64: 2, 16>, scalar_prefetch = 0 : i64, scratch_operands = 37 : i64, tpu.core_type = #tpu.core_type<sc_vector_subcore>, window_params = [{transform_indices = #map}, {transform_indices = #map1}, {transform_indices = #map1}, {transform_indices = #map2}, {transform_indices = #map1}, {transform_indices = #map2}]} {
    %eq3A = arith.constant 0 : i32
    %eq3A_0 = arith.cmpi eq, %arg0, %eq3A : i32
    %jit3A = arith.constant 162 : i32
    %jit3A_1 = arith.constant 18 : i32
    %select_n3A = arith.select %eq3A_0, %jit3A, %jit3A_1 : i32
    %eq3A_2 = arith.constant 0 : i32
    %eq3A_3 = arith.cmpi eq, %arg0, %eq3A_2 : i32
    %mul3A = arith.constant 162 : i32
    %mul3A_4 = arith.muli %arg1, %mul3A : i32
    %mul3A_5 = arith.constant 18 : i32
    %mul3A_6 = arith.muli %arg1, %mul3A_5 : i32
    %add3A = arith.constant 2592 : i32
    %add3A_7 = arith.addi %add3A, %mul3A_6 : i32
    %select_n3A_8 = arith.select %eq3A_3, %mul3A_4, %add3A_7 : i32
    %add3A_9 = arith.constant 0 : i32
    %add3A_10 = arith.addi %select_n3A_8, %add3A_9 : i32
    %dma_start3A = arith.constant 0 : i32
    %dma_start3A_11 = arith.constant 0 : i32
    %dma_start3A_12 = tpu.memref_slice %arg2[%add3A_10, %dma_start3A, %dma_start3A_11] : memref<2880x2x112xi32, #tpu.memory_space<hbm>> -> memref<1x2x112xi32, #tpu.memory_space<hbm>>
    %dma_start3A_13 = tpu.memref_squeeze %dma_start3A_12 : memref<1x2x112xi32, #tpu.memory_space<hbm>> -> memref<2x112xi32, #tpu.memory_space<hbm>>
    %dma_start3A_14 = arith.constant 0 : i32
    %dma_start3A_15 = arith.constant 0 : i32
    %dma_start3A_16 = tpu.memref_slice %arg2[%add3A_10, %dma_start3A_14, %dma_start3A_15] : memref<2880x2x112xi32, #tpu.memory_space<hbm>> -> memref<1x2x112xi32, #tpu.memory_space<hbm>>
    %dma_start3A_17 = tpu.memref_squeeze %dma_start3A_16 : memref<1x2x112xi32, #tpu.memory_space<hbm>> -> memref<2x112xi32, #tpu.memory_space<hbm>>
    tpu.enqueue_dma source(%dma_start3A_17 : memref<2x112xi32, #tpu.memory_space<hbm>>) target(%arg8 : memref<2x112xi32, #tpu.memory_space<vmem>>) target_semaphore(%arg21 : memref<!tpu.dma_semaphore, #tpu.memory_space<semaphore_mem>>)
    %add3A_18 = arith.constant 1 : i32
    %add3A_19 = arith.addi %select_n3A_8, %add3A_18 : i32
    %dma_start3A_20 = arith.constant 0 : i32
    %dma_start3A_21 = arith.constant 0 : i32
    %dma_start3A_22 = tpu.memref_slice %arg2[%add3A_19, %dma_start3A_20, %dma_start3A_21] : memref<2880x2x112xi32, #tpu.memory_space<hbm>> -> memref<1x2x112xi32, #tpu.memory_space<hbm>>
    %dma_start3A_23 = tpu.memref_squeeze %dma_start3A_22 : memref<1x2x112xi32, #tpu.memory_space<hbm>> -> memref<2x112xi32, #tpu.memory_space<hbm>>
    %dma_start3A_24 = arith.constant 0 : i32
    %dma_start3A_25 = arith.constant 0 : i32
    %dma_start3A_26 = tpu.memref_slice %arg2[%add3A_19, %dma_start3A_24, %dma_start3A_25] : memref<2880x2x112xi32, #tpu.memory_space<hbm>> -> memref<1x2x112xi32, #tpu.memory_space<hbm>>
    %dma_start3A_27 = tpu.memref_squeeze %dma_start3A_26 : memref<1x2x112xi32, #tpu.memory_space<hbm>> -> memref<2x112xi32, #tpu.memory_space<hbm>>
    tpu.enqueue_dma source(%dma_start3A_27 : memref<2x112xi32, #tpu.memory_space<hbm>>) target(%arg9 : memref<2x112xi32, #tpu.memory_space<vmem>>) target_semaphore(%arg22 : memref<!tpu.dma_semaphore, #tpu.memory_space<semaphore_mem>>)
    %add3A_28 = arith.constant 2 : i32
    %add3A_29 = arith.addi %select_n3A_8, %add3A_28 : i32
    %dma_start3A_30 = arith.constant 0 : i32
    %dma_start3A_31 = arith.constant 0 : i32
    %dma_start3A_32 = tpu.memref_slice %arg2[%add3A_29, %dma_start3A_30, %dma_start3A_31] : memref<2880x2x112xi32, #tpu.memory_space<hbm>> -> memref<1x2x112xi32, #tpu.memory_space<hbm>>
    %dma_start3A_33 = tpu.memref_squeeze %dma_start3A_32 : memref<1x2x112xi32, #tpu.memory_space<hbm>> -> memref<2x112xi32, #tpu.memory_space<hbm>>
    %dma_start3A_34 = arith.constant 0 : i32
    %dma_start3A_35 = arith.constant 0 : i32
    %dma_start3A_36 = tpu.memref_slice %arg2[%add3A_29, %dma_start3A_34, %dma_start3A_35] : memref<2880x2x112xi32, #tpu.memory_space<hbm>> -> memref<1x2x112xi32, #tpu.memory_space<hbm>>
    %dma_start3A_37 = tpu.memref_squeeze %dma_start3A_36 : memref<1x2x112xi32, #tpu.memory_space<hbm>> -> memref<2x112xi32, #tpu.memory_space<hbm>>
    tpu.enqueue_dma source(%dma_start3A_37 : memref<2x112xi32, #tpu.memory_space<hbm>>) target(%arg10 : memref<2x112xi32, #tpu.memory_space<vmem>>) target_semaphore(%arg23 : memref<!tpu.dma_semaphore, #tpu.memory_space<semaphore_mem>>)
    %add3A_38 = arith.constant 3 : i32
    %add3A_39 = arith.addi %select_n3A_8, %add3A_38 : i32
    %dma_start3A_40 = arith.constant 0 : i32
    %dma_start3A_41 = arith.constant 0 : i32
    %dma_start3A_42 = tpu.memref_slice %arg2[%add3A_39, %dma_start3A_40, %dma_start3A_41] : memref<2880x2x112xi32, #tpu.memory_space<hbm>> -> memref<1x2x112xi32, #tpu.memory_space<hbm>>
    %dma_start3A_43 = tpu.memref_squeeze %dma_start3A_42 : memref<1x2x112xi32, #tpu.memory_space<hbm>> -> memref<2x112xi32, #tpu.memory_space<hbm>>
    %dma_start3A_44 = arith.constant 0 : i32
    %dma_start3A_45 = arith.constant 0 : i32
    %dma_start3A_46 = tpu.memref_slice %arg2[%add3A_39, %dma_start3A_44, %dma_start3A_45] : memref<2880x2x112xi32, #tpu.memory_space<hbm>> -> memref<1x2x112xi32, #tpu.memory_space<hbm>>
    %dma_start3A_47 = tpu.memref_squeeze %dma_start3A_46 : memref<1x2x112xi32, #tpu.memory_space<hbm>> -> memref<2x112xi32, #tpu.memory_space<hbm>>
    tpu.enqueue_dma source(%dma_start3A_47 : memref<2x112xi32, #tpu.memory_space<hbm>>) target(%arg11 : memref<2x112xi32, #tpu.memory_space<vmem>>) target_semaphore(%arg24 : memref<!tpu.dma_semaphore, #tpu.memory_space<semaphore_mem>>)
    %mul3A_48 = arith.constant 632 : i32
    %mul3A_49 = arith.muli %arg1, %mul3A_48 : i32
    %dma_start3A_50 = arith.constant 0 : i32
    %dma_start3A_51 = tpu.memref_slice %arg19[%mul3A_49, %dma_start3A_50] : memref<10112x128xf32, #tpu.memory_space<vmem_shared>> -> memref<632x128xf32, #tpu.memory_space<vmem_shared>>
    tpu.enqueue_dma source(%arg4 : memref<632x128xf32, #tpu.memory_space<hbm>>) target(%dma_start3A_51 : memref<632x128xf32, #tpu.memory_space<vmem_shared>>) target_semaphore(%arg29 : memref<!tpu.dma_semaphore, #tpu.memory_space<semaphore_mem>>)
    %mul3A_52 = arith.constant 640 : i32
    %mul3A_53 = arith.muli %arg1, %mul3A_52 : i32
    "tpu.region"() ({
      %run_scoped3A = tpu.sem_alloc : memref<!tpu.dma_semaphore, #tpu.memory_space<semaphore_mem>>
      %dma_start3A_174 = tpu.memref_slice %arg5[%mul3A_53] : memref<10240xf32, #tpu.memory_space<hbm>> -> memref<640xf32, #tpu.memory_space<hbm>>
      %dma_start3A_175 = tpu.memref_slice %arg5[%mul3A_53] : memref<10240xf32, #tpu.memory_space<hbm>> -> memref<640xf32, #tpu.memory_space<hbm>>
      tpu.enqueue_dma source(%dma_start3A_175 : memref<640xf32, #tpu.memory_space<hbm>>) target(%arg18 : memref<640xf32, #tpu.memory_space<vmem>>) target_semaphore(%run_scoped3A : memref<!tpu.dma_semaphore, #tpu.memory_space<semaphore_mem>>)
      %dma_wait3A_176 = tpu.memref_slice %arg5[%mul3A_53] : memref<10240xf32, #tpu.memory_space<hbm>> -> memref<640xf32, #tpu.memory_space<hbm>>
      %dma_wait3A_177 = tpu.memref_slice %arg5[%mul3A_53] : memref<10240xf32, #tpu.memory_space<hbm>> -> memref<640xf32, #tpu.memory_space<hbm>>
      tpu.wait_dma2 semaphore(%run_scoped3A : memref<!tpu.dma_semaphore, #tpu.memory_space<semaphore_mem>>) src(%dma_wait3A_177 : memref<640xf32, #tpu.memory_space<hbm>>) dst(%arg18 : memref<640xf32, #tpu.memory_space<vmem>>)
      tpu.yield
    }) : () -> ()
    %mul3A_54 = arith.constant 640 : i32
    %mul3A_55 = arith.muli %arg1, %mul3A_54 : i32
    "tpu.region"() ({
      %run_scoped3A = tpu.sem_alloc : memref<!tpu.dma_semaphore, #tpu.memory_space<semaphore_mem>>
      %dma_start3A_174 = tpu.memref_slice %arg20[%mul3A_55] : memref<10240xf32, #tpu.memory_space<vmem_shared>> -> memref<640xf32, #tpu.memory_space<vmem_shared>>
      %dma_start3A_175 = tpu.memref_slice %arg20[%mul3A_55] : memref<10240xf32, #tpu.memory_space<vmem_shared>> -> memref<640xf32, #tpu.memory_space<vmem_shared>>
      tpu.enqueue_dma source(%arg18 : memref<640xf32, #tpu.memory_space<vmem>>) target(%dma_start3A_175 : memref<640xf32, #tpu.memory_space<vmem_shared>>) target_semaphore(%run_scoped3A : memref<!tpu.dma_semaphore, #tpu.memory_space<semaphore_mem>>)
      %dma_wait3A_176 = tpu.memref_slice %arg20[%mul3A_55] : memref<10240xf32, #tpu.memory_space<vmem_shared>> -> memref<640xf32, #tpu.memory_space<vmem_shared>>
      %dma_wait3A_177 = tpu.memref_slice %arg20[%mul3A_55] : memref<10240xf32, #tpu.memory_space<vmem_shared>> -> memref<640xf32, #tpu.memory_space<vmem_shared>>
      tpu.wait_dma2 semaphore(%run_scoped3A : memref<!tpu.dma_semaphore, #tpu.memory_space<semaphore_mem>>) src(%arg18 : memref<640xf32, #tpu.memory_space<vmem>>) dst(%dma_wait3A_177 : memref<640xf32, #tpu.memory_space<vmem_shared>>)
      tpu.yield
    }) : () -> ()
    %broadcast_in_dim3A = arith.constant 1.000000e+00 : f32
    %broadcast_in_dim3A_56 = vector.broadcast %broadcast_in_dim3A : f32 to vector<16xf32>
    %swap3A = arith.constant 0 : index
    %swap3A_57 = tpu.vector_load %arg17[%swap3A] {strides = array<i32>} : memref<112xf32, #tpu.memory_space<vmem>>, vector<16xf32>,
    tpu.vector_store %arg17[%swap3A], %broadcast_in_dim3A_56 {strides = array<i32>} : memref<112xf32, #tpu.memory_space<vmem>>, vector<16xf32>,
    %broadcast_in_dim3A_58 = arith.constant 1.000000e+00 : f32
    %broadcast_in_dim3A_59 = vector.broadcast %broadcast_in_dim3A_58 : f32 to vector<16xf32>
    %swap3A_60 = arith.constant 16 : index
    %swap3A_61 = tpu.vector_load %arg17[%swap3A_60] {strides = array<i32>} : memref<112xf32, #tpu.memory_space<vmem>>, vector<16xf32>,
    tpu.vector_store %arg17[%swap3A_60], %broadcast_in_dim3A_59 {strides = array<i32>} : memref<112xf32, #tpu.memory_space<vmem>>, vector<16xf32>,
    %broadcast_in_dim3A_62 = arith.constant 1.000000e+00 : f32
    %broadcast_in_dim3A_63 = vector.broadcast %broadcast_in_dim3A_62 : f32 to vector<16xf32>
    %swap3A_64 = arith.constant 32 : index
    %swap3A_65 = tpu.vector_load %arg17[%swap3A_64] {strides = array<i32>} : memref<112xf32, #tpu.memory_space<vmem>>, vector<16xf32>,
    tpu.vector_store %arg17[%swap3A_64], %broadcast_in_dim3A_63 {strides = array<i32>} : memref<112xf32, #tpu.memory_space<vmem>>, vector<16xf32>,
    %broadcast_in_dim3A_66 = arith.constant 1.000000e+00 : f32
    %broadcast_in_dim3A_67 = vector.broadcast %broadcast_in_dim3A_66 : f32 to vector<16xf32>
    %swap3A_68 = arith.constant 48 : index
    %swap3A_69 = tpu.vector_load %arg17[%swap3A_68] {strides = array<i32>} : memref<112xf32, #tpu.memory_space<vmem>>, vector<16xf32>,
    tpu.vector_store %arg17[%swap3A_68], %broadcast_in_dim3A_67 {strides = array<i32>} : memref<112xf32, #tpu.memory_space<vmem>>, vector<16xf32>,
    %broadcast_in_dim3A_70 = arith.constant 1.000000e+00 : f32
    %broadcast_in_dim3A_71 = vector.broadcast %broadcast_in_dim3A_70 : f32 to vector<16xf32>
    %swap3A_72 = arith.constant 64 : index
    %swap3A_73 = tpu.vector_load %arg17[%swap3A_72] {strides = array<i32>} : memref<112xf32, #tpu.memory_space<vmem>>, vector<16xf32>,
    tpu.vector_store %arg17[%swap3A_72], %broadcast_in_dim3A_71 {strides = array<i32>} : memref<112xf32, #tpu.memory_space<vmem>>, vector<16xf32>,
    %broadcast_in_dim3A_74 = arith.constant 1.000000e+00 : f32
    %broadcast_in_dim3A_75 = vector.broadcast %broadcast_in_dim3A_74 : f32 to vector<16xf32>
    %swap3A_76 = arith.constant 80 : index
    %swap3A_77 = tpu.vector_load %arg17[%swap3A_76] {strides = array<i32>} : memref<112xf32, #tpu.memory_space<vmem>>, vector<16xf32>,
    tpu.vector_store %arg17[%swap3A_76], %broadcast_in_dim3A_75 {strides = array<i32>} : memref<112xf32, #tpu.memory_space<vmem>>, vector<16xf32>,
    %broadcast_in_dim3A_78 = arith.constant 1.000000e+00 : f32
    %broadcast_in_dim3A_79 = vector.broadcast %broadcast_in_dim3A_78 : f32 to vector<16xf32>
    %swap3A_80 = arith.constant 96 : index
    %swap3A_81 = tpu.vector_load %arg17[%swap3A_80] {strides = array<i32>} : memref<112xf32, #tpu.memory_space<vmem>>, vector<16xf32>,
    tpu.vector_store %arg17[%swap3A_80], %broadcast_in_dim3A_79 {strides = array<i32>} : memref<112xf32, #tpu.memory_space<vmem>>, vector<16xf32>,
    %add3A_82 = arith.constant 0 : i32
    %add3A_83 = arith.addi %select_n3A_8, %add3A_82 : i32
    %dma_wait3A = arith.constant 0 : i32
    %dma_wait3A_84 = arith.constant 0 : i32
    %dma_wait3A_85 = tpu.memref_slice %arg2[%add3A_83, %dma_wait3A, %dma_wait3A_84] : memref<2880x2x112xi32, #tpu.memory_space<hbm>> -> memref<1x2x112xi32, #tpu.memory_space<hbm>>
    %dma_wait3A_86 = tpu.memref_squeeze %dma_wait3A_85 : memref<1x2x112xi32, #tpu.memory_space<hbm>> -> memref<2x112xi32, #tpu.memory_space<hbm>>
    %dma_wait3A_87 = arith.constant 0 : i32
    %dma_wait3A_88 = arith.constant 0 : i32
    %dma_wait3A_89 = tpu.memref_slice %arg2[%add3A_83, %dma_wait3A_87, %dma_wait3A_88] : memref<2880x2x112xi32, #tpu.memory_space<hbm>> -> memref<1x2x112xi32, #tpu.memory_space<hbm>>
    %dma_wait3A_90 = tpu.memref_squeeze %dma_wait3A_89 : memref<1x2x112xi32, #tpu.memory_space<hbm>> -> memref<2x112xi32, #tpu.memory_space<hbm>>
    tpu.wait_dma2 semaphore(%arg21 : memref<!tpu.dma_semaphore, #tpu.memory_space<semaphore_mem>>) src(%dma_wait3A_90 : memref<2x112xi32, #tpu.memory_space<hbm>>) dst(%arg8 : memref<2x112xi32, #tpu.memory_space<vmem>>)
    %dma_start3A_91 = arith.constant 0 : i32
    %dma_start3A_92 = arith.constant 0 : i32
    %dma_start3A_93 = tpu.memref_slice %arg8[%dma_start3A_91, %dma_start3A_92] : memref<2x112xi32, #tpu.memory_space<vmem>> -> memref<1x112xi32, #tpu.memory_space<vmem>>
    %dma_start3A_94 = tpu.memref_squeeze %dma_start3A_93 : memref<1x112xi32, #tpu.memory_space<vmem>> -> memref<112xi32, #tpu.memory_space<vmem>>
    %dma_start3A_95 = arith.constant 0 : i32
    %dma_start3A_96 = arith.constant 0 : i32
    %dma_start3A_97 = tpu.memref_slice %arg3[%dma_start3A_95, %dma_start3A_96] : memref<10112x128xf32, #tpu.memory_space<hbm>> -> memref<10112x128xf32, #tpu.memory_space<hbm>>
    tpu.enqueue_indirect_dma source(%dma_start3A_97 : memref<10112x128xf32, #tpu.memory_space<hbm>>) target(%arg14 : memref<112x128xf32, #tpu.memory_space<vmem>>) offsets(%dma_start3A_94 : memref<112xi32, #tpu.memory_space<vmem>>) semaphore(%arg27 : memref<!tpu.dma_semaphore, #tpu.memory_space<semaphore_mem>>)
    %add3A_98 = arith.constant 1 : i32
    %add3A_99 = arith.addi %select_n3A_8, %add3A_98 : i32
    %dma_wait3A_100 = arith.constant 0 : i32
    %dma_wait3A_101 = arith.constant 0 : i32
    %dma_wait3A_102 = tpu.memref_slice %arg2[%add3A_99, %dma_wait3A_100, %dma_wait3A_101] : memref<2880x2x112xi32, #tpu.memory_space<hbm>> -> memref<1x2x112xi32, #tpu.memory_space<hbm>>
    %dma_wait3A_103 = tpu.memref_squeeze %dma_wait3A_102 : memref<1x2x112xi32, #tpu.memory_space<hbm>> -> memref<2x112xi32, #tpu.memory_space<hbm>>
    %dma_wait3A_104 = arith.constant 0 : i32
    %dma_wait3A_105 = arith.constant 0 : i32
    %dma_wait3A_106 = tpu.memref_slice %arg2[%add3A_99, %dma_wait3A_104, %dma_wait3A_105] : memref<2880x2x112xi32, #tpu.memory_space<hbm>> -> memref<1x2x112xi32, #tpu.memory_space<hbm>>
    %dma_wait3A_107 = tpu.memref_squeeze %dma_wait3A_106 : memref<1x2x112xi32, #tpu.memory_space<hbm>> -> memref<2x112xi32, #tpu.memory_space<hbm>>
    tpu.wait_dma2 semaphore(%arg22 : memref<!tpu.dma_semaphore, #tpu.memory_space<semaphore_mem>>) src(%dma_wait3A_107 : memref<2x112xi32, #tpu.memory_space<hbm>>) dst(%arg9 : memref<2x112xi32, #tpu.memory_space<vmem>>)
    %dma_start3A_108 = arith.constant 0 : i32
    %dma_start3A_109 = arith.constant 0 : i32
    %dma_start3A_110 = tpu.memref_slice %arg9[%dma_start3A_108, %dma_start3A_109] : memref<2x112xi32, #tpu.memory_space<vmem>> -> memref<1x112xi32, #tpu.memory_space<vmem>>
    %dma_start3A_111 = tpu.memref_squeeze %dma_start3A_110 : memref<1x112xi32, #tpu.memory_space<vmem>> -> memref<112xi32, #tpu.memory_space<vmem>>
    %dma_start3A_112 = arith.constant 0 : i32
    %dma_start3A_113 = arith.constant 0 : i32
    %dma_start3A_114 = tpu.memref_slice %arg3[%dma_start3A_112, %dma_start3A_113] : memref<10112x128xf32, #tpu.memory_space<hbm>> -> memref<10112x128xf32, #tpu.memory_space<hbm>>
    tpu.enqueue_indirect_dma source(%dma_start3A_114 : memref<10112x128xf32, #tpu.memory_space<hbm>>) target(%arg15 : memref<112x128xf32, #tpu.memory_space<vmem>>) offsets(%dma_start3A_111 : memref<112xi32, #tpu.memory_space<vmem>>) semaphore(%arg28 : memref<!tpu.dma_semaphore, #tpu.memory_space<semaphore_mem>>)
    %mul3A_115 = arith.constant 632 : i32
    %mul3A_116 = arith.muli %arg1, %mul3A_115 : i32
    %dma_wait3A_117 = arith.constant 0 : i32
    %dma_wait3A_118 = tpu.memref_slice %arg19[%mul3A_116, %dma_wait3A_117] : memref<10112x128xf32, #tpu.memory_space<vmem_shared>> -> memref<632x128xf32, #tpu.memory_space<vmem_shared>>
    tpu.wait_dma2 semaphore(%arg29 : memref<!tpu.dma_semaphore, #tpu.memory_space<semaphore_mem>>) src(%arg4 : memref<632x128xf32, #tpu.memory_space<hbm>>) dst(%dma_wait3A_118 : memref<632x128xf32, #tpu.memory_space<vmem_shared>>)
    %barrier3A = arith.constant 0 : index
    tpu.barrier barrier_id(%barrier3A)
    %jit3A_119 = arith.constant 6 : i32
    %div3A = arith.divsi %select_n3A, %jit3A_119 : i32
    %sign3A = arith.constant 0 : i32
    %sign3A_120 = arith.cmpi sgt, %select_n3A, %sign3A : i32
    %sign3A_121 = arith.extui %sign3A_120 : i1 to i32
    %sign3A_122 = arith.constant 0 : i32
    %sign3A_123 = arith.cmpi slt, %select_n3A, %sign3A_122 : i32
    %sign3A_124 = arith.extui %sign3A_123 : i1 to i32
    %sign3A_125 = arith.subi %sign3A_121, %sign3A_124 : i32
    %sign3A_126 = arith.constant 0 : i32
    %sign3A_127 = arith.cmpi sgt, %jit3A_119, %sign3A_126 : i32
    %sign3A_128 = arith.extui %sign3A_127 : i1 to i32
    %sign3A_129 = arith.constant 0 : i32
    %sign3A_130 = arith.cmpi slt, %jit3A_119, %sign3A_129 : i32
    %sign3A_131 = arith.extui %sign3A_130 : i1 to i32
    %sign3A_132 = arith.subi %sign3A_128, %sign3A_131 : i32
    %ne3A = arith.cmpi ne, %sign3A_125, %sign3A_132 : i32
    %rem3A = arith.remsi %select_n3A, %jit3A_119 : i32
    %ne3A_133 = arith.constant 0 : i32
    %ne3A_134 = arith.cmpi ne, %rem3A, %ne3A_133 : i32
    %and3A = arith.andi %ne3A, %ne3A_134 : i1
    %sub3A = arith.constant 1 : i32
    %sub3A_135 = arith.subi %div3A, %sub3A : i32
    %select_n3A_136 = arith.select %and3A, %sub3A_135, %div3A : i32
    %while3A = arith.constant 0 : i32
    %while3A_137 = arith.constant 0 : i32
    %while3A_138 = arith.subi %select_n3A_136, %while3A_137 : i32
    %while3A_139 = arith.addi %while3A_137, %while3A_138 : i32
    %while3A_140 = arith.constant 1 : i32
    %while3A_141 = arith.divsi %while3A_138, %while3A_140 : i32
    %while3A_142 = arith.muli %while3A_141, %while3A_140 : i32
    %while3A_143 = arith.addi %while3A_137, %while3A_142 : i32
    %while3A_144 = arith.constant 1 : i32
    scf.for %while3A_174 = %while3A_137 to %while3A_143 step %while3A_144  : i32 {
      %mul3A_175 = arith.constant 6 : i32
      %mul3A_176 = arith.muli %while3A_174, %mul3A_175 : i32
      %add3A_177 = arith.constant 0 : i32
      %add3A_178 = arith.addi %mul3A_176, %add3A_177 : i32
      %dma_wait3A_179 = arith.constant 0 : i32
      %dma_wait3A_180 = arith.constant 0 : i32
      %dma_wait3A_181 = tpu.memref_slice %arg8[%dma_wait3A_179, %dma_wait3A_180] : memref<2x112xi32, #tpu.memory_space<vmem>> -> memref<1x112xi32, #tpu.memory_space<vmem>>
      %dma_wait3A_182 = tpu.memref_squeeze %dma_wait3A_181 : memref<1x112xi32, #tpu.memory_space<vmem>> -> memref<112xi32, #tpu.memory_space<vmem>>
      %dma_wait3A_183 = arith.constant 0 : i32
      %dma_wait3A_184 = arith.constant 0 : i32
      %dma_wait3A_185 = tpu.memref_slice %arg3[%dma_wait3A_183, %dma_wait3A_184] : memref<10112x128xf32, #tpu.memory_space<hbm>> -> memref<10112x128xf32, #tpu.memory_space<hbm>>
      tpu.wait_indirect_dma semaphore(%arg27 : memref<!tpu.dma_semaphore, #tpu.memory_space<semaphore_mem>>) src(%dma_wait3A_185 : memref<10112x128xf32, #tpu.memory_space<hbm>>) dst(%arg14 : memref<112x128xf32, #tpu.memory_space<vmem>>)
      %dma_start3A_186 = arith.constant 1 : i32
      %dma_start3A_187 = arith.constant 0 : i32
      %dma_start3A_188 = tpu.memref_slice %arg8[%dma_start3A_186, %dma_start3A_187] : memref<2x112xi32, #tpu.memory_space<vmem>> -> memref<1x112xi32, #tpu.memory_space<vmem>>
      %dma_start3A_189 = tpu.memref_squeeze %dma_start3A_188 : memref<1x112xi32, #tpu.memory_space<vmem>> -> memref<112xi32, #tpu.memory_space<vmem>>
      %dma_start3A_190 = arith.constant 0 : i32
      %dma_start3A_191 = arith.constant 0 : i32
      %dma_start3A_192 = tpu.memref_slice %arg19[%dma_start3A_190, %dma_start3A_191] : memref<10112x128xf32, #tpu.memory_space<vmem_shared>> -> memref<10112x128xf32, #tpu.memory_space<vmem_shared>>
      tpu.enqueue_indirect_dma source(%arg14 : memref<112x128xf32, #tpu.memory_space<vmem>>) target(%dma_start3A_192 : memref<10112x128xf32, #tpu.memory_space<vmem_shared>>) offsets(%dma_start3A_189 : memref<112xi32, #tpu.memory_space<vmem>>) semaphore(%arg30 : memref<!tpu.dma_semaphore, #tpu.memory_space<semaphore_mem>>) {add = true}
      %dma_start3A_193 = arith.constant 1 : i32
      %dma_start3A_194 = arith.constant 0 : i32
      %dma_start3A_195 = tpu.memref_slice %arg8[%dma_start3A_193, %dma_start3A_194] : memref<2x112xi32, #tpu.memory_space<vmem>> -> memref<1x112xi32, #tpu.memory_space<vmem>>
      %dma_start3A_196 = tpu.memref_squeeze %dma_start3A_195 : memref<1x112xi32, #tpu.memory_space<vmem>> -> memref<112xi32, #tpu.memory_space<vmem>>
      %dma_start3A_197 = arith.constant 0 : i32
      %dma_start3A_198 = tpu.memref_slice %arg20[%dma_start3A_197] : memref<10240xf32, #tpu.memory_space<vmem_shared>> -> memref<10240xf32, #tpu.memory_space<vmem_shared>>
      tpu.enqueue_indirect_dma source(%arg17 : memref<112xf32, #tpu.memory_space<vmem>>) target(%dma_start3A_198 : memref<10240xf32, #tpu.memory_space<vmem_shared>>) offsets(%dma_start3A_196 : memref<112xi32, #tpu.memory_space<vmem>>) semaphore(%arg33 : memref<!tpu.dma_semaphore, #tpu.memory_space<semaphore_mem>>) {add = true}
      %ge3A = arith.constant 1 : i32
      %ge3A_199 = arith.cmpi sge, %add3A_178, %ge3A : i32
      %convert_element_type3A = arith.extui %ge3A_199 : i1 to i32
      %cond3A = arith.constant 0 : i32
      %cond3A_200 = arith.cmpi ne, %convert_element_type3A, %cond3A : i32
      scf.if %cond3A_200 {
        %dma_wait3A_417 = arith.constant 1 : i32
        %dma_wait3A_418 = arith.constant 0 : i32
        %dma_wait3A_419 = tpu.memref_slice %arg13[%dma_wait3A_417, %dma_wait3A_418] : memref<2x112xi32, #tpu.memory_space<vmem>> -> memref<1x112xi32, #tpu.memory_space<vmem>>
        %dma_wait3A_420 = tpu.memref_squeeze %dma_wait3A_419 : memref<1x112xi32, #tpu.memory_space<vmem>> -> memref<112xi32, #tpu.memory_space<vmem>>
        %dma_wait3A_421 = arith.constant 0 : i32
        %dma_wait3A_422 = arith.constant 0 : i32
        %dma_wait3A_423 = tpu.memref_slice %arg19[%dma_wait3A_421, %dma_wait3A_422] : memref<10112x128xf32, #tpu.memory_space<vmem_shared>> -> memref<10112x128xf32, #tpu.memory_space<vmem_shared>>
        tpu.wait_indirect_dma semaphore(%arg32 : memref<!tpu.dma_semaphore, #tpu.memory_space<semaphore_mem>>) src(%arg16 : memref<112x128xf32, #tpu.memory_space<vmem>>) dst(%dma_wait3A_423 : memref<10112x128xf32, #tpu.memory_space<vmem_shared>>)
        %dma_wait3A_424 = arith.constant 1 : i32
        %dma_wait3A_425 = arith.constant 0 : i32
        %dma_wait3A_426 = tpu.memref_slice %arg13[%dma_wait3A_424, %dma_wait3A_425] : memref<2x112xi32, #tpu.memory_space<vmem>> -> memref<1x112xi32, #tpu.memory_space<vmem>>
        %dma_wait3A_427 = tpu.memref_squeeze %dma_wait3A_426 : memref<1x112xi32, #tpu.memory_space<vmem>> -> memref<112xi32, #tpu.memory_space<vmem>>
        %dma_wait3A_428 = arith.constant 0 : i32
        %dma_wait3A_429 = tpu.memref_slice %arg20[%dma_wait3A_428] : memref<10240xf32, #tpu.memory_space<vmem_shared>> -> memref<10240xf32, #tpu.memory_space<vmem_shared>>
        tpu.wait_indirect_dma semaphore(%arg35 : memref<!tpu.dma_semaphore, #tpu.memory_space<semaphore_mem>>) src(%arg17 : memref<112xf32, #tpu.memory_space<vmem>>) dst(%dma_wait3A_429 : memref<10240xf32, #tpu.memory_space<vmem_shared>>)
      } else {
      }
      %add3A_201 = arith.constant 4 : i32
      %add3A_202 = arith.addi %add3A_178, %add3A_201 : i32
      %lt3A = arith.cmpi slt, %add3A_202, %select_n3A : i32
      %convert_element_type3A_203 = arith.extui %lt3A : i1 to i32
      %cond3A_204 = arith.constant 0 : i32
      %cond3A_205 = arith.cmpi ne, %convert_element_type3A_203, %cond3A_204 : i32
      scf.if %cond3A_205 {
        %add3A_417 = arith.constant 4 : i32
        %add3A_418 = arith.addi %add3A_178, %add3A_417 : i32
        %add3A_419 = arith.addi %select_n3A_8, %add3A_418 : i32
        %dma_start3A_420 = arith.constant 0 : i32
        %dma_start3A_421 = arith.constant 0 : i32
        %dma_start3A_422 = tpu.memref_slice %arg2[%add3A_419, %dma_start3A_420, %dma_start3A_421] : memref<2880x2x112xi32, #tpu.memory_space<hbm>> -> memref<1x2x112xi32, #tpu.memory_space<hbm>>
        %dma_start3A_423 = tpu.memref_squeeze %dma_start3A_422 : memref<1x2x112xi32, #tpu.memory_space<hbm>> -> memref<2x112xi32, #tpu.memory_space<hbm>>
        %dma_start3A_424 = arith.constant 0 : i32
        %dma_start3A_425 = arith.constant 0 : i32
        %dma_start3A_426 = tpu.memref_slice %arg2[%add3A_419, %dma_start3A_424, %dma_start3A_425] : memref<2880x2x112xi32, #tpu.memory_space<hbm>> -> memref<1x2x112xi32, #tpu.memory_space<hbm>>
        %dma_start3A_427 = tpu.memref_squeeze %dma_start3A_426 : memref<1x2x112xi32, #tpu.memory_space<hbm>> -> memref<2x112xi32, #tpu.memory_space<hbm>>
        tpu.enqueue_dma source(%dma_start3A_427 : memref<2x112xi32, #tpu.memory_space<hbm>>) target(%arg12 : memref<2x112xi32, #tpu.memory_space<vmem>>) target_semaphore(%arg25 : memref<!tpu.dma_semaphore, #tpu.memory_space<semaphore_mem>>)
      } else {
      }
      %add3A_206 = arith.constant 2 : i32
      %add3A_207 = arith.addi %add3A_178, %add3A_206 : i32
      %lt3A_208 = arith.cmpi slt, %add3A_207, %select_n3A : i32
      %convert_element_type3A_209 = arith.extui %lt3A_208 : i1 to i32
      %cond3A_210 = arith.constant 0 : i32
      %cond3A_211 = arith.cmpi ne, %convert_element_type3A_209, %cond3A_210 : i32
      scf.if %cond3A_211 {
        %add3A_417 = arith.constant 2 : i32
        %add3A_418 = arith.addi %add3A_178, %add3A_417 : i32
        %add3A_419 = arith.addi %select_n3A_8, %add3A_418 : i32
        %dma_wait3A_420 = arith.constant 0 : i32
        %dma_wait3A_421 = arith.constant 0 : i32
        %dma_wait3A_422 = tpu.memref_slice %arg2[%add3A_419, %dma_wait3A_420, %dma_wait3A_421] : memref<2880x2x112xi32, #tpu.memory_space<hbm>> -> memref<1x2x112xi32, #tpu.memory_space<hbm>>
        %dma_wait3A_423 = tpu.memref_squeeze %dma_wait3A_422 : memref<1x2x112xi32, #tpu.memory_space<hbm>> -> memref<2x112xi32, #tpu.memory_space<hbm>>
        %dma_wait3A_424 = arith.constant 0 : i32
        %dma_wait3A_425 = arith.constant 0 : i32
        %dma_wait3A_426 = tpu.memref_slice %arg2[%add3A_419, %dma_wait3A_424, %dma_wait3A_425] : memref<2880x2x112xi32, #tpu.memory_space<hbm>> -> memref<1x2x112xi32, #tpu.memory_space<hbm>>
        %dma_wait3A_427 = tpu.memref_squeeze %dma_wait3A_426 : memref<1x2x112xi32, #tpu.memory_space<hbm>> -> memref<2x112xi32, #tpu.memory_space<hbm>>
        tpu.wait_dma2 semaphore(%arg23 : memref<!tpu.dma_semaphore, #tpu.memory_space<semaphore_mem>>) src(%dma_wait3A_427 : memref<2x112xi32, #tpu.memory_space<hbm>>) dst(%arg10 : memref<2x112xi32, #tpu.memory_space<vmem>>)
        %dma_start3A_428 = arith.constant 0 : i32
        %dma_start3A_429 = arith.constant 0 : i32
        %dma_start3A_430 = tpu.memref_slice %arg10[%dma_start3A_428, %dma_start3A_429] : memref<2x112xi32, #tpu.memory_space<vmem>> -> memref<1x112xi32, #tpu.memory_space<vmem>>
        %dma_start3A_431 = tpu.memref_squeeze %dma_start3A_430 : memref<1x112xi32, #tpu.memory_space<vmem>> -> memref<112xi32, #tpu.memory_space<vmem>>
        %dma_start3A_432 = arith.constant 0 : i32
        %dma_start3A_433 = arith.constant 0 : i32
        %dma_start3A_434 = tpu.memref_slice %arg3[%dma_start3A_432, %dma_start3A_433] : memref<10112x128xf32, #tpu.memory_space<hbm>> -> memref<10112x128xf32, #tpu.memory_space<hbm>>
        tpu.enqueue_indirect_dma source(%dma_start3A_434 : memref<10112x128xf32, #tpu.memory_space<hbm>>) target(%arg16 : memref<112x128xf32, #tpu.memory_space<vmem>>) offsets(%dma_start3A_431 : memref<112xi32, #tpu.memory_space<vmem>>) semaphore(%arg29 : memref<!tpu.dma_semaphore, #tpu.memory_space<semaphore_mem>>)
      } else {
      }
      %mul3A_212 = arith.constant 6 : i32
      %mul3A_213 = arith.muli %while3A_174, %mul3A_212 : i32
      %add3A_214 = arith.constant 1 : i32
      %add3A_215 = arith.addi %mul3A_213, %add3A_214 : i32
      %dma_wait3A_216 = arith.constant 0 : i32
      %dma_wait3A_217 = arith.constant 0 : i32
      %dma_wait3A_218 = tpu.memref_slice %arg9[%dma_wait3A_216, %dma_wait3A_217] : memref<2x112xi32, #tpu.memory_space<vmem>> -> memref<1x112xi32, #tpu.memory_space<vmem>>
      %dma_wait3A_219 = tpu.memref_squeeze %dma_wait3A_218 : memref<1x112xi32, #tpu.memory_space<vmem>> -> memref<112xi32, #tpu.memory_space<vmem>>
      %dma_wait3A_220 = arith.constant 0 : i32
      %dma_wait3A_221 = arith.constant 0 : i32
      %dma_wait3A_222 = tpu.memref_slice %arg3[%dma_wait3A_220, %dma_wait3A_221] : memref<10112x128xf32, #tpu.memory_space<hbm>> -> memref<10112x128xf32, #tpu.memory_space<hbm>>
      tpu.wait_indirect_dma semaphore(%arg28 : memref<!tpu.dma_semaphore, #tpu.memory_space<semaphore_mem>>) src(%dma_wait3A_222 : memref<10112x128xf32, #tpu.memory_space<hbm>>) dst(%arg15 : memref<112x128xf32, #tpu.memory_space<vmem>>)
      %dma_start3A_223 = arith.constant 1 : i32
      %dma_start3A_224 = arith.constant 0 : i32
      %dma_start3A_225 = tpu.memref_slice %arg9[%dma_start3A_223, %dma_start3A_224] : memref<2x112xi32, #tpu.memory_space<vmem>> -> memref<1x112xi32, #tpu.memory_space<vmem>>
      %dma_start3A_226 = tpu.memref_squeeze %dma_start3A_225 : memref<1x112xi32, #tpu.memory_space<vmem>> -> memref<112xi32, #tpu.memory_space<vmem>>
      %dma_start3A_227 = arith.constant 0 : i32
      %dma_start3A_228 = arith.constant 0 : i32
      %dma_start3A_229 = tpu.memref_slice %arg19[%dma_start3A_227, %dma_start3A_228] : memref<10112x128xf32, #tpu.memory_space<vmem_shared>> -> memref<10112x128xf32, #tpu.memory_space<vmem_shared>>
      tpu.enqueue_indirect_dma source(%arg15 : memref<112x128xf32, #tpu.memory_space<vmem>>) target(%dma_start3A_229 : memref<10112x128xf32, #tpu.memory_space<vmem_shared>>) offsets(%dma_start3A_226 : memref<112xi32, #tpu.memory_space<vmem>>) semaphore(%arg31 : memref<!tpu.dma_semaphore, #tpu.memory_space<semaphore_mem>>) {add = true}
      %dma_start3A_230 = arith.constant 1 : i32
      %dma_start3A_231 = arith.constant 0 : i32
      %dma_start3A_232 = tpu.memref_slice %arg9[%dma_start3A_230, %dma_start3A_231] : memref<2x112xi32, #tpu.memory_space<vmem>> -> memref<1x112xi32, #tpu.memory_space<vmem>>
      %dma_start3A_233 = tpu.memref_squeeze %dma_start3A_232 : memref<1x112xi32, #tpu.memory_space<vmem>> -> memref<112xi32, #tpu.memory_space<vmem>>
      %dma_start3A_234 = arith.constant 0 : i32
      %dma_start3A_235 = tpu.memref_slice %arg20[%dma_start3A_234] : memref<10240xf32, #tpu.memory_space<vmem_shared>> -> memref<10240xf32, #tpu.memory_space<vmem_shared>>
      tpu.enqueue_indirect_dma source(%arg17 : memref<112xf32, #tpu.memory_space<vmem>>) target(%dma_start3A_235 : memref<10240xf32, #tpu.memory_space<vmem_shared>>) offsets(%dma_start3A_233 : memref<112xi32, #tpu.memory_space<vmem>>) semaphore(%arg34 : memref<!tpu.dma_semaphore, #tpu.memory_space<semaphore_mem>>) {add = true}
      %ge3A_236 = arith.constant 1 : i32
      %ge3A_237 = arith.cmpi sge, %add3A_215, %ge3A_236 : i32
      %convert_element_type3A_238 = arith.extui %ge3A_237 : i1 to i32
      %cond3A_239 = arith.constant 0 : i32
      %cond3A_240 = arith.cmpi ne, %convert_element_type3A_238, %cond3A_239 : i32
      scf.if %cond3A_240 {
        %dma_wait3A_417 = arith.constant 1 : i32
        %dma_wait3A_418 = arith.constant 0 : i32
        %dma_wait3A_419 = tpu.memref_slice %arg8[%dma_wait3A_417, %dma_wait3A_418] : memref<2x112xi32, #tpu.memory_space<vmem>> -> memref<1x112xi32, #tpu.memory_space<vmem>>
        %dma_wait3A_420 = tpu.memref_squeeze %dma_wait3A_419 : memref<1x112xi32, #tpu.memory_space<vmem>> -> memref<112xi32, #tpu.memory_space<vmem>>
        %dma_wait3A_421 = arith.constant 0 : i32
        %dma_wait3A_422 = arith.constant 0 : i32
        %dma_wait3A_423 = tpu.memref_slice %arg19[%dma_wait3A_421, %dma_wait3A_422] : memref<10112x128xf32, #tpu.memory_space<vmem_shared>> -> memref<10112x128xf32, #tpu.memory_space<vmem_shared>>
        tpu.wait_indirect_dma semaphore(%arg30 : memref<!tpu.dma_semaphore, #tpu.memory_space<semaphore_mem>>) src(%arg14 : memref<112x128xf32, #tpu.memory_space<vmem>>) dst(%dma_wait3A_423 : memref<10112x128xf32, #tpu.memory_space<vmem_shared>>)
        %dma_wait3A_424 = arith.constant 1 : i32
        %dma_wait3A_425 = arith.constant 0 : i32
        %dma_wait3A_426 = tpu.memref_slice %arg8[%dma_wait3A_424, %dma_wait3A_425] : memref<2x112xi32, #tpu.memory_space<vmem>> -> memref<1x112xi32, #tpu.memory_space<vmem>>
        %dma_wait3A_427 = tpu.memref_squeeze %dma_wait3A_426 : memref<1x112xi32, #tpu.memory_space<vmem>> -> memref<112xi32, #tpu.memory_space<vmem>>
        %dma_wait3A_428 = arith.constant 0 : i32
        %dma_wait3A_429 = tpu.memref_slice %arg20[%dma_wait3A_428] : memref<10240xf32, #tpu.memory_space<vmem_shared>> -> memref<10240xf32, #tpu.memory_space<vmem_shared>>
        tpu.wait_indirect_dma semaphore(%arg33 : memref<!tpu.dma_semaphore, #tpu.memory_space<semaphore_mem>>) src(%arg17 : memref<112xf32, #tpu.memory_space<vmem>>) dst(%dma_wait3A_429 : memref<10240xf32, #tpu.memory_space<vmem_shared>>)
      } else {
      }
      %add3A_241 = arith.constant 4 : i32
      %add3A_242 = arith.addi %add3A_215, %add3A_241 : i32
      %lt3A_243 = arith.cmpi slt, %add3A_242, %select_n3A : i32
      %convert_element_type3A_244 = arith.extui %lt3A_243 : i1 to i32
      %cond3A_245 = arith.constant 0 : i32
      %cond3A_246 = arith.cmpi ne, %convert_element_type3A_244, %cond3A_245 : i32
      scf.if %cond3A_246 {
        %add3A_417 = arith.constant 4 : i32
        %add3A_418 = arith.addi %add3A_215, %add3A_417 : i32
        %add3A_419 = arith.addi %select_n3A_8, %add3A_418 : i32
        %dma_start3A_420 = arith.constant 0 : i32
        %dma_start3A_421 = arith.constant 0 : i32
        %dma_start3A_422 = tpu.memref_slice %arg2[%add3A_419, %dma_start3A_420, %dma_start3A_421] : memref<2880x2x112xi32, #tpu.memory_space<hbm>> -> memref<1x2x112xi32, #tpu.memory_space<hbm>>
        %dma_start3A_423 = tpu.memref_squeeze %dma_start3A_422 : memref<1x2x112xi32, #tpu.memory_space<hbm>> -> memref<2x112xi32, #tpu.memory_space<hbm>>
        %dma_start3A_424 = arith.constant 0 : i32
        %dma_start3A_425 = arith.constant 0 : i32
        %dma_start3A_426 = tpu.memref_slice %arg2[%add3A_419, %dma_start3A_424, %dma_start3A_425] : memref<2880x2x112xi32, #tpu.memory_space<hbm>> -> memref<1x2x112xi32, #tpu.memory_space<hbm>>
        %dma_start3A_427 = tpu.memref_squeeze %dma_start3A_426 : memref<1x2x112xi32, #tpu.memory_space<hbm>> -> memref<2x112xi32, #tpu.memory_space<hbm>>
        tpu.enqueue_dma source(%dma_start3A_427 : memref<2x112xi32, #tpu.memory_space<hbm>>) target(%arg13 : memref<2x112xi32, #tpu.memory_space<vmem>>) target_semaphore(%arg26 : memref<!tpu.dma_semaphore, #tpu.memory_space<semaphore_mem>>)
      } else {
      }
      %add3A_247 = arith.constant 2 : i32
      %add3A_248 = arith.addi %add3A_215, %add3A_247 : i32
      %lt3A_249 = arith.cmpi slt, %add3A_248, %select_n3A : i32
      %convert_element_type3A_250 = arith.extui %lt3A_249 : i1 to i32
      %cond3A_251 = arith.constant 0 : i32
      %cond3A_252 = arith.cmpi ne, %convert_element_type3A_250, %cond3A_251 : i32
      scf.if %cond3A_252 {
        %add3A_417 = arith.constant 2 : i32
        %add3A_418 = arith.addi %add3A_215, %add3A_417 : i32
        %add3A_419 = arith.addi %select_n3A_8, %add3A_418 : i32
        %dma_wait3A_420 = arith.constant 0 : i32
        %dma_wait3A_421 = arith.constant 0 : i32
        %dma_wait3A_422 = tpu.memref_slice %arg2[%add3A_419, %dma_wait3A_420, %dma_wait3A_421] : memref<2880x2x112xi32, #tpu.memory_space<hbm>> -> memref<1x2x112xi32, #tpu.memory_space<hbm>>
        %dma_wait3A_423 = tpu.memref_squeeze %dma_wait3A_422 : memref<1x2x112xi32, #tpu.memory_space<hbm>> -> memref<2x112xi32, #tpu.memory_space<hbm>>
        %dma_wait3A_424 = arith.constant 0 : i32
        %dma_wait3A_425 = arith.constant 0 : i32
        %dma_wait3A_426 = tpu.memref_slice %arg2[%add3A_419, %dma_wait3A_424, %dma_wait3A_425] : memref<2880x2x112xi32, #tpu.memory_space<hbm>> -> memref<1x2x112xi32, #tpu.memory_space<hbm>>
        %dma_wait3A_427 = tpu.memref_squeeze %dma_wait3A_426 : memref<1x2x112xi32, #tpu.memory_space<hbm>> -> memref<2x112xi32, #tpu.memory_space<hbm>>
        tpu.wait_dma2 semaphore(%arg24 : memref<!tpu.dma_semaphore, #tpu.memory_space<semaphore_mem>>) src(%dma_wait3A_427 : memref<2x112xi32, #tpu.memory_space<hbm>>) dst(%arg11 : memref<2x112xi32, #tpu.memory_space<vmem>>)
        %dma_start3A_428 = arith.constant 0 : i32
        %dma_start3A_429 = arith.constant 0 : i32
        %dma_start3A_430 = tpu.memref_slice %arg11[%dma_start3A_428, %dma_start3A_429] : memref<2x112xi32, #tpu.memory_space<vmem>> -> memref<1x112xi32, #tpu.memory_space<vmem>>
        %dma_start3A_431 = tpu.memref_squeeze %dma_start3A_430 : memref<1x112xi32, #tpu.memory_space<vmem>> -> memref<112xi32, #tpu.memory_space<vmem>>
        %dma_start3A_432 = arith.constant 0 : i32
        %dma_start3A_433 = arith.constant 0 : i32
        %dma_start3A_434 = tpu.memref_slice %arg3[%dma_start3A_432, %dma_start3A_433] : memref<10112x128xf32, #tpu.memory_space<hbm>> -> memref<10112x128xf32, #tpu.memory_space<hbm>>
        tpu.enqueue_indirect_dma source(%dma_start3A_434 : memref<10112x128xf32, #tpu.memory_space<hbm>>) target(%arg14 : memref<112x128xf32, #tpu.memory_space<vmem>>) offsets(%dma_start3A_431 : memref<112xi32, #tpu.memory_space<vmem>>) semaphore(%arg27 : memref<!tpu.dma_semaphore, #tpu.memory_space<semaphore_mem>>)
      } else {
      }
      %mul3A_253 = arith.constant 6 : i32
      %mul3A_254 = arith.muli %while3A_174, %mul3A_253 : i32
      %add3A_255 = arith.constant 2 : i32
      %add3A_256 = arith.addi %mul3A_254, %add3A_255 : i32
      %dma_wait3A_257 = arith.constant 0 : i32
      %dma_wait3A_258 = arith.constant 0 : i32
      %dma_wait3A_259 = tpu.memref_slice %arg10[%dma_wait3A_257, %dma_wait3A_258] : memref<2x112xi32, #tpu.memory_space<vmem>> -> memref<1x112xi32, #tpu.memory_space<vmem>>
      %dma_wait3A_260 = tpu.memref_squeeze %dma_wait3A_259 : memref<1x112xi32, #tpu.memory_space<vmem>> -> memref<112xi32, #tpu.memory_space<vmem>>
      %dma_wait3A_261 = arith.constant 0 : i32
      %dma_wait3A_262 = arith.constant 0 : i32
      %dma_wait3A_263 = tpu.memref_slice %arg3[%dma_wait3A_261, %dma_wait3A_262] : memref<10112x128xf32, #tpu.memory_space<hbm>> -> memref<10112x128xf32, #tpu.memory_space<hbm>>
      tpu.wait_indirect_dma semaphore(%arg29 : memref<!tpu.dma_semaphore, #tpu.memory_space<semaphore_mem>>) src(%dma_wait3A_263 : memref<10112x128xf32, #tpu.memory_space<hbm>>) dst(%arg16 : memref<112x128xf32, #tpu.memory_space<vmem>>)
      %dma_start3A_264 = arith.constant 1 : i32
      %dma_start3A_265 = arith.constant 0 : i32
      %dma_start3A_266 = tpu.memref_slice %arg10[%dma_start3A_264, %dma_start3A_265] : memref<2x112xi32, #tpu.memory_space<vmem>> -> memref<1x112xi32, #tpu.memory_space<vmem>>
      %dma_start3A_267 = tpu.memref_squeeze %dma_start3A_266 : memref<1x112xi32, #tpu.memory_space<vmem>> -> memref<112xi32, #tpu.memory_space<vmem>>
      %dma_start3A_268 = arith.constant 0 : i32
      %dma_start3A_269 = arith.constant 0 : i32
      %dma_start3A_270 = tpu.memref_slice %arg19[%dma_start3A_268, %dma_start3A_269] : memref<10112x128xf32, #tpu.memory_space<vmem_shared>> -> memref<10112x128xf32, #tpu.memory_space<vmem_shared>>
      tpu.enqueue_indirect_dma source(%arg16 : memref<112x128xf32, #tpu.memory_space<vmem>>) target(%dma_start3A_270 : memref<10112x128xf32, #tpu.memory_space<vmem_shared>>) offsets(%dma_start3A_267 : memref<112xi32, #tpu.memory_space<vmem>>) semaphore(%arg32 : memref<!tpu.dma_semaphore, #tpu.memory_space<semaphore_mem>>) {add = true}
      %dma_start3A_271 = arith.constant 1 : i32
      %dma_start3A_272 = arith.constant 0 : i32
      %dma_start3A_273 = tpu.memref_slice %arg10[%dma_start3A_271, %dma_start3A_272] : memref<2x112xi32, #tpu.memory_space<vmem>> -> memref<1x112xi32, #tpu.memory_space<vmem>>
      %dma_start3A_274 = tpu.memref_squeeze %dma_start3A_273 : memref<1x112xi32, #tpu.memory_space<vmem>> -> memref<112xi32, #tpu.memory_space<vmem>>
      %dma_start3A_275 = arith.constant 0 : i32
      %dma_start3A_276 = tpu.memref_slice %arg20[%dma_start3A_275] : memref<10240xf32, #tpu.memory_space<vmem_shared>> -> memref<10240xf32, #tpu.memory_space<vmem_shared>>
      tpu.enqueue_indirect_dma source(%arg17 : memref<112xf32, #tpu.memory_space<vmem>>) target(%dma_start3A_276 : memref<10240xf32, #tpu.memory_space<vmem_shared>>) offsets(%dma_start3A_274 : memref<112xi32, #tpu.memory_space<vmem>>) semaphore(%arg35 : memref<!tpu.dma_semaphore, #tpu.memory_space<semaphore_mem>>) {add = true}
      %ge3A_277 = arith.constant 1 : i32
      %ge3A_278 = arith.cmpi sge, %add3A_256, %ge3A_277 : i32
      %convert_element_type3A_279 = arith.extui %ge3A_278 : i1 to i32
      %cond3A_280 = arith.constant 0 : i32
      %cond3A_281 = arith.cmpi ne, %convert_element_type3A_279, %cond3A_280 : i32
      scf.if %cond3A_281 {
        %dma_wait3A_417 = arith.constant 1 : i32
        %dma_wait3A_418 = arith.constant 0 : i32
        %dma_wait3A_419 = tpu.memref_slice %arg9[%dma_wait3A_417, %dma_wait3A_418] : memref<2x112xi32, #tpu.memory_space<vmem>> -> memref<1x112xi32, #tpu.memory_space<vmem>>
        %dma_wait3A_420 = tpu.memref_squeeze %dma_wait3A_419 : memref<1x112xi32, #tpu.memory_space<vmem>> -> memref<112xi32, #tpu.memory_space<vmem>>
        %dma_wait3A_421 = arith.constant 0 : i32
        %dma_wait3A_422 = arith.constant 0 : i32
        %dma_wait3A_423 = tpu.memref_slice %arg19[%dma_wait3A_421, %dma_wait3A_422] : memref<10112x128xf32, #tpu.memory_space<vmem_shared>> -> memref<10112x128xf32, #tpu.memory_space<vmem_shared>>
        tpu.wait_indirect_dma semaphore(%arg31 : memref<!tpu.dma_semaphore, #tpu.memory_space<semaphore_mem>>) src(%arg15 : memref<112x128xf32, #tpu.memory_space<vmem>>) dst(%dma_wait3A_423 : memref<10112x128xf32, #tpu.memory_space<vmem_shared>>)
        %dma_wait3A_424 = arith.constant 1 : i32
        %dma_wait3A_425 = arith.constant 0 : i32
        %dma_wait3A_426 = tpu.memref_slice %arg9[%dma_wait3A_424, %dma_wait3A_425] : memref<2x112xi32, #tpu.memory_space<vmem>> -> memref<1x112xi32, #tpu.memory_space<vmem>>
        %dma_wait3A_427 = tpu.memref_squeeze %dma_wait3A_426 : memref<1x112xi32, #tpu.memory_space<vmem>> -> memref<112xi32, #tpu.memory_space<vmem>>
        %dma_wait3A_428 = arith.constant 0 : i32
        %dma_wait3A_429 = tpu.memref_slice %arg20[%dma_wait3A_428] : memref<10240xf32, #tpu.memory_space<vmem_shared>> -> memref<10240xf32, #tpu.memory_space<vmem_shared>>
        tpu.wait_indirect_dma semaphore(%arg34 : memref<!tpu.dma_semaphore, #tpu.memory_space<semaphore_mem>>) src(%arg17 : memref<112xf32, #tpu.memory_space<vmem>>) dst(%dma_wait3A_429 : memref<10240xf32, #tpu.memory_space<vmem_shared>>)
      } else {
      }
      %add3A_282 = arith.constant 4 : i32
      %add3A_283 = arith.addi %add3A_256, %add3A_282 : i32
      %lt3A_284 = arith.cmpi slt, %add3A_283, %select_n3A : i32
      %convert_element_type3A_285 = arith.extui %lt3A_284 : i1 to i32
      %cond3A_286 = arith.constant 0 : i32
      %cond3A_287 = arith.cmpi ne, %convert_element_type3A_285, %cond3A_286 : i32
      scf.if %cond3A_287 {
        %add3A_417 = arith.constant 4 : i32
        %add3A_418 = arith.addi %add3A_256, %add3A_417 : i32
        %add3A_419 = arith.addi %select_n3A_8, %add3A_418 : i32
        %dma_start3A_420 = arith.constant 0 : i32
        %dma_start3A_421 = arith.constant 0 : i32
        %dma_start3A_422 = tpu.memref_slice %arg2[%add3A_419, %dma_start3A_420, %dma_start3A_421] : memref<2880x2x112xi32, #tpu.memory_space<hbm>> -> memref<1x2x112xi32, #tpu.memory_space<hbm>>
        %dma_start3A_423 = tpu.memref_squeeze %dma_start3A_422 : memref<1x2x112xi32, #tpu.memory_space<hbm>> -> memref<2x112xi32, #tpu.memory_space<hbm>>
        %dma_start3A_424 = arith.constant 0 : i32
        %dma_start3A_425 = arith.constant 0 : i32
        %dma_start3A_426 = tpu.memref_slice %arg2[%add3A_419, %dma_start3A_424, %dma_start3A_425] : memref<2880x2x112xi32, #tpu.memory_space<hbm>> -> memref<1x2x112xi32, #tpu.memory_space<hbm>>
        %dma_start3A_427 = tpu.memref_squeeze %dma_start3A_426 : memref<1x2x112xi32, #tpu.memory_space<hbm>> -> memref<2x112xi32, #tpu.memory_space<hbm>>
        tpu.enqueue_dma source(%dma_start3A_427 : memref<2x112xi32, #tpu.memory_space<hbm>>) target(%arg8 : memref<2x112xi32, #tpu.memory_space<vmem>>) target_semaphore(%arg21 : memref<!tpu.dma_semaphore, #tpu.memory_space<semaphore_mem>>)
      } else {
      }
      %add3A_288 = arith.constant 2 : i32
      %add3A_289 = arith.addi %add3A_256, %add3A_288 : i32
      %lt3A_290 = arith.cmpi slt, %add3A_289, %select_n3A : i32
      %convert_element_type3A_291 = arith.extui %lt3A_290 : i1 to i32
      %cond3A_292 = arith.constant 0 : i32
      %cond3A_293 = arith.cmpi ne, %convert_element_type3A_291, %cond3A_292 : i32
      scf.if %cond3A_293 {
        %add3A_417 = arith.constant 2 : i32
        %add3A_418 = arith.addi %add3A_256, %add3A_417 : i32
        %add3A_419 = arith.addi %select_n3A_8, %add3A_418 : i32
        %dma_wait3A_420 = arith.constant 0 : i32
        %dma_wait3A_421 = arith.constant 0 : i32
        %dma_wait3A_422 = tpu.memref_slice %arg2[%add3A_419, %dma_wait3A_420, %dma_wait3A_421] : memref<2880x2x112xi32, #tpu.memory_space<hbm>> -> memref<1x2x112xi32, #tpu.memory_space<hbm>>
        %dma_wait3A_423 = tpu.memref_squeeze %dma_wait3A_422 : memref<1x2x112xi32, #tpu.memory_space<hbm>> -> memref<2x112xi32, #tpu.memory_space<hbm>>
        %dma_wait3A_424 = arith.constant 0 : i32
        %dma_wait3A_425 = arith.constant 0 : i32
        %dma_wait3A_426 = tpu.memref_slice %arg2[%add3A_419, %dma_wait3A_424, %dma_wait3A_425] : memref<2880x2x112xi32, #tpu.memory_space<hbm>> -> memref<1x2x112xi32, #tpu.memory_space<hbm>>
        %dma_wait3A_427 = tpu.memref_squeeze %dma_wait3A_426 : memref<1x2x112xi32, #tpu.memory_space<hbm>> -> memref<2x112xi32, #tpu.memory_space<hbm>>
        tpu.wait_dma2 semaphore(%arg25 : memref<!tpu.dma_semaphore, #tpu.memory_space<semaphore_mem>>) src(%dma_wait3A_427 : memref<2x112xi32, #tpu.memory_space<hbm>>) dst(%arg12 : memref<2x112xi32, #tpu.memory_space<vmem>>)
        %dma_start3A_428 = arith.constant 0 : i32
        %dma_start3A_429 = arith.constant 0 : i32
        %dma_start3A_430 = tpu.memref_slice %arg12[%dma_start3A_428, %dma_start3A_429] : memref<2x112xi32, #tpu.memory_space<vmem>> -> memref<1x112xi32, #tpu.memory_space<vmem>>
        %dma_start3A_431 = tpu.memref_squeeze %dma_start3A_430 : memref<1x112xi32, #tpu.memory_space<vmem>> -> memref<112xi32, #tpu.memory_space<vmem>>
        %dma_start3A_432 = arith.constant 0 : i32
        %dma_start3A_433 = arith.constant 0 : i32
        %dma_start3A_434 = tpu.memref_slice %arg3[%dma_start3A_432, %dma_start3A_433] : memref<10112x128xf32, #tpu.memory_space<hbm>> -> memref<10112x128xf32, #tpu.memory_space<hbm>>
        tpu.enqueue_indirect_dma source(%dma_start3A_434 : memref<10112x128xf32, #tpu.memory_space<hbm>>) target(%arg15 : memref<112x128xf32, #tpu.memory_space<vmem>>) offsets(%dma_start3A_431 : memref<112xi32, #tpu.memory_space<vmem>>) semaphore(%arg28 : memref<!tpu.dma_semaphore, #tpu.memory_space<semaphore_mem>>)
      } else {
      }
      %mul3A_294 = arith.constant 6 : i32
      %mul3A_295 = arith.muli %while3A_174, %mul3A_294 : i32
      %add3A_296 = arith.constant 3 : i32
      %add3A_297 = arith.addi %mul3A_295, %add3A_296 : i32
      %dma_wait3A_298 = arith.constant 0 : i32
      %dma_wait3A_299 = arith.constant 0 : i32
      %dma_wait3A_300 = tpu.memref_slice %arg11[%dma_wait3A_298, %dma_wait3A_299] : memref<2x112xi32, #tpu.memory_space<vmem>> -> memref<1x112xi32, #tpu.memory_space<vmem>>
      %dma_wait3A_301 = tpu.memref_squeeze %dma_wait3A_300 : memref<1x112xi32, #tpu.memory_space<vmem>> -> memref<112xi32, #tpu.memory_space<vmem>>
      %dma_wait3A_302 = arith.constant 0 : i32
      %dma_wait3A_303 = arith.constant 0 : i32
      %dma_wait3A_304 = tpu.memref_slice %arg3[%dma_wait3A_302, %dma_wait3A_303] : memref<10112x128xf32, #tpu.memory_space<hbm>> -> memref<10112x128xf32, #tpu.memory_space<hbm>>
      tpu.wait_indirect_dma semaphore(%arg27 : memref<!tpu.dma_semaphore, #tpu.memory_space<semaphore_mem>>) src(%dma_wait3A_304 : memref<10112x128xf32, #tpu.memory_space<hbm>>) dst(%arg14 : memref<112x128xf32, #tpu.memory_space<vmem>>)
      %dma_start3A_305 = arith.constant 1 : i32
      %dma_start3A_306 = arith.constant 0 : i32
      %dma_start3A_307 = tpu.memref_slice %arg11[%dma_start3A_305, %dma_start3A_306] : memref<2x112xi32, #tpu.memory_space<vmem>> -> memref<1x112xi32, #tpu.memory_space<vmem>>
      %dma_start3A_308 = tpu.memref_squeeze %dma_start3A_307 : memref<1x112xi32, #tpu.memory_space<vmem>> -> memref<112xi32, #tpu.memory_space<vmem>>
      %dma_start3A_309 = arith.constant 0 : i32
      %dma_start3A_310 = arith.constant 0 : i32
      %dma_start3A_311 = tpu.memref_slice %arg19[%dma_start3A_309, %dma_start3A_310] : memref<10112x128xf32, #tpu.memory_space<vmem_shared>> -> memref<10112x128xf32, #tpu.memory_space<vmem_shared>>
      tpu.enqueue_indirect_dma source(%arg14 : memref<112x128xf32, #tpu.memory_space<vmem>>) target(%dma_start3A_311 : memref<10112x128xf32, #tpu.memory_space<vmem_shared>>) offsets(%dma_start3A_308 : memref<112xi32, #tpu.memory_space<vmem>>) semaphore(%arg30 : memref<!tpu.dma_semaphore, #tpu.memory_space<semaphore_mem>>) {add = true}
      %dma_start3A_312 = arith.constant 1 : i32
      %dma_start3A_313 = arith.constant 0 : i32
      %dma_start3A_314 = tpu.memref_slice %arg11[%dma_start3A_312, %dma_start3A_313] : memref<2x112xi32, #tpu.memory_space<vmem>> -> memref<1x112xi32, #tpu.memory_space<vmem>>
      %dma_start3A_315 = tpu.memref_squeeze %dma_start3A_314 : memref<1x112xi32, #tpu.memory_space<vmem>> -> memref<112xi32, #tpu.memory_space<vmem>>
      %dma_start3A_316 = arith.constant 0 : i32
      %dma_start3A_317 = tpu.memref_slice %arg20[%dma_start3A_316] : memref<10240xf32, #tpu.memory_space<vmem_shared>> -> memref<10240xf32, #tpu.memory_space<vmem_shared>>
      tpu.enqueue_indirect_dma source(%arg17 : memref<112xf32, #tpu.memory_space<vmem>>) target(%dma_start3A_317 : memref<10240xf32, #tpu.memory_space<vmem_shared>>) offsets(%dma_start3A_315 : memref<112xi32, #tpu.memory_space<vmem>>) semaphore(%arg33 : memref<!tpu.dma_semaphore, #tpu.memory_space<semaphore_mem>>) {add = true}
      %ge3A_318 = arith.constant 1 : i32
      %ge3A_319 = arith.cmpi sge, %add3A_297, %ge3A_318 : i32
      %convert_element_type3A_320 = arith.extui %ge3A_319 : i1 to i32
      %cond3A_321 = arith.constant 0 : i32
      %cond3A_322 = arith.cmpi ne, %convert_element_type3A_320, %cond3A_321 : i32
      scf.if %cond3A_322 {
        %dma_wait3A_417 = arith.constant 1 : i32
        %dma_wait3A_418 = arith.constant 0 : i32
        %dma_wait3A_419 = tpu.memref_slice %arg10[%dma_wait3A_417, %dma_wait3A_418] : memref<2x112xi32, #tpu.memory_space<vmem>> -> memref<1x112xi32, #tpu.memory_space<vmem>>
        %dma_wait3A_420 = tpu.memref_squeeze %dma_wait3A_419 : memref<1x112xi32, #tpu.memory_space<vmem>> -> memref<112xi32, #tpu.memory_space<vmem>>
        %dma_wait3A_421 = arith.constant 0 : i32
        %dma_wait3A_422 = arith.constant 0 : i32
        %dma_wait3A_423 = tpu.memref_slice %arg19[%dma_wait3A_421, %dma_wait3A_422] : memref<10112x128xf32, #tpu.memory_space<vmem_shared>> -> memref<10112x128xf32, #tpu.memory_space<vmem_shared>>
        tpu.wait_indirect_dma semaphore(%arg32 : memref<!tpu.dma_semaphore, #tpu.memory_space<semaphore_mem>>) src(%arg16 : memref<112x128xf32, #tpu.memory_space<vmem>>) dst(%dma_wait3A_423 : memref<10112x128xf32, #tpu.memory_space<vmem_shared>>)
        %dma_wait3A_424 = arith.constant 1 : i32
        %dma_wait3A_425 = arith.constant 0 : i32
        %dma_wait3A_426 = tpu.memref_slice %arg10[%dma_wait3A_424, %dma_wait3A_425] : memref<2x112xi32, #tpu.memory_space<vmem>> -> memref<1x112xi32, #tpu.memory_space<vmem>>
        %dma_wait3A_427 = tpu.memref_squeeze %dma_wait3A_426 : memref<1x112xi32, #tpu.memory_space<vmem>> -> memref<112xi32, #tpu.memory_space<vmem>>
        %dma_wait3A_428 = arith.constant 0 : i32
        %dma_wait3A_429 = tpu.memref_slice %arg20[%dma_wait3A_428] : memref<10240xf32, #tpu.memory_space<vmem_shared>> -> memref<10240xf32, #tpu.memory_space<vmem_shared>>
        tpu.wait_indirect_dma semaphore(%arg35 : memref<!tpu.dma_semaphore, #tpu.memory_space<semaphore_mem>>) src(%arg17 : memref<112xf32, #tpu.memory_space<vmem>>) dst(%dma_wait3A_429 : memref<10240xf32, #tpu.memory_space<vmem_shared>>)
      } else {
      }
      %add3A_323 = arith.constant 4 : i32
      %add3A_324 = arith.addi %add3A_297, %add3A_323 : i32
      %lt3A_325 = arith.cmpi slt, %add3A_324, %select_n3A : i32
      %convert_element_type3A_326 = arith.extui %lt3A_325 : i1 to i32
      %cond3A_327 = arith.constant 0 : i32
      %cond3A_328 = arith.cmpi ne, %convert_element_type3A_326, %cond3A_327 : i32
      scf.if %cond3A_328 {
        %add3A_417 = arith.constant 4 : i32
        %add3A_418 = arith.addi %add3A_297, %add3A_417 : i32
        %add3A_419 = arith.addi %select_n3A_8, %add3A_418 : i32
        %dma_start3A_420 = arith.constant 0 : i32
        %dma_start3A_421 = arith.constant 0 : i32
        %dma_start3A_422 = tpu.memref_slice %arg2[%add3A_419, %dma_start3A_420, %dma_start3A_421] : memref<2880x2x112xi32, #tpu.memory_space<hbm>> -> memref<1x2x112xi32, #tpu.memory_space<hbm>>
        %dma_start3A_423 = tpu.memref_squeeze %dma_start3A_422 : memref<1x2x112xi32, #tpu.memory_space<hbm>> -> memref<2x112xi32, #tpu.memory_space<hbm>>
        %dma_start3A_424 = arith.constant 0 : i32
        %dma_start3A_425 = arith.constant 0 : i32
        %dma_start3A_426 = tpu.memref_slice %arg2[%add3A_419, %dma_start3A_424, %dma_start3A_425] : memref<2880x2x112xi32, #tpu.memory_space<hbm>> -> memref<1x2x112xi32, #tpu.memory_space<hbm>>
        %dma_start3A_427 = tpu.memref_squeeze %dma_start3A_426 : memref<1x2x112xi32, #tpu.memory_space<hbm>> -> memref<2x112xi32, #tpu.memory_space<hbm>>
        tpu.enqueue_dma source(%dma_start3A_427 : memref<2x112xi32, #tpu.memory_space<hbm>>) target(%arg9 : memref<2x112xi32, #tpu.memory_space<vmem>>) target_semaphore(%arg22 : memref<!tpu.dma_semaphore, #tpu.memory_space<semaphore_mem>>)
      } else {
      }
      %add3A_329 = arith.constant 2 : i32
      %add3A_330 = arith.addi %add3A_297, %add3A_329 : i32
      %lt3A_331 = arith.cmpi slt, %add3A_330, %select_n3A : i32
      %convert_element_type3A_332 = arith.extui %lt3A_331 : i1 to i32
      %cond3A_333 = arith.constant 0 : i32
      %cond3A_334 = arith.cmpi ne, %convert_element_type3A_332, %cond3A_333 : i32
      scf.if %cond3A_334 {
        %add3A_417 = arith.constant 2 : i32
        %add3A_418 = arith.addi %add3A_297, %add3A_417 : i32
        %add3A_419 = arith.addi %select_n3A_8, %add3A_418 : i32
        %dma_wait3A_420 = arith.constant 0 : i32
        %dma_wait3A_421 = arith.constant 0 : i32
        %dma_wait3A_422 = tpu.memref_slice %arg2[%add3A_419, %dma_wait3A_420, %dma_wait3A_421] : memref<2880x2x112xi32, #tpu.memory_space<hbm>> -> memref<1x2x112xi32, #tpu.memory_space<hbm>>
        %dma_wait3A_423 = tpu.memref_squeeze %dma_wait3A_422 : memref<1x2x112xi32, #tpu.memory_space<hbm>> -> memref<2x112xi32, #tpu.memory_space<hbm>>
        %dma_wait3A_424 = arith.constant 0 : i32
        %dma_wait3A_425 = arith.constant 0 : i32
        %dma_wait3A_426 = tpu.memref_slice %arg2[%add3A_419, %dma_wait3A_424, %dma_wait3A_425] : memref<2880x2x112xi32, #tpu.memory_space<hbm>> -> memref<1x2x112xi32, #tpu.memory_space<hbm>>
        %dma_wait3A_427 = tpu.memref_squeeze %dma_wait3A_426 : memref<1x2x112xi32, #tpu.memory_space<hbm>> -> memref<2x112xi32, #tpu.memory_space<hbm>>
        tpu.wait_dma2 semaphore(%arg26 : memref<!tpu.dma_semaphore, #tpu.memory_space<semaphore_mem>>) src(%dma_wait3A_427 : memref<2x112xi32, #tpu.memory_space<hbm>>) dst(%arg13 : memref<2x112xi32, #tpu.memory_space<vmem>>)
        %dma_start3A_428 = arith.constant 0 : i32
        %dma_start3A_429 = arith.constant 0 : i32
        %dma_start3A_430 = tpu.memref_slice %arg13[%dma_start3A_428, %dma_start3A_429] : memref<2x112xi32, #tpu.memory_space<vmem>> -> memref<1x112xi32, #tpu.memory_space<vmem>>
        %dma_start3A_431 = tpu.memref_squeeze %dma_start3A_430 : memref<1x112xi32, #tpu.memory_space<vmem>> -> memref<112xi32, #tpu.memory_space<vmem>>
        %dma_start3A_432 = arith.constant 0 : i32
        %dma_start3A_433 = arith.constant 0 : i32
        %dma_start3A_434 = tpu.memref_slice %arg3[%dma_start3A_432, %dma_start3A_433] : memref<10112x128xf32, #tpu.memory_space<hbm>> -> memref<10112x128xf32, #tpu.memory_space<hbm>>
        tpu.enqueue_indirect_dma source(%dma_start3A_434 : memref<10112x128xf32, #tpu.memory_space<hbm>>) target(%arg16 : memref<112x128xf32, #tpu.memory_space<vmem>>) offsets(%dma_start3A_431 : memref<112xi32, #tpu.memory_space<vmem>>) semaphore(%arg29 : memref<!tpu.dma_semaphore, #tpu.memory_space<semaphore_mem>>)
      } else {
      }
      %mul3A_335 = arith.constant 6 : i32
      %mul3A_336 = arith.muli %while3A_174, %mul3A_335 : i32
      %add3A_337 = arith.constant 4 : i32
      %add3A_338 = arith.addi %mul3A_336, %add3A_337 : i32
      %dma_wait3A_339 = arith.constant 0 : i32
      %dma_wait3A_340 = arith.constant 0 : i32
      %dma_wait3A_341 = tpu.memref_slice %arg12[%dma_wait3A_339, %dma_wait3A_340] : memref<2x112xi32, #tpu.memory_space<vmem>> -> memref<1x112xi32, #tpu.memory_space<vmem>>
      %dma_wait3A_342 = tpu.memref_squeeze %dma_wait3A_341 : memref<1x112xi32, #tpu.memory_space<vmem>> -> memref<112xi32, #tpu.memory_space<vmem>>
      %dma_wait3A_343 = arith.constant 0 : i32
      %dma_wait3A_344 = arith.constant 0 : i32
      %dma_wait3A_345 = tpu.memref_slice %arg3[%dma_wait3A_343, %dma_wait3A_344] : memref<10112x128xf32, #tpu.memory_space<hbm>> -> memref<10112x128xf32, #tpu.memory_space<hbm>>
      tpu.wait_indirect_dma semaphore(%arg28 : memref<!tpu.dma_semaphore, #tpu.memory_space<semaphore_mem>>) src(%dma_wait3A_345 : memref<10112x128xf32, #tpu.memory_space<hbm>>) dst(%arg15 : memref<112x128xf32, #tpu.memory_space<vmem>>)
      %dma_start3A_346 = arith.constant 1 : i32
      %dma_start3A_347 = arith.constant 0 : i32
      %dma_start3A_348 = tpu.memref_slice %arg12[%dma_start3A_346, %dma_start3A_347] : memref<2x112xi32, #tpu.memory_space<vmem>> -> memref<1x112xi32, #tpu.memory_space<vmem>>
      %dma_start3A_349 = tpu.memref_squeeze %dma_start3A_348 : memref<1x112xi32, #tpu.memory_space<vmem>> -> memref<112xi32, #tpu.memory_space<vmem>>
      %dma_start3A_350 = arith.constant 0 : i32
      %dma_start3A_351 = arith.constant 0 : i32
      %dma_start3A_352 = tpu.memref_slice %arg19[%dma_start3A_350, %dma_start3A_351] : memref<10112x128xf32, #tpu.memory_space<vmem_shared>> -> memref<10112x128xf32, #tpu.memory_space<vmem_shared>>
      tpu.enqueue_indirect_dma source(%arg15 : memref<112x128xf32, #tpu.memory_space<vmem>>) target(%dma_start3A_352 : memref<10112x128xf32, #tpu.memory_space<vmem_shared>>) offsets(%dma_start3A_349 : memref<112xi32, #tpu.memory_space<vmem>>) semaphore(%arg31 : memref<!tpu.dma_semaphore, #tpu.memory_space<semaphore_mem>>) {add = true}
      %dma_start3A_353 = arith.constant 1 : i32
      %dma_start3A_354 = arith.constant 0 : i32
      %dma_start3A_355 = tpu.memref_slice %arg12[%dma_start3A_353, %dma_start3A_354] : memref<2x112xi32, #tpu.memory_space<vmem>> -> memref<1x112xi32, #tpu.memory_space<vmem>>
      %dma_start3A_356 = tpu.memref_squeeze %dma_start3A_355 : memref<1x112xi32, #tpu.memory_space<vmem>> -> memref<112xi32, #tpu.memory_space<vmem>>
      %dma_start3A_357 = arith.constant 0 : i32
      %dma_start3A_358 = tpu.memref_slice %arg20[%dma_start3A_357] : memref<10240xf32, #tpu.memory_space<vmem_shared>> -> memref<10240xf32, #tpu.memory_space<vmem_shared>>
      tpu.enqueue_indirect_dma source(%arg17 : memref<112xf32, #tpu.memory_space<vmem>>) target(%dma_start3A_358 : memref<10240xf32, #tpu.memory_space<vmem_shared>>) offsets(%dma_start3A_356 : memref<112xi32, #tpu.memory_space<vmem>>) semaphore(%arg34 : memref<!tpu.dma_semaphore, #tpu.memory_space<semaphore_mem>>) {add = true}
      %ge3A_359 = arith.constant 1 : i32
      %ge3A_360 = arith.cmpi sge, %add3A_338, %ge3A_359 : i32
      %convert_element_type3A_361 = arith.extui %ge3A_360 : i1 to i32
      %cond3A_362 = arith.constant 0 : i32
      %cond3A_363 = arith.cmpi ne, %convert_element_type3A_361, %cond3A_362 : i32
      scf.if %cond3A_363 {
        %dma_wait3A_417 = arith.constant 1 : i32
        %dma_wait3A_418 = arith.constant 0 : i32
        %dma_wait3A_419 = tpu.memref_slice %arg11[%dma_wait3A_417, %dma_wait3A_418] : memref<2x112xi32, #tpu.memory_space<vmem>> -> memref<1x112xi32, #tpu.memory_space<vmem>>
        %dma_wait3A_420 = tpu.memref_squeeze %dma_wait3A_419 : memref<1x112xi32, #tpu.memory_space<vmem>> -> memref<112xi32, #tpu.memory_space<vmem>>
        %dma_wait3A_421 = arith.constant 0 : i32
        %dma_wait3A_422 = arith.constant 0 : i32
        %dma_wait3A_423 = tpu.memref_slice %arg19[%dma_wait3A_421, %dma_wait3A_422] : memref<10112x128xf32, #tpu.memory_space<vmem_shared>> -> memref<10112x128xf32, #tpu.memory_space<vmem_shared>>
        tpu.wait_indirect_dma semaphore(%arg30 : memref<!tpu.dma_semaphore, #tpu.memory_space<semaphore_mem>>) src(%arg14 : memref<112x128xf32, #tpu.memory_space<vmem>>) dst(%dma_wait3A_423 : memref<10112x128xf32, #tpu.memory_space<vmem_shared>>)
        %dma_wait3A_424 = arith.constant 1 : i32
        %dma_wait3A_425 = arith.constant 0 : i32
        %dma_wait3A_426 = tpu.memref_slice %arg11[%dma_wait3A_424, %dma_wait3A_425] : memref<2x112xi32, #tpu.memory_space<vmem>> -> memref<1x112xi32, #tpu.memory_space<vmem>>
        %dma_wait3A_427 = tpu.memref_squeeze %dma_wait3A_426 : memref<1x112xi32, #tpu.memory_space<vmem>> -> memref<112xi32, #tpu.memory_space<vmem>>
        %dma_wait3A_428 = arith.constant 0 : i32
        %dma_wait3A_429 = tpu.memref_slice %arg20[%dma_wait3A_428] : memref<10240xf32, #tpu.memory_space<vmem_shared>> -> memref<10240xf32, #tpu.memory_space<vmem_shared>>
        tpu.wait_indirect_dma semaphore(%arg33 : memref<!tpu.dma_semaphore, #tpu.memory_space<semaphore_mem>>) src(%arg17 : memref<112xf32, #tpu.memory_space<vmem>>) dst(%dma_wait3A_429 : memref<10240xf32, #tpu.memory_space<vmem_shared>>)
      } else {
      }
      %add3A_364 = arith.constant 4 : i32
      %add3A_365 = arith.addi %add3A_338, %add3A_364 : i32
      %lt3A_366 = arith.cmpi slt, %add3A_365, %select_n3A : i32
      %convert_element_type3A_367 = arith.extui %lt3A_366 : i1 to i32
      %cond3A_368 = arith.constant 0 : i32
      %cond3A_369 = arith.cmpi ne, %convert_element_type3A_367, %cond3A_368 : i32
      scf.if %cond3A_369 {
        %add3A_417 = arith.constant 4 : i32
        %add3A_418 = arith.addi %add3A_338, %add3A_417 : i32
        %add3A_419 = arith.addi %select_n3A_8, %add3A_418 : i32
        %dma_start3A_420 = arith.constant 0 : i32
        %dma_start3A_421 = arith.constant 0 : i32
        %dma_start3A_422 = tpu.memref_slice %arg2[%add3A_419, %dma_start3A_420, %dma_start3A_421] : memref<2880x2x112xi32, #tpu.memory_space<hbm>> -> memref<1x2x112xi32, #tpu.memory_space<hbm>>
        %dma_start3A_423 = tpu.memref_squeeze %dma_start3A_422 : memref<1x2x112xi32, #tpu.memory_space<hbm>> -> memref<2x112xi32, #tpu.memory_space<hbm>>
        %dma_start3A_424 = arith.constant 0 : i32
        %dma_start3A_425 = arith.constant 0 : i32
        %dma_start3A_426 = tpu.memref_slice %arg2[%add3A_419, %dma_start3A_424, %dma_start3A_425] : memref<2880x2x112xi32, #tpu.memory_space<hbm>> -> memref<1x2x112xi32, #tpu.memory_space<hbm>>
        %dma_start3A_427 = tpu.memref_squeeze %dma_start3A_426 : memref<1x2x112xi32, #tpu.memory_space<hbm>> -> memref<2x112xi32, #tpu.memory_space<hbm>>
        tpu.enqueue_dma source(%dma_start3A_427 : memref<2x112xi32, #tpu.memory_space<hbm>>) target(%arg10 : memref<2x112xi32, #tpu.memory_space<vmem>>) target_semaphore(%arg23 : memref<!tpu.dma_semaphore, #tpu.memory_space<semaphore_mem>>)
      } else {
      }
      %add3A_370 = arith.constant 2 : i32
      %add3A_371 = arith.addi %add3A_338, %add3A_370 : i32
      %lt3A_372 = arith.cmpi slt, %add3A_371, %select_n3A : i32
      %convert_element_type3A_373 = arith.extui %lt3A_372 : i1 to i32
      %cond3A_374 = arith.constant 0 : i32
      %cond3A_375 = arith.cmpi ne, %convert_element_type3A_373, %cond3A_374 : i32
      scf.if %cond3A_375 {
        %add3A_417 = arith.constant 2 : i32
        %add3A_418 = arith.addi %add3A_338, %add3A_417 : i32
        %add3A_419 = arith.addi %select_n3A_8, %add3A_418 : i32
        %dma_wait3A_420 = arith.constant 0 : i32
        %dma_wait3A_421 = arith.constant 0 : i32
        %dma_wait3A_422 = tpu.memref_slice %arg2[%add3A_419, %dma_wait3A_420, %dma_wait3A_421] : memref<2880x2x112xi32, #tpu.memory_space<hbm>> -> memref<1x2x112xi32, #tpu.memory_space<hbm>>
        %dma_wait3A_423 = tpu.memref_squeeze %dma_wait3A_422 : memref<1x2x112xi32, #tpu.memory_space<hbm>> -> memref<2x112xi32, #tpu.memory_space<hbm>>
        %dma_wait3A_424 = arith.constant 0 : i32
        %dma_wait3A_425 = arith.constant 0 : i32
        %dma_wait3A_426 = tpu.memref_slice %arg2[%add3A_419, %dma_wait3A_424, %dma_wait3A_425] : memref<2880x2x112xi32, #tpu.memory_space<hbm>> -> memref<1x2x112xi32, #tpu.memory_space<hbm>>
        %dma_wait3A_427 = tpu.memref_squeeze %dma_wait3A_426 : memref<1x2x112xi32, #tpu.memory_space<hbm>> -> memref<2x112xi32, #tpu.memory_space<hbm>>
        tpu.wait_dma2 semaphore(%arg21 : memref<!tpu.dma_semaphore, #tpu.memory_space<semaphore_mem>>) src(%dma_wait3A_427 : memref<2x112xi32, #tpu.memory_space<hbm>>) dst(%arg8 : memref<2x112xi32, #tpu.memory_space<vmem>>)
        %dma_start3A_428 = arith.constant 0 : i32
        %dma_start3A_429 = arith.constant 0 : i32
        %dma_start3A_430 = tpu.memref_slice %arg8[%dma_start3A_428, %dma_start3A_429] : memref<2x112xi32, #tpu.memory_space<vmem>> -> memref<1x112xi32, #tpu.memory_space<vmem>>
        %dma_start3A_431 = tpu.memref_squeeze %dma_start3A_430 : memref<1x112xi32, #tpu.memory_space<vmem>> -> memref<112xi32, #tpu.memory_space<vmem>>
        %dma_start3A_432 = arith.constant 0 : i32
        %dma_start3A_433 = arith.constant 0 : i32
        %dma_start3A_434 = tpu.memref_slice %arg3[%dma_start3A_432, %dma_start3A_433] : memref<10112x128xf32, #tpu.memory_space<hbm>> -> memref<10112x128xf32, #tpu.memory_space<hbm>>
        tpu.enqueue_indirect_dma source(%dma_start3A_434 : memref<10112x128xf32, #tpu.memory_space<hbm>>) target(%arg14 : memref<112x128xf32, #tpu.memory_space<vmem>>) offsets(%dma_start3A_431 : memref<112xi32, #tpu.memory_space<vmem>>) semaphore(%arg27 : memref<!tpu.dma_semaphore, #tpu.memory_space<semaphore_mem>>)
      } else {
      }
      %mul3A_376 = arith.constant 6 : i32
      %mul3A_377 = arith.muli %while3A_174, %mul3A_376 : i32
      %add3A_378 = arith.constant 5 : i32
      %add3A_379 = arith.addi %mul3A_377, %add3A_378 : i32
      %dma_wait3A_380 = arith.constant 0 : i32
      %dma_wait3A_381 = arith.constant 0 : i32
      %dma_wait3A_382 = tpu.memref_slice %arg13[%dma_wait3A_380, %dma_wait3A_381] : memref<2x112xi32, #tpu.memory_space<vmem>> -> memref<1x112xi32, #tpu.memory_space<vmem>>
      %dma_wait3A_383 = tpu.memref_squeeze %dma_wait3A_382 : memref<1x112xi32, #tpu.memory_space<vmem>> -> memref<112xi32, #tpu.memory_space<vmem>>
      %dma_wait3A_384 = arith.constant 0 : i32
      %dma_wait3A_385 = arith.constant 0 : i32
      %dma_wait3A_386 = tpu.memref_slice %arg3[%dma_wait3A_384, %dma_wait3A_385] : memref<10112x128xf32, #tpu.memory_space<hbm>> -> memref<10112x128xf32, #tpu.memory_space<hbm>>
      tpu.wait_indirect_dma semaphore(%arg29 : memref<!tpu.dma_semaphore, #tpu.memory_space<semaphore_mem>>) src(%dma_wait3A_386 : memref<10112x128xf32, #tpu.memory_space<hbm>>) dst(%arg16 : memref<112x128xf32, #tpu.memory_space<vmem>>)
      %dma_start3A_387 = arith.constant 1 : i32
      %dma_start3A_388 = arith.constant 0 : i32
      %dma_start3A_389 = tpu.memref_slice %arg13[%dma_start3A_387, %dma_start3A_388] : memref<2x112xi32, #tpu.memory_space<vmem>> -> memref<1x112xi32, #tpu.memory_space<vmem>>
      %dma_start3A_390 = tpu.memref_squeeze %dma_start3A_389 : memref<1x112xi32, #tpu.memory_space<vmem>> -> memref<112xi32, #tpu.memory_space<vmem>>
      %dma_start3A_391 = arith.constant 0 : i32
      %dma_start3A_392 = arith.constant 0 : i32
      %dma_start3A_393 = tpu.memref_slice %arg19[%dma_start3A_391, %dma_start3A_392] : memref<10112x128xf32, #tpu.memory_space<vmem_shared>> -> memref<10112x128xf32, #tpu.memory_space<vmem_shared>>
      tpu.enqueue_indirect_dma source(%arg16 : memref<112x128xf32, #tpu.memory_space<vmem>>) target(%dma_start3A_393 : memref<10112x128xf32, #tpu.memory_space<vmem_shared>>) offsets(%dma_start3A_390 : memref<112xi32, #tpu.memory_space<vmem>>) semaphore(%arg32 : memref<!tpu.dma_semaphore, #tpu.memory_space<semaphore_mem>>) {add = true}
      %dma_start3A_394 = arith.constant 1 : i32
      %dma_start3A_395 = arith.constant 0 : i32
      %dma_start3A_396 = tpu.memref_slice %arg13[%dma_start3A_394, %dma_start3A_395] : memref<2x112xi32, #tpu.memory_space<vmem>> -> memref<1x112xi32, #tpu.memory_space<vmem>>
      %dma_start3A_397 = tpu.memref_squeeze %dma_start3A_396 : memref<1x112xi32, #tpu.memory_space<vmem>> -> memref<112xi32, #tpu.memory_space<vmem>>
      %dma_start3A_398 = arith.constant 0 : i32
      %dma_start3A_399 = tpu.memref_slice %arg20[%dma_start3A_398] : memref<10240xf32, #tpu.memory_space<vmem_shared>> -> memref<10240xf32, #tpu.memory_space<vmem_shared>>
      tpu.enqueue_indirect_dma source(%arg17 : memref<112xf32, #tpu.memory_space<vmem>>) target(%dma_start3A_399 : memref<10240xf32, #tpu.memory_space<vmem_shared>>) offsets(%dma_start3A_397 : memref<112xi32, #tpu.memory_space<vmem>>) semaphore(%arg35 : memref<!tpu.dma_semaphore, #tpu.memory_space<semaphore_mem>>) {add = true}
      %ge3A_400 = arith.constant 1 : i32
      %ge3A_401 = arith.cmpi sge, %add3A_379, %ge3A_400 : i32
      %convert_element_type3A_402 = arith.extui %ge3A_401 : i1 to i32
      %cond3A_403 = arith.constant 0 : i32
      %cond3A_404 = arith.cmpi ne, %convert_element_type3A_402, %cond3A_403 : i32
      scf.if %cond3A_404 {
        %dma_wait3A_417 = arith.constant 1 : i32
        %dma_wait3A_418 = arith.constant 0 : i32
        %dma_wait3A_419 = tpu.memref_slice %arg12[%dma_wait3A_417, %dma_wait3A_418] : memref<2x112xi32, #tpu.memory_space<vmem>> -> memref<1x112xi32, #tpu.memory_space<vmem>>
        %dma_wait3A_420 = tpu.memref_squeeze %dma_wait3A_419 : memref<1x112xi32, #tpu.memory_space<vmem>> -> memref<112xi32, #tpu.memory_space<vmem>>
        %dma_wait3A_421 = arith.constant 0 : i32
        %dma_wait3A_422 = arith.constant 0 : i32
        %dma_wait3A_423 = tpu.memref_slice %arg19[%dma_wait3A_421, %dma_wait3A_422] : memref<10112x128xf32, #tpu.memory_space<vmem_shared>> -> memref<10112x128xf32, #tpu.memory_space<vmem_shared>>
        tpu.wait_indirect_dma semaphore(%arg31 : memref<!tpu.dma_semaphore, #tpu.memory_space<semaphore_mem>>) src(%arg15 : memref<112x128xf32, #tpu.memory_space<vmem>>) dst(%dma_wait3A_423 : memref<10112x128xf32, #tpu.memory_space<vmem_shared>>)
        %dma_wait3A_424 = arith.constant 1 : i32
        %dma_wait3A_425 = arith.constant 0 : i32
        %dma_wait3A_426 = tpu.memref_slice %arg12[%dma_wait3A_424, %dma_wait3A_425] : memref<2x112xi32, #tpu.memory_space<vmem>> -> memref<1x112xi32, #tpu.memory_space<vmem>>
        %dma_wait3A_427 = tpu.memref_squeeze %dma_wait3A_426 : memref<1x112xi32, #tpu.memory_space<vmem>> -> memref<112xi32, #tpu.memory_space<vmem>>
        %dma_wait3A_428 = arith.constant 0 : i32
        %dma_wait3A_429 = tpu.memref_slice %arg20[%dma_wait3A_428] : memref<10240xf32, #tpu.memory_space<vmem_shared>> -> memref<10240xf32, #tpu.memory_space<vmem_shared>>
        tpu.wait_indirect_dma semaphore(%arg34 : memref<!tpu.dma_semaphore, #tpu.memory_space<semaphore_mem>>) src(%arg17 : memref<112xf32, #tpu.memory_space<vmem>>) dst(%dma_wait3A_429 : memref<10240xf32, #tpu.memory_space<vmem_shared>>)
      } else {
      }
      %add3A_405 = arith.constant 4 : i32
      %add3A_406 = arith.addi %add3A_379, %add3A_405 : i32
      %lt3A_407 = arith.cmpi slt, %add3A_406, %select_n3A : i32
      %convert_element_type3A_408 = arith.extui %lt3A_407 : i1 to i32
      %cond3A_409 = arith.constant 0 : i32
      %cond3A_410 = arith.cmpi ne, %convert_element_type3A_408, %cond3A_409 : i32
      scf.if %cond3A_410 {
        %add3A_417 = arith.constant 4 : i32
        %add3A_418 = arith.addi %add3A_379, %add3A_417 : i32
        %add3A_419 = arith.addi %select_n3A_8, %add3A_418 : i32
        %dma_start3A_420 = arith.constant 0 : i32
        %dma_start3A_421 = arith.constant 0 : i32
        %dma_start3A_422 = tpu.memref_slice %arg2[%add3A_419, %dma_start3A_420, %dma_start3A_421] : memref<2880x2x112xi32, #tpu.memory_space<hbm>> -> memref<1x2x112xi32, #tpu.memory_space<hbm>>
        %dma_start3A_423 = tpu.memref_squeeze %dma_start3A_422 : memref<1x2x112xi32, #tpu.memory_space<hbm>> -> memref<2x112xi32, #tpu.memory_space<hbm>>
        %dma_start3A_424 = arith.constant 0 : i32
        %dma_start3A_425 = arith.constant 0 : i32
        %dma_start3A_426 = tpu.memref_slice %arg2[%add3A_419, %dma_start3A_424, %dma_start3A_425] : memref<2880x2x112xi32, #tpu.memory_space<hbm>> -> memref<1x2x112xi32, #tpu.memory_space<hbm>>
        %dma_start3A_427 = tpu.memref_squeeze %dma_start3A_426 : memref<1x2x112xi32, #tpu.memory_space<hbm>> -> memref<2x112xi32, #tpu.memory_space<hbm>>
        tpu.enqueue_dma source(%dma_start3A_427 : memref<2x112xi32, #tpu.memory_space<hbm>>) target(%arg11 : memref<2x112xi32, #tpu.memory_space<vmem>>) target_semaphore(%arg24 : memref<!tpu.dma_semaphore, #tpu.memory_space<semaphore_mem>>)
      } else {
      }
      %add3A_411 = arith.constant 2 : i32
      %add3A_412 = arith.addi %add3A_379, %add3A_411 : i32
      %lt3A_413 = arith.cmpi slt, %add3A_412, %select_n3A : i32
      %convert_element_type3A_414 = arith.extui %lt3A_413 : i1 to i32
      %cond3A_415 = arith.constant 0 : i32
      %cond3A_416 = arith.cmpi ne, %convert_element_type3A_414, %cond3A_415 : i32
      scf.if %cond3A_416 {
        %add3A_417 = arith.constant 2 : i32
        %add3A_418 = arith.addi %add3A_379, %add3A_417 : i32
        %add3A_419 = arith.addi %select_n3A_8, %add3A_418 : i32
        %dma_wait3A_420 = arith.constant 0 : i32
        %dma_wait3A_421 = arith.constant 0 : i32
        %dma_wait3A_422 = tpu.memref_slice %arg2[%add3A_419, %dma_wait3A_420, %dma_wait3A_421] : memref<2880x2x112xi32, #tpu.memory_space<hbm>> -> memref<1x2x112xi32, #tpu.memory_space<hbm>>
        %dma_wait3A_423 = tpu.memref_squeeze %dma_wait3A_422 : memref<1x2x112xi32, #tpu.memory_space<hbm>> -> memref<2x112xi32, #tpu.memory_space<hbm>>
        %dma_wait3A_424 = arith.constant 0 : i32
        %dma_wait3A_425 = arith.constant 0 : i32
        %dma_wait3A_426 = tpu.memref_slice %arg2[%add3A_419, %dma_wait3A_424, %dma_wait3A_425] : memref<2880x2x112xi32, #tpu.memory_space<hbm>> -> memref<1x2x112xi32, #tpu.memory_space<hbm>>
        %dma_wait3A_427 = tpu.memref_squeeze %dma_wait3A_426 : memref<1x2x112xi32, #tpu.memory_space<hbm>> -> memref<2x112xi32, #tpu.memory_space<hbm>>
        tpu.wait_dma2 semaphore(%arg22 : memref<!tpu.dma_semaphore, #tpu.memory_space<semaphore_mem>>) src(%dma_wait3A_427 : memref<2x112xi32, #tpu.memory_space<hbm>>) dst(%arg9 : memref<2x112xi32, #tpu.memory_space<vmem>>)
        %dma_start3A_428 = arith.constant 0 : i32
        %dma_start3A_429 = arith.constant 0 : i32
        %dma_start3A_430 = tpu.memref_slice %arg9[%dma_start3A_428, %dma_start3A_429] : memref<2x112xi32, #tpu.memory_space<vmem>> -> memref<1x112xi32, #tpu.memory_space<vmem>>
        %dma_start3A_431 = tpu.memref_squeeze %dma_start3A_430 : memref<1x112xi32, #tpu.memory_space<vmem>> -> memref<112xi32, #tpu.memory_space<vmem>>
        %dma_start3A_432 = arith.constant 0 : i32
        %dma_start3A_433 = arith.constant 0 : i32
        %dma_start3A_434 = tpu.memref_slice %arg3[%dma_start3A_432, %dma_start3A_433] : memref<10112x128xf32, #tpu.memory_space<hbm>> -> memref<10112x128xf32, #tpu.memory_space<hbm>>
        tpu.enqueue_indirect_dma source(%dma_start3A_434 : memref<10112x128xf32, #tpu.memory_space<hbm>>) target(%arg15 : memref<112x128xf32, #tpu.memory_space<vmem>>) offsets(%dma_start3A_431 : memref<112xi32, #tpu.memory_space<vmem>>) semaphore(%arg28 : memref<!tpu.dma_semaphore, #tpu.memory_space<semaphore_mem>>)
      } else {
      }
    }
    %while3A_145 = arith.constant 1 : i32
    scf.for %while3A_174 = %while3A_143 to %while3A_139 step %while3A_145  : i32 {
      %mul3A_175 = arith.constant 6 : i32
      %mul3A_176 = arith.muli %while3A_174, %mul3A_175 : i32
      %add3A_177 = arith.constant 0 : i32
      %add3A_178 = arith.addi %mul3A_176, %add3A_177 : i32
      %dma_wait3A_179 = arith.constant 0 : i32
      %dma_wait3A_180 = arith.constant 0 : i32
      %dma_wait3A_181 = tpu.memref_slice %arg8[%dma_wait3A_179, %dma_wait3A_180] : memref<2x112xi32, #tpu.memory_space<vmem>> -> memref<1x112xi32, #tpu.memory_space<vmem>>
      %dma_wait3A_182 = tpu.memref_squeeze %dma_wait3A_181 : memref<1x112xi32, #tpu.memory_space<vmem>> -> memref<112xi32, #tpu.memory_space<vmem>>
      %dma_wait3A_183 = arith.constant 0 : i32
      %dma_wait3A_184 = arith.constant 0 : i32
      %dma_wait3A_185 = tpu.memref_slice %arg3[%dma_wait3A_183, %dma_wait3A_184] : memref<10112x128xf32, #tpu.memory_space<hbm>> -> memref<10112x128xf32, #tpu.memory_space<hbm>>
      tpu.wait_indirect_dma semaphore(%arg27 : memref<!tpu.dma_semaphore, #tpu.memory_space<semaphore_mem>>) src(%dma_wait3A_185 : memref<10112x128xf32, #tpu.memory_space<hbm>>) dst(%arg14 : memref<112x128xf32, #tpu.memory_space<vmem>>)
      %dma_start3A_186 = arith.constant 1 : i32
      %dma_start3A_187 = arith.constant 0 : i32
      %dma_start3A_188 = tpu.memref_slice %arg8[%dma_start3A_186, %dma_start3A_187] : memref<2x112xi32, #tpu.memory_space<vmem>> -> memref<1x112xi32, #tpu.memory_space<vmem>>
      %dma_start3A_189 = tpu.memref_squeeze %dma_start3A_188 : memref<1x112xi32, #tpu.memory_space<vmem>> -> memref<112xi32, #tpu.memory_space<vmem>>
      %dma_start3A_190 = arith.constant 0 : i32
      %dma_start3A_191 = arith.constant 0 : i32
      %dma_start3A_192 = tpu.memref_slice %arg19[%dma_start3A_190, %dma_start3A_191] : memref<10112x128xf32, #tpu.memory_space<vmem_shared>> -> memref<10112x128xf32, #tpu.memory_space<vmem_shared>>
      tpu.enqueue_indirect_dma source(%arg14 : memref<112x128xf32, #tpu.memory_space<vmem>>) target(%dma_start3A_192 : memref<10112x128xf32, #tpu.memory_space<vmem_shared>>) offsets(%dma_start3A_189 : memref<112xi32, #tpu.memory_space<vmem>>) semaphore(%arg30 : memref<!tpu.dma_semaphore, #tpu.memory_space<semaphore_mem>>) {add = true}
      %dma_start3A_193 = arith.constant 1 : i32
      %dma_start3A_194 = arith.constant 0 : i32
      %dma_start3A_195 = tpu.memref_slice %arg8[%dma_start3A_193, %dma_start3A_194] : memref<2x112xi32, #tpu.memory_space<vmem>> -> memref<1x112xi32, #tpu.memory_space<vmem>>
      %dma_start3A_196 = tpu.memref_squeeze %dma_start3A_195 : memref<1x112xi32, #tpu.memory_space<vmem>> -> memref<112xi32, #tpu.memory_space<vmem>>
      %dma_start3A_197 = arith.constant 0 : i32
      %dma_start3A_198 = tpu.memref_slice %arg20[%dma_start3A_197] : memref<10240xf32, #tpu.memory_space<vmem_shared>> -> memref<10240xf32, #tpu.memory_space<vmem_shared>>
      tpu.enqueue_indirect_dma source(%arg17 : memref<112xf32, #tpu.memory_space<vmem>>) target(%dma_start3A_198 : memref<10240xf32, #tpu.memory_space<vmem_shared>>) offsets(%dma_start3A_196 : memref<112xi32, #tpu.memory_space<vmem>>) semaphore(%arg33 : memref<!tpu.dma_semaphore, #tpu.memory_space<semaphore_mem>>) {add = true}
      %ge3A = arith.constant 1 : i32
      %ge3A_199 = arith.cmpi sge, %add3A_178, %ge3A : i32
      %convert_element_type3A = arith.extui %ge3A_199 : i1 to i32
      %cond3A = arith.constant 0 : i32
      %cond3A_200 = arith.cmpi ne, %convert_element_type3A, %cond3A : i32
      scf.if %cond3A_200 {
        %dma_wait3A_417 = arith.constant 1 : i32
        %dma_wait3A_418 = arith.constant 0 : i32
        %dma_wait3A_419 = tpu.memref_slice %arg13[%dma_wait3A_417, %dma_wait3A_418] : memref<2x112xi32, #tpu.memory_space<vmem>> -> memref<1x112xi32, #tpu.memory_space<vmem>>
        %dma_wait3A_420 = tpu.memref_squeeze %dma_wait3A_419 : memref<1x112xi32, #tpu.memory_space<vmem>> -> memref<112xi32, #tpu.memory_space<vmem>>
        %dma_wait3A_421 = arith.constant 0 : i32
        %dma_wait3A_422 = arith.constant 0 : i32
        %dma_wait3A_423 = tpu.memref_slice %arg19[%dma_wait3A_421, %dma_wait3A_422] : memref<10112x128xf32, #tpu.memory_space<vmem_shared>> -> memref<10112x128xf32, #tpu.memory_space<vmem_shared>>
        tpu.wait_indirect_dma semaphore(%arg32 : memref<!tpu.dma_semaphore, #tpu.memory_space<semaphore_mem>>) src(%arg16 : memref<112x128xf32, #tpu.memory_space<vmem>>) dst(%dma_wait3A_423 : memref<10112x128xf32, #tpu.memory_space<vmem_shared>>)
        %dma_wait3A_424 = arith.constant 1 : i32
        %dma_wait3A_425 = arith.constant 0 : i32
        %dma_wait3A_426 = tpu.memref_slice %arg13[%dma_wait3A_424, %dma_wait3A_425] : memref<2x112xi32, #tpu.memory_space<vmem>> -> memref<1x112xi32, #tpu.memory_space<vmem>>
        %dma_wait3A_427 = tpu.memref_squeeze %dma_wait3A_426 : memref<1x112xi32, #tpu.memory_space<vmem>> -> memref<112xi32, #tpu.memory_space<vmem>>
        %dma_wait3A_428 = arith.constant 0 : i32
        %dma_wait3A_429 = tpu.memref_slice %arg20[%dma_wait3A_428] : memref<10240xf32, #tpu.memory_space<vmem_shared>> -> memref<10240xf32, #tpu.memory_space<vmem_shared>>
        tpu.wait_indirect_dma semaphore(%arg35 : memref<!tpu.dma_semaphore, #tpu.memory_space<semaphore_mem>>) src(%arg17 : memref<112xf32, #tpu.memory_space<vmem>>) dst(%dma_wait3A_429 : memref<10240xf32, #tpu.memory_space<vmem_shared>>)
      } else {
      }
      %add3A_201 = arith.constant 4 : i32
      %add3A_202 = arith.addi %add3A_178, %add3A_201 : i32
      %lt3A = arith.cmpi slt, %add3A_202, %select_n3A : i32
      %convert_element_type3A_203 = arith.extui %lt3A : i1 to i32
      %cond3A_204 = arith.constant 0 : i32
      %cond3A_205 = arith.cmpi ne, %convert_element_type3A_203, %cond3A_204 : i32
      scf.if %cond3A_205 {
        %add3A_417 = arith.constant 4 : i32
        %add3A_418 = arith.addi %add3A_178, %add3A_417 : i32
        %add3A_419 = arith.addi %select_n3A_8, %add3A_418 : i32
        %dma_start3A_420 = arith.constant 0 : i32
        %dma_start3A_421 = arith.constant 0 : i32
        %dma_start3A_422 = tpu.memref_slice %arg2[%add3A_419, %dma_start3A_420, %dma_start3A_421] : memref<2880x2x112xi32, #tpu.memory_space<hbm>> -> memref<1x2x112xi32, #tpu.memory_space<hbm>>
        %dma_start3A_423 = tpu.memref_squeeze %dma_start3A_422 : memref<1x2x112xi32, #tpu.memory_space<hbm>> -> memref<2x112xi32, #tpu.memory_space<hbm>>
        %dma_start3A_424 = arith.constant 0 : i32
        %dma_start3A_425 = arith.constant 0 : i32
        %dma_start3A_426 = tpu.memref_slice %arg2[%add3A_419, %dma_start3A_424, %dma_start3A_425] : memref<2880x2x112xi32, #tpu.memory_space<hbm>> -> memref<1x2x112xi32, #tpu.memory_space<hbm>>
        %dma_start3A_427 = tpu.memref_squeeze %dma_start3A_426 : memref<1x2x112xi32, #tpu.memory_space<hbm>> -> memref<2x112xi32, #tpu.memory_space<hbm>>
        tpu.enqueue_dma source(%dma_start3A_427 : memref<2x112xi32, #tpu.memory_space<hbm>>) target(%arg12 : memref<2x112xi32, #tpu.memory_space<vmem>>) target_semaphore(%arg25 : memref<!tpu.dma_semaphore, #tpu.memory_space<semaphore_mem>>)
      } else {
      }
      %add3A_206 = arith.constant 2 : i32
      %add3A_207 = arith.addi %add3A_178, %add3A_206 : i32
      %lt3A_208 = arith.cmpi slt, %add3A_207, %select_n3A : i32
      %convert_element_type3A_209 = arith.extui %lt3A_208 : i1 to i32
      %cond3A_210 = arith.constant 0 : i32
      %cond3A_211 = arith.cmpi ne, %convert_element_type3A_209, %cond3A_210 : i32
      scf.if %cond3A_211 {
        %add3A_417 = arith.constant 2 : i32
        %add3A_418 = arith.addi %add3A_178, %add3A_417 : i32
        %add3A_419 = arith.addi %select_n3A_8, %add3A_418 : i32
        %dma_wait3A_420 = arith.constant 0 : i32
        %dma_wait3A_421 = arith.constant 0 : i32
        %dma_wait3A_422 = tpu.memref_slice %arg2[%add3A_419, %dma_wait3A_420, %dma_wait3A_421] : memref<2880x2x112xi32, #tpu.memory_space<hbm>> -> memref<1x2x112xi32, #tpu.memory_space<hbm>>
        %dma_wait3A_423 = tpu.memref_squeeze %dma_wait3A_422 : memref<1x2x112xi32, #tpu.memory_space<hbm>> -> memref<2x112xi32, #tpu.memory_space<hbm>>
        %dma_wait3A_424 = arith.constant 0 : i32
        %dma_wait3A_425 = arith.constant 0 : i32
        %dma_wait3A_426 = tpu.memref_slice %arg2[%add3A_419, %dma_wait3A_424, %dma_wait3A_425] : memref<2880x2x112xi32, #tpu.memory_space<hbm>> -> memref<1x2x112xi32, #tpu.memory_space<hbm>>
        %dma_wait3A_427 = tpu.memref_squeeze %dma_wait3A_426 : memref<1x2x112xi32, #tpu.memory_space<hbm>> -> memref<2x112xi32, #tpu.memory_space<hbm>>
        tpu.wait_dma2 semaphore(%arg23 : memref<!tpu.dma_semaphore, #tpu.memory_space<semaphore_mem>>) src(%dma_wait3A_427 : memref<2x112xi32, #tpu.memory_space<hbm>>) dst(%arg10 : memref<2x112xi32, #tpu.memory_space<vmem>>)
        %dma_start3A_428 = arith.constant 0 : i32
        %dma_start3A_429 = arith.constant 0 : i32
        %dma_start3A_430 = tpu.memref_slice %arg10[%dma_start3A_428, %dma_start3A_429] : memref<2x112xi32, #tpu.memory_space<vmem>> -> memref<1x112xi32, #tpu.memory_space<vmem>>
        %dma_start3A_431 = tpu.memref_squeeze %dma_start3A_430 : memref<1x112xi32, #tpu.memory_space<vmem>> -> memref<112xi32, #tpu.memory_space<vmem>>
        %dma_start3A_432 = arith.constant 0 : i32
        %dma_start3A_433 = arith.constant 0 : i32
        %dma_start3A_434 = tpu.memref_slice %arg3[%dma_start3A_432, %dma_start3A_433] : memref<10112x128xf32, #tpu.memory_space<hbm>> -> memref<10112x128xf32, #tpu.memory_space<hbm>>
        tpu.enqueue_indirect_dma source(%dma_start3A_434 : memref<10112x128xf32, #tpu.memory_space<hbm>>) target(%arg16 : memref<112x128xf32, #tpu.memory_space<vmem>>) offsets(%dma_start3A_431 : memref<112xi32, #tpu.memory_space<vmem>>) semaphore(%arg29 : memref<!tpu.dma_semaphore, #tpu.memory_space<semaphore_mem>>)
      } else {
      }
      %mul3A_212 = arith.constant 6 : i32
      %mul3A_213 = arith.muli %while3A_174, %mul3A_212 : i32
      %add3A_214 = arith.constant 1 : i32
      %add3A_215 = arith.addi %mul3A_213, %add3A_214 : i32
      %dma_wait3A_216 = arith.constant 0 : i32
      %dma_wait3A_217 = arith.constant 0 : i32
      %dma_wait3A_218 = tpu.memref_slice %arg9[%dma_wait3A_216, %dma_wait3A_217] : memref<2x112xi32, #tpu.memory_space<vmem>> -> memref<1x112xi32, #tpu.memory_space<vmem>>
      %dma_wait3A_219 = tpu.memref_squeeze %dma_wait3A_218 : memref<1x112xi32, #tpu.memory_space<vmem>> -> memref<112xi32, #tpu.memory_space<vmem>>
      %dma_wait3A_220 = arith.constant 0 : i32
      %dma_wait3A_221 = arith.constant 0 : i32
      %dma_wait3A_222 = tpu.memref_slice %arg3[%dma_wait3A_220, %dma_wait3A_221] : memref<10112x128xf32, #tpu.memory_space<hbm>> -> memref<10112x128xf32, #tpu.memory_space<hbm>>
      tpu.wait_indirect_dma semaphore(%arg28 : memref<!tpu.dma_semaphore, #tpu.memory_space<semaphore_mem>>) src(%dma_wait3A_222 : memref<10112x128xf32, #tpu.memory_space<hbm>>) dst(%arg15 : memref<112x128xf32, #tpu.memory_space<vmem>>)
      %dma_start3A_223 = arith.constant 1 : i32
      %dma_start3A_224 = arith.constant 0 : i32
      %dma_start3A_225 = tpu.memref_slice %arg9[%dma_start3A_223, %dma_start3A_224] : memref<2x112xi32, #tpu.memory_space<vmem>> -> memref<1x112xi32, #tpu.memory_space<vmem>>
      %dma_start3A_226 = tpu.memref_squeeze %dma_start3A_225 : memref<1x112xi32, #tpu.memory_space<vmem>> -> memref<112xi32, #tpu.memory_space<vmem>>
      %dma_start3A_227 = arith.constant 0 : i32
      %dma_start3A_228 = arith.constant 0 : i32
      %dma_start3A_229 = tpu.memref_slice %arg19[%dma_start3A_227, %dma_start3A_228] : memref<10112x128xf32, #tpu.memory_space<vmem_shared>> -> memref<10112x128xf32, #tpu.memory_space<vmem_shared>>
      tpu.enqueue_indirect_dma source(%arg15 : memref<112x128xf32, #tpu.memory_space<vmem>>) target(%dma_start3A_229 : memref<10112x128xf32, #tpu.memory_space<vmem_shared>>) offsets(%dma_start3A_226 : memref<112xi32, #tpu.memory_space<vmem>>) semaphore(%arg31 : memref<!tpu.dma_semaphore, #tpu.memory_space<semaphore_mem>>) {add = true}
      %dma_start3A_230 = arith.constant 1 : i32
      %dma_start3A_231 = arith.constant 0 : i32
      %dma_start3A_232 = tpu.memref_slice %arg9[%dma_start3A_230, %dma_start3A_231] : memref<2x112xi32, #tpu.memory_space<vmem>> -> memref<1x112xi32, #tpu.memory_space<vmem>>
      %dma_start3A_233 = tpu.memref_squeeze %dma_start3A_232 : memref<1x112xi32, #tpu.memory_space<vmem>> -> memref<112xi32, #tpu.memory_space<vmem>>
      %dma_start3A_234 = arith.constant 0 : i32
      %dma_start3A_235 = tpu.memref_slice %arg20[%dma_start3A_234] : memref<10240xf32, #tpu.memory_space<vmem_shared>> -> memref<10240xf32, #tpu.memory_space<vmem_shared>>
      tpu.enqueue_indirect_dma source(%arg17 : memref<112xf32, #tpu.memory_space<vmem>>) target(%dma_start3A_235 : memref<10240xf32, #tpu.memory_space<vmem_shared>>) offsets(%dma_start3A_233 : memref<112xi32, #tpu.memory_space<vmem>>) semaphore(%arg34 : memref<!tpu.dma_semaphore, #tpu.memory_space<semaphore_mem>>) {add = true}
      %ge3A_236 = arith.constant 1 : i32
      %ge3A_237 = arith.cmpi sge, %add3A_215, %ge3A_236 : i32
      %convert_element_type3A_238 = arith.extui %ge3A_237 : i1 to i32
      %cond3A_239 = arith.constant 0 : i32
      %cond3A_240 = arith.cmpi ne, %convert_element_type3A_238, %cond3A_239 : i32
      scf.if %cond3A_240 {
        %dma_wait3A_417 = arith.constant 1 : i32
        %dma_wait3A_418 = arith.constant 0 : i32
        %dma_wait3A_419 = tpu.memref_slice %arg8[%dma_wait3A_417, %dma_wait3A_418] : memref<2x112xi32, #tpu.memory_space<vmem>> -> memref<1x112xi32, #tpu.memory_space<vmem>>
        %dma_wait3A_420 = tpu.memref_squeeze %dma_wait3A_419 : memref<1x112xi32, #tpu.memory_space<vmem>> -> memref<112xi32, #tpu.memory_space<vmem>>
        %dma_wait3A_421 = arith.constant 0 : i32
        %dma_wait3A_422 = arith.constant 0 : i32
        %dma_wait3A_423 = tpu.memref_slice %arg19[%dma_wait3A_421, %dma_wait3A_422] : memref<10112x128xf32, #tpu.memory_space<vmem_shared>> -> memref<10112x128xf32, #tpu.memory_space<vmem_shared>>
        tpu.wait_indirect_dma semaphore(%arg30 : memref<!tpu.dma_semaphore, #tpu.memory_space<semaphore_mem>>) src(%arg14 : memref<112x128xf32, #tpu.memory_space<vmem>>) dst(%dma_wait3A_423 : memref<10112x128xf32, #tpu.memory_space<vmem_shared>>)
        %dma_wait3A_424 = arith.constant 1 : i32
        %dma_wait3A_425 = arith.constant 0 : i32
        %dma_wait3A_426 = tpu.memref_slice %arg8[%dma_wait3A_424, %dma_wait3A_425] : memref<2x112xi32, #tpu.memory_space<vmem>> -> memref<1x112xi32, #tpu.memory_space<vmem>>
        %dma_wait3A_427 = tpu.memref_squeeze %dma_wait3A_426 : memref<1x112xi32, #tpu.memory_space<vmem>> -> memref<112xi32, #tpu.memory_space<vmem>>
        %dma_wait3A_428 = arith.constant 0 : i32
        %dma_wait3A_429 = tpu.memref_slice %arg20[%dma_wait3A_428] : memref<10240xf32, #tpu.memory_space<vmem_shared>> -> memref<10240xf32, #tpu.memory_space<vmem_shared>>
        tpu.wait_indirect_dma semaphore(%arg33 : memref<!tpu.dma_semaphore, #tpu.memory_space<semaphore_mem>>) src(%arg17 : memref<112xf32, #tpu.memory_space<vmem>>) dst(%dma_wait3A_429 : memref<10240xf32, #tpu.memory_space<vmem_shared>>)
      } else {
      }
      %add3A_241 = arith.constant 4 : i32
      %add3A_242 = arith.addi %add3A_215, %add3A_241 : i32
      %lt3A_243 = arith.cmpi slt, %add3A_242, %select_n3A : i32
      %convert_element_type3A_244 = arith.extui %lt3A_243 : i1 to i32
      %cond3A_245 = arith.constant 0 : i32
      %cond3A_246 = arith.cmpi ne, %convert_element_type3A_244, %cond3A_245 : i32
      scf.if %cond3A_246 {
        %add3A_417 = arith.constant 4 : i32
        %add3A_418 = arith.addi %add3A_215, %add3A_417 : i32
        %add3A_419 = arith.addi %select_n3A_8, %add3A_418 : i32
        %dma_start3A_420 = arith.constant 0 : i32
        %dma_start3A_421 = arith.constant 0 : i32
        %dma_start3A_422 = tpu.memref_slice %arg2[%add3A_419, %dma_start3A_420, %dma_start3A_421] : memref<2880x2x112xi32, #tpu.memory_space<hbm>> -> memref<1x2x112xi32, #tpu.memory_space<hbm>>
        %dma_start3A_423 = tpu.memref_squeeze %dma_start3A_422 : memref<1x2x112xi32, #tpu.memory_space<hbm>> -> memref<2x112xi32, #tpu.memory_space<hbm>>
        %dma_start3A_424 = arith.constant 0 : i32
        %dma_start3A_425 = arith.constant 0 : i32
        %dma_start3A_426 = tpu.memref_slice %arg2[%add3A_419, %dma_start3A_424, %dma_start3A_425] : memref<2880x2x112xi32, #tpu.memory_space<hbm>> -> memref<1x2x112xi32, #tpu.memory_space<hbm>>
        %dma_start3A_427 = tpu.memref_squeeze %dma_start3A_426 : memref<1x2x112xi32, #tpu.memory_space<hbm>> -> memref<2x112xi32, #tpu.memory_space<hbm>>
        tpu.enqueue_dma source(%dma_start3A_427 : memref<2x112xi32, #tpu.memory_space<hbm>>) target(%arg13 : memref<2x112xi32, #tpu.memory_space<vmem>>) target_semaphore(%arg26 : memref<!tpu.dma_semaphore, #tpu.memory_space<semaphore_mem>>)
      } else {
      }
      %add3A_247 = arith.constant 2 : i32
      %add3A_248 = arith.addi %add3A_215, %add3A_247 : i32
      %lt3A_249 = arith.cmpi slt, %add3A_248, %select_n3A : i32
      %convert_element_type3A_250 = arith.extui %lt3A_249 : i1 to i32
      %cond3A_251 = arith.constant 0 : i32
      %cond3A_252 = arith.cmpi ne, %convert_element_type3A_250, %cond3A_251 : i32
      scf.if %cond3A_252 {
        %add3A_417 = arith.constant 2 : i32
        %add3A_418 = arith.addi %add3A_215, %add3A_417 : i32
        %add3A_419 = arith.addi %select_n3A_8, %add3A_418 : i32
        %dma_wait3A_420 = arith.constant 0 : i32
        %dma_wait3A_421 = arith.constant 0 : i32
        %dma_wait3A_422 = tpu.memref_slice %arg2[%add3A_419, %dma_wait3A_420, %dma_wait3A_421] : memref<2880x2x112xi32, #tpu.memory_space<hbm>> -> memref<1x2x112xi32, #tpu.memory_space<hbm>>
        %dma_wait3A_423 = tpu.memref_squeeze %dma_wait3A_422 : memref<1x2x112xi32, #tpu.memory_space<hbm>> -> memref<2x112xi32, #tpu.memory_space<hbm>>
        %dma_wait3A_424 = arith.constant 0 : i32
        %dma_wait3A_425 = arith.constant 0 : i32
        %dma_wait3A_426 = tpu.memref_slice %arg2[%add3A_419, %dma_wait3A_424, %dma_wait3A_425] : memref<2880x2x112xi32, #tpu.memory_space<hbm>> -> memref<1x2x112xi32, #tpu.memory_space<hbm>>
        %dma_wait3A_427 = tpu.memref_squeeze %dma_wait3A_426 : memref<1x2x112xi32, #tpu.memory_space<hbm>> -> memref<2x112xi32, #tpu.memory_space<hbm>>
        tpu.wait_dma2 semaphore(%arg24 : memref<!tpu.dma_semaphore, #tpu.memory_space<semaphore_mem>>) src(%dma_wait3A_427 : memref<2x112xi32, #tpu.memory_space<hbm>>) dst(%arg11 : memref<2x112xi32, #tpu.memory_space<vmem>>)
        %dma_start3A_428 = arith.constant 0 : i32
        %dma_start3A_429 = arith.constant 0 : i32
        %dma_start3A_430 = tpu.memref_slice %arg11[%dma_start3A_428, %dma_start3A_429] : memref<2x112xi32, #tpu.memory_space<vmem>> -> memref<1x112xi32, #tpu.memory_space<vmem>>
        %dma_start3A_431 = tpu.memref_squeeze %dma_start3A_430 : memref<1x112xi32, #tpu.memory_space<vmem>> -> memref<112xi32, #tpu.memory_space<vmem>>
        %dma_start3A_432 = arith.constant 0 : i32
        %dma_start3A_433 = arith.constant 0 : i32
        %dma_start3A_434 = tpu.memref_slice %arg3[%dma_start3A_432, %dma_start3A_433] : memref<10112x128xf32, #tpu.memory_space<hbm>> -> memref<10112x128xf32, #tpu.memory_space<hbm>>
        tpu.enqueue_indirect_dma source(%dma_start3A_434 : memref<10112x128xf32, #tpu.memory_space<hbm>>) target(%arg14 : memref<112x128xf32, #tpu.memory_space<vmem>>) offsets(%dma_start3A_431 : memref<112xi32, #tpu.memory_space<vmem>>) semaphore(%arg27 : memref<!tpu.dma_semaphore, #tpu.memory_space<semaphore_mem>>)
      } else {
      }
      %mul3A_253 = arith.constant 6 : i32
      %mul3A_254 = arith.muli %while3A_174, %mul3A_253 : i32
      %add3A_255 = arith.constant 2 : i32
      %add3A_256 = arith.addi %mul3A_254, %add3A_255 : i32
      %dma_wait3A_257 = arith.constant 0 : i32
      %dma_wait3A_258 = arith.constant 0 : i32
      %dma_wait3A_259 = tpu.memref_slice %arg10[%dma_wait3A_257, %dma_wait3A_258] : memref<2x112xi32, #tpu.memory_space<vmem>> -> memref<1x112xi32, #tpu.memory_space<vmem>>
      %dma_wait3A_260 = tpu.memref_squeeze %dma_wait3A_259 : memref<1x112xi32, #tpu.memory_space<vmem>> -> memref<112xi32, #tpu.memory_space<vmem>>
      %dma_wait3A_261 = arith.constant 0 : i32
      %dma_wait3A_262 = arith.constant 0 : i32
      %dma_wait3A_263 = tpu.memref_slice %arg3[%dma_wait3A_261, %dma_wait3A_262] : memref<10112x128xf32, #tpu.memory_space<hbm>> -> memref<10112x128xf32, #tpu.memory_space<hbm>>
      tpu.wait_indirect_dma semaphore(%arg29 : memref<!tpu.dma_semaphore, #tpu.memory_space<semaphore_mem>>) src(%dma_wait3A_263 : memref<10112x128xf32, #tpu.memory_space<hbm>>) dst(%arg16 : memref<112x128xf32, #tpu.memory_space<vmem>>)
      %dma_start3A_264 = arith.constant 1 : i32
      %dma_start3A_265 = arith.constant 0 : i32
      %dma_start3A_266 = tpu.memref_slice %arg10[%dma_start3A_264, %dma_start3A_265] : memref<2x112xi32, #tpu.memory_space<vmem>> -> memref<1x112xi32, #tpu.memory_space<vmem>>
      %dma_start3A_267 = tpu.memref_squeeze %dma_start3A_266 : memref<1x112xi32, #tpu.memory_space<vmem>> -> memref<112xi32, #tpu.memory_space<vmem>>
      %dma_start3A_268 = arith.constant 0 : i32
      %dma_start3A_269 = arith.constant 0 : i32
      %dma_start3A_270 = tpu.memref_slice %arg19[%dma_start3A_268, %dma_start3A_269] : memref<10112x128xf32, #tpu.memory_space<vmem_shared>> -> memref<10112x128xf32, #tpu.memory_space<vmem_shared>>
      tpu.enqueue_indirect_dma source(%arg16 : memref<112x128xf32, #tpu.memory_space<vmem>>) target(%dma_start3A_270 : memref<10112x128xf32, #tpu.memory_space<vmem_shared>>) offsets(%dma_start3A_267 : memref<112xi32, #tpu.memory_space<vmem>>) semaphore(%arg32 : memref<!tpu.dma_semaphore, #tpu.memory_space<semaphore_mem>>) {add = true}
      %dma_start3A_271 = arith.constant 1 : i32
      %dma_start3A_272 = arith.constant 0 : i32
      %dma_start3A_273 = tpu.memref_slice %arg10[%dma_start3A_271, %dma_start3A_272] : memref<2x112xi32, #tpu.memory_space<vmem>> -> memref<1x112xi32, #tpu.memory_space<vmem>>
      %dma_start3A_274 = tpu.memref_squeeze %dma_start3A_273 : memref<1x112xi32, #tpu.memory_space<vmem>> -> memref<112xi32, #tpu.memory_space<vmem>>
      %dma_start3A_275 = arith.constant 0 : i32
      %dma_start3A_276 = tpu.memref_slice %arg20[%dma_start3A_275] : memref<10240xf32, #tpu.memory_space<vmem_shared>> -> memref<10240xf32, #tpu.memory_space<vmem_shared>>
      tpu.enqueue_indirect_dma source(%arg17 : memref<112xf32, #tpu.memory_space<vmem>>) target(%dma_start3A_276 : memref<10240xf32, #tpu.memory_space<vmem_shared>>) offsets(%dma_start3A_274 : memref<112xi32, #tpu.memory_space<vmem>>) semaphore(%arg35 : memref<!tpu.dma_semaphore, #tpu.memory_space<semaphore_mem>>) {add = true}
      %ge3A_277 = arith.constant 1 : i32
      %ge3A_278 = arith.cmpi sge, %add3A_256, %ge3A_277 : i32
      %convert_element_type3A_279 = arith.extui %ge3A_278 : i1 to i32
      %cond3A_280 = arith.constant 0 : i32
      %cond3A_281 = arith.cmpi ne, %convert_element_type3A_279, %cond3A_280 : i32
      scf.if %cond3A_281 {
        %dma_wait3A_417 = arith.constant 1 : i32
        %dma_wait3A_418 = arith.constant 0 : i32
        %dma_wait3A_419 = tpu.memref_slice %arg9[%dma_wait3A_417, %dma_wait3A_418] : memref<2x112xi32, #tpu.memory_space<vmem>> -> memref<1x112xi32, #tpu.memory_space<vmem>>
        %dma_wait3A_420 = tpu.memref_squeeze %dma_wait3A_419 : memref<1x112xi32, #tpu.memory_space<vmem>> -> memref<112xi32, #tpu.memory_space<vmem>>
        %dma_wait3A_421 = arith.constant 0 : i32
        %dma_wait3A_422 = arith.constant 0 : i32
        %dma_wait3A_423 = tpu.memref_slice %arg19[%dma_wait3A_421, %dma_wait3A_422] : memref<10112x128xf32, #tpu.memory_space<vmem_shared>> -> memref<10112x128xf32, #tpu.memory_space<vmem_shared>>
        tpu.wait_indirect_dma semaphore(%arg31 : memref<!tpu.dma_semaphore, #tpu.memory_space<semaphore_mem>>) src(%arg15 : memref<112x128xf32, #tpu.memory_space<vmem>>) dst(%dma_wait3A_423 : memref<10112x128xf32, #tpu.memory_space<vmem_shared>>)
        %dma_wait3A_424 = arith.constant 1 : i32
        %dma_wait3A_425 = arith.constant 0 : i32
        %dma_wait3A_426 = tpu.memref_slice %arg9[%dma_wait3A_424, %dma_wait3A_425] : memref<2x112xi32, #tpu.memory_space<vmem>> -> memref<1x112xi32, #tpu.memory_space<vmem>>
        %dma_wait3A_427 = tpu.memref_squeeze %dma_wait3A_426 : memref<1x112xi32, #tpu.memory_space<vmem>> -> memref<112xi32, #tpu.memory_space<vmem>>
        %dma_wait3A_428 = arith.constant 0 : i32
        %dma_wait3A_429 = tpu.memref_slice %arg20[%dma_wait3A_428] : memref<10240xf32, #tpu.memory_space<vmem_shared>> -> memref<10240xf32, #tpu.memory_space<vmem_shared>>
        tpu.wait_indirect_dma semaphore(%arg34 : memref<!tpu.dma_semaphore, #tpu.memory_space<semaphore_mem>>) src(%arg17 : memref<112xf32, #tpu.memory_space<vmem>>) dst(%dma_wait3A_429 : memref<10240xf32, #tpu.memory_space<vmem_shared>>)
      } else {
      }
      %add3A_282 = arith.constant 4 : i32
      %add3A_283 = arith.addi %add3A_256, %add3A_282 : i32
      %lt3A_284 = arith.cmpi slt, %add3A_283, %select_n3A : i32
      %convert_element_type3A_285 = arith.extui %lt3A_284 : i1 to i32
      %cond3A_286 = arith.constant 0 : i32
      %cond3A_287 = arith.cmpi ne, %convert_element_type3A_285, %cond3A_286 : i32
      scf.if %cond3A_287 {
        %add3A_417 = arith.constant 4 : i32
        %add3A_418 = arith.addi %add3A_256, %add3A_417 : i32
        %add3A_419 = arith.addi %select_n3A_8, %add3A_418 : i32
        %dma_start3A_420 = arith.constant 0 : i32
        %dma_start3A_421 = arith.constant 0 : i32
        %dma_start3A_422 = tpu.memref_slice %arg2[%add3A_419, %dma_start3A_420, %dma_start3A_421] : memref<2880x2x112xi32, #tpu.memory_space<hbm>> -> memref<1x2x112xi32, #tpu.memory_space<hbm>>
        %dma_start3A_423 = tpu.memref_squeeze %dma_start3A_422 : memref<1x2x112xi32, #tpu.memory_space<hbm>> -> memref<2x112xi32, #tpu.memory_space<hbm>>
        %dma_start3A_424 = arith.constant 0 : i32
        %dma_start3A_425 = arith.constant 0 : i32
        %dma_start3A_426 = tpu.memref_slice %arg2[%add3A_419, %dma_start3A_424, %dma_start3A_425] : memref<2880x2x112xi32, #tpu.memory_space<hbm>> -> memref<1x2x112xi32, #tpu.memory_space<hbm>>
        %dma_start3A_427 = tpu.memref_squeeze %dma_start3A_426 : memref<1x2x112xi32, #tpu.memory_space<hbm>> -> memref<2x112xi32, #tpu.memory_space<hbm>>
        tpu.enqueue_dma source(%dma_start3A_427 : memref<2x112xi32, #tpu.memory_space<hbm>>) target(%arg8 : memref<2x112xi32, #tpu.memory_space<vmem>>) target_semaphore(%arg21 : memref<!tpu.dma_semaphore, #tpu.memory_space<semaphore_mem>>)
      } else {
      }
      %add3A_288 = arith.constant 2 : i32
      %add3A_289 = arith.addi %add3A_256, %add3A_288 : i32
      %lt3A_290 = arith.cmpi slt, %add3A_289, %select_n3A : i32
      %convert_element_type3A_291 = arith.extui %lt3A_290 : i1 to i32
      %cond3A_292 = arith.constant 0 : i32
      %cond3A_293 = arith.cmpi ne, %convert_element_type3A_291, %cond3A_292 : i32
      scf.if %cond3A_293 {
        %add3A_417 = arith.constant 2 : i32
        %add3A_418 = arith.addi %add3A_256, %add3A_417 : i32
        %add3A_419 = arith.addi %select_n3A_8, %add3A_418 : i32
        %dma_wait3A_420 = arith.constant 0 : i32
        %dma_wait3A_421 = arith.constant 0 : i32
        %dma_wait3A_422 = tpu.memref_slice %arg2[%add3A_419, %dma_wait3A_420, %dma_wait3A_421] : memref<2880x2x112xi32, #tpu.memory_space<hbm>> -> memref<1x2x112xi32, #tpu.memory_space<hbm>>
        %dma_wait3A_423 = tpu.memref_squeeze %dma_wait3A_422 : memref<1x2x112xi32, #tpu.memory_space<hbm>> -> memref<2x112xi32, #tpu.memory_space<hbm>>
        %dma_wait3A_424 = arith.constant 0 : i32
        %dma_wait3A_425 = arith.constant 0 : i32
        %dma_wait3A_426 = tpu.memref_slice %arg2[%add3A_419, %dma_wait3A_424, %dma_wait3A_425] : memref<2880x2x112xi32, #tpu.memory_space<hbm>> -> memref<1x2x112xi32, #tpu.memory_space<hbm>>
        %dma_wait3A_427 = tpu.memref_squeeze %dma_wait3A_426 : memref<1x2x112xi32, #tpu.memory_space<hbm>> -> memref<2x112xi32, #tpu.memory_space<hbm>>
        tpu.wait_dma2 semaphore(%arg25 : memref<!tpu.dma_semaphore, #tpu.memory_space<semaphore_mem>>) src(%dma_wait3A_427 : memref<2x112xi32, #tpu.memory_space<hbm>>) dst(%arg12 : memref<2x112xi32, #tpu.memory_space<vmem>>)
        %dma_start3A_428 = arith.constant 0 : i32
        %dma_start3A_429 = arith.constant 0 : i32
        %dma_start3A_430 = tpu.memref_slice %arg12[%dma_start3A_428, %dma_start3A_429] : memref<2x112xi32, #tpu.memory_space<vmem>> -> memref<1x112xi32, #tpu.memory_space<vmem>>
        %dma_start3A_431 = tpu.memref_squeeze %dma_start3A_430 : memref<1x112xi32, #tpu.memory_space<vmem>> -> memref<112xi32, #tpu.memory_space<vmem>>
        %dma_start3A_432 = arith.constant 0 : i32
        %dma_start3A_433 = arith.constant 0 : i32
        %dma_start3A_434 = tpu.memref_slice %arg3[%dma_start3A_432, %dma_start3A_433] : memref<10112x128xf32, #tpu.memory_space<hbm>> -> memref<10112x128xf32, #tpu.memory_space<hbm>>
        tpu.enqueue_indirect_dma source(%dma_start3A_434 : memref<10112x128xf32, #tpu.memory_space<hbm>>) target(%arg15 : memref<112x128xf32, #tpu.memory_space<vmem>>) offsets(%dma_start3A_431 : memref<112xi32, #tpu.memory_space<vmem>>) semaphore(%arg28 : memref<!tpu.dma_semaphore, #tpu.memory_space<semaphore_mem>>)
      } else {
      }
      %mul3A_294 = arith.constant 6 : i32
      %mul3A_295 = arith.muli %while3A_174, %mul3A_294 : i32
      %add3A_296 = arith.constant 3 : i32
      %add3A_297 = arith.addi %mul3A_295, %add3A_296 : i32
      %dma_wait3A_298 = arith.constant 0 : i32
      %dma_wait3A_299 = arith.constant 0 : i32
      %dma_wait3A_300 = tpu.memref_slice %arg11[%dma_wait3A_298, %dma_wait3A_299] : memref<2x112xi32, #tpu.memory_space<vmem>> -> memref<1x112xi32, #tpu.memory_space<vmem>>
      %dma_wait3A_301 = tpu.memref_squeeze %dma_wait3A_300 : memref<1x112xi32, #tpu.memory_space<vmem>> -> memref<112xi32, #tpu.memory_space<vmem>>
      %dma_wait3A_302 = arith.constant 0 : i32
      %dma_wait3A_303 = arith.constant 0 : i32
      %dma_wait3A_304 = tpu.memref_slice %arg3[%dma_wait3A_302, %dma_wait3A_303] : memref<10112x128xf32, #tpu.memory_space<hbm>> -> memref<10112x128xf32, #tpu.memory_space<hbm>>
      tpu.wait_indirect_dma semaphore(%arg27 : memref<!tpu.dma_semaphore, #tpu.memory_space<semaphore_mem>>) src(%dma_wait3A_304 : memref<10112x128xf32, #tpu.memory_space<hbm>>) dst(%arg14 : memref<112x128xf32, #tpu.memory_space<vmem>>)
      %dma_start3A_305 = arith.constant 1 : i32
      %dma_start3A_306 = arith.constant 0 : i32
      %dma_start3A_307 = tpu.memref_slice %arg11[%dma_start3A_305, %dma_start3A_306] : memref<2x112xi32, #tpu.memory_space<vmem>> -> memref<1x112xi32, #tpu.memory_space<vmem>>
      %dma_start3A_308 = tpu.memref_squeeze %dma_start3A_307 : memref<1x112xi32, #tpu.memory_space<vmem>> -> memref<112xi32, #tpu.memory_space<vmem>>
      %dma_start3A_309 = arith.constant 0 : i32
      %dma_start3A_310 = arith.constant 0 : i32
      %dma_start3A_311 = tpu.memref_slice %arg19[%dma_start3A_309, %dma_start3A_310] : memref<10112x128xf32, #tpu.memory_space<vmem_shared>> -> memref<10112x128xf32, #tpu.memory_space<vmem_shared>>
      tpu.enqueue_indirect_dma source(%arg14 : memref<112x128xf32, #tpu.memory_space<vmem>>) target(%dma_start3A_311 : memref<10112x128xf32, #tpu.memory_space<vmem_shared>>) offsets(%dma_start3A_308 : memref<112xi32, #tpu.memory_space<vmem>>) semaphore(%arg30 : memref<!tpu.dma_semaphore, #tpu.memory_space<semaphore_mem>>) {add = true}
      %dma_start3A_312 = arith.constant 1 : i32
      %dma_start3A_313 = arith.constant 0 : i32
      %dma_start3A_314 = tpu.memref_slice %arg11[%dma_start3A_312, %dma_start3A_313] : memref<2x112xi32, #tpu.memory_space<vmem>> -> memref<1x112xi32, #tpu.memory_space<vmem>>
      %dma_start3A_315 = tpu.memref_squeeze %dma_start3A_314 : memref<1x112xi32, #tpu.memory_space<vmem>> -> memref<112xi32, #tpu.memory_space<vmem>>
      %dma_start3A_316 = arith.constant 0 : i32
      %dma_start3A_317 = tpu.memref_slice %arg20[%dma_start3A_316] : memref<10240xf32, #tpu.memory_space<vmem_shared>> -> memref<10240xf32, #tpu.memory_space<vmem_shared>>
      tpu.enqueue_indirect_dma source(%arg17 : memref<112xf32, #tpu.memory_space<vmem>>) target(%dma_start3A_317 : memref<10240xf32, #tpu.memory_space<vmem_shared>>) offsets(%dma_start3A_315 : memref<112xi32, #tpu.memory_space<vmem>>) semaphore(%arg33 : memref<!tpu.dma_semaphore, #tpu.memory_space<semaphore_mem>>) {add = true}
      %ge3A_318 = arith.constant 1 : i32
      %ge3A_319 = arith.cmpi sge, %add3A_297, %ge3A_318 : i32
      %convert_element_type3A_320 = arith.extui %ge3A_319 : i1 to i32
      %cond3A_321 = arith.constant 0 : i32
      %cond3A_322 = arith.cmpi ne, %convert_element_type3A_320, %cond3A_321 : i32
      scf.if %cond3A_322 {
        %dma_wait3A_417 = arith.constant 1 : i32
        %dma_wait3A_418 = arith.constant 0 : i32
        %dma_wait3A_419 = tpu.memref_slice %arg10[%dma_wait3A_417, %dma_wait3A_418] : memref<2x112xi32, #tpu.memory_space<vmem>> -> memref<1x112xi32, #tpu.memory_space<vmem>>
        %dma_wait3A_420 = tpu.memref_squeeze %dma_wait3A_419 : memref<1x112xi32, #tpu.memory_space<vmem>> -> memref<112xi32, #tpu.memory_space<vmem>>
        %dma_wait3A_421 = arith.constant 0 : i32
        %dma_wait3A_422 = arith.constant 0 : i32
        %dma_wait3A_423 = tpu.memref_slice %arg19[%dma_wait3A_421, %dma_wait3A_422] : memref<10112x128xf32, #tpu.memory_space<vmem_shared>> -> memref<10112x128xf32, #tpu.memory_space<vmem_shared>>
        tpu.wait_indirect_dma semaphore(%arg32 : memref<!tpu.dma_semaphore, #tpu.memory_space<semaphore_mem>>) src(%arg16 : memref<112x128xf32, #tpu.memory_space<vmem>>) dst(%dma_wait3A_423 : memref<10112x128xf32, #tpu.memory_space<vmem_shared>>)
        %dma_wait3A_424 = arith.constant 1 : i32
        %dma_wait3A_425 = arith.constant 0 : i32
        %dma_wait3A_426 = tpu.memref_slice %arg10[%dma_wait3A_424, %dma_wait3A_425] : memref<2x112xi32, #tpu.memory_space<vmem>> -> memref<1x112xi32, #tpu.memory_space<vmem>>
        %dma_wait3A_427 = tpu.memref_squeeze %dma_wait3A_426 : memref<1x112xi32, #tpu.memory_space<vmem>> -> memref<112xi32, #tpu.memory_space<vmem>>
        %dma_wait3A_428 = arith.constant 0 : i32
        %dma_wait3A_429 = tpu.memref_slice %arg20[%dma_wait3A_428] : memref<10240xf32, #tpu.memory_space<vmem_shared>> -> memref<10240xf32, #tpu.memory_space<vmem_shared>>
        tpu.wait_indirect_dma semaphore(%arg35 : memref<!tpu.dma_semaphore, #tpu.memory_space<semaphore_mem>>) src(%arg17 : memref<112xf32, #tpu.memory_space<vmem>>) dst(%dma_wait3A_429 : memref<10240xf32, #tpu.memory_space<vmem_shared>>)
      } else {
      }
      %add3A_323 = arith.constant 4 : i32
      %add3A_324 = arith.addi %add3A_297, %add3A_323 : i32
      %lt3A_325 = arith.cmpi slt, %add3A_324, %select_n3A : i32
      %convert_element_type3A_326 = arith.extui %lt3A_325 : i1 to i32
      %cond3A_327 = arith.constant 0 : i32
      %cond3A_328 = arith.cmpi ne, %convert_element_type3A_326, %cond3A_327 : i32
      scf.if %cond3A_328 {
        %add3A_417 = arith.constant 4 : i32
        %add3A_418 = arith.addi %add3A_297, %add3A_417 : i32
        %add3A_419 = arith.addi %select_n3A_8, %add3A_418 : i32
        %dma_start3A_420 = arith.constant 0 : i32
        %dma_start3A_421 = arith.constant 0 : i32
        %dma_start3A_422 = tpu.memref_slice %arg2[%add3A_419, %dma_start3A_420, %dma_start3A_421] : memref<2880x2x112xi32, #tpu.memory_space<hbm>> -> memref<1x2x112xi32, #tpu.memory_space<hbm>>
        %dma_start3A_423 = tpu.memref_squeeze %dma_start3A_422 : memref<1x2x112xi32, #tpu.memory_space<hbm>> -> memref<2x112xi32, #tpu.memory_space<hbm>>
        %dma_start3A_424 = arith.constant 0 : i32
        %dma_start3A_425 = arith.constant 0 : i32
        %dma_start3A_426 = tpu.memref_slice %arg2[%add3A_419, %dma_start3A_424, %dma_start3A_425] : memref<2880x2x112xi32, #tpu.memory_space<hbm>> -> memref<1x2x112xi32, #tpu.memory_space<hbm>>
        %dma_start3A_427 = tpu.memref_squeeze %dma_start3A_426 : memref<1x2x112xi32, #tpu.memory_space<hbm>> -> memref<2x112xi32, #tpu.memory_space<hbm>>
        tpu.enqueue_dma source(%dma_start3A_427 : memref<2x112xi32, #tpu.memory_space<hbm>>) target(%arg9 : memref<2x112xi32, #tpu.memory_space<vmem>>) target_semaphore(%arg22 : memref<!tpu.dma_semaphore, #tpu.memory_space<semaphore_mem>>)
      } else {
      }
      %add3A_329 = arith.constant 2 : i32
      %add3A_330 = arith.addi %add3A_297, %add3A_329 : i32
      %lt3A_331 = arith.cmpi slt, %add3A_330, %select_n3A : i32
      %convert_element_type3A_332 = arith.extui %lt3A_331 : i1 to i32
      %cond3A_333 = arith.constant 0 : i32
      %cond3A_334 = arith.cmpi ne, %convert_element_type3A_332, %cond3A_333 : i32
      scf.if %cond3A_334 {
        %add3A_417 = arith.constant 2 : i32
        %add3A_418 = arith.addi %add3A_297, %add3A_417 : i32
        %add3A_419 = arith.addi %select_n3A_8, %add3A_418 : i32
        %dma_wait3A_420 = arith.constant 0 : i32
        %dma_wait3A_421 = arith.constant 0 : i32
        %dma_wait3A_422 = tpu.memref_slice %arg2[%add3A_419, %dma_wait3A_420, %dma_wait3A_421] : memref<2880x2x112xi32, #tpu.memory_space<hbm>> -> memref<1x2x112xi32, #tpu.memory_space<hbm>>
        %dma_wait3A_423 = tpu.memref_squeeze %dma_wait3A_422 : memref<1x2x112xi32, #tpu.memory_space<hbm>> -> memref<2x112xi32, #tpu.memory_space<hbm>>
        %dma_wait3A_424 = arith.constant 0 : i32
        %dma_wait3A_425 = arith.constant 0 : i32
        %dma_wait3A_426 = tpu.memref_slice %arg2[%add3A_419, %dma_wait3A_424, %dma_wait3A_425] : memref<2880x2x112xi32, #tpu.memory_space<hbm>> -> memref<1x2x112xi32, #tpu.memory_space<hbm>>
        %dma_wait3A_427 = tpu.memref_squeeze %dma_wait3A_426 : memref<1x2x112xi32, #tpu.memory_space<hbm>> -> memref<2x112xi32, #tpu.memory_space<hbm>>
        tpu.wait_dma2 semaphore(%arg26 : memref<!tpu.dma_semaphore, #tpu.memory_space<semaphore_mem>>) src(%dma_wait3A_427 : memref<2x112xi32, #tpu.memory_space<hbm>>) dst(%arg13 : memref<2x112xi32, #tpu.memory_space<vmem>>)
        %dma_start3A_428 = arith.constant 0 : i32
        %dma_start3A_429 = arith.constant 0 : i32
        %dma_start3A_430 = tpu.memref_slice %arg13[%dma_start3A_428, %dma_start3A_429] : memref<2x112xi32, #tpu.memory_space<vmem>> -> memref<1x112xi32, #tpu.memory_space<vmem>>
        %dma_start3A_431 = tpu.memref_squeeze %dma_start3A_430 : memref<1x112xi32, #tpu.memory_space<vmem>> -> memref<112xi32, #tpu.memory_space<vmem>>
        %dma_start3A_432 = arith.constant 0 : i32
        %dma_start3A_433 = arith.constant 0 : i32
        %dma_start3A_434 = tpu.memref_slice %arg3[%dma_start3A_432, %dma_start3A_433] : memref<10112x128xf32, #tpu.memory_space<hbm>> -> memref<10112x128xf32, #tpu.memory_space<hbm>>
        tpu.enqueue_indirect_dma source(%dma_start3A_434 : memref<10112x128xf32, #tpu.memory_space<hbm>>) target(%arg16 : memref<112x128xf32, #tpu.memory_space<vmem>>) offsets(%dma_start3A_431 : memref<112xi32, #tpu.memory_space<vmem>>) semaphore(%arg29 : memref<!tpu.dma_semaphore, #tpu.memory_space<semaphore_mem>>)
      } else {
      }
      %mul3A_335 = arith.constant 6 : i32
      %mul3A_336 = arith.muli %while3A_174, %mul3A_335 : i32
      %add3A_337 = arith.constant 4 : i32
      %add3A_338 = arith.addi %mul3A_336, %add3A_337 : i32
      %dma_wait3A_339 = arith.constant 0 : i32
      %dma_wait3A_340 = arith.constant 0 : i32
      %dma_wait3A_341 = tpu.memref_slice %arg12[%dma_wait3A_339, %dma_wait3A_340] : memref<2x112xi32, #tpu.memory_space<vmem>> -> memref<1x112xi32, #tpu.memory_space<vmem>>
      %dma_wait3A_342 = tpu.memref_squeeze %dma_wait3A_341 : memref<1x112xi32, #tpu.memory_space<vmem>> -> memref<112xi32, #tpu.memory_space<vmem>>
      %dma_wait3A_343 = arith.constant 0 : i32
      %dma_wait3A_344 = arith.constant 0 : i32
      %dma_wait3A_345 = tpu.memref_slice %arg3[%dma_wait3A_343, %dma_wait3A_344] : memref<10112x128xf32, #tpu.memory_space<hbm>> -> memref<10112x128xf32, #tpu.memory_space<hbm>>
      tpu.wait_indirect_dma semaphore(%arg28 : memref<!tpu.dma_semaphore, #tpu.memory_space<semaphore_mem>>) src(%dma_wait3A_345 : memref<10112x128xf32, #tpu.memory_space<hbm>>) dst(%arg15 : memref<112x128xf32, #tpu.memory_space<vmem>>)
      %dma_start3A_346 = arith.constant 1 : i32
      %dma_start3A_347 = arith.constant 0 : i32
      %dma_start3A_348 = tpu.memref_slice %arg12[%dma_start3A_346, %dma_start3A_347] : memref<2x112xi32, #tpu.memory_space<vmem>> -> memref<1x112xi32, #tpu.memory_space<vmem>>
      %dma_start3A_349 = tpu.memref_squeeze %dma_start3A_348 : memref<1x112xi32, #tpu.memory_space<vmem>> -> memref<112xi32, #tpu.memory_space<vmem>>
      %dma_start3A_350 = arith.constant 0 : i32
      %dma_start3A_351 = arith.constant 0 : i32
      %dma_start3A_352 = tpu.memref_slice %arg19[%dma_start3A_350, %dma_start3A_351] : memref<10112x128xf32, #tpu.memory_space<vmem_shared>> -> memref<10112x128xf32, #tpu.memory_space<vmem_shared>>
      tpu.enqueue_indirect_dma source(%arg15 : memref<112x128xf32, #tpu.memory_space<vmem>>) target(%dma_start3A_352 : memref<10112x128xf32, #tpu.memory_space<vmem_shared>>) offsets(%dma_start3A_349 : memref<112xi32, #tpu.memory_space<vmem>>) semaphore(%arg31 : memref<!tpu.dma_semaphore, #tpu.memory_space<semaphore_mem>>) {add = true}
      %dma_start3A_353 = arith.constant 1 : i32
      %dma_start3A_354 = arith.constant 0 : i32
      %dma_start3A_355 = tpu.memref_slice %arg12[%dma_start3A_353, %dma_start3A_354] : memref<2x112xi32, #tpu.memory_space<vmem>> -> memref<1x112xi32, #tpu.memory_space<vmem>>
      %dma_start3A_356 = tpu.memref_squeeze %dma_start3A_355 : memref<1x112xi32, #tpu.memory_space<vmem>> -> memref<112xi32, #tpu.memory_space<vmem>>
      %dma_start3A_357 = arith.constant 0 : i32
      %dma_start3A_358 = tpu.memref_slice %arg20[%dma_start3A_357] : memref<10240xf32, #tpu.memory_space<vmem_shared>> -> memref<10240xf32, #tpu.memory_space<vmem_shared>>
      tpu.enqueue_indirect_dma source(%arg17 : memref<112xf32, #tpu.memory_space<vmem>>) target(%dma_start3A_358 : memref<10240xf32, #tpu.memory_space<vmem_shared>>) offsets(%dma_start3A_356 : memref<112xi32, #tpu.memory_space<vmem>>) semaphore(%arg34 : memref<!tpu.dma_semaphore, #tpu.memory_space<semaphore_mem>>) {add = true}
      %ge3A_359 = arith.constant 1 : i32
      %ge3A_360 = arith.cmpi sge, %add3A_338, %ge3A_359 : i32
      %convert_element_type3A_361 = arith.extui %ge3A_360 : i1 to i32
      %cond3A_362 = arith.constant 0 : i32
      %cond3A_363 = arith.cmpi ne, %convert_element_type3A_361, %cond3A_362 : i32
      scf.if %cond3A_363 {
        %dma_wait3A_417 = arith.constant 1 : i32
        %dma_wait3A_418 = arith.constant 0 : i32
        %dma_wait3A_419 = tpu.memref_slice %arg11[%dma_wait3A_417, %dma_wait3A_418] : memref<2x112xi32, #tpu.memory_space<vmem>> -> memref<1x112xi32, #tpu.memory_space<vmem>>
        %dma_wait3A_420 = tpu.memref_squeeze %dma_wait3A_419 : memref<1x112xi32, #tpu.memory_space<vmem>> -> memref<112xi32, #tpu.memory_space<vmem>>
        %dma_wait3A_421 = arith.constant 0 : i32
        %dma_wait3A_422 = arith.constant 0 : i32
        %dma_wait3A_423 = tpu.memref_slice %arg19[%dma_wait3A_421, %dma_wait3A_422] : memref<10112x128xf32, #tpu.memory_space<vmem_shared>> -> memref<10112x128xf32, #tpu.memory_space<vmem_shared>>
        tpu.wait_indirect_dma semaphore(%arg30 : memref<!tpu.dma_semaphore, #tpu.memory_space<semaphore_mem>>) src(%arg14 : memref<112x128xf32, #tpu.memory_space<vmem>>) dst(%dma_wait3A_423 : memref<10112x128xf32, #tpu.memory_space<vmem_shared>>)
        %dma_wait3A_424 = arith.constant 1 : i32
        %dma_wait3A_425 = arith.constant 0 : i32
        %dma_wait3A_426 = tpu.memref_slice %arg11[%dma_wait3A_424, %dma_wait3A_425] : memref<2x112xi32, #tpu.memory_space<vmem>> -> memref<1x112xi32, #tpu.memory_space<vmem>>
        %dma_wait3A_427 = tpu.memref_squeeze %dma_wait3A_426 : memref<1x112xi32, #tpu.memory_space<vmem>> -> memref<112xi32, #tpu.memory_space<vmem>>
        %dma_wait3A_428 = arith.constant 0 : i32
        %dma_wait3A_429 = tpu.memref_slice %arg20[%dma_wait3A_428] : memref<10240xf32, #tpu.memory_space<vmem_shared>> -> memref<10240xf32, #tpu.memory_space<vmem_shared>>
        tpu.wait_indirect_dma semaphore(%arg33 : memref<!tpu.dma_semaphore, #tpu.memory_space<semaphore_mem>>) src(%arg17 : memref<112xf32, #tpu.memory_space<vmem>>) dst(%dma_wait3A_429 : memref<10240xf32, #tpu.memory_space<vmem_shared>>)
      } else {
      }
      %add3A_364 = arith.constant 4 : i32
      %add3A_365 = arith.addi %add3A_338, %add3A_364 : i32
      %lt3A_366 = arith.cmpi slt, %add3A_365, %select_n3A : i32
      %convert_element_type3A_367 = arith.extui %lt3A_366 : i1 to i32
      %cond3A_368 = arith.constant 0 : i32
      %cond3A_369 = arith.cmpi ne, %convert_element_type3A_367, %cond3A_368 : i32
      scf.if %cond3A_369 {
        %add3A_417 = arith.constant 4 : i32
        %add3A_418 = arith.addi %add3A_338, %add3A_417 : i32
        %add3A_419 = arith.addi %select_n3A_8, %add3A_418 : i32
        %dma_start3A_420 = arith.constant 0 : i32
        %dma_start3A_421 = arith.constant 0 : i32
        %dma_start3A_422 = tpu.memref_slice %arg2[%add3A_419, %dma_start3A_420, %dma_start3A_421] : memref<2880x2x112xi32, #tpu.memory_space<hbm>> -> memref<1x2x112xi32, #tpu.memory_space<hbm>>
        %dma_start3A_423 = tpu.memref_squeeze %dma_start3A_422 : memref<1x2x112xi32, #tpu.memory_space<hbm>> -> memref<2x112xi32, #tpu.memory_space<hbm>>
        %dma_start3A_424 = arith.constant 0 : i32
        %dma_start3A_425 = arith.constant 0 : i32
        %dma_start3A_426 = tpu.memref_slice %arg2[%add3A_419, %dma_start3A_424, %dma_start3A_425] : memref<2880x2x112xi32, #tpu.memory_space<hbm>> -> memref<1x2x112xi32, #tpu.memory_space<hbm>>
        %dma_start3A_427 = tpu.memref_squeeze %dma_start3A_426 : memref<1x2x112xi32, #tpu.memory_space<hbm>> -> memref<2x112xi32, #tpu.memory_space<hbm>>
        tpu.enqueue_dma source(%dma_start3A_427 : memref<2x112xi32, #tpu.memory_space<hbm>>) target(%arg10 : memref<2x112xi32, #tpu.memory_space<vmem>>) target_semaphore(%arg23 : memref<!tpu.dma_semaphore, #tpu.memory_space<semaphore_mem>>)
      } else {
      }
      %add3A_370 = arith.constant 2 : i32
      %add3A_371 = arith.addi %add3A_338, %add3A_370 : i32
      %lt3A_372 = arith.cmpi slt, %add3A_371, %select_n3A : i32
      %convert_element_type3A_373 = arith.extui %lt3A_372 : i1 to i32
      %cond3A_374 = arith.constant 0 : i32
      %cond3A_375 = arith.cmpi ne, %convert_element_type3A_373, %cond3A_374 : i32
      scf.if %cond3A_375 {
        %add3A_417 = arith.constant 2 : i32
        %add3A_418 = arith.addi %add3A_338, %add3A_417 : i32
        %add3A_419 = arith.addi %select_n3A_8, %add3A_418 : i32
        %dma_wait3A_420 = arith.constant 0 : i32
        %dma_wait3A_421 = arith.constant 0 : i32
        %dma_wait3A_422 = tpu.memref_slice %arg2[%add3A_419, %dma_wait3A_420, %dma_wait3A_421] : memref<2880x2x112xi32, #tpu.memory_space<hbm>> -> memref<1x2x112xi32, #tpu.memory_space<hbm>>
        %dma_wait3A_423 = tpu.memref_squeeze %dma_wait3A_422 : memref<1x2x112xi32, #tpu.memory_space<hbm>> -> memref<2x112xi32, #tpu.memory_space<hbm>>
        %dma_wait3A_424 = arith.constant 0 : i32
        %dma_wait3A_425 = arith.constant 0 : i32
        %dma_wait3A_426 = tpu.memref_slice %arg2[%add3A_419, %dma_wait3A_424, %dma_wait3A_425] : memref<2880x2x112xi32, #tpu.memory_space<hbm>> -> memref<1x2x112xi32, #tpu.memory_space<hbm>>
        %dma_wait3A_427 = tpu.memref_squeeze %dma_wait3A_426 : memref<1x2x112xi32, #tpu.memory_space<hbm>> -> memref<2x112xi32, #tpu.memory_space<hbm>>
        tpu.wait_dma2 semaphore(%arg21 : memref<!tpu.dma_semaphore, #tpu.memory_space<semaphore_mem>>) src(%dma_wait3A_427 : memref<2x112xi32, #tpu.memory_space<hbm>>) dst(%arg8 : memref<2x112xi32, #tpu.memory_space<vmem>>)
        %dma_start3A_428 = arith.constant 0 : i32
        %dma_start3A_429 = arith.constant 0 : i32
        %dma_start3A_430 = tpu.memref_slice %arg8[%dma_start3A_428, %dma_start3A_429] : memref<2x112xi32, #tpu.memory_space<vmem>> -> memref<1x112xi32, #tpu.memory_space<vmem>>
        %dma_start3A_431 = tpu.memref_squeeze %dma_start3A_430 : memref<1x112xi32, #tpu.memory_space<vmem>> -> memref<112xi32, #tpu.memory_space<vmem>>
        %dma_start3A_432 = arith.constant 0 : i32
        %dma_start3A_433 = arith.constant 0 : i32
        %dma_start3A_434 = tpu.memref_slice %arg3[%dma_start3A_432, %dma_start3A_433] : memref<10112x128xf32, #tpu.memory_space<hbm>> -> memref<10112x128xf32, #tpu.memory_space<hbm>>
        tpu.enqueue_indirect_dma source(%dma_start3A_434 : memref<10112x128xf32, #tpu.memory_space<hbm>>) target(%arg14 : memref<112x128xf32, #tpu.memory_space<vmem>>) offsets(%dma_start3A_431 : memref<112xi32, #tpu.memory_space<vmem>>) semaphore(%arg27 : memref<!tpu.dma_semaphore, #tpu.memory_space<semaphore_mem>>)
      } else {
      }
      %mul3A_376 = arith.constant 6 : i32
      %mul3A_377 = arith.muli %while3A_174, %mul3A_376 : i32
      %add3A_378 = arith.constant 5 : i32
      %add3A_379 = arith.addi %mul3A_377, %add3A_378 : i32
      %dma_wait3A_380 = arith.constant 0 : i32
      %dma_wait3A_381 = arith.constant 0 : i32
      %dma_wait3A_382 = tpu.memref_slice %arg13[%dma_wait3A_380, %dma_wait3A_381] : memref<2x112xi32, #tpu.memory_space<vmem>> -> memref<1x112xi32, #tpu.memory_space<vmem>>
      %dma_wait3A_383 = tpu.memref_squeeze %dma_wait3A_382 : memref<1x112xi32, #tpu.memory_space<vmem>> -> memref<112xi32, #tpu.memory_space<vmem>>
      %dma_wait3A_384 = arith.constant 0 : i32
      %dma_wait3A_385 = arith.constant 0 : i32
      %dma_wait3A_386 = tpu.memref_slice %arg3[%dma_wait3A_384, %dma_wait3A_385] : memref<10112x128xf32, #tpu.memory_space<hbm>> -> memref<10112x128xf32, #tpu.memory_space<hbm>>
      tpu.wait_indirect_dma semaphore(%arg29 : memref<!tpu.dma_semaphore, #tpu.memory_space<semaphore_mem>>) src(%dma_wait3A_386 : memref<10112x128xf32, #tpu.memory_space<hbm>>) dst(%arg16 : memref<112x128xf32, #tpu.memory_space<vmem>>)
      %dma_start3A_387 = arith.constant 1 : i32
      %dma_start3A_388 = arith.constant 0 : i32
      %dma_start3A_389 = tpu.memref_slice %arg13[%dma_start3A_387, %dma_start3A_388] : memref<2x112xi32, #tpu.memory_space<vmem>> -> memref<1x112xi32, #tpu.memory_space<vmem>>
      %dma_start3A_390 = tpu.memref_squeeze %dma_start3A_389 : memref<1x112xi32, #tpu.memory_space<vmem>> -> memref<112xi32, #tpu.memory_space<vmem>>
      %dma_start3A_391 = arith.constant 0 : i32
      %dma_start3A_392 = arith.constant 0 : i32
      %dma_start3A_393 = tpu.memref_slice %arg19[%dma_start3A_391, %dma_start3A_392] : memref<10112x128xf32, #tpu.memory_space<vmem_shared>> -> memref<10112x128xf32, #tpu.memory_space<vmem_shared>>
      tpu.enqueue_indirect_dma source(%arg16 : memref<112x128xf32, #tpu.memory_space<vmem>>) target(%dma_start3A_393 : memref<10112x128xf32, #tpu.memory_space<vmem_shared>>) offsets(%dma_start3A_390 : memref<112xi32, #tpu.memory_space<vmem>>) semaphore(%arg32 : memref<!tpu.dma_semaphore, #tpu.memory_space<semaphore_mem>>) {add = true}
      %dma_start3A_394 = arith.constant 1 : i32
      %dma_start3A_395 = arith.constant 0 : i32
      %dma_start3A_396 = tpu.memref_slice %arg13[%dma_start3A_394, %dma_start3A_395] : memref<2x112xi32, #tpu.memory_space<vmem>> -> memref<1x112xi32, #tpu.memory_space<vmem>>
      %dma_start3A_397 = tpu.memref_squeeze %dma_start3A_396 : memref<1x112xi32, #tpu.memory_space<vmem>> -> memref<112xi32, #tpu.memory_space<vmem>>
      %dma_start3A_398 = arith.constant 0 : i32
      %dma_start3A_399 = tpu.memref_slice %arg20[%dma_start3A_398] : memref<10240xf32, #tpu.memory_space<vmem_shared>> -> memref<10240xf32, #tpu.memory_space<vmem_shared>>
      tpu.enqueue_indirect_dma source(%arg17 : memref<112xf32, #tpu.memory_space<vmem>>) target(%dma_start3A_399 : memref<10240xf32, #tpu.memory_space<vmem_shared>>) offsets(%dma_start3A_397 : memref<112xi32, #tpu.memory_space<vmem>>) semaphore(%arg35 : memref<!tpu.dma_semaphore, #tpu.memory_space<semaphore_mem>>) {add = true}
      %ge3A_400 = arith.constant 1 : i32
      %ge3A_401 = arith.cmpi sge, %add3A_379, %ge3A_400 : i32
      %convert_element_type3A_402 = arith.extui %ge3A_401 : i1 to i32
      %cond3A_403 = arith.constant 0 : i32
      %cond3A_404 = arith.cmpi ne, %convert_element_type3A_402, %cond3A_403 : i32
      scf.if %cond3A_404 {
        %dma_wait3A_417 = arith.constant 1 : i32
        %dma_wait3A_418 = arith.constant 0 : i32
        %dma_wait3A_419 = tpu.memref_slice %arg12[%dma_wait3A_417, %dma_wait3A_418] : memref<2x112xi32, #tpu.memory_space<vmem>> -> memref<1x112xi32, #tpu.memory_space<vmem>>
        %dma_wait3A_420 = tpu.memref_squeeze %dma_wait3A_419 : memref<1x112xi32, #tpu.memory_space<vmem>> -> memref<112xi32, #tpu.memory_space<vmem>>
        %dma_wait3A_421 = arith.constant 0 : i32
        %dma_wait3A_422 = arith.constant 0 : i32
        %dma_wait3A_423 = tpu.memref_slice %arg19[%dma_wait3A_421, %dma_wait3A_422] : memref<10112x128xf32, #tpu.memory_space<vmem_shared>> -> memref<10112x128xf32, #tpu.memory_space<vmem_shared>>
        tpu.wait_indirect_dma semaphore(%arg31 : memref<!tpu.dma_semaphore, #tpu.memory_space<semaphore_mem>>) src(%arg15 : memref<112x128xf32, #tpu.memory_space<vmem>>) dst(%dma_wait3A_423 : memref<10112x128xf32, #tpu.memory_space<vmem_shared>>)
        %dma_wait3A_424 = arith.constant 1 : i32
        %dma_wait3A_425 = arith.constant 0 : i32
        %dma_wait3A_426 = tpu.memref_slice %arg12[%dma_wait3A_424, %dma_wait3A_425] : memref<2x112xi32, #tpu.memory_space<vmem>> -> memref<1x112xi32, #tpu.memory_space<vmem>>
        %dma_wait3A_427 = tpu.memref_squeeze %dma_wait3A_426 : memref<1x112xi32, #tpu.memory_space<vmem>> -> memref<112xi32, #tpu.memory_space<vmem>>
        %dma_wait3A_428 = arith.constant 0 : i32
        %dma_wait3A_429 = tpu.memref_slice %arg20[%dma_wait3A_428] : memref<10240xf32, #tpu.memory_space<vmem_shared>> -> memref<10240xf32, #tpu.memory_space<vmem_shared>>
        tpu.wait_indirect_dma semaphore(%arg34 : memref<!tpu.dma_semaphore, #tpu.memory_space<semaphore_mem>>) src(%arg17 : memref<112xf32, #tpu.memory_space<vmem>>) dst(%dma_wait3A_429 : memref<10240xf32, #tpu.memory_space<vmem_shared>>)
      } else {
      }
      %add3A_405 = arith.constant 4 : i32
      %add3A_406 = arith.addi %add3A_379, %add3A_405 : i32
      %lt3A_407 = arith.cmpi slt, %add3A_406, %select_n3A : i32
      %convert_element_type3A_408 = arith.extui %lt3A_407 : i1 to i32
      %cond3A_409 = arith.constant 0 : i32
      %cond3A_410 = arith.cmpi ne, %convert_element_type3A_408, %cond3A_409 : i32
      scf.if %cond3A_410 {
        %add3A_417 = arith.constant 4 : i32
        %add3A_418 = arith.addi %add3A_379, %add3A_417 : i32
        %add3A_419 = arith.addi %select_n3A_8, %add3A_418 : i32
        %dma_start3A_420 = arith.constant 0 : i32
        %dma_start3A_421 = arith.constant 0 : i32
        %dma_start3A_422 = tpu.memref_slice %arg2[%add3A_419, %dma_start3A_420, %dma_start3A_421] : memref<2880x2x112xi32, #tpu.memory_space<hbm>> -> memref<1x2x112xi32, #tpu.memory_space<hbm>>
        %dma_start3A_423 = tpu.memref_squeeze %dma_start3A_422 : memref<1x2x112xi32, #tpu.memory_space<hbm>> -> memref<2x112xi32, #tpu.memory_space<hbm>>
        %dma_start3A_424 = arith.constant 0 : i32
        %dma_start3A_425 = arith.constant 0 : i32
        %dma_start3A_426 = tpu.memref_slice %arg2[%add3A_419, %dma_start3A_424, %dma_start3A_425] : memref<2880x2x112xi32, #tpu.memory_space<hbm>> -> memref<1x2x112xi32, #tpu.memory_space<hbm>>
        %dma_start3A_427 = tpu.memref_squeeze %dma_start3A_426 : memref<1x2x112xi32, #tpu.memory_space<hbm>> -> memref<2x112xi32, #tpu.memory_space<hbm>>
        tpu.enqueue_dma source(%dma_start3A_427 : memref<2x112xi32, #tpu.memory_space<hbm>>) target(%arg11 : memref<2x112xi32, #tpu.memory_space<vmem>>) target_semaphore(%arg24 : memref<!tpu.dma_semaphore, #tpu.memory_space<semaphore_mem>>)
      } else {
      }
      %add3A_411 = arith.constant 2 : i32
      %add3A_412 = arith.addi %add3A_379, %add3A_411 : i32
      %lt3A_413 = arith.cmpi slt, %add3A_412, %select_n3A : i32
      %convert_element_type3A_414 = arith.extui %lt3A_413 : i1 to i32
      %cond3A_415 = arith.constant 0 : i32
      %cond3A_416 = arith.cmpi ne, %convert_element_type3A_414, %cond3A_415 : i32
      scf.if %cond3A_416 {
        %add3A_417 = arith.constant 2 : i32
        %add3A_418 = arith.addi %add3A_379, %add3A_417 : i32
        %add3A_419 = arith.addi %select_n3A_8, %add3A_418 : i32
        %dma_wait3A_420 = arith.constant 0 : i32
        %dma_wait3A_421 = arith.constant 0 : i32
        %dma_wait3A_422 = tpu.memref_slice %arg2[%add3A_419, %dma_wait3A_420, %dma_wait3A_421] : memref<2880x2x112xi32, #tpu.memory_space<hbm>> -> memref<1x2x112xi32, #tpu.memory_space<hbm>>
        %dma_wait3A_423 = tpu.memref_squeeze %dma_wait3A_422 : memref<1x2x112xi32, #tpu.memory_space<hbm>> -> memref<2x112xi32, #tpu.memory_space<hbm>>
        %dma_wait3A_424 = arith.constant 0 : i32
        %dma_wait3A_425 = arith.constant 0 : i32
        %dma_wait3A_426 = tpu.memref_slice %arg2[%add3A_419, %dma_wait3A_424, %dma_wait3A_425] : memref<2880x2x112xi32, #tpu.memory_space<hbm>> -> memref<1x2x112xi32, #tpu.memory_space<hbm>>
        %dma_wait3A_427 = tpu.memref_squeeze %dma_wait3A_426 : memref<1x2x112xi32, #tpu.memory_space<hbm>> -> memref<2x112xi32, #tpu.memory_space<hbm>>
        tpu.wait_dma2 semaphore(%arg22 : memref<!tpu.dma_semaphore, #tpu.memory_space<semaphore_mem>>) src(%dma_wait3A_427 : memref<2x112xi32, #tpu.memory_space<hbm>>) dst(%arg9 : memref<2x112xi32, #tpu.memory_space<vmem>>)
        %dma_start3A_428 = arith.constant 0 : i32
        %dma_start3A_429 = arith.constant 0 : i32
        %dma_start3A_430 = tpu.memref_slice %arg9[%dma_start3A_428, %dma_start3A_429] : memref<2x112xi32, #tpu.memory_space<vmem>> -> memref<1x112xi32, #tpu.memory_space<vmem>>
        %dma_start3A_431 = tpu.memref_squeeze %dma_start3A_430 : memref<1x112xi32, #tpu.memory_space<vmem>> -> memref<112xi32, #tpu.memory_space<vmem>>
        %dma_start3A_432 = arith.constant 0 : i32
        %dma_start3A_433 = arith.constant 0 : i32
        %dma_start3A_434 = tpu.memref_slice %arg3[%dma_start3A_432, %dma_start3A_433] : memref<10112x128xf32, #tpu.memory_space<hbm>> -> memref<10112x128xf32, #tpu.memory_space<hbm>>
        tpu.enqueue_indirect_dma source(%dma_start3A_434 : memref<10112x128xf32, #tpu.memory_space<hbm>>) target(%arg15 : memref<112x128xf32, #tpu.memory_space<vmem>>) offsets(%dma_start3A_431 : memref<112xi32, #tpu.memory_space<vmem>>) semaphore(%arg28 : memref<!tpu.dma_semaphore, #tpu.memory_space<semaphore_mem>>)
      } else {
      }
    }
    %dma_wait3A_146 = arith.constant 1 : i32
    %dma_wait3A_147 = arith.constant 0 : i32
    %dma_wait3A_148 = tpu.memref_slice %arg13[%dma_wait3A_146, %dma_wait3A_147] : memref<2x112xi32, #tpu.memory_space<vmem>> -> memref<1x112xi32, #tpu.memory_space<vmem>>
    %dma_wait3A_149 = tpu.memref_squeeze %dma_wait3A_148 : memref<1x112xi32, #tpu.memory_space<vmem>> -> memref<112xi32, #tpu.memory_space<vmem>>
    %dma_wait3A_150 = arith.constant 0 : i32
    %dma_wait3A_151 = arith.constant 0 : i32
    %dma_wait3A_152 = tpu.memref_slice %arg19[%dma_wait3A_150, %dma_wait3A_151] : memref<10112x128xf32, #tpu.memory_space<vmem_shared>> -> memref<10112x128xf32, #tpu.memory_space<vmem_shared>>
    tpu.wait_indirect_dma semaphore(%arg32 : memref<!tpu.dma_semaphore, #tpu.memory_space<semaphore_mem>>) src(%arg16 : memref<112x128xf32, #tpu.memory_space<vmem>>) dst(%dma_wait3A_152 : memref<10112x128xf32, #tpu.memory_space<vmem_shared>>)
    %dma_wait3A_153 = arith.constant 1 : i32
    %dma_wait3A_154 = arith.constant 0 : i32
    %dma_wait3A_155 = tpu.memref_slice %arg13[%dma_wait3A_153, %dma_wait3A_154] : memref<2x112xi32, #tpu.memory_space<vmem>> -> memref<1x112xi32, #tpu.memory_space<vmem>>
    %dma_wait3A_156 = tpu.memref_squeeze %dma_wait3A_155 : memref<1x112xi32, #tpu.memory_space<vmem>> -> memref<112xi32, #tpu.memory_space<vmem>>
    %dma_wait3A_157 = arith.constant 0 : i32
    %dma_wait3A_158 = tpu.memref_slice %arg20[%dma_wait3A_157] : memref<10240xf32, #tpu.memory_space<vmem_shared>> -> memref<10240xf32, #tpu.memory_space<vmem_shared>>
    tpu.wait_indirect_dma semaphore(%arg35 : memref<!tpu.dma_semaphore, #tpu.memory_space<semaphore_mem>>) src(%arg17 : memref<112xf32, #tpu.memory_space<vmem>>) dst(%dma_wait3A_158 : memref<10240xf32, #tpu.memory_space<vmem_shared>>)
    %barrier3A_159 = arith.constant 0 : index
    tpu.barrier barrier_id(%barrier3A_159)
    %mul3A_160 = arith.constant 632 : i32
    %mul3A_161 = arith.muli %arg1, %mul3A_160 : i32
    %mul3A_162 = arith.constant 10112 : i32
    %mul3A_163 = arith.muli %arg0, %mul3A_162 : i32
    %mul3A_164 = arith.constant 632 : i32
    %mul3A_165 = arith.muli %arg1, %mul3A_164 : i32
    %add3A_166 = arith.addi %mul3A_163, %mul3A_165 : i32
    "tpu.region"() ({
      %run_scoped3A = tpu.sem_alloc : memref<!tpu.dma_semaphore, #tpu.memory_space<semaphore_mem>>
      %dma_start3A_174 = arith.constant 0 : i32
      %dma_start3A_175 = tpu.memref_slice %arg6[%add3A_166, %dma_start3A_174] : memref<20224x128xf32, #tpu.memory_space<hbm>> -> memref<632x128xf32, #tpu.memory_space<hbm>>
      %dma_start3A_176 = arith.constant 0 : i32
      %dma_start3A_177 = tpu.memref_slice %arg19[%mul3A_161, %dma_start3A_176] : memref<10112x128xf32, #tpu.memory_space<vmem_shared>> -> memref<632x128xf32, #tpu.memory_space<vmem_shared>>
      tpu.enqueue_dma source(%dma_start3A_177 : memref<632x128xf32, #tpu.memory_space<vmem_shared>>) target(%dma_start3A_175 : memref<632x128xf32, #tpu.memory_space<hbm>>) target_semaphore(%run_scoped3A : memref<!tpu.dma_semaphore, #tpu.memory_space<semaphore_mem>>)
      %dma_wait3A_178 = arith.constant 0 : i32
      %dma_wait3A_179 = tpu.memref_slice %arg6[%add3A_166, %dma_wait3A_178] : memref<20224x128xf32, #tpu.memory_space<hbm>> -> memref<632x128xf32, #tpu.memory_space<hbm>>
      %dma_wait3A_180 = arith.constant 0 : i32
      %dma_wait3A_181 = tpu.memref_slice %arg19[%mul3A_161, %dma_wait3A_180] : memref<10112x128xf32, #tpu.memory_space<vmem_shared>> -> memref<632x128xf32, #tpu.memory_space<vmem_shared>>
      tpu.wait_dma2 semaphore(%run_scoped3A : memref<!tpu.dma_semaphore, #tpu.memory_space<semaphore_mem>>) src(%dma_wait3A_181 : memref<632x128xf32, #tpu.memory_space<vmem_shared>>) dst(%dma_wait3A_179 : memref<632x128xf32, #tpu.memory_space<hbm>>)
      tpu.yield
    }) : () -> ()
    %mul3A_167 = arith.constant 640 : i32
    %mul3A_168 = arith.muli %arg1, %mul3A_167 : i32
    "tpu.region"() ({
      %run_scoped3A = tpu.sem_alloc : memref<!tpu.dma_semaphore, #tpu.memory_space<semaphore_mem>>
      %dma_start3A_174 = tpu.memref_slice %arg20[%mul3A_168] : memref<10240xf32, #tpu.memory_space<vmem_shared>> -> memref<640xf32, #tpu.memory_space<vmem_shared>>
      %dma_start3A_175 = tpu.memref_slice %arg20[%mul3A_168] : memref<10240xf32, #tpu.memory_space<vmem_shared>> -> memref<640xf32, #tpu.memory_space<vmem_shared>>
      tpu.enqueue_dma source(%dma_start3A_175 : memref<640xf32, #tpu.memory_space<vmem_shared>>) target(%arg18 : memref<640xf32, #tpu.memory_space<vmem>>) target_semaphore(%run_scoped3A : memref<!tpu.dma_semaphore, #tpu.memory_space<semaphore_mem>>)
      %dma_wait3A_176 = tpu.memref_slice %arg20[%mul3A_168] : memref<10240xf32, #tpu.memory_space<vmem_shared>> -> memref<640xf32, #tpu.memory_space<vmem_shared>>
      %dma_wait3A_177 = tpu.memref_slice %arg20[%mul3A_168] : memref<10240xf32, #tpu.memory_space<vmem_shared>> -> memref<640xf32, #tpu.memory_space<vmem_shared>>
      tpu.wait_dma2 semaphore(%run_scoped3A : memref<!tpu.dma_semaphore, #tpu.memory_space<semaphore_mem>>) src(%dma_wait3A_177 : memref<640xf32, #tpu.memory_space<vmem_shared>>) dst(%arg18 : memref<640xf32, #tpu.memory_space<vmem>>)
      tpu.yield
    }) : () -> ()
    %mul3A_169 = arith.constant 10240 : i32
    %mul3A_170 = arith.muli %arg0, %mul3A_169 : i32
    %mul3A_171 = arith.constant 640 : i32
    %mul3A_172 = arith.muli %arg1, %mul3A_171 : i32
    %add3A_173 = arith.addi %mul3A_170, %mul3A_172 : i32
    "tpu.region"() ({
      %run_scoped3A = tpu.sem_alloc : memref<!tpu.dma_semaphore, #tpu.memory_space<semaphore_mem>>
      %dma_start3A_174 = tpu.memref_slice %arg7[%add3A_173] : memref<20480xf32, #tpu.memory_space<hbm>> -> memref<640xf32, #tpu.memory_space<hbm>>
      %dma_start3A_175 = tpu.memref_slice %arg7[%add3A_173] : memref<20480xf32, #tpu.memory_space<hbm>> -> memref<640xf32, #tpu.memory_space<hbm>>
      tpu.enqueue_dma source(%arg18 : memref<640xf32, #tpu.memory_space<vmem>>) target(%dma_start3A_175 : memref<640xf32, #tpu.memory_space<hbm>>) target_semaphore(%run_scoped3A : memref<!tpu.dma_semaphore, #tpu.memory_space<semaphore_mem>>)
      %dma_wait3A_176 = tpu.memref_slice %arg7[%add3A_173] : memref<20480xf32, #tpu.memory_space<hbm>> -> memref<640xf32, #tpu.memory_space<hbm>>
      %dma_wait3A_177 = tpu.memref_slice %arg7[%add3A_173] : memref<20480xf32, #tpu.memory_space<hbm>> -> memref<640xf32, #tpu.memory_space<hbm>>
      tpu.wait_dma2 semaphore(%run_scoped3A : memref<!tpu.dma_semaphore, #tpu.memory_space<semaphore_mem>>) src(%arg18 : memref<640xf32, #tpu.memory_space<vmem>>) dst(%dma_wait3A_177 : memref<640xf32, #tpu.memory_space<hbm>>)
      tpu.yield
    }) : () -> ()
    return
  }
}

module attributes {stable_mosaic.version = 14 : i64} {
  func.func @_dense_body(%arg0: memref<2x10112x128xf32, #tpu.memory_space<vmem>>, %arg1: memref<2x10112xf32, #tpu.memory_space<vmem>>, %arg2: memref<10112x128xf32, #tpu.memory_space<vmem>>, %arg3: memref<128x128xf32, #tpu.memory_space<vmem>>, %arg4: memref<128x128xf32, #tpu.memory_space<vmem>>, %arg5: memref<1x128xf32, #tpu.memory_space<vmem>>, %arg6: memref<10112x128xf32, #tpu.memory_space<vmem>>) attributes {dimension_semantics = [], scalar_prefetch = 0 : i64, scratch_operands = 0 : i64, tpu.core_type = #tpu.core_type<tc>} {
    %get3A = arith.constant 0 : index
    %get3A_0 = arith.constant 0 : index
    %get3A_1 = vector.load %arg1[%get3A, %get3A_0] : memref<2x10112xf32, #tpu.memory_space<vmem>>, vector<1x10112xf32>
    %get3A_2 = vector.shape_cast %get3A_1 : vector<1x10112xf32> to vector<10112xf32>
    %get3A_3 = arith.constant 1 : index
    %get3A_4 = arith.constant 0 : index
    %get3A_5 = vector.load %arg1[%get3A_3, %get3A_4] : memref<2x10112xf32, #tpu.memory_space<vmem>>, vector<1x10112xf32>
    %get3A_6 = vector.shape_cast %get3A_5 : vector<1x10112xf32> to vector<10112xf32>
    %add3A = arith.addf %get3A_2, %get3A_6 : vector<10112xf32>
    %max3A = arith.constant 1.000000e+00 : f32
    %max3A_7 = vector.broadcast %max3A : f32 to vector<10112xf32>
    %max3A_8 = arith.maximumf %add3A, %max3A_7 : vector<10112xf32>
    %div3A = arith.constant 1.000000e+00 : f32
    %div3A_9 = vector.broadcast %div3A : f32 to vector<10112xf32>
    %div3A_10 = arith.divf %div3A_9, %max3A_8 : vector<10112xf32>
    %get3A_11 = arith.constant 0 : index
    %get3A_12 = arith.constant 0 : index
    %get3A_13 = arith.constant 0 : index
    %get3A_14 = vector.load %arg0[%get3A_11, %get3A_12, %get3A_13] : memref<2x10112x128xf32, #tpu.memory_space<vmem>>, vector<1x10112x128xf32>
    %get3A_15 = vector.shape_cast %get3A_14 : vector<1x10112x128xf32> to vector<10112x128xf32>
    %get3A_16 = arith.constant 1 : index
    %get3A_17 = arith.constant 0 : index
    %get3A_18 = arith.constant 0 : index
    %get3A_19 = vector.load %arg0[%get3A_16, %get3A_17, %get3A_18] : memref<2x10112x128xf32, #tpu.memory_space<vmem>>, vector<1x10112x128xf32>
    %get3A_20 = vector.shape_cast %get3A_19 : vector<1x10112x128xf32> to vector<10112x128xf32>
    %add3A_21 = arith.addf %get3A_15, %get3A_20 : vector<10112x128xf32>
    %broadcast_in_dim3A = vector.shape_cast %div3A_10 : vector<10112xf32> to vector<10112x1xf32>
    %mul3A = vector.broadcast %broadcast_in_dim3A : vector<10112x1xf32> to vector<10112x128xf32>
    %mul3A_22 = arith.mulf %add3A_21, %mul3A : vector<10112x128xf32>
    %get3A_23 = arith.constant 0 : index
    %get3A_24 = arith.constant 0 : index
    %get3A_25 = vector.load %arg3[%get3A_23, %get3A_24] : memref<128x128xf32, #tpu.memory_space<vmem>>, vector<128x128xf32>
    %dot_general3A = arith.constant dense<0.000000e+00> : vector<10112x128xf32>
    %dot_general3A_26 = tpu.matmul %mul3A_22, %get3A_25, %dot_general3A {dimension_numbers = #tpu.dot_dimension_numbers<[1], [1], [0], [0], [0, 0, 1, 0], [], []>, transpose_lhs_hint = false} : vector<10112x128xf32>, vector<128x128xf32>, vector<10112x128xf32> -> vector<10112x128xf32>
    %get3A_27 = arith.constant 0 : index
    %get3A_28 = arith.constant 0 : index
    %get3A_29 = vector.load %arg2[%get3A_27, %get3A_28] : memref<10112x128xf32, #tpu.memory_space<vmem>>, vector<10112x128xf32>
    %get3A_30 = arith.constant 0 : index
    %get3A_31 = arith.constant 0 : index
    %get3A_32 = vector.load %arg4[%get3A_30, %get3A_31] : memref<128x128xf32, #tpu.memory_space<vmem>>, vector<128x128xf32>
    %dot_general3A_33 = arith.constant dense<0.000000e+00> : vector<10112x128xf32>
    %dot_general3A_34 = tpu.matmul %get3A_29, %get3A_32, %dot_general3A_33 {dimension_numbers = #tpu.dot_dimension_numbers<[1], [1], [0], [0], [0, 0, 1, 0], [], []>, transpose_lhs_hint = false} : vector<10112x128xf32>, vector<128x128xf32>, vector<10112x128xf32> -> vector<10112x128xf32>
    %add3A_35 = arith.addf %dot_general3A_26, %dot_general3A_34 : vector<10112x128xf32>
    %get3A_36 = arith.constant 0 : index
    %get3A_37 = arith.constant 0 : index
    %get3A_38 = vector.load %arg5[%get3A_36, %get3A_37] : memref<1x128xf32, #tpu.memory_space<vmem>>, vector<1x128xf32>
    %add3A_39 = vector.broadcast %get3A_38 : vector<1x128xf32> to vector<10112x128xf32>
    %add3A_40 = arith.addf %add3A_35, %add3A_39 : vector<10112x128xf32>
    %swap3A = arith.constant 0 : index
    %swap3A_41 = arith.constant 0 : index
    %swap3A_42 = vector.load %arg6[%swap3A, %swap3A_41] : memref<10112x128xf32, #tpu.memory_space<vmem>>, vector<10112x128xf32>
    tpu.vector_store %arg6[%swap3A, %swap3A_41], %add3A_40 {strides = array<i32>} : memref<10112x128xf32, #tpu.memory_space<vmem>>, vector<10112x128xf32>,
    return
  }
}

module attributes {stable_mosaic.version = 14 : i64} {
  func.func @_dense_body(%arg0: memref<2x10112x128xf32, #tpu.memory_space<vmem>>, %arg1: memref<2x10112xf32, #tpu.memory_space<vmem>>, %arg2: memref<10112x128xf32, #tpu.memory_space<vmem>>, %arg3: memref<128x128xf32, #tpu.memory_space<vmem>>, %arg4: memref<128x128xf32, #tpu.memory_space<vmem>>, %arg5: memref<1x128xf32, #tpu.memory_space<vmem>>, %arg6: memref<10112x128xf32, #tpu.memory_space<vmem>>) attributes {dimension_semantics = [], scalar_prefetch = 0 : i64, scratch_operands = 0 : i64, tpu.core_type = #tpu.core_type<tc>} {
    %get3A = arith.constant 0 : index
    %get3A_0 = arith.constant 0 : index
    %get3A_1 = vector.load %arg1[%get3A, %get3A_0] : memref<2x10112xf32, #tpu.memory_space<vmem>>, vector<1x10112xf32>
    %get3A_2 = vector.shape_cast %get3A_1 : vector<1x10112xf32> to vector<10112xf32>
    %get3A_3 = arith.constant 1 : index
    %get3A_4 = arith.constant 0 : index
    %get3A_5 = vector.load %arg1[%get3A_3, %get3A_4] : memref<2x10112xf32, #tpu.memory_space<vmem>>, vector<1x10112xf32>
    %get3A_6 = vector.shape_cast %get3A_5 : vector<1x10112xf32> to vector<10112xf32>
    %add3A = arith.addf %get3A_2, %get3A_6 : vector<10112xf32>
    %max3A = arith.constant 1.000000e+00 : f32
    %max3A_7 = vector.broadcast %max3A : f32 to vector<10112xf32>
    %max3A_8 = arith.maximumf %add3A, %max3A_7 : vector<10112xf32>
    %div3A = arith.constant 1.000000e+00 : f32
    %div3A_9 = vector.broadcast %div3A : f32 to vector<10112xf32>
    %div3A_10 = arith.divf %div3A_9, %max3A_8 : vector<10112xf32>
    %get3A_11 = arith.constant 0 : index
    %get3A_12 = arith.constant 0 : index
    %get3A_13 = arith.constant 0 : index
    %get3A_14 = vector.load %arg0[%get3A_11, %get3A_12, %get3A_13] : memref<2x10112x128xf32, #tpu.memory_space<vmem>>, vector<1x10112x128xf32>
    %get3A_15 = vector.shape_cast %get3A_14 : vector<1x10112x128xf32> to vector<10112x128xf32>
    %get3A_16 = arith.constant 1 : index
    %get3A_17 = arith.constant 0 : index
    %get3A_18 = arith.constant 0 : index
    %get3A_19 = vector.load %arg0[%get3A_16, %get3A_17, %get3A_18] : memref<2x10112x128xf32, #tpu.memory_space<vmem>>, vector<1x10112x128xf32>
    %get3A_20 = vector.shape_cast %get3A_19 : vector<1x10112x128xf32> to vector<10112x128xf32>
    %add3A_21 = arith.addf %get3A_15, %get3A_20 : vector<10112x128xf32>
    %broadcast_in_dim3A = vector.shape_cast %div3A_10 : vector<10112xf32> to vector<10112x1xf32>
    %mul3A = vector.broadcast %broadcast_in_dim3A : vector<10112x1xf32> to vector<10112x128xf32>
    %mul3A_22 = arith.mulf %add3A_21, %mul3A : vector<10112x128xf32>
    %get3A_23 = arith.constant 0 : index
    %get3A_24 = arith.constant 0 : index
    %get3A_25 = vector.load %arg3[%get3A_23, %get3A_24] : memref<128x128xf32, #tpu.memory_space<vmem>>, vector<128x128xf32>
    %dot_general3A = arith.constant dense<0.000000e+00> : vector<10112x128xf32>
    %dot_general3A_26 = tpu.matmul %mul3A_22, %get3A_25, %dot_general3A {dimension_numbers = #tpu.dot_dimension_numbers<[1], [1], [0], [0], [0, 0, 1, 0], [], []>, transpose_lhs_hint = false} : vector<10112x128xf32>, vector<128x128xf32>, vector<10112x128xf32> -> vector<10112x128xf32>
    %get3A_27 = arith.constant 0 : index
    %get3A_28 = arith.constant 0 : index
    %get3A_29 = vector.load %arg2[%get3A_27, %get3A_28] : memref<10112x128xf32, #tpu.memory_space<vmem>>, vector<10112x128xf32>
    %get3A_30 = arith.constant 0 : index
    %get3A_31 = arith.constant 0 : index
    %get3A_32 = vector.load %arg4[%get3A_30, %get3A_31] : memref<128x128xf32, #tpu.memory_space<vmem>>, vector<128x128xf32>
    %dot_general3A_33 = arith.constant dense<0.000000e+00> : vector<10112x128xf32>
    %dot_general3A_34 = tpu.matmul %get3A_29, %get3A_32, %dot_general3A_33 {dimension_numbers = #tpu.dot_dimension_numbers<[1], [1], [0], [0], [0, 0, 1, 0], [], []>, transpose_lhs_hint = false} : vector<10112x128xf32>, vector<128x128xf32>, vector<10112x128xf32> -> vector<10112x128xf32>
    %add3A_35 = arith.addf %dot_general3A_26, %dot_general3A_34 : vector<10112x128xf32>
    %get3A_36 = arith.constant 0 : index
    %get3A_37 = arith.constant 0 : index
    %get3A_38 = vector.load %arg5[%get3A_36, %get3A_37] : memref<1x128xf32, #tpu.memory_space<vmem>>, vector<1x128xf32>
    %add3A_39 = vector.broadcast %get3A_38 : vector<1x128xf32> to vector<10112x128xf32>
    %add3A_40 = arith.addf %add3A_35, %add3A_39 : vector<10112x128xf32>
    %max3A_41 = arith.constant 0.000000e+00 : f32
    %max3A_42 = vector.broadcast %max3A_41 : f32 to vector<10112x128xf32>
    %max3A_43 = arith.maximumf %add3A_40, %max3A_42 : vector<10112x128xf32>
    %swap3A = arith.constant 0 : index
    %swap3A_44 = arith.constant 0 : index
    %swap3A_45 = vector.load %arg6[%swap3A, %swap3A_44] : memref<10112x128xf32, #tpu.memory_space<vmem>>, vector<10112x128xf32>
    tpu.vector_store %arg6[%swap3A, %swap3A_44], %max3A_43 {strides = array<i32>} : memref<10112x128xf32, #tpu.memory_space<vmem>>, vector<10112x128xf32>,
    return
  }
}

</mosaic_0001>

<sc_bundles>
// kernel: kernel.6.cloned.1.call-start
scs
__scs_entry_jumppad:
0x0: {  	(pc) =	sbr.rel $0x88, $3  }
0x1: {  	(tag) =	ssettag $0x0;
	lr =	simm.s32 $0x1  }
0x2: {  	[smem:$0x3F99] =	sst lr;
	_ =	strace $0xD0000000  }
0x3: {  	_ = 	snop  }
0x4: {  	_ = 	snop  }
0x5: {  	_ = 	snop  }
0x6: {  	_ = 	snop  }
0x7: {  	_ = 	snop  }
__scs_overlays_trampoline_lowered:
0x8: {  	[smem:$0x3FA8] =	sst s0  }
0x9: {  	[smem:$0x3FA9] =	sst s1  }
0xa: {  	[smem:$0x3FAA] =	sst s2  }
0xb: {  	[smem:$0x3FAB] =	sst s3  }
0xc: {  	[smem:$0x3FAC] =	sst s4  }
0xd: {  	[smem:$0x3FAD] =	sst s5  }
0xe: {  	[smem:$0x3FAE] =	sst s6  }
0xf: {  	[smem:$0x3FAF] =	sst s7  }
0x10: {  	[smem:$0x3FB0] =	sst s8  }
0x11: {  	[smem:$0x3FB1] =	sst s9;
	s0 =	simm.s32 @!p0 $0x0  }
0x12: {  	s1 =	sld [smem:$0x3F97];
	s0 =	simm.s32 @p0 $0x1  }
0x13: {  	[smem:$0x3FB2] =	sst s0;
	s0 =	simm.s32 @!p1 $0x0  }
0x14: {  	s2 =	sld [smem:$0x3F96];
	s0 =	simm.s32 @p1 $0x1  }
0x15: {  	[smem:$0x3FB3] =	sst s0;
	s0 =	simm.s32 @!p2 $0x0  }
0x16: {  	s3 =	sld [smem:$0x3FDB];
	s0 =	simm.s32 @p2 $0x1  }
0x17: {  	s4 =	simm.s32 $0x1BF5;
	[smem:$0x3FB5] =	sst s0  }
0x18: {  	s0 =	sld [smem:$0x3F98];
	_ =	swait.ge [sflag:s4], $0x0  }
0x19: {  	s7 =	sld [smem:$0x3F99]  }
0x1a: {  	s8 =	sadd.s32 $0xFFFFE003, lr  }
0x1b: {  	s9 =	sadd.s32 $0xFFFFFEF7, lr;
	s5 =	simm.s32 $0xFFFFFFFF;
	p2 =	slt.u32 s8, $0xFFFFF086  }
0x1c: {  	p1 =	slt.u32 s9, $0xF7A;
	s5 =	simm.s32 @!p2 $0x0  }
0x1d: {  	s5 =	simm.s32 @p1 $0x1;
	p0 =	seq.s32 s7, s2  }
0x1e: {  	s7 =	smul.u32 @!p0 $0xF7A, s2;
	p2 =	seq.s32 @!p0 s5, $0x0  }
0x1f: {  	s9 =	smul.u32 $0xF7A, s1;
	s8 =	simm.s32 @!p0 $0x1BF5;
	p2 =	por !p2, p0  }
0x20: {  	[sflag:s8] =	ssyncset.s32 @!p0 $0xFFFFF086;
	s6 =	sadd.s32 @!p0 s3, s7;
	s7 =	simm.s32 @!p0 $0x108  }
0x21: {  	s3 =	sadd.s32 s3, s9;
	s6 =	sadd.s32 @!p0 $0x88, s6;
	s7 =	simm.s32 @p2 $0x1082  }
0x22: {  	[simem:s7], [sflag:s8] =	dma.local @!p0 [hbm:s6], $0xF7A  }
0x23: {  	s9 =	sor.u32 $0xD0000000, s2;
	s6 =	simm.s32 $0x108;
	_ =	swait.ge @!p0 [sflag:s8], $0x0  }
0x24: {  	s3 =	sadd.s32 $0x88, s3;
	s6 =	simm.s32 @!p1 $0x1082;
	[sflag:s4] =	ssyncset.s32 $0xFFFFF086  }
0x25: {  	[simem:s6], [sflag:s4] =	dma.local [hbm:s3], $0xF7A  }
0x26: {  	[smem:$0x3F99] =	sst s1;
	(tag) =	ssettag s2;
	_ =	strace s9  }
0x27: {  	s1 =	sld [smem:$0x3FA9]  }
0x28: {  	s2 =	sld [smem:$0x3FAA]  }
0x29: {  	s4 =	sld [smem:$0x3FAC]  }
0x2a: {  	p0 =	seq.s32 s5, $0x0;
	s5 =	sld [smem:$0x3FAD]  }
0x2b: {  	s6 =	sld [smem:$0x3FAE]  }
0x2c: {  	s7 =	sld [smem:$0x3FAF]  }
0x2d: {  	s3 =	simm.s32 $0x108;
	s8 =	sld [smem:$0x3FB0]  }
0x2e: {  	s3 =	simm.s32 @!p0 $0x1082;
	s9 =	sld [smem:$0x3FB1]  }
0x2f: {  	lr =	sadd.s32 s0, s3;
	s0 =	sld [smem:$0x3FA8]  }
0x30: {  	s3 =	sld [smem:$0x3FAB]  }
0x31: {  	[smem:$0x3FB4] =	sst s10  }
0x32: {  	s10 =	sld [smem:$0x3FB2];
	_ =	sdelay $0x3  }
0x33: {  	p0 =	seq.s32 s10, $0x1;
	s10 =	sld [smem:$0x3FB4];
	_ =	sdelay $0x3  }
0x34: {  	[smem:$0x3FB4] =	sst s10  }
0x35: {  	s10 =	sld [smem:$0x3FB3];
	_ =	sdelay $0x3  }
0x36: {  	p1 =	seq.s32 s10, $0x1;
	s10 =	sld [smem:$0x3FB4];
	_ =	sdelay $0x3  }
0x37: {  	[smem:$0x3FB4] =	sst s10  }
0x38: {  	s10 =	sld [smem:$0x3FB5]  }
0x39: {  	_ = 	snop;
	(pc) =	sbr.ind lr, $3  }
0x3a: {  	_ = 	snop  }
0x3b: {  	_ = 	snop  }
0x3c: {  	p2 =	seq.s32 s10, $0x1;
	s10 =	sld [smem:$0x3FB4]  }
0x3d: {  	_ =	shalt  }
0x3e: {  	_ =	shalt  }
0x3f: {  	_ =	shalt  }
0x40: {  	_ =	shalt  }
0x41: {  	_ =	shalt  }
0x42: {  	_ =	shalt  }
0x43: {  	_ =	shalt  }
0x44: {  	_ =	shalt  }
0x45: {  	_ =	shalt  }
0x46: {  	_ =	shalt  }
0x47: {  	_ =	shalt  }
0x48: {  	_ =	shalt  }
0x49: {  	_ =	shalt  }
0x4a: {  	_ =	shalt  }
0x4b: {  	_ =	shalt  }
0x4c: {  	_ =	shalt  }
0x4d: {  	_ =	shalt  }
0x4e: {  	_ =	shalt  }
0x4f: {  	_ =	shalt  }
0x50: {  	_ =	shalt  }
0x51: {  	_ =	shalt  }
0x52: {  	_ =	shalt  }
0x53: {  	_ =	shalt  }
0x54: {  	_ =	shalt  }
0x55: {  	_ =	shalt  }
0x56: {  	_ =	shalt  }
0x57: {  	_ =	shalt  }
0x58: {  	_ =	shalt  }
0x59: {  	_ =	shalt  }
0x5a: {  	_ =	shalt  }
0x5b: {  	_ =	shalt  }
0x5c: {  	_ =	shalt  }
0x5d: {  	_ =	shalt  }
0x5e: {  	_ =	shalt  }
0x5f: {  	_ =	shalt  }
0x60: {  	_ =	shalt  }
0x61: {  	_ =	shalt  }
0x62: {  	_ =	shalt  }
0x63: {  	_ =	shalt  }
0x64: {  	_ =	shalt  }
0x65: {  	_ =	shalt  }
0x66: {  	_ =	shalt  }
0x67: {  	_ =	shalt  }
0x68: {  	_ =	shalt  }
0x69: {  	_ =	shalt  }
0x6a: {  	_ =	shalt  }
0x6b: {  	_ =	shalt  }
0x6c: {  	_ =	shalt  }
0x6d: {  	_ =	shalt  }
0x6e: {  	_ =	shalt  }
0x6f: {  	_ =	shalt  }
0x70: {  	_ =	shalt  }
0x71: {  	_ =	shalt  }
0x72: {  	_ =	shalt  }
0x73: {  	_ =	shalt  }
0x74: {  	_ =	shalt  }
0x75: {  	_ =	shalt  }
0x76: {  	_ =	shalt  }
0x77: {  	_ =	shalt  }
0x78: {  	_ =	shalt  }
0x79: {  	_ =	shalt  }
0x7a: {  	_ =	shalt  }
0x7b: {  	_ =	shalt  }
0x7c: {  	_ =	shalt  }
0x7d: {  	_ =	shalt  }
0x7e: {  	_ =	shalt  }
0x7f: {  	_ =	shalt  }
0x80: {  	_ =	shalt  }
0x81: {  	_ =	shalt  }
0x82: {  	_ =	shalt  }
0x83: {  	_ =	shalt  }
0x84: {  	_ =	shalt  }
0x85: {  	_ =	shalt  }
0x86: {  	_ =	shalt  }
0x87: {  	_ =	shalt  }
.Lfunc_end0:
.L_simem_size_0:
called_computation_lowered:
.L_overlay_start_0:
0x88: {  	s2 =	sld [smem:$0x3FD9]  }
0x89: {  	s3 =	sld [smem:$0x3FFE];
	_ =	sdelay $0x1  }
0x8a: {  	s1 =	srdreg.scid  }
0x8b: {  	s0 =	sand.u32 $0x1, s1  }
0x8c: {  	s17 =	sshll.u32 s0, $0xA;
	s2 =	sadd.s32 s3, s2  }
0x8d: {  	s2 =	sadd.s32 s2, s17  }
0x8e: {  	[smem:$0x3FC0] =	sst s2  }
0x8f: {  	_ = 	snop  }
0x90: {  	s2 =	sld [smem:$0x3FD0];
	(tm) =	ssettm $0x1  }
0x91: {  	s18 =	sld [smem:$0x3FFB];
	_ =	sdelay $0x3  }
0x92: {  	_ =	strace s18  }
0x93: {  	s3 =	sld [smem:$0x3FFC];
	_ =	sdelay $0x3  }
0x94: {  	_ =	strace s3  }
0x95: {  	s3 =	sld [smem:$0x3FFD];
	_ =	sdelay $0x3  }
0x96: {  	_ =	strace s3  }
0x97: {  	_ =	strace $0x8FFFFFFF  }
0x98: {  	s19 =	sld [smem:$0x3FDB];
	_ =	sdelay $0x1  }
0x99: {  	s4 =	simm.s32 $_scs_section_size  }
0x9a: {  	s5 =	simm.s32 $_size__tile_overlayer_lowered;
	s6 =	simm.s32 $_tile_overlayer_lowered  }
0x9b: {  	s22 =	simm.s32 $0x1BFF;
	s21 =	sshll.u32 s6, $0x1;
	s3 =	sadd.s32 s4, s19  }
0x9c: {  	s7 =	simm.s32 $0x0;
	s20 =	sshll.u32 s5, $0x1;
	s5 =	sadd.s32 s21, s3  }
0x9d: {  	[timem:s7], [sflag:s22] =	dma.local [hbm:s5], s20  }
0x9e: {  	_ =	swait.ge [sflag:s22], s20  }
0x9f: {  	s4 =	ssub.s32 $0x0, s20;
	[sflag:s22] =	ssyncset.done $0x0  }
0xa0: {  	[sflag:s22] =	ssyncadd.s32 s4;
	_ =	sdelay $0x1  }
0xa1: {  	s23 =	simm.s32 $0x1B8B  }
0xa2: {  	_ =	swait.ge [sflag:s23], $0x1  }
0xa3: {  	[sflag:s23] =	ssyncset.done $0x0  }
0xa4: {  	s25 =	simm.s32 $0x1B8E;
	s24 =	sld [smem:$0x3FFE];
	[sflag:s23] =	ssyncadd.s32 $0xFFFFFFFF  }
0xa5: {  	s26 =	simm.s32 $execute0_lowered;
	[smem:$0x3FD2] =	sst s25  }
0xa6: {  	s5 =	sshll.u32 s26, $0x1;
	_ =	strace $0x80000046;
	[dreg:$0x1] =	wrdreg $0xFFFFFFFF  }
0xa7: {  	s28 =	simm.s32 $_size_execute0_lowered;
	s3 =	sadd.s32 s3, s5;
	[dreg:$0x0] =	wrdreg $0x0  }
0xa8: {  	s5 =	sshll.u32 s28, $0x1;
	[dreg:$0x2] =	wrdreg s3  }
0xa9: {  	[dreg:$0x3] =	wrdreg s5  }
0xaa: {  	[dreg:$0x4] =	wrdreg $0xC0  }
0xab: {  	_ =	task [dreg:s7], $0x5FFFF  }
0xac: {  	[dreg:$0x1] =	wrdreg $0xFFFFFFFF  }
0xad: {  	[dreg:$0x0] =	wrdreg $0x60  }
0xae: {  	[dreg:$0x2] =	wrdreg s2  }
0xaf: {  	[dreg:$0x3] =	wrdreg s24  }
0xb0: {  	[dreg:$0x4] =	wrdreg $0xB1000  }
0xb1: {  	[dreg:$0x5] =	wrdreg $0x1ED000  }
0xb2: {  	[dreg:$0x6] =	wrdreg $0x9  }
0xb3: {  	_ =	task.clear_ibuf [dreg:s7], $0x7FFFF;
	_ =	strace $0x90000046  }
0xb4: {  	s29 =	simm.s32 $0x9;
	_ =	strace $0x80000048  }
0xb5: {  	_ =	swait.ge [sflag:s29], $0x1  }
0xb6: {  	[sflag:s29] =	ssyncadd.s32 $0xFFFFFFFF  }
0xb7: {  	_ =	strace $0x90000048  }
0xb8: {  	_ =	sfence  }
0xb9: {  	s30 =	sld [smem:$0x0];
	_ =	sdelay $0x2  }
0xba: {  	s31 =	sshll.u32 s1, $0xD;
	s1 =	sshrl.u32 s1, $0x2  }
0xbb: {  	s3 =	sand.u32 $0x4000, s31;
	s1 =	sadd.s32 s1, s30  }
0xbc: {  	s0 =	sor.u32 s3, s0;
	s1 =	sshll.u32 s1, $0x11  }
0xbd: {  	s0 =	sor.u32 s1, s0  }
0xbe: {  	s0 =	sadd.s32 $0x8F2B, s0  }
0xbf: {  	[sflag:s0] =	ssyncadd.remote.s32 $0x1  }
0xc0: {  	_ =	sfence.sel $0xFFFF  }
0xc1: {  	[dreg:$0x0] =	wrdreg $0xFFFFFFFF;
	(pc) =	sbr.abs _section_cstart, $3  }
0xc2: {  	[dreg:$0x1] =	wrdreg $0xFFFFFFFF  }
0xc3: {  	_ =	task.clear_ibuf [dreg:s7], $0x2FFFF;
	_ =	strace $0x9FFFFFFF  }
0xc4: {  	(tm) =	ssettm $0x7FFFFFFF  }
0xc5: {  	_ =	shalt  }
tec
execute0_lowered:
.L_overlay_start_1:
0x0: {  	(tag) =	ssettag $0x1  }
0x1: {  	s0 =	rddreg [dreg:$0x0]  }
0x2: {  	s1 =	rddreg [dreg:$0x1]  }
0x3: {  	s2 =	rddreg [dreg:$0x2]  }
0x4: {  	s3 =	rddreg [dreg:$0x3];
	s4 =	stileid.u32;
	s15 =	simm.s32 $0x0  }
0x5: {  	s5 =	srdreg.scid;
	s29 =	simm.s32 $0x10;
	s6 =	smul.u32 $0x280, s4  }
0x6: {  	s28 =	simm.s32 $0x70;
	s30 =	simm.s32 $0x600;
	s8 =	smul.u32 $0x2780, s4  }
0x7: {  	s31 =	simm.s32 $0x580;
	[smem:$0x7FF] =	sst s15;
	s24 =	smul.u32 $0x12, s4  }
0x8: {  	s7 =	sand.u32 $0x1, s5;
	s5 =	sadd.s32 $0x2C00, s1;
	s12 =	smul.u32 $0xA2, s4  }
0x9: {  	s10 =	sadd.s32 $0x2AA00, s1;
	_ =	strace $0x80000047;
	s9 =	smul.u32 $0x27800, s7  }
0xa: {  	[dreg:$0x8] =	wrdreg s10;
	s11 =	smul.u32 $0x2800, s7;
	s13 =	ssub.s32 $0x2, s7  }
0xb: {  	p0 =	seq.s32 s7, $0x0;
	s23 =	sshrl.u32 s6, $0x3;
	s7 =	sadd.s32 $0xA20, s24  }
0xc: {  	s26 =	sshrl.u32 s13, $0x1;
	s10 =	sadd.s32 s23, s1;
	s8 =	sadd.s32 s8, s9  }
0xd: {  	s11 =	sadd.s32 s6, s11;
	s7 =	smov.u32 @p0 s12;
	s12 =	ssub.s32 s13, s26  }
0xe: {  	s13 =	smul.u32 $0x4F000, s4;
	s4 =	sshll.u32 s4, $0x6;
	s23 =	sadd.s32 s6, s3  }
0xf: {  	s9 =	simm.s32 $0x3E00;
	s6 =	simm.s32 $0x8;
	s8 =	sadd.s32 s8, s1  }
0x10: {  	s25 =	sshrl.u32 s11, $0x3;
	[dreg:$0xd] =	wrdreg s4;
	s4 =	sor.u32 $0x1C09, s4  }
0x11: {  	s18 =	sadd.s32 $0x2A400, s10;
	s10 =	simm.s32 $0xA;
	[dreg:$0x10] =	wrdreg s23  }
0x12: {  	s1 =	sadd.s32 s25, s1;
	s25 =	sshll.u32 s7, $0x5;
	[dreg:$0xe] =	wrdreg s4  }
0x13: {  	s7 =	simm.s32 $0xA2;
	[dreg:$0xf] =	wrdreg s18;
	s22 =	sadd.s32 $0x2DC00, s8  }
0x14: {  	s18 =	simm.s32 $0xF;
	[dreg:$0x11] =	wrdreg s22;
	s1 =	sadd.s32 $0x2D200, s1  }
0x15: {  	s26 =	sadd.s32 s0, s25;
	s25 =	smax.u32 s12, $0x1;
	[dreg:$0x12] =	wrdreg s1  }
0x16: {  	s8 =	simm.s32 $0x0;
	s7 =	simm.s32 @!p0 $0x12;
	[dreg:$0x13] =	wrdreg s25  }
0x17: {  	s0 =	sshrl.u32 s13, $0x2;
	s11 =	sadd.s32 $0x20, s26;
	[dreg:$0x9] =	wrdreg s26  }
0x18: {  	s22 =	simm.s32 $0xAE00;
	s14 =	sadd.s32 $0x40, s26;
	[dreg:$0xa] =	wrdreg s11  }
0x19: {  	s12 =	simm.s32 $0xB;
	s16 =	sadd.s32 $0x60, s26;
	[dreg:$0xb] =	wrdreg s14  }
0x1a: {  	s13 =	simm.s32 $0x3E00;
	s19 =	sadd.s32 $0xFFFFFFFE, s7;
	[dreg:$0xc] =	wrdreg s16  }
0x1b: {  	s0 =	sadd.s32 s0, s2;
	s21 =	sadd.s32 $0xFFFFFFFD, s7;
	[dreg:$0x5] =	wrdreg s19  }
0x1c: {  	s17 =	smul.u32 $0xAB, s7;
	s26 =	sadd.s32 $0x120, s26;
	[dreg:$0x6] =	wrdreg s21  }
0x1d: {  	s1 =	simm.s32 $0x7;
	[dreg:$0x14] =	wrdreg s26;
	s25 =	sshrl.u32 s0, $0x3  }
0x1e: {  	s26 =	simm.s32 $0xAE80;
	s0 =	simm.s32 $0x9;
	s11 =	simm.s32 $0xD  }
0x1f: {  	s16 =	simm.s32 $0xE;
	s19 =	simm.s32 $0x7600;
	s20 =	sshrl.u32 s17, $0xA  }
0x20: {  	s14 =	simm.s32 $0x600;
	[dreg:$0x15] =	wrdreg s25;
	s24 =	ssub.s32 $0x0, s20  }
0x21: {  	v0 =	vimm.f32 $1.000000000e+00;
	s17 =	simm.s32 $0xC;
	s20 =	simm.s32 $0x280;
	[dreg:$0x7] =	wrdreg s24  }
.LBB2_1:
0x22: {  	[dreg:$0x16] =	wrdreg s8  }
0x23: {  	s4 =	rddreg [dreg:$0x9]  }
0x24: {  	[tilespmem:s15], [sflag:$0x1] =	stream.linear.gather [hbm4b:s4+s15], $0x100, $0x38;
	[tilespmem:$0x1EF80] =	vst v63  }
0x25: {  	s21 =	rddreg [dreg:$0xa];
	s24 =	simm.s32 $0x100  }
0x26: {  	[tilespmem:s24], [sflag:$0x2] =	stream.linear.gather [hbm4b:s21+s15], $0x100, $0x38;
	[tilespmem:$0x1EF80] =	vst v63  }
0x27: {  	s8 =	rddreg [dreg:$0xb];
	s21 =	simm.s32 $0x200  }
0x28: {  	[tilespmem:s21], [sflag:$0x3] =	stream.linear.gather [hbm4b:s8+s15], $0x100, $0x38;
	[tilespmem:$0x1EF80] =	vst v63  }
0x29: {  	s21 =	rddreg [dreg:$0xc];
	s8 =	simm.s32 $0x300  }
0x2a: {  	[tilespmem:s8], [sflag:$0x4] =	stream.linear.gather [hbm4b:s21+s15], $0x100, $0x38;
	[tilespmem:$0x1EF80] =	vst v63  }
0x2b: {  	s21 =	rddreg [dreg:$0x8]  }
0x2c: {  	s8 =	rddreg [dreg:$0xe]  }
0x2d: {  	[spmem:s25], [sflag:s8] =	dma.local [hbm:s21], $0x2780  }
0x2e: {  	s4 =	rddreg [dreg:$0xf]  }
0x2f: {  	[tilespmem:s26], [sflag:$0x10] =	stream.linear.gather [hbm4b:s4+s15], $0x280, $0x38;
	[tilespmem:$0x1EF80] =	vst v63  }
0x30: {  	_ =	swait.ge [sflag:s29], $0x280  }
0x31: {  	[sflag:s29] =	ssyncset.done $0x0  }
0x32: {  	[sflag:s29] =	ssyncadd.s32 $0xFFFFFD80  }
0x33: {  	[spmem:s23] =	stream.linear.scatter [tilespmem:s26], [sflag:$0x10], $0x280, $0x38;
	[tilespmem:$0x1EF80] =	vst v63  }
0x34: {  	_ =	swait.ge [sflag:s29], $0x280  }
0x35: {  	[sflag:s29] =	ssyncset.done $0x0  }
0x36: {  	[sflag:s29] =	ssyncadd.s32 $0xFFFFFD80  }
0x37: {  	[tilespmem:$0xAE00] =	vst v0  }
0x38: {  	[tilespmem:$0xAE10] =	vst v0  }
0x39: {  	[tilespmem:$0xAE20] =	vst v0  }
0x3a: {  	[tilespmem:$0xAE30] =	vst v0  }
0x3b: {  	[tilespmem:$0xAE40] =	vst v0  }
0x3c: {  	[tilespmem:$0xAE50] =	vst v0  }
0x3d: {  	s26 =	simm.s32 $0x1;
	[tilespmem:$0xAE60] =	vst v0  }
0x3e: {  	_ =	swait.ge [sflag:s26], $0x100  }
0x3f: {  	[sflag:s26] =	ssyncset.done $0x0  }
0x40: {  	s29 =	simm.s32 $0x2;
	[sflag:s26] =	ssyncadd.s32 $0xFFFFFF00  }
0x41: {  	[tilespmem:s30], [sflag:$0x7] =	stream.indirect.gather [hbm4b:s5+s28], $0x80, s15, s28, $0xb8;
	[tilespmem:$0x1EF80] =	vst v63  }
0x42: {  	_ =	swait.ge [sflag:s29], $0x100  }
0x43: {  	[sflag:s29] =	ssyncset.done $0x0  }
0x44: {  	[sflag:s29] =	ssyncadd.s32 $0xFFFFFF00  }
0x45: {  	[tilespmem:s9], [sflag:$0x8] =	stream.indirect.gather [hbm4b:s5+s28], $0x80, s24, s28, $0xb8;
	[tilespmem:$0x1EF80] =	vst v63  }
0x46: {  	_ =	swait.ge [sflag:s0], $0x2780  }
0x47: {  	[sflag:s0] =	ssyncset.done $0x0  }
0x48: {  	[sflag:s0] =	ssyncadd.s32 $0xFFFFD880  }
0x49: {  	s8 =	simm.s32 $0x380;
	s15 =	simm.s32 $0x0;
	[bflag:$0x0] =	sbarrier.arrive $0xFFFF  }
0x4a: {  	s24 =	simm.s32 $0x0;
	s9 =	simm.s32 $0x480;
	s30 =	rddreg [dreg:$0x14]  }
.LBB2_2:
0x4b: {  	_ =	swait.ge [sflag:s1], $0x3800  }
0x4c: {  	[sflag:s1] =	ssyncset.done $0x0  }
0x4d: {  	s4 =	simm.s32 $0x80;
	p0 =	seq.s32 s15, $0x0;
	[sflag:s1] =	ssyncadd.s32 $0xFFFFC800  }
0x4e: {  	[spmem:s2] =	stream.indirect.scatter.add.f32 [tilespmem:s14], [sflag:$0xA], $0x80, s4, s28, $0xb8;
	[tilespmem:$0x1EF80] =	vst v63  }
0x4f: {  	s23 =	simm.s32 @!p0 $0xC  }
0x50: {  	[spmem:s3] =	stream.indirect.scatter.add.f32 [tilespmem:s22], [sflag:$0xD], $0x1, s4, s28, $0xb8;
	[tilespmem:$0x1EF80] =	vst v63  }
0x51: {  	_ =	swait.ge @!p0 [sflag:s23], $0x3800  }
0x52: {  	[sflag:s23] =	ssyncset.done @!p0 $0x0  }
0x53: {  	[sflag:s23] =	ssyncadd.s32 @!p0 $0xFFFFC800;
	s23 =	simm.s32 @!p0 $0xF  }
0x54: {  	_ =	swait.ge @!p0 [sflag:s23], $0x70  }
0x55: {  	s29 =	sadd.s32 $0x4, s24;
	[sflag:s23] =	ssyncset.done @!p0 $0x0  }
0x56: {  	s21 =	rddreg [dreg:$0x5];
	[sflag:s23] =	ssyncadd.s32 @!p0 $0xFFFFFF90;
	p0 =	sge.u32 s29, s7  }
0x57: {  	p1 =	sge.u32 s24, s21;
	s23 =	sadd.s32 @!p0 $0xFFFFFF60, s30  }
0x58: {  	s25 =	simm.s32 @!p0 $0x0;
	s26 =	simm.s32 @!p0 $0x400;
	s4 =	simm.s32 @!p1 $0x3  }
0x59: {  	[tilespmem:s26], [sflag:$0x5] =	stream.linear.gather @!p0 [hbm4b:s23+s25], $0x100, $0x38;
	[tilespmem:$0x1EF80] =	vst v63  }
0x5a: {  	_ =	swait.ge @!p1 [sflag:s4], $0x100  }
0x5b: {  	s23 =	simm.s32 @!p1 $0x200;
	[sflag:s4] =	ssyncset.done @!p1 $0x0  }
0x5c: {  	s25 =	simm.s32 @!p1 $0x7600;
	[sflag:s4] =	ssyncadd.s32 @!p1 $0xFFFFFF00;
	s4 =	simm.s32 @!p1 $0x70  }
0x5d: {  	[tilespmem:s25], [sflag:$0x9] =	stream.indirect.gather @!p1 [hbm4b:s5+s4], $0x80, s23, s4, $0xb8;
	[tilespmem:$0x1EF80] =	vst v63  }
0x5e: {  	_ =	swait.ge [sflag:s6], $0x3800  }
0x5f: {  	[sflag:s6] =	ssyncset.done $0x0  }
0x60: {  	s25 =	simm.s32 $0x180;
	[sflag:s6] =	ssyncadd.s32 $0xFFFFC800  }
0x61: {  	[spmem:s2] =	stream.indirect.scatter.add.f32 [tilespmem:s13], [sflag:$0xB], $0x80, s25, s28, $0xb8;
	[tilespmem:$0x1EF80] =	vst v63  }
0x62: {  	_ = 	snop  }
0x63: {  	[spmem:s3] =	stream.indirect.scatter.add.f32 [tilespmem:s22], [sflag:$0xE], $0x1, s25, s28, $0xb8;
	[tilespmem:$0x1EF80] =	vst v63  }
0x64: {  	_ =	swait.ge [sflag:s10], $0x3800  }
0x65: {  	s29 =	sadd.s32 $0x5, s24;
	[sflag:s10] =	ssyncset.done $0x0  }
0x66: {  	p1 =	sge.u32 s29, s7;
	[sflag:s10] =	ssyncadd.s32 $0xFFFFC800  }
0x67: {  	s23 =	sadd.s32 @!p1 $0xFFFFFF80, s30;
	_ =	swait.ge [sflag:s11], $0x70  }
0x68: {  	s29 =	simm.s32 @!p1 $0x500;
	[sflag:s11] =	ssyncset.done $0x0;
	s21 =	rddreg [dreg:$0x6]  }
0x69: {  	s25 =	simm.s32 @!p1 $0x0;
	[sflag:s11] =	ssyncadd.s32 $0xFFFFFF90;
	p2 =	sge.u32 s24, s21  }
0x6a: {  	[tilespmem:s29], [sflag:$0x6] =	stream.linear.gather @!p1 [hbm4b:s23+s25], $0x100, $0x38;
	[tilespmem:$0x1EF80] =	vst v63  }
0x6b: {  	s4 =	simm.s32 @!p2 $0x4  }
0x6c: {  	_ =	swait.ge @!p2 [sflag:s4], $0x100  }
0x6d: {  	s23 =	simm.s32 @!p2 $0x300;
	[sflag:s4] =	ssyncset.done @!p2 $0x0  }
0x6e: {  	s25 =	simm.s32 @!p2 $0x600;
	[sflag:s4] =	ssyncadd.s32 @!p2 $0xFFFFFF00;
	s4 =	simm.s32 @!p2 $0x70  }
0x6f: {  	[tilespmem:s25], [sflag:$0x7] =	stream.indirect.gather @!p2 [hbm4b:s5+s4], $0x80, s23, s4, $0xb8;
	[tilespmem:$0x1EF80] =	vst v63  }
0x70: {  	_ =	swait.ge [sflag:s0], $0x3800  }
0x71: {  	[sflag:s0] =	ssyncset.done $0x0  }
0x72: {  	[sflag:s0] =	ssyncadd.s32 $0xFFFFC800  }
0x73: {  	[spmem:s2] =	stream.indirect.scatter.add.f32 [tilespmem:s19], [sflag:$0xC], $0x80, s20, s28, $0xb8;
	[tilespmem:$0x1EF80] =	vst v63  }
0x74: {  	_ = 	snop  }
0x75: {  	[spmem:s3] =	stream.indirect.scatter.add.f32 [tilespmem:s22], [sflag:$0xF], $0x1, s20, s28, $0xb8;
	[tilespmem:$0x1EF80] =	vst v63  }
0x76: {  	_ =	swait.ge [sflag:s12], $0x3800  }
0x77: {  	[sflag:s12] =	ssyncset.done $0x0  }
0x78: {  	[sflag:s12] =	ssyncadd.s32 $0xFFFFC800  }
0x79: {  	s23 =	sadd.s32 $0x6, s24;
	_ =	swait.ge [sflag:s16], $0x70  }
0x7a: {  	p2 =	sge.u32 s23, s7;
	[sflag:s16] =	ssyncset.done $0x0  }
0x7b: {  	s4 =	sadd.s32 @!p2 $0xFFFFFFA0, s30;
	s25 =	simm.s32 @!p2 $0x0;
	[sflag:s16] =	ssyncadd.s32 $0xFFFFFF90  }
0x7c: {  	[tilespmem:s25], [sflag:$0x1] =	stream.linear.gather @!p2 [hbm4b:s4+s25], $0x100, $0x38;
	[tilespmem:$0x1EF80] =	vst v63  }
0x7d: {  	s4 =	simm.s32 @!p0 $0x5  }
0x7e: {  	_ =	swait.ge @!p0 [sflag:s4], $0x100  }
0x7f: {  	[sflag:s4] =	ssyncset.done @!p0 $0x0  }
0x80: {  	s21 =	simm.s32 @!p0 $0x3E00;
	[sflag:s4] =	ssyncadd.s32 @!p0 $0xFFFFFF00;
	s4 =	simm.s32 @!p0 $0x70  }
0x81: {  	[tilespmem:s21], [sflag:$0x8] =	stream.indirect.gather @!p0 [hbm4b:s5+s4], $0x80, s26, s4, $0xb8;
	[tilespmem:$0x1EF80] =	vst v63  }
0x82: {  	_ =	swait.ge [sflag:s1], $0x3800  }
0x83: {  	[sflag:s1] =	ssyncset.done $0x0  }
0x84: {  	[sflag:s1] =	ssyncadd.s32 $0xFFFFC800  }
0x85: {  	[spmem:s2] =	stream.indirect.scatter.add.f32 [tilespmem:s14], [sflag:$0xA], $0x80, s8, s28, $0xb8;
	[tilespmem:$0x1EF80] =	vst v63  }
0x86: {  	_ = 	snop  }
0x87: {  	[spmem:s3] =	stream.indirect.scatter.add.f32 [tilespmem:s22], [sflag:$0xD], $0x1, s8, s28, $0xb8;
	[tilespmem:$0x1EF80] =	vst v63  }
0x88: {  	_ =	swait.ge [sflag:s17], $0x3800  }
0x89: {  	[sflag:s17] =	ssyncset.done $0x0  }
0x8a: {  	s26 =	sadd.s32 $0x7, s24;
	[sflag:s17] =	ssyncadd.s32 $0xFFFFC800  }
0x8b: {  	p0 =	sge.u32 s26, s7;
	_ =	swait.ge [sflag:s18], $0x70  }
0x8c: {  	s4 =	sadd.s32 @!p0 $0xFFFFFFC0, s30;
	[sflag:s18] =	ssyncset.done $0x0  }
0x8d: {  	s21 =	simm.s32 @!p0 $0x0;
	s26 =	simm.s32 @!p0 $0x100;
	[sflag:s18] =	ssyncadd.s32 $0xFFFFFF90  }
0x8e: {  	[tilespmem:s26], [sflag:$0x2] =	stream.linear.gather @!p0 [hbm4b:s4+s21], $0x100, $0x38;
	[tilespmem:$0x1EF80] =	vst v63  }
0x8f: {  	s4 =	simm.s32 @!p1 $0x6  }
0x90: {  	_ =	swait.ge @!p1 [sflag:s4], $0x100  }
0x91: {  	[sflag:s4] =	ssyncset.done @!p1 $0x0  }
0x92: {  	s21 =	simm.s32 @!p1 $0x7600;
	[sflag:s4] =	ssyncadd.s32 @!p1 $0xFFFFFF00;
	s4 =	simm.s32 @!p1 $0x70  }
0x93: {  	[tilespmem:s21], [sflag:$0x9] =	stream.indirect.gather @!p1 [hbm4b:s5+s4], $0x80, s29, s4, $0xb8;
	[tilespmem:$0x1EF80] =	vst v63  }
0x94: {  	_ =	swait.ge [sflag:s6], $0x3800  }
0x95: {  	[sflag:s6] =	ssyncset.done $0x0  }
0x96: {  	[sflag:s6] =	ssyncadd.s32 $0xFFFFC800  }
0x97: {  	[spmem:s2] =	stream.indirect.scatter.add.f32 [tilespmem:s13], [sflag:$0xB], $0x80, s9, s28, $0xb8;
	[tilespmem:$0x1EF80] =	vst v63  }
0x98: {  	_ = 	snop  }
0x99: {  	[spmem:s3] =	stream.indirect.scatter.add.f32 [tilespmem:s22], [sflag:$0xE], $0x1, s9, s28, $0xb8;
	[tilespmem:$0x1EF80] =	vst v63  }
0x9a: {  	_ =	swait.ge [sflag:s10], $0x3800  }
0x9b: {  	[sflag:s10] =	ssyncset.done $0x0  }
0x9c: {  	s21 =	sadd.s32 $0x8, s24;
	[sflag:s10] =	ssyncadd.s32 $0xFFFFC800  }
0x9d: {  	p1 =	sge.u32 s21, s7;
	_ =	swait.ge [sflag:s11], $0x70  }
0x9e: {  	s4 =	sadd.s32 @!p1 $0xFFFFFFE0, s30;
	[sflag:s11] =	ssyncset.done $0x0  }
0x9f: {  	s21 =	simm.s32 @!p1 $0x0;
	s29 =	simm.s32 @!p1 $0x200;
	[sflag:s11] =	ssyncadd.s32 $0xFFFFFF90  }
0xa0: {  	[tilespmem:s29], [sflag:$0x3] =	stream.linear.gather @!p1 [hbm4b:s4+s21], $0x100, $0x38;
	[tilespmem:$0x1EF80] =	vst v63  }
0xa1: {  	s4 =	simm.s32 @!p2 $0x1  }
0xa2: {  	_ =	swait.ge @!p2 [sflag:s4], $0x100  }
0xa3: {  	[sflag:s4] =	ssyncset.done @!p2 $0x0  }
0xa4: {  	s21 =	simm.s32 @!p2 $0x600;
	[sflag:s4] =	ssyncadd.s32 @!p2 $0xFFFFFF00;
	s4 =	simm.s32 @!p2 $0x70  }
0xa5: {  	[tilespmem:s21], [sflag:$0x7] =	stream.indirect.gather @!p2 [hbm4b:s5+s4], $0x80, s25, s4, $0xb8;
	[tilespmem:$0x1EF80] =	vst v63  }
0xa6: {  	_ =	swait.ge [sflag:s0], $0x3800  }
0xa7: {  	[sflag:s0] =	ssyncset.done $0x0  }
0xa8: {  	[sflag:s0] =	ssyncadd.s32 $0xFFFFC800  }
0xa9: {  	[spmem:s2] =	stream.indirect.scatter.add.f32 [tilespmem:s19], [sflag:$0xC], $0x80, s31, s28, $0xb8;
	[tilespmem:$0x1EF80] =	vst v63  }
0xaa: {  	_ = 	snop  }
0xab: {  	[spmem:s3] =	stream.indirect.scatter.add.f32 [tilespmem:s22], [sflag:$0xF], $0x1, s31, s28, $0xb8;
	[tilespmem:$0x1EF80] =	vst v63  }
0xac: {  	_ =	swait.ge [sflag:s12], $0x3800  }
0xad: {  	[sflag:s12] =	ssyncset.done $0x0  }
0xae: {  	[sflag:s12] =	ssyncadd.s32 $0xFFFFC800  }
0xaf: {  	s25 =	sadd.s32 $0x9, s24;
	_ =	swait.ge [sflag:s16], $0x70  }
0xb0: {  	p1 =	sge.u32 s25, s7;
	[sflag:s16] =	ssyncset.done $0x0  }
0xb1: {  	s4 =	simm.s32 @!p1 $0x0;
	s21 =	simm.s32 @!p1 $0x300;
	[sflag:s16] =	ssyncadd.s32 $0xFFFFFF90  }
0xb2: {  	[tilespmem:s21], [sflag:$0x4] =	stream.linear.gather @!p1 [hbm4b:s30+s4], $0x100, $0x38;
	[tilespmem:$0x1EF80] =	vst v63  }
0xb3: {  	s4 =	simm.s32 @!p0 $0x2  }
0xb4: {  	_ =	swait.ge @!p0 [sflag:s4], $0x100  }
0xb5: {  	s15 =	sadd.s32 $0xFFFFFFFF, s15;
	s21 =	simm.s32 @!p0 $0x3E00;
	[sflag:s4] =	ssyncset.done @!p0 $0x0  }
0xb6: {  	s29 =	rddreg [dreg:$0x7];
	[sflag:s4] =	ssyncadd.s32 @!p0 $0xFFFFFF00;
	s4 =	simm.s32 @!p0 $0x70  }
0xb7: {  	[tilespmem:s21], [sflag:$0x8] =	stream.indirect.gather @!p0 [hbm4b:s5+s4], $0x80, s26, s4, $0xb8;
	[tilespmem:$0x1EF80] =	vst v63  }
0xb8: {  	p0 =	sne.s32 s29, s15  }
.Ltmp0:
0xb9: {  	_ = 	snop;
	(pc) =	sbr.rel @p0 .LBB2_2-.Ltmp0, $2  }
0xba: {  	_ =	sdelay $0x2  }
0xbb: {  	s24 =	smov.u32 s23;
	s30 =	sadd.s32 $0xC0, s30  }
0xbc: {  	_ =	swait.ge [sflag:s17], $0x3800  }
0xbd: {  	[sflag:s17] =	ssyncset.done $0x0  }
0xbe: {  	[sflag:s17] =	ssyncadd.s32 $0xFFFFC800  }
0xbf: {  	_ =	swait.ge [sflag:s18], $0x70  }
0xc0: {  	[sflag:s18] =	ssyncset.done $0x0  }
0xc1: {  	[sflag:s18] =	ssyncadd.s32 $0xFFFFFF90  }
0xc2: {  	[bflag:$0x0] =	sbarrier.arrive $0xFFFF  }
0xc3: {  	s4 =	rddreg [dreg:$0xd]  }
0xc4: {  	s15 =	rddreg [dreg:$0x11]  }
0xc5: {  	s29 =	simm.s32 $0x10;
	s25 =	rddreg [dreg:$0x15];
	s4 =	sor.u32 $0x1C10, s4  }
0xc6: {  	[hbm:s15], [sflag:s4] =	dma.local [spmem:s25], $0x2780  }
0xc7: {  	_ =	swait.ge [sflag:s29], $0x2780  }
0xc8: {  	[sflag:s29] =	ssyncset.done $0x0  }
0xc9: {  	s26 =	simm.s32 $0xAE80;
	s23 =	rddreg [dreg:$0x10];
	[sflag:s29] =	ssyncadd.s32 $0xFFFFD880  }
0xca: {  	[tilespmem:s26], [sflag:$0x10] =	stream.linear.gather [spmem:s23], $0x280, $0x38;
	[tilespmem:$0x1EF80] =	vst v63  }
0xcb: {  	_ =	swait.ge [sflag:s29], $0x280  }
0xcc: {  	[sflag:s29] =	ssyncset.done $0x0  }
0xcd: {  	s15 =	simm.s32 $0x0;
	s21 =	rddreg [dreg:$0x12];
	[sflag:s29] =	ssyncadd.s32 $0xFFFFFD80  }
0xce: {  	[hbm4b:s21+s15] =	stream.linear.scatter [tilespmem:s26], [sflag:$0x10], $0x280, $0x38;
	[tilespmem:$0x1EF80] =	vst v63  }
0xcf: {  	_ =	swait.ge [sflag:s29], $0x280  }
0xd0: {  	s8 =	rddreg [dreg:$0x16]  }
0xd1: {  	s24 =	rddreg [dreg:$0x13];
	s8 =	sadd.s32 $0x1, s8  }
0xd2: {  	p0 =	sne.s32 s8, s24  }
.Ltmp1:
0xd3: {  	_ = 	snop;
	(pc) =	sbr.rel @p0 .LBB2_1-.Ltmp1, $3  }
0xd4: {  	_ =	sdelay $0x1  }
0xd5: {  	[sflag:s29] =	ssyncset.done $0x0  }
0xd6: {  	s30 =	simm.s32 $0x600;
	s9 =	simm.s32 $0x3E00;
	[sflag:s29] =	ssyncadd.s32 $0xFFFFFD80  }
0xd7: {  	_ =	sfence.sel $0x180000  }
0xd8: {  	[bflag:$0x0] =	sbarrier.arrive $0xFFFF  }
0xd9: {  	_ =	strace $0x90000047  }
0xda: {  	s0 =	stileid.u32;
	[bflag:$0x2] =	sbarrier.arrive $0xFFFF  }
0xdb: {  	p0 =	sne.s32 s0, $0x0;
	s0 =	rddreg [dreg:$0x4]  }
0xdc: {  	s0 =	sadd.s32 @!p0 $0x100000, s0  }
0xdd: {  	[sflag:s0] =	ssyncadd.tile.s32 @!p0 $0x1;
	_ =	shalt  }
.Lfunc_end2:
_tile_overlayer_lowered:
.L_overlay_start_2:
0xde: {  	(tag) =	ssettag $0x2  }
0xdf: {  	s0 =	rddreg [dreg:$0x0];
	s2 =	stileid.u32  }
0xe0: {  	s1 =	rddreg [dreg:$0x1];
	p0 =	sne.s32 s2, $0x0  }
0xe1: {  	s3 =	rddreg [dreg:$0x2];
	[bflag:$0x3] =	sbarrier.arrive $0xFFFF;
	s2 =	simm.s32 @!p0 $0x1C10  }
0xe2: {  	[timem:s3], [sflag:s2] =	dma.local @!p0 [hbm:s0], s1  }
0xe3: {  	s0 =	simm.s32 @!p0 $0x10  }
0xe4: {  	_ =	swait.ge @!p0 [sflag:s0], s1  }
0xe5: {  	s1 =	ssub.s32 @!p0 $0x0, s1;
	[sflag:s0] =	ssyncset.done @!p0 $0x0  }
0xe6: {  	[sflag:s0] =	ssyncadd.s32 @!p0 s1  }
0xe7: {  	[bflag:$0x3] =	sbarrier.arrive $0xFFFF  }
0xe8: {  	_ =	shalt  }

// kernel: kernel.9.cloned.1.call-start
scs
__scs_entry_jumppad:
0x0: {  	(pc) =	sbr.rel $0x88, $3  }
0x1: {  	(tag) =	ssettag $0x0;
	lr =	simm.s32 $0x1  }
0x2: {  	[smem:$0x3F99] =	sst lr;
	_ =	strace $0xD0000000  }
0x3: {  	_ = 	snop  }
0x4: {  	_ = 	snop  }
0x5: {  	_ = 	snop  }
0x6: {  	_ = 	snop  }
0x7: {  	_ = 	snop  }
__scs_overlays_trampoline_lowered:
0x8: {  	[smem:$0x3FA8] =	sst s0  }
0x9: {  	[smem:$0x3FA9] =	sst s1  }
0xa: {  	[smem:$0x3FAA] =	sst s2  }
0xb: {  	[smem:$0x3FAB] =	sst s3  }
0xc: {  	[smem:$0x3FAC] =	sst s4  }
0xd: {  	[smem:$0x3FAD] =	sst s5  }
0xe: {  	[smem:$0x3FAE] =	sst s6  }
0xf: {  	[smem:$0x3FAF] =	sst s7  }
0x10: {  	[smem:$0x3FB0] =	sst s8  }
0x11: {  	[smem:$0x3FB1] =	sst s9;
	s0 =	simm.s32 @!p0 $0x0  }
0x12: {  	s1 =	sld [smem:$0x3F97];
	s0 =	simm.s32 @p0 $0x1  }
0x13: {  	[smem:$0x3FB2] =	sst s0;
	s0 =	simm.s32 @!p1 $0x0  }
0x14: {  	s2 =	sld [smem:$0x3F96];
	s0 =	simm.s32 @p1 $0x1  }
0x15: {  	[smem:$0x3FB3] =	sst s0;
	s0 =	simm.s32 @!p2 $0x0  }
0x16: {  	s3 =	sld [smem:$0x3FDB];
	s0 =	simm.s32 @p2 $0x1  }
0x17: {  	s4 =	simm.s32 $0x1BF5;
	[smem:$0x3FB5] =	sst s0  }
0x18: {  	s0 =	sld [smem:$0x3F98];
	_ =	swait.ge [sflag:s4], $0x0  }
0x19: {  	s7 =	sld [smem:$0x3F99]  }
0x1a: {  	s8 =	sadd.s32 $0xFFFFE003, lr  }
0x1b: {  	s9 =	sadd.s32 $0xFFFFFEF7, lr;
	s5 =	simm.s32 $0xFFFFFFFF;
	p2 =	slt.u32 s8, $0xFFFFF086  }
0x1c: {  	p1 =	slt.u32 s9, $0xF7A;
	s5 =	simm.s32 @!p2 $0x0  }
0x1d: {  	s5 =	simm.s32 @p1 $0x1;
	p0 =	seq.s32 s7, s2  }
0x1e: {  	s7 =	smul.u32 @!p0 $0xF7A, s2;
	p2 =	seq.s32 @!p0 s5, $0x0  }
0x1f: {  	s9 =	smul.u32 $0xF7A, s1;
	s8 =	simm.s32 @!p0 $0x1BF5;
	p2 =	por !p2, p0  }
0x20: {  	[sflag:s8] =	ssyncset.s32 @!p0 $0xFFFFF086;
	s6 =	sadd.s32 @!p0 s3, s7;
	s7 =	simm.s32 @!p0 $0x108  }
0x21: {  	s3 =	sadd.s32 s3, s9;
	s6 =	sadd.s32 @!p0 $0x88, s6;
	s7 =	simm.s32 @p2 $0x1082  }
0x22: {  	[simem:s7], [sflag:s8] =	dma.local @!p0 [hbm:s6], $0xF7A  }
0x23: {  	s9 =	sor.u32 $0xD0000000, s2;
	s6 =	simm.s32 $0x108;
	_ =	swait.ge @!p0 [sflag:s8], $0x0  }
0x24: {  	s3 =	sadd.s32 $0x88, s3;
	s6 =	simm.s32 @!p1 $0x1082;
	[sflag:s4] =	ssyncset.s32 $0xFFFFF086  }
0x25: {  	[simem:s6], [sflag:s4] =	dma.local [hbm:s3], $0xF7A  }
0x26: {  	[smem:$0x3F99] =	sst s1;
	(tag) =	ssettag s2;
	_ =	strace s9  }
0x27: {  	s1 =	sld [smem:$0x3FA9]  }
0x28: {  	s2 =	sld [smem:$0x3FAA]  }
0x29: {  	s4 =	sld [smem:$0x3FAC]  }
0x2a: {  	p0 =	seq.s32 s5, $0x0;
	s5 =	sld [smem:$0x3FAD]  }
0x2b: {  	s6 =	sld [smem:$0x3FAE]  }
0x2c: {  	s7 =	sld [smem:$0x3FAF]  }
0x2d: {  	s3 =	simm.s32 $0x108;
	s8 =	sld [smem:$0x3FB0]  }
0x2e: {  	s3 =	simm.s32 @!p0 $0x1082;
	s9 =	sld [smem:$0x3FB1]  }
0x2f: {  	lr =	sadd.s32 s0, s3;
	s0 =	sld [smem:$0x3FA8]  }
0x30: {  	s3 =	sld [smem:$0x3FAB]  }
0x31: {  	[smem:$0x3FB4] =	sst s10  }
0x32: {  	s10 =	sld [smem:$0x3FB2];
	_ =	sdelay $0x3  }
0x33: {  	p0 =	seq.s32 s10, $0x1;
	s10 =	sld [smem:$0x3FB4];
	_ =	sdelay $0x3  }
0x34: {  	[smem:$0x3FB4] =	sst s10  }
0x35: {  	s10 =	sld [smem:$0x3FB3];
	_ =	sdelay $0x3  }
0x36: {  	p1 =	seq.s32 s10, $0x1;
	s10 =	sld [smem:$0x3FB4];
	_ =	sdelay $0x3  }
0x37: {  	[smem:$0x3FB4] =	sst s10  }
0x38: {  	s10 =	sld [smem:$0x3FB5]  }
0x39: {  	_ = 	snop;
	(pc) =	sbr.ind lr, $3  }
0x3a: {  	_ = 	snop  }
0x3b: {  	_ = 	snop  }
0x3c: {  	p2 =	seq.s32 s10, $0x1;
	s10 =	sld [smem:$0x3FB4]  }
0x3d: {  	_ =	shalt  }
0x3e: {  	_ =	shalt  }
0x3f: {  	_ =	shalt  }
0x40: {  	_ =	shalt  }
0x41: {  	_ =	shalt  }
0x42: {  	_ =	shalt  }
0x43: {  	_ =	shalt  }
0x44: {  	_ =	shalt  }
0x45: {  	_ =	shalt  }
0x46: {  	_ =	shalt  }
0x47: {  	_ =	shalt  }
0x48: {  	_ =	shalt  }
0x49: {  	_ =	shalt  }
0x4a: {  	_ =	shalt  }
0x4b: {  	_ =	shalt  }
0x4c: {  	_ =	shalt  }
0x4d: {  	_ =	shalt  }
0x4e: {  	_ =	shalt  }
0x4f: {  	_ =	shalt  }
0x50: {  	_ =	shalt  }
0x51: {  	_ =	shalt  }
0x52: {  	_ =	shalt  }
0x53: {  	_ =	shalt  }
0x54: {  	_ =	shalt  }
0x55: {  	_ =	shalt  }
0x56: {  	_ =	shalt  }
0x57: {  	_ =	shalt  }
0x58: {  	_ =	shalt  }
0x59: {  	_ =	shalt  }
0x5a: {  	_ =	shalt  }
0x5b: {  	_ =	shalt  }
0x5c: {  	_ =	shalt  }
0x5d: {  	_ =	shalt  }
0x5e: {  	_ =	shalt  }
0x5f: {  	_ =	shalt  }
0x60: {  	_ =	shalt  }
0x61: {  	_ =	shalt  }
0x62: {  	_ =	shalt  }
0x63: {  	_ =	shalt  }
0x64: {  	_ =	shalt  }
0x65: {  	_ =	shalt  }
0x66: {  	_ =	shalt  }
0x67: {  	_ =	shalt  }
0x68: {  	_ =	shalt  }
0x69: {  	_ =	shalt  }
0x6a: {  	_ =	shalt  }
0x6b: {  	_ =	shalt  }
0x6c: {  	_ =	shalt  }
0x6d: {  	_ =	shalt  }
0x6e: {  	_ =	shalt  }
0x6f: {  	_ =	shalt  }
0x70: {  	_ =	shalt  }
0x71: {  	_ =	shalt  }
0x72: {  	_ =	shalt  }
0x73: {  	_ =	shalt  }
0x74: {  	_ =	shalt  }
0x75: {  	_ =	shalt  }
0x76: {  	_ =	shalt  }
0x77: {  	_ =	shalt  }
0x78: {  	_ =	shalt  }
0x79: {  	_ =	shalt  }
0x7a: {  	_ =	shalt  }
0x7b: {  	_ =	shalt  }
0x7c: {  	_ =	shalt  }
0x7d: {  	_ =	shalt  }
0x7e: {  	_ =	shalt  }
0x7f: {  	_ =	shalt  }
0x80: {  	_ =	shalt  }
0x81: {  	_ =	shalt  }
0x82: {  	_ =	shalt  }
0x83: {  	_ =	shalt  }
0x84: {  	_ =	shalt  }
0x85: {  	_ =	shalt  }
0x86: {  	_ =	shalt  }
0x87: {  	_ =	shalt  }
.Lfunc_end0:
.L_simem_size_0:
called_computation.1_lowered:
.L_overlay_start_0:
0x88: {  	s2 =	sld [smem:$0x3FD9]  }
0x89: {  	s3 =	sld [smem:$0x3FFE];
	_ =	sdelay $0x1  }
0x8a: {  	s1 =	srdreg.scid  }
0x8b: {  	s0 =	sand.u32 $0x1, s1  }
0x8c: {  	s17 =	sshll.u32 s0, $0xA;
	s2 =	sadd.s32 s3, s2  }
0x8d: {  	s2 =	sadd.s32 s2, s17  }
0x8e: {  	[smem:$0x3FC0] =	sst s2  }
0x8f: {  	_ = 	snop  }
0x90: {  	s2 =	sld [smem:$0x3FD0];
	(tm) =	ssettm $0x1  }
0x91: {  	s18 =	sld [smem:$0x3FFB];
	_ =	sdelay $0x3  }
0x92: {  	_ =	strace s18  }
0x93: {  	s3 =	sld [smem:$0x3FFC];
	_ =	sdelay $0x3  }
0x94: {  	_ =	strace s3  }
0x95: {  	s3 =	sld [smem:$0x3FFD];
	_ =	sdelay $0x3  }
0x96: {  	_ =	strace s3  }
0x97: {  	_ =	strace $0x8FFFFFFF  }
0x98: {  	s19 =	sld [smem:$0x3FDB];
	_ =	sdelay $0x1  }
0x99: {  	s4 =	simm.s32 $_scs_section_size  }
0x9a: {  	s5 =	simm.s32 $_size__tile_overlayer_lowered;
	s6 =	simm.s32 $_tile_overlayer_lowered  }
0x9b: {  	s22 =	simm.s32 $0x1BFF;
	s21 =	sshll.u32 s6, $0x1;
	s3 =	sadd.s32 s4, s19  }
0x9c: {  	s7 =	simm.s32 $0x0;
	s20 =	sshll.u32 s5, $0x1;
	s5 =	sadd.s32 s21, s3  }
0x9d: {  	[timem:s7], [sflag:s22] =	dma.local [hbm:s5], s20  }
0x9e: {  	_ =	swait.ge [sflag:s22], s20  }
0x9f: {  	s4 =	ssub.s32 $0x0, s20;
	[sflag:s22] =	ssyncset.done $0x0  }
0xa0: {  	[sflag:s22] =	ssyncadd.s32 s4;
	_ =	sdelay $0x1  }
0xa1: {  	s23 =	simm.s32 $0x1B8B  }
0xa2: {  	_ =	swait.ge [sflag:s23], $0x1  }
0xa3: {  	[sflag:s23] =	ssyncset.done $0x0  }
0xa4: {  	s25 =	simm.s32 $0x1B8E;
	s24 =	sld [smem:$0x3FFE];
	[sflag:s23] =	ssyncadd.s32 $0xFFFFFFFF  }
0xa5: {  	s26 =	simm.s32 $execute0_lowered;
	[smem:$0x3FD2] =	sst s25  }
0xa6: {  	s5 =	sshll.u32 s26, $0x1;
	_ =	strace $0x80000049;
	[dreg:$0x1] =	wrdreg $0xFFFFFFFF  }
0xa7: {  	s28 =	simm.s32 $_size_execute0_lowered;
	s3 =	sadd.s32 s3, s5;
	[dreg:$0x0] =	wrdreg $0x0  }
0xa8: {  	s5 =	sshll.u32 s28, $0x1;
	[dreg:$0x2] =	wrdreg s3  }
0xa9: {  	[dreg:$0x3] =	wrdreg s5  }
0xaa: {  	[dreg:$0x4] =	wrdreg $0xC0  }
0xab: {  	_ =	task [dreg:s7], $0x5FFFF  }
0xac: {  	[dreg:$0x1] =	wrdreg $0xFFFFFFFF  }
0xad: {  	[dreg:$0x0] =	wrdreg $0x60  }
0xae: {  	[dreg:$0x2] =	wrdreg s2  }
0xaf: {  	[dreg:$0x3] =	wrdreg s24  }
0xb0: {  	[dreg:$0x4] =	wrdreg $0xB1000  }
0xb1: {  	[dreg:$0x5] =	wrdreg $0x1ED000  }
0xb2: {  	[dreg:$0x6] =	wrdreg $0x9  }
0xb3: {  	_ =	task.clear_ibuf [dreg:s7], $0x7FFFF;
	_ =	strace $0x90000049  }
0xb4: {  	s29 =	simm.s32 $0x9;
	_ =	strace $0x8000004B  }
0xb5: {  	_ =	swait.ge [sflag:s29], $0x1  }
0xb6: {  	[sflag:s29] =	ssyncadd.s32 $0xFFFFFFFF  }
0xb7: {  	_ =	strace $0x9000004B  }
0xb8: {  	_ =	sfence  }
0xb9: {  	s30 =	sld [smem:$0x0];
	_ =	sdelay $0x2  }
0xba: {  	s31 =	sshll.u32 s1, $0xD;
	s1 =	sshrl.u32 s1, $0x2  }
0xbb: {  	s3 =	sand.u32 $0x4000, s31;
	s1 =	sadd.s32 s1, s30  }
0xbc: {  	s0 =	sor.u32 s3, s0;
	s1 =	sshll.u32 s1, $0x11  }
0xbd: {  	s0 =	sor.u32 s1, s0  }
0xbe: {  	s0 =	sadd.s32 $0x8F2B, s0  }
0xbf: {  	[sflag:s0] =	ssyncadd.remote.s32 $0x1  }
0xc0: {  	_ =	sfence.sel $0xFFFF  }
0xc1: {  	[dreg:$0x0] =	wrdreg $0xFFFFFFFF;
	(pc) =	sbr.abs _section_cstart, $3  }
0xc2: {  	[dreg:$0x1] =	wrdreg $0xFFFFFFFF  }
0xc3: {  	_ =	task.clear_ibuf [dreg:s7], $0x2FFFF;
	_ =	strace $0x9FFFFFFF  }
0xc4: {  	(tm) =	ssettm $0x7FFFFFFF  }
0xc5: {  	_ =	shalt  }
tec
execute0_lowered:
.L_overlay_start_1:
0x0: {  	(tag) =	ssettag $0x1  }
0x1: {  	s0 =	rddreg [dreg:$0x0]  }
0x2: {  	s1 =	rddreg [dreg:$0x1]  }
0x3: {  	s2 =	rddreg [dreg:$0x2]  }
0x4: {  	s3 =	rddreg [dreg:$0x3];
	s4 =	stileid.u32;
	s15 =	simm.s32 $0x0  }
0x5: {  	s5 =	srdreg.scid;
	s29 =	simm.s32 $0x10;
	s6 =	smul.u32 $0x280, s4  }
0x6: {  	s28 =	simm.s32 $0x70;
	s30 =	simm.s32 $0x600;
	s8 =	smul.u32 $0x2780, s4  }
0x7: {  	s31 =	simm.s32 $0x580;
	[smem:$0x7FF] =	sst s15;
	s24 =	smul.u32 $0x12, s4  }
0x8: {  	s7 =	sand.u32 $0x1, s5;
	s5 =	sadd.s32 $0x2C00, s1;
	s12 =	smul.u32 $0xA2, s4  }
0x9: {  	s10 =	sadd.s32 $0x2AA00, s1;
	_ =	strace $0x8000004A;
	s9 =	smul.u32 $0x27800, s7  }
0xa: {  	[dreg:$0x8] =	wrdreg s10;
	s11 =	smul.u32 $0x2800, s7;
	s13 =	ssub.s32 $0x2, s7  }
0xb: {  	p0 =	seq.s32 s7, $0x0;
	s23 =	sshrl.u32 s6, $0x3;
	s7 =	sadd.s32 $0xA20, s24  }
0xc: {  	s26 =	sshrl.u32 s13, $0x1;
	s10 =	sadd.s32 s23, s1;
	s8 =	sadd.s32 s8, s9  }
0xd: {  	s11 =	sadd.s32 s6, s11;
	s7 =	smov.u32 @p0 s12;
	s12 =	ssub.s32 s13, s26  }
0xe: {  	s13 =	smul.u32 $0x4F000, s4;
	s4 =	sshll.u32 s4, $0x6;
	s23 =	sadd.s32 s6, s3  }
0xf: {  	s9 =	simm.s32 $0x3E00;
	s6 =	simm.s32 $0x8;
	s8 =	sadd.s32 s8, s1  }
0x10: {  	s25 =	sshrl.u32 s11, $0x3;
	[dreg:$0xd] =	wrdreg s4;
	s4 =	sor.u32 $0x1C09, s4  }
0x11: {  	s18 =	sadd.s32 $0x2A400, s10;
	s10 =	simm.s32 $0xA;
	[dreg:$0x10] =	wrdreg s23  }
0x12: {  	s1 =	sadd.s32 s25, s1;
	s25 =	sshll.u32 s7, $0x5;
	[dreg:$0xe] =	wrdreg s4  }
0x13: {  	s7 =	simm.s32 $0xA2;
	[dreg:$0xf] =	wrdreg s18;
	s22 =	sadd.s32 $0x2DC00, s8  }
0x14: {  	s18 =	simm.s32 $0xF;
	[dreg:$0x11] =	wrdreg s22;
	s1 =	sadd.s32 $0x2D200, s1  }
0x15: {  	s26 =	sadd.s32 s0, s25;
	s25 =	smax.u32 s12, $0x1;
	[dreg:$0x12] =	wrdreg s1  }
0x16: {  	s8 =	simm.s32 $0x0;
	s7 =	simm.s32 @!p0 $0x12;
	[dreg:$0x13] =	wrdreg s25  }
0x17: {  	s0 =	sshrl.u32 s13, $0x2;
	s11 =	sadd.s32 $0x20, s26;
	[dreg:$0x9] =	wrdreg s26  }
0x18: {  	s22 =	simm.s32 $0xAE00;
	s14 =	sadd.s32 $0x40, s26;
	[dreg:$0xa] =	wrdreg s11  }
0x19: {  	s12 =	simm.s32 $0xB;
	s16 =	sadd.s32 $0x60, s26;
	[dreg:$0xb] =	wrdreg s14  }
0x1a: {  	s13 =	simm.s32 $0x3E00;
	s19 =	sadd.s32 $0xFFFFFFFE, s7;
	[dreg:$0xc] =	wrdreg s16  }
0x1b: {  	s0 =	sadd.s32 s0, s2;
	s21 =	sadd.s32 $0xFFFFFFFD, s7;
	[dreg:$0x5] =	wrdreg s19  }
0x1c: {  	s17 =	smul.u32 $0xAB, s7;
	s26 =	sadd.s32 $0x120, s26;
	[dreg:$0x6] =	wrdreg s21  }
0x1d: {  	s1 =	simm.s32 $0x7;
	[dreg:$0x14] =	wrdreg s26;
	s25 =	sshrl.u32 s0, $0x3  }
0x1e: {  	s26 =	simm.s32 $0xAE80;
	s0 =	simm.s32 $0x9;
	s11 =	simm.s32 $0xD  }
0x1f: {  	s16 =	simm.s32 $0xE;
	s19 =	simm.s32 $0x7600;
	s20 =	sshrl.u32 s17, $0xA  }
0x20: {  	s14 =	simm.s32 $0x600;
	[dreg:$0x15] =	wrdreg s25;
	s24 =	ssub.s32 $0x0, s20  }
0x21: {  	v0 =	vimm.f32 $1.000000000e+00;
	s17 =	simm.s32 $0xC;
	s20 =	simm.s32 $0x280;
	[dreg:$0x7] =	wrdreg s24  }
.LBB2_1:
0x22: {  	[dreg:$0x16] =	wrdreg s8  }
0x23: {  	s4 =	rddreg [dreg:$0x9]  }
0x24: {  	[tilespmem:s15], [sflag:$0x1] =	stream.linear.gather [hbm4b:s4+s15], $0x100, $0x38;
	[tilespmem:$0x1EF80] =	vst v63  }
0x25: {  	s21 =	rddreg [dreg:$0xa];
	s24 =	simm.s32 $0x100  }
0x26: {  	[tilespmem:s24], [sflag:$0x2] =	stream.linear.gather [hbm4b:s21+s15], $0x100, $0x38;
	[tilespmem:$0x1EF80] =	vst v63  }
0x27: {  	s8 =	rddreg [dreg:$0xb];
	s21 =	simm.s32 $0x200  }
0x28: {  	[tilespmem:s21], [sflag:$0x3] =	stream.linear.gather [hbm4b:s8+s15], $0x100, $0x38;
	[tilespmem:$0x1EF80] =	vst v63  }
0x29: {  	s21 =	rddreg [dreg:$0xc];
	s8 =	simm.s32 $0x300  }
0x2a: {  	[tilespmem:s8], [sflag:$0x4] =	stream.linear.gather [hbm4b:s21+s15], $0x100, $0x38;
	[tilespmem:$0x1EF80] =	vst v63  }
0x2b: {  	s21 =	rddreg [dreg:$0x8]  }
0x2c: {  	s8 =	rddreg [dreg:$0xe]  }
0x2d: {  	[spmem:s25], [sflag:s8] =	dma.local [hbm:s21], $0x2780  }
0x2e: {  	s4 =	rddreg [dreg:$0xf]  }
0x2f: {  	[tilespmem:s26], [sflag:$0x10] =	stream.linear.gather [hbm4b:s4+s15], $0x280, $0x38;
	[tilespmem:$0x1EF80] =	vst v63  }
0x30: {  	_ =	swait.ge [sflag:s29], $0x280  }
0x31: {  	[sflag:s29] =	ssyncset.done $0x0  }
0x32: {  	[sflag:s29] =	ssyncadd.s32 $0xFFFFFD80  }
0x33: {  	[spmem:s23] =	stream.linear.scatter [tilespmem:s26], [sflag:$0x10], $0x280, $0x38;
	[tilespmem:$0x1EF80] =	vst v63  }
0x34: {  	_ =	swait.ge [sflag:s29], $0x280  }
0x35: {  	[sflag:s29] =	ssyncset.done $0x0  }
0x36: {  	[sflag:s29] =	ssyncadd.s32 $0xFFFFFD80  }
0x37: {  	[tilespmem:$0xAE00] =	vst v0  }
0x38: {  	[tilespmem:$0xAE10] =	vst v0  }
0x39: {  	[tilespmem:$0xAE20] =	vst v0  }
0x3a: {  	[tilespmem:$0xAE30] =	vst v0  }
0x3b: {  	[tilespmem:$0xAE40] =	vst v0  }
0x3c: {  	[tilespmem:$0xAE50] =	vst v0  }
0x3d: {  	s26 =	simm.s32 $0x1;
	[tilespmem:$0xAE60] =	vst v0  }
0x3e: {  	_ =	swait.ge [sflag:s26], $0x100  }
0x3f: {  	[sflag:s26] =	ssyncset.done $0x0  }
0x40: {  	s29 =	simm.s32 $0x2;
	[sflag:s26] =	ssyncadd.s32 $0xFFFFFF00  }
0x41: {  	[tilespmem:s30], [sflag:$0x7] =	stream.indirect.gather [hbm4b:s5+s28], $0x80, s15, s28, $0xb8;
	[tilespmem:$0x1EF80] =	vst v63  }
0x42: {  	_ =	swait.ge [sflag:s29], $0x100  }
0x43: {  	[sflag:s29] =	ssyncset.done $0x0  }
0x44: {  	[sflag:s29] =	ssyncadd.s32 $0xFFFFFF00  }
0x45: {  	[tilespmem:s9], [sflag:$0x8] =	stream.indirect.gather [hbm4b:s5+s28], $0x80, s24, s28, $0xb8;
	[tilespmem:$0x1EF80] =	vst v63  }
0x46: {  	_ =	swait.ge [sflag:s0], $0x2780  }
0x47: {  	[sflag:s0] =	ssyncset.done $0x0  }
0x48: {  	[sflag:s0] =	ssyncadd.s32 $0xFFFFD880  }
0x49: {  	s8 =	simm.s32 $0x380;
	s15 =	simm.s32 $0x0;
	[bflag:$0x0] =	sbarrier.arrive $0xFFFF  }
0x4a: {  	s24 =	simm.s32 $0x0;
	s9 =	simm.s32 $0x480;
	s30 =	rddreg [dreg:$0x14]  }
.LBB2_2:
0x4b: {  	_ =	swait.ge [sflag:s1], $0x3800  }
0x4c: {  	[sflag:s1] =	ssyncset.done $0x0  }
0x4d: {  	s4 =	simm.s32 $0x80;
	p0 =	seq.s32 s15, $0x0;
	[sflag:s1] =	ssyncadd.s32 $0xFFFFC800  }
0x4e: {  	[spmem:s2] =	stream.indirect.scatter.add.f32 [tilespmem:s14], [sflag:$0xA], $0x80, s4, s28, $0xb8;
	[tilespmem:$0x1EF80] =	vst v63  }
0x4f: {  	s23 =	simm.s32 @!p0 $0xC  }
0x50: {  	[spmem:s3] =	stream.indirect.scatter.add.f32 [tilespmem:s22], [sflag:$0xD], $0x1, s4, s28, $0xb8;
	[tilespmem:$0x1EF80] =	vst v63  }
0x51: {  	_ =	swait.ge @!p0 [sflag:s23], $0x3800  }
0x52: {  	[sflag:s23] =	ssyncset.done @!p0 $0x0  }
0x53: {  	[sflag:s23] =	ssyncadd.s32 @!p0 $0xFFFFC800;
	s23 =	simm.s32 @!p0 $0xF  }
0x54: {  	_ =	swait.ge @!p0 [sflag:s23], $0x70  }
0x55: {  	s29 =	sadd.s32 $0x4, s24;
	[sflag:s23] =	ssyncset.done @!p0 $0x0  }
0x56: {  	s21 =	rddreg [dreg:$0x5];
	[sflag:s23] =	ssyncadd.s32 @!p0 $0xFFFFFF90;
	p0 =	sge.u32 s29, s7  }
0x57: {  	p1 =	sge.u32 s24, s21;
	s23 =	sadd.s32 @!p0 $0xFFFFFF60, s30  }
0x58: {  	s25 =	simm.s32 @!p0 $0x0;
	s26 =	simm.s32 @!p0 $0x400;
	s4 =	simm.s32 @!p1 $0x3  }
0x59: {  	[tilespmem:s26], [sflag:$0x5] =	stream.linear.gather @!p0 [hbm4b:s23+s25], $0x100, $0x38;
	[tilespmem:$0x1EF80] =	vst v63  }
0x5a: {  	_ =	swait.ge @!p1 [sflag:s4], $0x100  }
0x5b: {  	s23 =	simm.s32 @!p1 $0x200;
	[sflag:s4] =	ssyncset.done @!p1 $0x0  }
0x5c: {  	s25 =	simm.s32 @!p1 $0x7600;
	[sflag:s4] =	ssyncadd.s32 @!p1 $0xFFFFFF00;
	s4 =	simm.s32 @!p1 $0x70  }
0x5d: {  	[tilespmem:s25], [sflag:$0x9] =	stream.indirect.gather @!p1 [hbm4b:s5+s4], $0x80, s23, s4, $0xb8;
	[tilespmem:$0x1EF80] =	vst v63  }
0x5e: {  	_ =	swait.ge [sflag:s6], $0x3800  }
0x5f: {  	[sflag:s6] =	ssyncset.done $0x0  }
0x60: {  	s25 =	simm.s32 $0x180;
	[sflag:s6] =	ssyncadd.s32 $0xFFFFC800  }
0x61: {  	[spmem:s2] =	stream.indirect.scatter.add.f32 [tilespmem:s13], [sflag:$0xB], $0x80, s25, s28, $0xb8;
	[tilespmem:$0x1EF80] =	vst v63  }
0x62: {  	_ = 	snop  }
0x63: {  	[spmem:s3] =	stream.indirect.scatter.add.f32 [tilespmem:s22], [sflag:$0xE], $0x1, s25, s28, $0xb8;
	[tilespmem:$0x1EF80] =	vst v63  }
0x64: {  	_ =	swait.ge [sflag:s10], $0x3800  }
0x65: {  	s29 =	sadd.s32 $0x5, s24;
	[sflag:s10] =	ssyncset.done $0x0  }
0x66: {  	p1 =	sge.u32 s29, s7;
	[sflag:s10] =	ssyncadd.s32 $0xFFFFC800  }
0x67: {  	s23 =	sadd.s32 @!p1 $0xFFFFFF80, s30;
	_ =	swait.ge [sflag:s11], $0x70  }
0x68: {  	s29 =	simm.s32 @!p1 $0x500;
	[sflag:s11] =	ssyncset.done $0x0;
	s21 =	rddreg [dreg:$0x6]  }
0x69: {  	s25 =	simm.s32 @!p1 $0x0;
	[sflag:s11] =	ssyncadd.s32 $0xFFFFFF90;
	p2 =	sge.u32 s24, s21  }
0x6a: {  	[tilespmem:s29], [sflag:$0x6] =	stream.linear.gather @!p1 [hbm4b:s23+s25], $0x100, $0x38;
	[tilespmem:$0x1EF80] =	vst v63  }
0x6b: {  	s4 =	simm.s32 @!p2 $0x4  }
0x6c: {  	_ =	swait.ge @!p2 [sflag:s4], $0x100  }
0x6d: {  	s23 =	simm.s32 @!p2 $0x300;
	[sflag:s4] =	ssyncset.done @!p2 $0x0  }
0x6e: {  	s25 =	simm.s32 @!p2 $0x600;
	[sflag:s4] =	ssyncadd.s32 @!p2 $0xFFFFFF00;
	s4 =	simm.s32 @!p2 $0x70  }
0x6f: {  	[tilespmem:s25], [sflag:$0x7] =	stream.indirect.gather @!p2 [hbm4b:s5+s4], $0x80, s23, s4, $0xb8;
	[tilespmem:$0x1EF80] =	vst v63  }
0x70: {  	_ =	swait.ge [sflag:s0], $0x3800  }
0x71: {  	[sflag:s0] =	ssyncset.done $0x0  }
0x72: {  	[sflag:s0] =	ssyncadd.s32 $0xFFFFC800  }
0x73: {  	[spmem:s2] =	stream.indirect.scatter.add.f32 [tilespmem:s19], [sflag:$0xC], $0x80, s20, s28, $0xb8;
	[tilespmem:$0x1EF80] =	vst v63  }
0x74: {  	_ = 	snop  }
0x75: {  	[spmem:s3] =	stream.indirect.scatter.add.f32 [tilespmem:s22], [sflag:$0xF], $0x1, s20, s28, $0xb8;
	[tilespmem:$0x1EF80] =	vst v63  }
0x76: {  	_ =	swait.ge [sflag:s12], $0x3800  }
0x77: {  	[sflag:s12] =	ssyncset.done $0x0  }
0x78: {  	[sflag:s12] =	ssyncadd.s32 $0xFFFFC800  }
0x79: {  	s23 =	sadd.s32 $0x6, s24;
	_ =	swait.ge [sflag:s16], $0x70  }
0x7a: {  	p2 =	sge.u32 s23, s7;
	[sflag:s16] =	ssyncset.done $0x0  }
0x7b: {  	s4 =	sadd.s32 @!p2 $0xFFFFFFA0, s30;
	s25 =	simm.s32 @!p2 $0x0;
	[sflag:s16] =	ssyncadd.s32 $0xFFFFFF90  }
0x7c: {  	[tilespmem:s25], [sflag:$0x1] =	stream.linear.gather @!p2 [hbm4b:s4+s25], $0x100, $0x38;
	[tilespmem:$0x1EF80] =	vst v63  }
0x7d: {  	s4 =	simm.s32 @!p0 $0x5  }
0x7e: {  	_ =	swait.ge @!p0 [sflag:s4], $0x100  }
0x7f: {  	[sflag:s4] =	ssyncset.done @!p0 $0x0  }
0x80: {  	s21 =	simm.s32 @!p0 $0x3E00;
	[sflag:s4] =	ssyncadd.s32 @!p0 $0xFFFFFF00;
	s4 =	simm.s32 @!p0 $0x70  }
0x81: {  	[tilespmem:s21], [sflag:$0x8] =	stream.indirect.gather @!p0 [hbm4b:s5+s4], $0x80, s26, s4, $0xb8;
	[tilespmem:$0x1EF80] =	vst v63  }
0x82: {  	_ =	swait.ge [sflag:s1], $0x3800  }
0x83: {  	[sflag:s1] =	ssyncset.done $0x0  }
0x84: {  	[sflag:s1] =	ssyncadd.s32 $0xFFFFC800  }
0x85: {  	[spmem:s2] =	stream.indirect.scatter.add.f32 [tilespmem:s14], [sflag:$0xA], $0x80, s8, s28, $0xb8;
	[tilespmem:$0x1EF80] =	vst v63  }
0x86: {  	_ = 	snop  }
0x87: {  	[spmem:s3] =	stream.indirect.scatter.add.f32 [tilespmem:s22], [sflag:$0xD], $0x1, s8, s28, $0xb8;
	[tilespmem:$0x1EF80] =	vst v63  }
0x88: {  	_ =	swait.ge [sflag:s17], $0x3800  }
0x89: {  	[sflag:s17] =	ssyncset.done $0x0  }
0x8a: {  	s26 =	sadd.s32 $0x7, s24;
	[sflag:s17] =	ssyncadd.s32 $0xFFFFC800  }
0x8b: {  	p0 =	sge.u32 s26, s7;
	_ =	swait.ge [sflag:s18], $0x70  }
0x8c: {  	s4 =	sadd.s32 @!p0 $0xFFFFFFC0, s30;
	[sflag:s18] =	ssyncset.done $0x0  }
0x8d: {  	s21 =	simm.s32 @!p0 $0x0;
	s26 =	simm.s32 @!p0 $0x100;
	[sflag:s18] =	ssyncadd.s32 $0xFFFFFF90  }
0x8e: {  	[tilespmem:s26], [sflag:$0x2] =	stream.linear.gather @!p0 [hbm4b:s4+s21], $0x100, $0x38;
	[tilespmem:$0x1EF80] =	vst v63  }
0x8f: {  	s4 =	simm.s32 @!p1 $0x6  }
0x90: {  	_ =	swait.ge @!p1 [sflag:s4], $0x100  }
0x91: {  	[sflag:s4] =	ssyncset.done @!p1 $0x0  }
0x92: {  	s21 =	simm.s32 @!p1 $0x7600;
	[sflag:s4] =	ssyncadd.s32 @!p1 $0xFFFFFF00;
	s4 =	simm.s32 @!p1 $0x70  }
0x93: {  	[tilespmem:s21], [sflag:$0x9] =	stream.indirect.gather @!p1 [hbm4b:s5+s4], $0x80, s29, s4, $0xb8;
	[tilespmem:$0x1EF80] =	vst v63  }
0x94: {  	_ =	swait.ge [sflag:s6], $0x3800  }
0x95: {  	[sflag:s6] =	ssyncset.done $0x0  }
0x96: {  	[sflag:s6] =	ssyncadd.s32 $0xFFFFC800  }
0x97: {  	[spmem:s2] =	stream.indirect.scatter.add.f32 [tilespmem:s13], [sflag:$0xB], $0x80, s9, s28, $0xb8;
	[tilespmem:$0x1EF80] =	vst v63  }
0x98: {  	_ = 	snop  }
0x99: {  	[spmem:s3] =	stream.indirect.scatter.add.f32 [tilespmem:s22], [sflag:$0xE], $0x1, s9, s28, $0xb8;
	[tilespmem:$0x1EF80] =	vst v63  }
0x9a: {  	_ =	swait.ge [sflag:s10], $0x3800  }
0x9b: {  	[sflag:s10] =	ssyncset.done $0x0  }
0x9c: {  	s21 =	sadd.s32 $0x8, s24;
	[sflag:s10] =	ssyncadd.s32 $0xFFFFC800  }
0x9d: {  	p1 =	sge.u32 s21, s7;
	_ =	swait.ge [sflag:s11], $0x70  }
0x9e: {  	s4 =	sadd.s32 @!p1 $0xFFFFFFE0, s30;
	[sflag:s11] =	ssyncset.done $0x0  }
0x9f: {  	s21 =	simm.s32 @!p1 $0x0;
	s29 =	simm.s32 @!p1 $0x200;
	[sflag:s11] =	ssyncadd.s32 $0xFFFFFF90  }
0xa0: {  	[tilespmem:s29], [sflag:$0x3] =	stream.linear.gather @!p1 [hbm4b:s4+s21], $0x100, $0x38;
	[tilespmem:$0x1EF80] =	vst v63  }
0xa1: {  	s4 =	simm.s32 @!p2 $0x1  }
0xa2: {  	_ =	swait.ge @!p2 [sflag:s4], $0x100  }
0xa3: {  	[sflag:s4] =	ssyncset.done @!p2 $0x0  }
0xa4: {  	s21 =	simm.s32 @!p2 $0x600;
	[sflag:s4] =	ssyncadd.s32 @!p2 $0xFFFFFF00;
	s4 =	simm.s32 @!p2 $0x70  }
0xa5: {  	[tilespmem:s21], [sflag:$0x7] =	stream.indirect.gather @!p2 [hbm4b:s5+s4], $0x80, s25, s4, $0xb8;
	[tilespmem:$0x1EF80] =	vst v63  }
0xa6: {  	_ =	swait.ge [sflag:s0], $0x3800  }
0xa7: {  	[sflag:s0] =	ssyncset.done $0x0  }
0xa8: {  	[sflag:s0] =	ssyncadd.s32 $0xFFFFC800  }
0xa9: {  	[spmem:s2] =	stream.indirect.scatter.add.f32 [tilespmem:s19], [sflag:$0xC], $0x80, s31, s28, $0xb8;
	[tilespmem:$0x1EF80] =	vst v63  }
0xaa: {  	_ = 	snop  }
0xab: {  	[spmem:s3] =	stream.indirect.scatter.add.f32 [tilespmem:s22], [sflag:$0xF], $0x1, s31, s28, $0xb8;
	[tilespmem:$0x1EF80] =	vst v63  }
0xac: {  	_ =	swait.ge [sflag:s12], $0x3800  }
0xad: {  	[sflag:s12] =	ssyncset.done $0x0  }
0xae: {  	[sflag:s12] =	ssyncadd.s32 $0xFFFFC800  }
0xaf: {  	s25 =	sadd.s32 $0x9, s24;
	_ =	swait.ge [sflag:s16], $0x70  }
0xb0: {  	p1 =	sge.u32 s25, s7;
	[sflag:s16] =	ssyncset.done $0x0  }
0xb1: {  	s4 =	simm.s32 @!p1 $0x0;
	s21 =	simm.s32 @!p1 $0x300;
	[sflag:s16] =	ssyncadd.s32 $0xFFFFFF90  }
0xb2: {  	[tilespmem:s21], [sflag:$0x4] =	stream.linear.gather @!p1 [hbm4b:s30+s4], $0x100, $0x38;
	[tilespmem:$0x1EF80] =	vst v63  }
0xb3: {  	s4 =	simm.s32 @!p0 $0x2  }
0xb4: {  	_ =	swait.ge @!p0 [sflag:s4], $0x100  }
0xb5: {  	s15 =	sadd.s32 $0xFFFFFFFF, s15;
	s21 =	simm.s32 @!p0 $0x3E00;
	[sflag:s4] =	ssyncset.done @!p0 $0x0  }
0xb6: {  	s29 =	rddreg [dreg:$0x7];
	[sflag:s4] =	ssyncadd.s32 @!p0 $0xFFFFFF00;
	s4 =	simm.s32 @!p0 $0x70  }
0xb7: {  	[tilespmem:s21], [sflag:$0x8] =	stream.indirect.gather @!p0 [hbm4b:s5+s4], $0x80, s26, s4, $0xb8;
	[tilespmem:$0x1EF80] =	vst v63  }
0xb8: {  	p0 =	sne.s32 s29, s15  }
.Ltmp0:
0xb9: {  	_ = 	snop;
	(pc) =	sbr.rel @p0 .LBB2_2-.Ltmp0, $2  }
0xba: {  	_ =	sdelay $0x2  }
0xbb: {  	s24 =	smov.u32 s23;
	s30 =	sadd.s32 $0xC0, s30  }
0xbc: {  	_ =	swait.ge [sflag:s17], $0x3800  }
0xbd: {  	[sflag:s17] =	ssyncset.done $0x0  }
0xbe: {  	[sflag:s17] =	ssyncadd.s32 $0xFFFFC800  }
0xbf: {  	_ =	swait.ge [sflag:s18], $0x70  }
0xc0: {  	[sflag:s18] =	ssyncset.done $0x0  }
0xc1: {  	[sflag:s18] =	ssyncadd.s32 $0xFFFFFF90  }
0xc2: {  	[bflag:$0x0] =	sbarrier.arrive $0xFFFF  }
0xc3: {  	s4 =	rddreg [dreg:$0xd]  }
0xc4: {  	s15 =	rddreg [dreg:$0x11]  }
0xc5: {  	s29 =	simm.s32 $0x10;
	s25 =	rddreg [dreg:$0x15];
	s4 =	sor.u32 $0x1C10, s4  }
0xc6: {  	[hbm:s15], [sflag:s4] =	dma.local [spmem:s25], $0x2780  }
0xc7: {  	_ =	swait.ge [sflag:s29], $0x2780  }
0xc8: {  	[sflag:s29] =	ssyncset.done $0x0  }
0xc9: {  	s26 =	simm.s32 $0xAE80;
	s23 =	rddreg [dreg:$0x10];
	[sflag:s29] =	ssyncadd.s32 $0xFFFFD880  }
0xca: {  	[tilespmem:s26], [sflag:$0x10] =	stream.linear.gather [spmem:s23], $0x280, $0x38;
	[tilespmem:$0x1EF80] =	vst v63  }
0xcb: {  	_ =	swait.ge [sflag:s29], $0x280  }
0xcc: {  	[sflag:s29] =	ssyncset.done $0x0  }
0xcd: {  	s15 =	simm.s32 $0x0;
	s21 =	rddreg [dreg:$0x12];
	[sflag:s29] =	ssyncadd.s32 $0xFFFFFD80  }
0xce: {  	[hbm4b:s21+s15] =	stream.linear.scatter [tilespmem:s26], [sflag:$0x10], $0x280, $0x38;
	[tilespmem:$0x1EF80] =	vst v63  }
0xcf: {  	_ =	swait.ge [sflag:s29], $0x280  }
0xd0: {  	s8 =	rddreg [dreg:$0x16]  }
0xd1: {  	s24 =	rddreg [dreg:$0x13];
	s8 =	sadd.s32 $0x1, s8  }
0xd2: {  	p0 =	sne.s32 s8, s24  }
.Ltmp1:
0xd3: {  	_ = 	snop;
	(pc) =	sbr.rel @p0 .LBB2_1-.Ltmp1, $3  }
0xd4: {  	_ =	sdelay $0x1  }
0xd5: {  	[sflag:s29] =	ssyncset.done $0x0  }
0xd6: {  	s30 =	simm.s32 $0x600;
	s9 =	simm.s32 $0x3E00;
	[sflag:s29] =	ssyncadd.s32 $0xFFFFFD80  }
0xd7: {  	_ =	sfence.sel $0x180000  }
0xd8: {  	[bflag:$0x0] =	sbarrier.arrive $0xFFFF  }
0xd9: {  	_ =	strace $0x9000004A  }
0xda: {  	s0 =	stileid.u32;
	[bflag:$0x2] =	sbarrier.arrive $0xFFFF  }
0xdb: {  	p0 =	sne.s32 s0, $0x0;
	s0 =	rddreg [dreg:$0x4]  }
0xdc: {  	s0 =	sadd.s32 @!p0 $0x100000, s0  }
0xdd: {  	[sflag:s0] =	ssyncadd.tile.s32 @!p0 $0x1;
	_ =	shalt  }
.Lfunc_end2:
_tile_overlayer_lowered:
.L_overlay_start_2:
0xde: {  	(tag) =	ssettag $0x2  }
0xdf: {  	s0 =	rddreg [dreg:$0x0];
	s2 =	stileid.u32  }
0xe0: {  	s1 =	rddreg [dreg:$0x1];
	p0 =	sne.s32 s2, $0x0  }
0xe1: {  	s3 =	rddreg [dreg:$0x2];
	[bflag:$0x3] =	sbarrier.arrive $0xFFFF;
	s2 =	simm.s32 @!p0 $0x1C10  }
0xe2: {  	[timem:s3], [sflag:s2] =	dma.local @!p0 [hbm:s0], s1  }
0xe3: {  	s0 =	simm.s32 @!p0 $0x10  }
0xe4: {  	_ =	swait.ge @!p0 [sflag:s0], s1  }
0xe5: {  	s1 =	ssub.s32 @!p0 $0x0, s1;
	[sflag:s0] =	ssyncset.done @!p0 $0x0  }
0xe6: {  	[sflag:s0] =	ssyncadd.s32 @!p0 s1  }
0xe7: {  	[bflag:$0x3] =	sbarrier.arrive $0xFFFF  }
0xe8: {  	_ =	shalt  }

</sc_bundles>
